<compile_context>
chip_gen: v7x
topology: tpu7x:2x2x1
jax: 0.10.2.dev20260603
libtpu: 0.0.44.dev20260713+nightly
codegen_flags: <defaults>
</compile_context>

<pallas_src>
import jax
import jax.numpy as jnp
from jax import lax
from jax.experimental import pallas as pl
from jax.experimental.pallas import tpu as pltpu
from jax.experimental.pallas import tpu_sc as plsc

VOCAB = 100000
D = 128
T = 192
B = 1024
N = B * T
NC = 2
NS = 16
NW = NC * NS
ROWS_PER_W = N // NW
CHUNK = 128
NCH = ROWS_PER_W // CHUNK
NR = 3
NL = 2
POS_ROWS = T + CHUNK // 2
POS_OFF = (0, 128, 64)
LANES = 16
VPR = D // LANES


def _body(ids_hbm, table_hbm, tpe_hbm, role_hbm,
          latent_hbm, raw_hbm,
          idx_v, rows0, rows1, rows2, lat0, lat1, tpe_v, role_v, pos_v,
          gsem0, gsem1, gsem2, rsem0, rsem1, rsem2, lsem0, lsem1):
    wid = lax.axis_index("s") * NC + lax.axis_index("c")
    w_base = wid * ROWS_PER_W
    rows_v = (rows0, rows1, rows2)
    lat_v = (lat0, lat1)
    gsem = (gsem0, gsem1, gsem2)
    rsem = (rsem0, rsem1, rsem2)
    lsem = (lsem0, lsem1)

    pltpu.sync_copy(ids_hbm.at[pl.ds(wid * NCH, NCH)], idx_v)

    pltpu.async_copy(table_hbm.at[idx_v.at[0]], rows_v[0], gsem[0])
    pltpu.async_copy(table_hbm.at[idx_v.at[1]], rows_v[1], gsem[1])

    pltpu.sync_copy(tpe_hbm, tpe_v)
    pltpu.sync_copy(role_hbm, role_v)

    @plsc.parallel_loop(0, T // 3, step=1, unroll=2)
    def build_pos(k):
        for r in range(3):
            for j in range(VPR):
                sl = pl.ds(j * LANES, LANES)
                pos_v[k * 3 + r, sl] = tpe_v[k, sl] + role_v[r, sl]

    @plsc.parallel_loop(0, POS_ROWS - T, step=1, unroll=2)
    def wrap_pos(t):
        for j in range(VPR):
            sl = pl.ds(j * LANES, LANES)
            pos_v[T + t, sl] = pos_v[t, sl]

    def gather_wait(br):
        pltpu.make_async_copy(table_hbm.at[idx_v.at[0]], rows_v[br], gsem[br]).wait()

    def raw_wait(br):
        pltpu.make_async_copy(rows_v[br], raw_hbm.at[pl.ds(0, CHUNK)], rsem[br]).wait()

    def lat_wait(bl):
        pltpu.make_async_copy(lat_v[bl], latent_hbm.at[pl.ds(0, CHUNK)], lsem[bl]).wait()

    def outer(i, _):
        for b in range(NR * NL):
            g = NR * NL * i + b
            br = b % NR
            bl = b % NL

            gather_wait(br)

            base = w_base + g * CHUNK
            pltpu.async_copy(rows_v[br], raw_hbm.at[pl.ds(base, CHUNK)], rsem[br])

            @pl.when(g >= 2)
            def _():
                lat_wait(bl)

            pos_off = POS_OFF[b % 3]

            @plsc.parallel_loop(0, CHUNK, step=1, unroll=4)
            def add_row(r):
                for j in range(VPR):
                    sl = pl.ds(j * LANES, LANES)
                    lat_v[bl][r, sl] = rows_v[br][r, sl] + pos_v[pos_off + r, sl]

            pltpu.async_copy(lat_v[bl], latent_hbm.at[pl.ds(base, CHUNK)], lsem[bl])

            br2 = (br + 2) % NR

            @pl.when(g >= 1)
            def _():
                raw_wait(br2)

            @pl.when(g + 2 < NCH)
            def _():
                pltpu.async_copy(table_hbm.at[idx_v.at[g + 2]], rows_v[br2], gsem[br2])
        return 0

    lax.fori_loop(0, NCH // (NR * NL), outer, 0, unroll=False)

    raw_wait((NCH - 1) % NR)
    lat_wait((NCH - 2) % NL)
    lat_wait((NCH - 1) % NL)


@jax.jit
def _run(ids_2d, token_emb, triple_pos_emb, role_emb):
    mesh = plsc.VectorSubcoreMesh(core_axis_name="c", subcore_axis_name="s")
    f = pl.kernel(
        _body,
        out_type=(
            jax.ShapeDtypeStruct((N, D), jnp.float32),
            jax.ShapeDtypeStruct((N, D), jnp.float32),
        ),
        mesh=mesh,
        scratch_types=[
            pltpu.VMEM((NCH, CHUNK), jnp.int32),
            pltpu.VMEM((CHUNK, D), jnp.float32),
            pltpu.VMEM((CHUNK, D), jnp.float32),
            pltpu.VMEM((CHUNK, D), jnp.float32),
            pltpu.VMEM((CHUNK, D), jnp.float32),
            pltpu.VMEM((CHUNK, D), jnp.float32),
            pltpu.VMEM((T // 3, D), jnp.float32),
            pltpu.VMEM((3, D), jnp.float32),
            pltpu.VMEM((POS_ROWS, D), jnp.float32),
            pltpu.SemaphoreType.DMA,
            pltpu.SemaphoreType.DMA,
            pltpu.SemaphoreType.DMA,
            pltpu.SemaphoreType.DMA,
            pltpu.SemaphoreType.DMA,
            pltpu.SemaphoreType.DMA,
            pltpu.SemaphoreType.DMA,
            pltpu.SemaphoreType.DMA,
        ],
    )
    return f(ids_2d, token_emb, triple_pos_emb, role_emb)


def kernel(input_ids, token_emb, triple_pos_emb, role_emb):
    ids_2d = input_ids.reshape(N // CHUNK, CHUNK).astype(jnp.int32)
    latent, raw = _run(ids_2d, token_emb, triple_pos_emb, role_emb)
    return latent.reshape(B, T, D), raw.reshape(B, T, D)

# --- scband reference (transcript-rebuilt; emitter-appended) ---
"""Pipeline reference for scband-triple-encoder-3539053052620 (READ-ONLY COPY).

The authoritative reference and input builder live on the scoring server;
editing this copy changes nothing except your own understanding.
"""

import jax, jax.numpy as jnp
import numpy as np

VOCAB = 100000
D_MODEL = 128
MAX_TRIPLES = 64
B = 1024
T = MAX_TRIPLES * 3  # 192


def setup_inputs(seed: int = 0) -> dict:
    key = jax.random.key(seed)
    k1, k2, k3, k4 = jax.random.split(key, 4)
    input_ids = jax.random.randint(k1, (B, T), 0, VOCAB, dtype=jnp.int64 if jax.config.jax_enable_x64 else jnp.int32)
    token_emb = jax.random.normal(k2, (VOCAB, D_MODEL), dtype=jnp.float32) * 0.02
    # padding_idx=0 -> row 0 is zeros
    token_emb = token_emb.at[0].set(0.0)
    triple_pos_emb = jax.random.normal(k3, (MAX_TRIPLES, D_MODEL), dtype=jnp.float32) * 0.02
    role_emb = jax.random.normal(k4, (3, D_MODEL), dtype=jnp.float32) * 0.02
    return {"input_ids": input_ids, "token_emb": token_emb, "triple_pos_emb": triple_pos_emb, "role_emb": role_emb}


def reference(input_ids, token_emb, triple_pos_emb, role_emb):
    # embed_dim == d_model so embed_proj is Identity
    raw_emb = jnp.take(token_emb, input_ids, axis=0)  # (B, T, D)
    triple_idx = jnp.repeat(jnp.arange(MAX_TRIPLES), 3)  # (T,)
    role_idx = jnp.tile(jnp.arange(3), MAX_TRIPLES)      # (T,)
    pos_enc = (jnp.take(triple_pos_emb, triple_idx, axis=0) + jnp.take(role_emb, role_idx, axis=0))[None, :, :]  # (1, T, D)
    latent = raw_emb + pos_enc
    return (latent, raw_emb)

if __name__ == "__main__":
    import jax
    _d = setup_inputs()
    print(jax.jit(kernel)(*tuple(_d.values())))

</pallas_src>

<mosaic_0001>
#map = affine_map<(d0, d1) -> (0, 0)>
module attributes {stable_mosaic.version = 14 : i64} {
  func.func @_body(%arg0: i32, %arg1: i32, %arg2: memref<1536x128xi32, #tpu.memory_space<hbm>>, %arg3: memref<100000x128xf32, #tpu.memory_space<hbm>>, %arg4: memref<64x128xf32, #tpu.memory_space<hbm>>, %arg5: memref<3x128xf32, #tpu.memory_space<hbm>>, %arg6: memref<196608x128xf32, #tpu.memory_space<hbm>>, %arg7: memref<196608x128xf32, #tpu.memory_space<hbm>>, %arg8: memref<48x128xi32, #tpu.memory_space<vmem>>, %arg9: memref<128x128xf32, #tpu.memory_space<vmem>>, %arg10: memref<128x128xf32, #tpu.memory_space<vmem>>, %arg11: memref<128x128xf32, #tpu.memory_space<vmem>>, %arg12: memref<128x128xf32, #tpu.memory_space<vmem>>, %arg13: memref<128x128xf32, #tpu.memory_space<vmem>>, %arg14: memref<64x128xf32, #tpu.memory_space<vmem>>, %arg15: memref<3x128xf32, #tpu.memory_space<vmem>>, %arg16: memref<256x128xf32, #tpu.memory_space<vmem>>, %arg17: memref<!tpu.dma_semaphore, #tpu.memory_space<semaphore_mem>>, %arg18: memref<!tpu.dma_semaphore, #tpu.memory_space<semaphore_mem>>, %arg19: memref<!tpu.dma_semaphore, #tpu.memory_space<semaphore_mem>>, %arg20: memref<!tpu.dma_semaphore, #tpu.memory_space<semaphore_mem>>, %arg21: memref<!tpu.dma_semaphore, #tpu.memory_space<semaphore_mem>>, %arg22: memref<!tpu.dma_semaphore, #tpu.memory_space<semaphore_mem>>, %arg23: memref<!tpu.dma_semaphore, #tpu.memory_space<semaphore_mem>>, %arg24: memref<!tpu.dma_semaphore, #tpu.memory_space<semaphore_mem>>) attributes {dimension_semantics = [#tpu.dimension_semantics<core_parallel>, #tpu.dimension_semantics<subcore_parallel>], iteration_bounds = array<i64: 2, 16>, scalar_prefetch = 0 : i64, scratch_operands = 17 : i64, tpu.core_type = #tpu.core_type<sc_vector_subcore>, window_params = [{transform_indices = #map}, {transform_indices = #map}, {transform_indices = #map}, {transform_indices = #map}, {transform_indices = #map}, {transform_indices = #map}]} {
    %mul3A = arith.constant 2 : i32
    %mul3A_0 = arith.muli %arg1, %mul3A : i32
    %add3A = arith.addi %mul3A_0, %arg0 : i32
    %mul3A_1 = arith.constant 6144 : i32
    %mul3A_2 = arith.muli %add3A, %mul3A_1 : i32
    %mul3A_3 = arith.constant 48 : i32
    %mul3A_4 = arith.muli %add3A, %mul3A_3 : i32
    "tpu.region"() ({
      %run_scoped3A = tpu.sem_alloc : memref<!tpu.dma_semaphore, #tpu.memory_space<semaphore_mem>>
      %dma_start3A_46 = arith.constant 0 : i32
      %dma_start3A_47 = tpu.memref_slice %arg2[%mul3A_4, %dma_start3A_46] : memref<1536x128xi32, #tpu.memory_space<hbm>> -> memref<48x128xi32, #tpu.memory_space<hbm>>
      %dma_start3A_48 = arith.constant 0 : i32
      %dma_start3A_49 = tpu.memref_slice %arg2[%mul3A_4, %dma_start3A_48] : memref<1536x128xi32, #tpu.memory_space<hbm>> -> memref<48x128xi32, #tpu.memory_space<hbm>>
      tpu.enqueue_dma source(%dma_start3A_49 : memref<48x128xi32, #tpu.memory_space<hbm>>) target(%arg8 : memref<48x128xi32, #tpu.memory_space<vmem>>) target_semaphore(%run_scoped3A : memref<!tpu.dma_semaphore, #tpu.memory_space<semaphore_mem>>)
      %dma_wait3A_50 = arith.constant 0 : i32
      %dma_wait3A_51 = tpu.memref_slice %arg2[%mul3A_4, %dma_wait3A_50] : memref<1536x128xi32, #tpu.memory_space<hbm>> -> memref<48x128xi32, #tpu.memory_space<hbm>>
      %dma_wait3A_52 = arith.constant 0 : i32
      %dma_wait3A_53 = tpu.memref_slice %arg2[%mul3A_4, %dma_wait3A_52] : memref<1536x128xi32, #tpu.memory_space<hbm>> -> memref<48x128xi32, #tpu.memory_space<hbm>>
      tpu.wait_dma2 semaphore(%run_scoped3A : memref<!tpu.dma_semaphore, #tpu.memory_space<semaphore_mem>>) src(%dma_wait3A_53 : memref<48x128xi32, #tpu.memory_space<hbm>>) dst(%arg8 : memref<48x128xi32, #tpu.memory_space<vmem>>)
      tpu.yield
    }) : () -> ()
    %dma_start3A = arith.constant 0 : i32
    %dma_start3A_5 = arith.constant 0 : i32
    %dma_start3A_6 = tpu.memref_slice %arg8[%dma_start3A, %dma_start3A_5] : memref<48x128xi32, #tpu.memory_space<vmem>> -> memref<1x128xi32, #tpu.memory_space<vmem>>
    %dma_start3A_7 = tpu.memref_squeeze %dma_start3A_6 : memref<1x128xi32, #tpu.memory_space<vmem>> -> memref<128xi32, #tpu.memory_space<vmem>>
    %dma_start3A_8 = arith.constant 0 : i32
    %dma_start3A_9 = arith.constant 0 : i32
    %dma_start3A_10 = tpu.memref_slice %arg3[%dma_start3A_8, %dma_start3A_9] : memref<100000x128xf32, #tpu.memory_space<hbm>> -> memref<100000x128xf32, #tpu.memory_space<hbm>>
    tpu.enqueue_indirect_dma source(%dma_start3A_10 : memref<100000x128xf32, #tpu.memory_space<hbm>>) target(%arg9 : memref<128x128xf32, #tpu.memory_space<vmem>>) offsets(%dma_start3A_7 : memref<128xi32, #tpu.memory_space<vmem>>) semaphore(%arg17 : memref<!tpu.dma_semaphore, #tpu.memory_space<semaphore_mem>>)
    %dma_start3A_11 = arith.constant 1 : i32
    %dma_start3A_12 = arith.constant 0 : i32
    %dma_start3A_13 = tpu.memref_slice %arg8[%dma_start3A_11, %dma_start3A_12] : memref<48x128xi32, #tpu.memory_space<vmem>> -> memref<1x128xi32, #tpu.memory_space<vmem>>
    %dma_start3A_14 = tpu.memref_squeeze %dma_start3A_13 : memref<1x128xi32, #tpu.memory_space<vmem>> -> memref<128xi32, #tpu.memory_space<vmem>>
    %dma_start3A_15 = arith.constant 0 : i32
    %dma_start3A_16 = arith.constant 0 : i32
    %dma_start3A_17 = tpu.memref_slice %arg3[%dma_start3A_15, %dma_start3A_16] : memref<100000x128xf32, #tpu.memory_space<hbm>> -> memref<100000x128xf32, #tpu.memory_space<hbm>>
    tpu.enqueue_indirect_dma source(%dma_start3A_17 : memref<100000x128xf32, #tpu.memory_space<hbm>>) target(%arg10 : memref<128x128xf32, #tpu.memory_space<vmem>>) offsets(%dma_start3A_14 : memref<128xi32, #tpu.memory_space<vmem>>) semaphore(%arg18 : memref<!tpu.dma_semaphore, #tpu.memory_space<semaphore_mem>>)
    "tpu.region"() ({
      %run_scoped3A = tpu.sem_alloc : memref<!tpu.dma_semaphore, #tpu.memory_space<semaphore_mem>>
      tpu.enqueue_dma source(%arg4 : memref<64x128xf32, #tpu.memory_space<hbm>>) target(%arg14 : memref<64x128xf32, #tpu.memory_space<vmem>>) target_semaphore(%run_scoped3A : memref<!tpu.dma_semaphore, #tpu.memory_space<semaphore_mem>>)
      tpu.wait_dma2 semaphore(%run_scoped3A : memref<!tpu.dma_semaphore, #tpu.memory_space<semaphore_mem>>) src(%arg4 : memref<64x128xf32, #tpu.memory_space<hbm>>) dst(%arg14 : memref<64x128xf32, #tpu.memory_space<vmem>>)
      tpu.yield
    }) : () -> ()
    "tpu.region"() ({
      %run_scoped3A = tpu.sem_alloc : memref<!tpu.dma_semaphore, #tpu.memory_space<semaphore_mem>>
      tpu.enqueue_dma source(%arg5 : memref<3x128xf32, #tpu.memory_space<hbm>>) target(%arg15 : memref<3x128xf32, #tpu.memory_space<vmem>>) target_semaphore(%run_scoped3A : memref<!tpu.dma_semaphore, #tpu.memory_space<semaphore_mem>>)
      tpu.wait_dma2 semaphore(%run_scoped3A : memref<!tpu.dma_semaphore, #tpu.memory_space<semaphore_mem>>) src(%arg5 : memref<3x128xf32, #tpu.memory_space<hbm>>) dst(%arg15 : memref<3x128xf32, #tpu.memory_space<vmem>>)
      tpu.yield
    }) : () -> ()
    %parallel_loop3A = arith.constant 0 : i32
    %parallel_loop3A_18 = arith.constant 64 : i32
    %parallel_loop3A_19 = arith.constant 1 : i32
    scf.for %parallel_loop3A_46 = %parallel_loop3A to %parallel_loop3A_18 step %parallel_loop3A_19  : i32 {
      %parallel_loop3A_47 = arith.index_cast %parallel_loop3A_46 : i32 to index
      %parallel_loop3A_48 = arith.constant 0 : index
      %parallel_loop3A_49 = tpu.vector_load %arg14[%parallel_loop3A_47, %parallel_loop3A_48] {strides = array<i32>} : memref<64x128xf32, #tpu.memory_space<vmem>>, vector<1x16xf32>,
      %parallel_loop3A_50 = vector.shape_cast %parallel_loop3A_49 : vector<1x16xf32> to vector<16xf32>
      %parallel_loop3A_51 = arith.constant 0 : i32
      %parallel_loop3A_52 = arith.index_cast %parallel_loop3A_51 : i32 to index
      %parallel_loop3A_53 = arith.constant 0 : index
      %parallel_loop3A_54 = tpu.vector_load %arg15[%parallel_loop3A_52, %parallel_loop3A_53] {strides = array<i32>} : memref<3x128xf32, #tpu.memory_space<vmem>>, vector<1x16xf32>,
      %parallel_loop3A_55 = vector.shape_cast %parallel_loop3A_54 : vector<1x16xf32> to vector<16xf32>
      %parallel_loop3A_56 = arith.addf %parallel_loop3A_50, %parallel_loop3A_55 : vector<16xf32>
      %parallel_loop3A_57 = arith.constant 3 : i32
      %parallel_loop3A_58 = arith.muli %parallel_loop3A_46, %parallel_loop3A_57 : i32
      %parallel_loop3A_59 = arith.constant 0 : i32
      %parallel_loop3A_60 = arith.addi %parallel_loop3A_58, %parallel_loop3A_59 : i32
      %parallel_loop3A_61 = arith.index_cast %parallel_loop3A_60 : i32 to index
      %parallel_loop3A_62 = arith.constant 0 : index
      %parallel_loop3A_63 = tpu.vector_load %arg16[%parallel_loop3A_61, %parallel_loop3A_62] {strides = array<i32>} : memref<256x128xf32, #tpu.memory_space<vmem>>, vector<1x16xf32>,
      %parallel_loop3A_64 = vector.shape_cast %parallel_loop3A_63 : vector<1x16xf32> to vector<16xf32>
      %parallel_loop3A_65 = vector.shape_cast %parallel_loop3A_56 : vector<16xf32> to vector<1x16xf32>
      tpu.vector_store %arg16[%parallel_loop3A_61, %parallel_loop3A_62], %parallel_loop3A_65 {strides = array<i32>} : memref<256x128xf32, #tpu.memory_space<vmem>>, vector<1x16xf32>,
      %parallel_loop3A_66 = arith.index_cast %parallel_loop3A_46 : i32 to index
      %parallel_loop3A_67 = arith.constant 16 : index
      %parallel_loop3A_68 = tpu.vector_load %arg14[%parallel_loop3A_66, %parallel_loop3A_67] {strides = array<i32>} : memref<64x128xf32, #tpu.memory_space<vmem>>, vector<1x16xf32>,
      %parallel_loop3A_69 = vector.shape_cast %parallel_loop3A_68 : vector<1x16xf32> to vector<16xf32>
      %parallel_loop3A_70 = arith.constant 0 : i32
      %parallel_loop3A_71 = arith.index_cast %parallel_loop3A_70 : i32 to index
      %parallel_loop3A_72 = arith.constant 16 : index
      %parallel_loop3A_73 = tpu.vector_load %arg15[%parallel_loop3A_71, %parallel_loop3A_72] {strides = array<i32>} : memref<3x128xf32, #tpu.memory_space<vmem>>, vector<1x16xf32>,
      %parallel_loop3A_74 = vector.shape_cast %parallel_loop3A_73 : vector<1x16xf32> to vector<16xf32>
      %parallel_loop3A_75 = arith.addf %parallel_loop3A_69, %parallel_loop3A_74 : vector<16xf32>
      %parallel_loop3A_76 = arith.constant 3 : i32
      %parallel_loop3A_77 = arith.muli %parallel_loop3A_46, %parallel_loop3A_76 : i32
      %parallel_loop3A_78 = arith.constant 0 : i32
      %parallel_loop3A_79 = arith.addi %parallel_loop3A_77, %parallel_loop3A_78 : i32
      %parallel_loop3A_80 = arith.index_cast %parallel_loop3A_79 : i32 to index
      %parallel_loop3A_81 = arith.constant 16 : index
      %parallel_loop3A_82 = tpu.vector_load %arg16[%parallel_loop3A_80, %parallel_loop3A_81] {strides = array<i32>} : memref<256x128xf32, #tpu.memory_space<vmem>>, vector<1x16xf32>,
      %parallel_loop3A_83 = vector.shape_cast %parallel_loop3A_82 : vector<1x16xf32> to vector<16xf32>
      %parallel_loop3A_84 = vector.shape_cast %parallel_loop3A_75 : vector<16xf32> to vector<1x16xf32>
      tpu.vector_store %arg16[%parallel_loop3A_80, %parallel_loop3A_81], %parallel_loop3A_84 {strides = array<i32>} : memref<256x128xf32, #tpu.memory_space<vmem>>, vector<1x16xf32>,
      %parallel_loop3A_85 = arith.index_cast %parallel_loop3A_46 : i32 to index
      %parallel_loop3A_86 = arith.constant 32 : index
      %parallel_loop3A_87 = tpu.vector_load %arg14[%parallel_loop3A_85, %parallel_loop3A_86] {strides = array<i32>} : memref<64x128xf32, #tpu.memory_space<vmem>>, vector<1x16xf32>,
      %parallel_loop3A_88 = vector.shape_cast %parallel_loop3A_87 : vector<1x16xf32> to vector<16xf32>
      %parallel_loop3A_89 = arith.constant 0 : i32
      %parallel_loop3A_90 = arith.index_cast %parallel_loop3A_89 : i32 to index
      %parallel_loop3A_91 = arith.constant 32 : index
      %parallel_loop3A_92 = tpu.vector_load %arg15[%parallel_loop3A_90, %parallel_loop3A_91] {strides = array<i32>} : memref<3x128xf32, #tpu.memory_space<vmem>>, vector<1x16xf32>,
      %parallel_loop3A_93 = vector.shape_cast %parallel_loop3A_92 : vector<1x16xf32> to vector<16xf32>
      %parallel_loop3A_94 = arith.addf %parallel_loop3A_88, %parallel_loop3A_93 : vector<16xf32>
      %parallel_loop3A_95 = arith.constant 3 : i32
      %parallel_loop3A_96 = arith.muli %parallel_loop3A_46, %parallel_loop3A_95 : i32
      %parallel_loop3A_97 = arith.constant 0 : i32
      %parallel_loop3A_98 = arith.addi %parallel_loop3A_96, %parallel_loop3A_97 : i32
      %parallel_loop3A_99 = arith.index_cast %parallel_loop3A_98 : i32 to index
      %parallel_loop3A_100 = arith.constant 32 : index
      %parallel_loop3A_101 = tpu.vector_load %arg16[%parallel_loop3A_99, %parallel_loop3A_100] {strides = array<i32>} : memref<256x128xf32, #tpu.memory_space<vmem>>, vector<1x16xf32>,
      %parallel_loop3A_102 = vector.shape_cast %parallel_loop3A_101 : vector<1x16xf32> to vector<16xf32>
      %parallel_loop3A_103 = vector.shape_cast %parallel_loop3A_94 : vector<16xf32> to vector<1x16xf32>
      tpu.vector_store %arg16[%parallel_loop3A_99, %parallel_loop3A_100], %parallel_loop3A_103 {strides = array<i32>} : memref<256x128xf32, #tpu.memory_space<vmem>>, vector<1x16xf32>,
      %parallel_loop3A_104 = arith.index_cast %parallel_loop3A_46 : i32 to index
      %parallel_loop3A_105 = arith.constant 48 : index
      %parallel_loop3A_106 = tpu.vector_load %arg14[%parallel_loop3A_104, %parallel_loop3A_105] {strides = array<i32>} : memref<64x128xf32, #tpu.memory_space<vmem>>, vector<1x16xf32>,
      %parallel_loop3A_107 = vector.shape_cast %parallel_loop3A_106 : vector<1x16xf32> to vector<16xf32>
      %parallel_loop3A_108 = arith.constant 0 : i32
      %parallel_loop3A_109 = arith.index_cast %parallel_loop3A_108 : i32 to index
      %parallel_loop3A_110 = arith.constant 48 : index
      %parallel_loop3A_111 = tpu.vector_load %arg15[%parallel_loop3A_109, %parallel_loop3A_110] {strides = array<i32>} : memref<3x128xf32, #tpu.memory_space<vmem>>, vector<1x16xf32>,
      %parallel_loop3A_112 = vector.shape_cast %parallel_loop3A_111 : vector<1x16xf32> to vector<16xf32>
      %parallel_loop3A_113 = arith.addf %parallel_loop3A_107, %parallel_loop3A_112 : vector<16xf32>
      %parallel_loop3A_114 = arith.constant 3 : i32
      %parallel_loop3A_115 = arith.muli %parallel_loop3A_46, %parallel_loop3A_114 : i32
      %parallel_loop3A_116 = arith.constant 0 : i32
      %parallel_loop3A_117 = arith.addi %parallel_loop3A_115, %parallel_loop3A_116 : i32
      %parallel_loop3A_118 = arith.index_cast %parallel_loop3A_117 : i32 to index
      %parallel_loop3A_119 = arith.constant 48 : index
      %parallel_loop3A_120 = tpu.vector_load %arg16[%parallel_loop3A_118, %parallel_loop3A_119] {strides = array<i32>} : memref<256x128xf32, #tpu.memory_space<vmem>>, vector<1x16xf32>,
      %parallel_loop3A_121 = vector.shape_cast %parallel_loop3A_120 : vector<1x16xf32> to vector<16xf32>
      %parallel_loop3A_122 = vector.shape_cast %parallel_loop3A_113 : vector<16xf32> to vector<1x16xf32>
      tpu.vector_store %arg16[%parallel_loop3A_118, %parallel_loop3A_119], %parallel_loop3A_122 {strides = array<i32>} : memref<256x128xf32, #tpu.memory_space<vmem>>, vector<1x16xf32>,
      %parallel_loop3A_123 = arith.index_cast %parallel_loop3A_46 : i32 to index
      %parallel_loop3A_124 = arith.constant 64 : index
      %parallel_loop3A_125 = tpu.vector_load %arg14[%parallel_loop3A_123, %parallel_loop3A_124] {strides = array<i32>} : memref<64x128xf32, #tpu.memory_space<vmem>>, vector<1x16xf32>,
      %parallel_loop3A_126 = vector.shape_cast %parallel_loop3A_125 : vector<1x16xf32> to vector<16xf32>
      %parallel_loop3A_127 = arith.constant 0 : i32
      %parallel_loop3A_128 = arith.index_cast %parallel_loop3A_127 : i32 to index
      %parallel_loop3A_129 = arith.constant 64 : index
      %parallel_loop3A_130 = tpu.vector_load %arg15[%parallel_loop3A_128, %parallel_loop3A_129] {strides = array<i32>} : memref<3x128xf32, #tpu.memory_space<vmem>>, vector<1x16xf32>,
      %parallel_loop3A_131 = vector.shape_cast %parallel_loop3A_130 : vector<1x16xf32> to vector<16xf32>
      %parallel_loop3A_132 = arith.addf %parallel_loop3A_126, %parallel_loop3A_131 : vector<16xf32>
      %parallel_loop3A_133 = arith.constant 3 : i32
      %parallel_loop3A_134 = arith.muli %parallel_loop3A_46, %parallel_loop3A_133 : i32
      %parallel_loop3A_135 = arith.constant 0 : i32
      %parallel_loop3A_136 = arith.addi %parallel_loop3A_134, %parallel_loop3A_135 : i32
      %parallel_loop3A_137 = arith.index_cast %parallel_loop3A_136 : i32 to index
      %parallel_loop3A_138 = arith.constant 64 : index
      %parallel_loop3A_139 = tpu.vector_load %arg16[%parallel_loop3A_137, %parallel_loop3A_138] {strides = array<i32>} : memref<256x128xf32, #tpu.memory_space<vmem>>, vector<1x16xf32>,
      %parallel_loop3A_140 = vector.shape_cast %parallel_loop3A_139 : vector<1x16xf32> to vector<16xf32>
      %parallel_loop3A_141 = vector.shape_cast %parallel_loop3A_132 : vector<16xf32> to vector<1x16xf32>
      tpu.vector_store %arg16[%parallel_loop3A_137, %parallel_loop3A_138], %parallel_loop3A_141 {strides = array<i32>} : memref<256x128xf32, #tpu.memory_space<vmem>>, vector<1x16xf32>,
      %parallel_loop3A_142 = arith.index_cast %parallel_loop3A_46 : i32 to index
      %parallel_loop3A_143 = arith.constant 80 : index
      %parallel_loop3A_144 = tpu.vector_load %arg14[%parallel_loop3A_142, %parallel_loop3A_143] {strides = array<i32>} : memref<64x128xf32, #tpu.memory_space<vmem>>, vector<1x16xf32>,
      %parallel_loop3A_145 = vector.shape_cast %parallel_loop3A_144 : vector<1x16xf32> to vector<16xf32>
      %parallel_loop3A_146 = arith.constant 0 : i32
      %parallel_loop3A_147 = arith.index_cast %parallel_loop3A_146 : i32 to index
      %parallel_loop3A_148 = arith.constant 80 : index
      %parallel_loop3A_149 = tpu.vector_load %arg15[%parallel_loop3A_147, %parallel_loop3A_148] {strides = array<i32>} : memref<3x128xf32, #tpu.memory_space<vmem>>, vector<1x16xf32>,
      %parallel_loop3A_150 = vector.shape_cast %parallel_loop3A_149 : vector<1x16xf32> to vector<16xf32>
      %parallel_loop3A_151 = arith.addf %parallel_loop3A_145, %parallel_loop3A_150 : vector<16xf32>
      %parallel_loop3A_152 = arith.constant 3 : i32
      %parallel_loop3A_153 = arith.muli %parallel_loop3A_46, %parallel_loop3A_152 : i32
      %parallel_loop3A_154 = arith.constant 0 : i32
      %parallel_loop3A_155 = arith.addi %parallel_loop3A_153, %parallel_loop3A_154 : i32
      %parallel_loop3A_156 = arith.index_cast %parallel_loop3A_155 : i32 to index
      %parallel_loop3A_157 = arith.constant 80 : index
      %parallel_loop3A_158 = tpu.vector_load %arg16[%parallel_loop3A_156, %parallel_loop3A_157] {strides = array<i32>} : memref<256x128xf32, #tpu.memory_space<vmem>>, vector<1x16xf32>,
      %parallel_loop3A_159 = vector.shape_cast %parallel_loop3A_158 : vector<1x16xf32> to vector<16xf32>
      %parallel_loop3A_160 = vector.shape_cast %parallel_loop3A_151 : vector<16xf32> to vector<1x16xf32>
      tpu.vector_store %arg16[%parallel_loop3A_156, %parallel_loop3A_157], %parallel_loop3A_160 {strides = array<i32>} : memref<256x128xf32, #tpu.memory_space<vmem>>, vector<1x16xf32>,
      %parallel_loop3A_161 = arith.index_cast %parallel_loop3A_46 : i32 to index
      %parallel_loop3A_162 = arith.constant 96 : index
      %parallel_loop3A_163 = tpu.vector_load %arg14[%parallel_loop3A_161, %parallel_loop3A_162] {strides = array<i32>} : memref<64x128xf32, #tpu.memory_space<vmem>>, vector<1x16xf32>,
      %parallel_loop3A_164 = vector.shape_cast %parallel_loop3A_163 : vector<1x16xf32> to vector<16xf32>
      %parallel_loop3A_165 = arith.constant 0 : i32
      %parallel_loop3A_166 = arith.index_cast %parallel_loop3A_165 : i32 to index
      %parallel_loop3A_167 = arith.constant 96 : index
      %parallel_loop3A_168 = tpu.vector_load %arg15[%parallel_loop3A_166, %parallel_loop3A_167] {strides = array<i32>} : memref<3x128xf32, #tpu.memory_space<vmem>>, vector<1x16xf32>,
      %parallel_loop3A_169 = vector.shape_cast %parallel_loop3A_168 : vector<1x16xf32> to vector<16xf32>
      %parallel_loop3A_170 = arith.addf %parallel_loop3A_164, %parallel_loop3A_169 : vector<16xf32>
      %parallel_loop3A_171 = arith.constant 3 : i32
      %parallel_loop3A_172 = arith.muli %parallel_loop3A_46, %parallel_loop3A_171 : i32
      %parallel_loop3A_173 = arith.constant 0 : i32
      %parallel_loop3A_174 = arith.addi %parallel_loop3A_172, %parallel_loop3A_173 : i32
      %parallel_loop3A_175 = arith.index_cast %parallel_loop3A_174 : i32 to index
      %parallel_loop3A_176 = arith.constant 96 : index
      %parallel_loop3A_177 = tpu.vector_load %arg16[%parallel_loop3A_175, %parallel_loop3A_176] {strides = array<i32>} : memref<256x128xf32, #tpu.memory_space<vmem>>, vector<1x16xf32>,
      %parallel_loop3A_178 = vector.shape_cast %parallel_loop3A_177 : vector<1x16xf32> to vector<16xf32>
      %parallel_loop3A_179 = vector.shape_cast %parallel_loop3A_170 : vector<16xf32> to vector<1x16xf32>
      tpu.vector_store %arg16[%parallel_loop3A_175, %parallel_loop3A_176], %parallel_loop3A_179 {strides = array<i32>} : memref<256x128xf32, #tpu.memory_space<vmem>>, vector<1x16xf32>,
      %parallel_loop3A_180 = arith.index_cast %parallel_loop3A_46 : i32 to index
      %parallel_loop3A_181 = arith.constant 112 : index
      %parallel_loop3A_182 = tpu.vector_load %arg14[%parallel_loop3A_180, %parallel_loop3A_181] {strides = array<i32>} : memref<64x128xf32, #tpu.memory_space<vmem>>, vector<1x16xf32>,
      %parallel_loop3A_183 = vector.shape_cast %parallel_loop3A_182 : vector<1x16xf32> to vector<16xf32>
      %parallel_loop3A_184 = arith.constant 0 : i32
      %parallel_loop3A_185 = arith.index_cast %parallel_loop3A_184 : i32 to index
      %parallel_loop3A_186 = arith.constant 112 : index
      %parallel_loop3A_187 = tpu.vector_load %arg15[%parallel_loop3A_185, %parallel_loop3A_186] {strides = array<i32>} : memref<3x128xf32, #tpu.memory_space<vmem>>, vector<1x16xf32>,
      %parallel_loop3A_188 = vector.shape_cast %parallel_loop3A_187 : vector<1x16xf32> to vector<16xf32>
      %parallel_loop3A_189 = arith.addf %parallel_loop3A_183, %parallel_loop3A_188 : vector<16xf32>
      %parallel_loop3A_190 = arith.constant 3 : i32
      %parallel_loop3A_191 = arith.muli %parallel_loop3A_46, %parallel_loop3A_190 : i32
      %parallel_loop3A_192 = arith.constant 0 : i32
      %parallel_loop3A_193 = arith.addi %parallel_loop3A_191, %parallel_loop3A_192 : i32
      %parallel_loop3A_194 = arith.index_cast %parallel_loop3A_193 : i32 to index
      %parallel_loop3A_195 = arith.constant 112 : index
      %parallel_loop3A_196 = tpu.vector_load %arg16[%parallel_loop3A_194, %parallel_loop3A_195] {strides = array<i32>} : memref<256x128xf32, #tpu.memory_space<vmem>>, vector<1x16xf32>,
      %parallel_loop3A_197 = vector.shape_cast %parallel_loop3A_196 : vector<1x16xf32> to vector<16xf32>
      %parallel_loop3A_198 = vector.shape_cast %parallel_loop3A_189 : vector<16xf32> to vector<1x16xf32>
      tpu.vector_store %arg16[%parallel_loop3A_194, %parallel_loop3A_195], %parallel_loop3A_198 {strides = array<i32>} : memref<256x128xf32, #tpu.memory_space<vmem>>, vector<1x16xf32>,
      %parallel_loop3A_199 = arith.index_cast %parallel_loop3A_46 : i32 to index
      %parallel_loop3A_200 = arith.constant 0 : index
      %parallel_loop3A_201 = tpu.vector_load %arg14[%parallel_loop3A_199, %parallel_loop3A_200] {strides = array<i32>} : memref<64x128xf32, #tpu.memory_space<vmem>>, vector<1x16xf32>,
      %parallel_loop3A_202 = vector.shape_cast %parallel_loop3A_201 : vector<1x16xf32> to vector<16xf32>
      %parallel_loop3A_203 = arith.constant 1 : i32
      %parallel_loop3A_204 = arith.index_cast %parallel_loop3A_203 : i32 to index
      %parallel_loop3A_205 = arith.constant 0 : index
      %parallel_loop3A_206 = tpu.vector_load %arg15[%parallel_loop3A_204, %parallel_loop3A_205] {strides = array<i32>} : memref<3x128xf32, #tpu.memory_space<vmem>>, vector<1x16xf32>,
      %parallel_loop3A_207 = vector.shape_cast %parallel_loop3A_206 : vector<1x16xf32> to vector<16xf32>
      %parallel_loop3A_208 = arith.addf %parallel_loop3A_202, %parallel_loop3A_207 : vector<16xf32>
      %parallel_loop3A_209 = arith.constant 3 : i32
      %parallel_loop3A_210 = arith.muli %parallel_loop3A_46, %parallel_loop3A_209 : i32
      %parallel_loop3A_211 = arith.constant 1 : i32
      %parallel_loop3A_212 = arith.addi %parallel_loop3A_210, %parallel_loop3A_211 : i32
      %parallel_loop3A_213 = arith.index_cast %parallel_loop3A_212 : i32 to index
      %parallel_loop3A_214 = arith.constant 0 : index
      %parallel_loop3A_215 = tpu.vector_load %arg16[%parallel_loop3A_213, %parallel_loop3A_214] {strides = array<i32>} : memref<256x128xf32, #tpu.memory_space<vmem>>, vector<1x16xf32>,
      %parallel_loop3A_216 = vector.shape_cast %parallel_loop3A_215 : vector<1x16xf32> to vector<16xf32>
      %parallel_loop3A_217 = vector.shape_cast %parallel_loop3A_208 : vector<16xf32> to vector<1x16xf32>
      tpu.vector_store %arg16[%parallel_loop3A_213, %parallel_loop3A_214], %parallel_loop3A_217 {strides = array<i32>} : memref<256x128xf32, #tpu.memory_space<vmem>>, vector<1x16xf32>,
      %parallel_loop3A_218 = arith.index_cast %parallel_loop3A_46 : i32 to index
      %parallel_loop3A_219 = arith.constant 16 : index
      %parallel_loop3A_220 = tpu.vector_load %arg14[%parallel_loop3A_218, %parallel_loop3A_219] {strides = array<i32>} : memref<64x128xf32, #tpu.memory_space<vmem>>, vector<1x16xf32>,
      %parallel_loop3A_221 = vector.shape_cast %parallel_loop3A_220 : vector<1x16xf32> to vector<16xf32>
      %parallel_loop3A_222 = arith.constant 1 : i32
      %parallel_loop3A_223 = arith.index_cast %parallel_loop3A_222 : i32 to index
      %parallel_loop3A_224 = arith.constant 16 : index
      %parallel_loop3A_225 = tpu.vector_load %arg15[%parallel_loop3A_223, %parallel_loop3A_224] {strides = array<i32>} : memref<3x128xf32, #tpu.memory_space<vmem>>, vector<1x16xf32>,
      %parallel_loop3A_226 = vector.shape_cast %parallel_loop3A_225 : vector<1x16xf32> to vector<16xf32>
      %parallel_loop3A_227 = arith.addf %parallel_loop3A_221, %parallel_loop3A_226 : vector<16xf32>
      %parallel_loop3A_228 = arith.constant 3 : i32
      %parallel_loop3A_229 = arith.muli %parallel_loop3A_46, %parallel_loop3A_228 : i32
      %parallel_loop3A_230 = arith.constant 1 : i32
      %parallel_loop3A_231 = arith.addi %parallel_loop3A_229, %parallel_loop3A_230 : i32
      %parallel_loop3A_232 = arith.index_cast %parallel_loop3A_231 : i32 to index
      %parallel_loop3A_233 = arith.constant 16 : index
      %parallel_loop3A_234 = tpu.vector_load %arg16[%parallel_loop3A_232, %parallel_loop3A_233] {strides = array<i32>} : memref<256x128xf32, #tpu.memory_space<vmem>>, vector<1x16xf32>,
      %parallel_loop3A_235 = vector.shape_cast %parallel_loop3A_234 : vector<1x16xf32> to vector<16xf32>
      %parallel_loop3A_236 = vector.shape_cast %parallel_loop3A_227 : vector<16xf32> to vector<1x16xf32>
      tpu.vector_store %arg16[%parallel_loop3A_232, %parallel_loop3A_233], %parallel_loop3A_236 {strides = array<i32>} : memref<256x128xf32, #tpu.memory_space<vmem>>, vector<1x16xf32>,
      %parallel_loop3A_237 = arith.index_cast %parallel_loop3A_46 : i32 to index
      %parallel_loop3A_238 = arith.constant 32 : index
      %parallel_loop3A_239 = tpu.vector_load %arg14[%parallel_loop3A_237, %parallel_loop3A_238] {strides = array<i32>} : memref<64x128xf32, #tpu.memory_space<vmem>>, vector<1x16xf32>,
      %parallel_loop3A_240 = vector.shape_cast %parallel_loop3A_239 : vector<1x16xf32> to vector<16xf32>
      %parallel_loop3A_241 = arith.constant 1 : i32
      %parallel_loop3A_242 = arith.index_cast %parallel_loop3A_241 : i32 to index
      %parallel_loop3A_243 = arith.constant 32 : index
      %parallel_loop3A_244 = tpu.vector_load %arg15[%parallel_loop3A_242, %parallel_loop3A_243] {strides = array<i32>} : memref<3x128xf32, #tpu.memory_space<vmem>>, vector<1x16xf32>,
      %parallel_loop3A_245 = vector.shape_cast %parallel_loop3A_244 : vector<1x16xf32> to vector<16xf32>
      %parallel_loop3A_246 = arith.addf %parallel_loop3A_240, %parallel_loop3A_245 : vector<16xf32>
      %parallel_loop3A_247 = arith.constant 3 : i32
      %parallel_loop3A_248 = arith.muli %parallel_loop3A_46, %parallel_loop3A_247 : i32
      %parallel_loop3A_249 = arith.constant 1 : i32
      %parallel_loop3A_250 = arith.addi %parallel_loop3A_248, %parallel_loop3A_249 : i32
      %parallel_loop3A_251 = arith.index_cast %parallel_loop3A_250 : i32 to index
      %parallel_loop3A_252 = arith.constant 32 : index
      %parallel_loop3A_253 = tpu.vector_load %arg16[%parallel_loop3A_251, %parallel_loop3A_252] {strides = array<i32>} : memref<256x128xf32, #tpu.memory_space<vmem>>, vector<1x16xf32>,
      %parallel_loop3A_254 = vector.shape_cast %parallel_loop3A_253 : vector<1x16xf32> to vector<16xf32>
      %parallel_loop3A_255 = vector.shape_cast %parallel_loop3A_246 : vector<16xf32> to vector<1x16xf32>
      tpu.vector_store %arg16[%parallel_loop3A_251, %parallel_loop3A_252], %parallel_loop3A_255 {strides = array<i32>} : memref<256x128xf32, #tpu.memory_space<vmem>>, vector<1x16xf32>,
      %parallel_loop3A_256 = arith.index_cast %parallel_loop3A_46 : i32 to index
      %parallel_loop3A_257 = arith.constant 48 : index
      %parallel_loop3A_258 = tpu.vector_load %arg14[%parallel_loop3A_256, %parallel_loop3A_257] {strides = array<i32>} : memref<64x128xf32, #tpu.memory_space<vmem>>, vector<1x16xf32>,
      %parallel_loop3A_259 = vector.shape_cast %parallel_loop3A_258 : vector<1x16xf32> to vector<16xf32>
      %parallel_loop3A_260 = arith.constant 1 : i32
      %parallel_loop3A_261 = arith.index_cast %parallel_loop3A_260 : i32 to index
      %parallel_loop3A_262 = arith.constant 48 : index
      %parallel_loop3A_263 = tpu.vector_load %arg15[%parallel_loop3A_261, %parallel_loop3A_262] {strides = array<i32>} : memref<3x128xf32, #tpu.memory_space<vmem>>, vector<1x16xf32>,
      %parallel_loop3A_264 = vector.shape_cast %parallel_loop3A_263 : vector<1x16xf32> to vector<16xf32>
      %parallel_loop3A_265 = arith.addf %parallel_loop3A_259, %parallel_loop3A_264 : vector<16xf32>
      %parallel_loop3A_266 = arith.constant 3 : i32
      %parallel_loop3A_267 = arith.muli %parallel_loop3A_46, %parallel_loop3A_266 : i32
      %parallel_loop3A_268 = arith.constant 1 : i32
      %parallel_loop3A_269 = arith.addi %parallel_loop3A_267, %parallel_loop3A_268 : i32
      %parallel_loop3A_270 = arith.index_cast %parallel_loop3A_269 : i32 to index
      %parallel_loop3A_271 = arith.constant 48 : index
      %parallel_loop3A_272 = tpu.vector_load %arg16[%parallel_loop3A_270, %parallel_loop3A_271] {strides = array<i32>} : memref<256x128xf32, #tpu.memory_space<vmem>>, vector<1x16xf32>,
      %parallel_loop3A_273 = vector.shape_cast %parallel_loop3A_272 : vector<1x16xf32> to vector<16xf32>
      %parallel_loop3A_274 = vector.shape_cast %parallel_loop3A_265 : vector<16xf32> to vector<1x16xf32>
      tpu.vector_store %arg16[%parallel_loop3A_270, %parallel_loop3A_271], %parallel_loop3A_274 {strides = array<i32>} : memref<256x128xf32, #tpu.memory_space<vmem>>, vector<1x16xf32>,
      %parallel_loop3A_275 = arith.index_cast %parallel_loop3A_46 : i32 to index
      %parallel_loop3A_276 = arith.constant 64 : index
      %parallel_loop3A_277 = tpu.vector_load %arg14[%parallel_loop3A_275, %parallel_loop3A_276] {strides = array<i32>} : memref<64x128xf32, #tpu.memory_space<vmem>>, vector<1x16xf32>,
      %parallel_loop3A_278 = vector.shape_cast %parallel_loop3A_277 : vector<1x16xf32> to vector<16xf32>
      %parallel_loop3A_279 = arith.constant 1 : i32
      %parallel_loop3A_280 = arith.index_cast %parallel_loop3A_279 : i32 to index
      %parallel_loop3A_281 = arith.constant 64 : index
      %parallel_loop3A_282 = tpu.vector_load %arg15[%parallel_loop3A_280, %parallel_loop3A_281] {strides = array<i32>} : memref<3x128xf32, #tpu.memory_space<vmem>>, vector<1x16xf32>,
      %parallel_loop3A_283 = vector.shape_cast %parallel_loop3A_282 : vector<1x16xf32> to vector<16xf32>
      %parallel_loop3A_284 = arith.addf %parallel_loop3A_278, %parallel_loop3A_283 : vector<16xf32>
      %parallel_loop3A_285 = arith.constant 3 : i32
      %parallel_loop3A_286 = arith.muli %parallel_loop3A_46, %parallel_loop3A_285 : i32
      %parallel_loop3A_287 = arith.constant 1 : i32
      %parallel_loop3A_288 = arith.addi %parallel_loop3A_286, %parallel_loop3A_287 : i32
      %parallel_loop3A_289 = arith.index_cast %parallel_loop3A_288 : i32 to index
      %parallel_loop3A_290 = arith.constant 64 : index
      %parallel_loop3A_291 = tpu.vector_load %arg16[%parallel_loop3A_289, %parallel_loop3A_290] {strides = array<i32>} : memref<256x128xf32, #tpu.memory_space<vmem>>, vector<1x16xf32>,
      %parallel_loop3A_292 = vector.shape_cast %parallel_loop3A_291 : vector<1x16xf32> to vector<16xf32>
      %parallel_loop3A_293 = vector.shape_cast %parallel_loop3A_284 : vector<16xf32> to vector<1x16xf32>
      tpu.vector_store %arg16[%parallel_loop3A_289, %parallel_loop3A_290], %parallel_loop3A_293 {strides = array<i32>} : memref<256x128xf32, #tpu.memory_space<vmem>>, vector<1x16xf32>,
      %parallel_loop3A_294 = arith.index_cast %parallel_loop3A_46 : i32 to index
      %parallel_loop3A_295 = arith.constant 80 : index
      %parallel_loop3A_296 = tpu.vector_load %arg14[%parallel_loop3A_294, %parallel_loop3A_295] {strides = array<i32>} : memref<64x128xf32, #tpu.memory_space<vmem>>, vector<1x16xf32>,
      %parallel_loop3A_297 = vector.shape_cast %parallel_loop3A_296 : vector<1x16xf32> to vector<16xf32>
      %parallel_loop3A_298 = arith.constant 1 : i32
      %parallel_loop3A_299 = arith.index_cast %parallel_loop3A_298 : i32 to index
      %parallel_loop3A_300 = arith.constant 80 : index
      %parallel_loop3A_301 = tpu.vector_load %arg15[%parallel_loop3A_299, %parallel_loop3A_300] {strides = array<i32>} : memref<3x128xf32, #tpu.memory_space<vmem>>, vector<1x16xf32>,
      %parallel_loop3A_302 = vector.shape_cast %parallel_loop3A_301 : vector<1x16xf32> to vector<16xf32>
      %parallel_loop3A_303 = arith.addf %parallel_loop3A_297, %parallel_loop3A_302 : vector<16xf32>
      %parallel_loop3A_304 = arith.constant 3 : i32
      %parallel_loop3A_305 = arith.muli %parallel_loop3A_46, %parallel_loop3A_304 : i32
      %parallel_loop3A_306 = arith.constant 1 : i32
      %parallel_loop3A_307 = arith.addi %parallel_loop3A_305, %parallel_loop3A_306 : i32
      %parallel_loop3A_308 = arith.index_cast %parallel_loop3A_307 : i32 to index
      %parallel_loop3A_309 = arith.constant 80 : index
      %parallel_loop3A_310 = tpu.vector_load %arg16[%parallel_loop3A_308, %parallel_loop3A_309] {strides = array<i32>} : memref<256x128xf32, #tpu.memory_space<vmem>>, vector<1x16xf32>,
      %parallel_loop3A_311 = vector.shape_cast %parallel_loop3A_310 : vector<1x16xf32> to vector<16xf32>
      %parallel_loop3A_312 = vector.shape_cast %parallel_loop3A_303 : vector<16xf32> to vector<1x16xf32>
      tpu.vector_store %arg16[%parallel_loop3A_308, %parallel_loop3A_309], %parallel_loop3A_312 {strides = array<i32>} : memref<256x128xf32, #tpu.memory_space<vmem>>, vector<1x16xf32>,
      %parallel_loop3A_313 = arith.index_cast %parallel_loop3A_46 : i32 to index
      %parallel_loop3A_314 = arith.constant 96 : index
      %parallel_loop3A_315 = tpu.vector_load %arg14[%parallel_loop3A_313, %parallel_loop3A_314] {strides = array<i32>} : memref<64x128xf32, #tpu.memory_space<vmem>>, vector<1x16xf32>,
      %parallel_loop3A_316 = vector.shape_cast %parallel_loop3A_315 : vector<1x16xf32> to vector<16xf32>
      %parallel_loop3A_317 = arith.constant 1 : i32
      %parallel_loop3A_318 = arith.index_cast %parallel_loop3A_317 : i32 to index
      %parallel_loop3A_319 = arith.constant 96 : index
      %parallel_loop3A_320 = tpu.vector_load %arg15[%parallel_loop3A_318, %parallel_loop3A_319] {strides = array<i32>} : memref<3x128xf32, #tpu.memory_space<vmem>>, vector<1x16xf32>,
      %parallel_loop3A_321 = vector.shape_cast %parallel_loop3A_320 : vector<1x16xf32> to vector<16xf32>
      %parallel_loop3A_322 = arith.addf %parallel_loop3A_316, %parallel_loop3A_321 : vector<16xf32>
      %parallel_loop3A_323 = arith.constant 3 : i32
      %parallel_loop3A_324 = arith.muli %parallel_loop3A_46, %parallel_loop3A_323 : i32
      %parallel_loop3A_325 = arith.constant 1 : i32
      %parallel_loop3A_326 = arith.addi %parallel_loop3A_324, %parallel_loop3A_325 : i32
      %parallel_loop3A_327 = arith.index_cast %parallel_loop3A_326 : i32 to index
      %parallel_loop3A_328 = arith.constant 96 : index
      %parallel_loop3A_329 = tpu.vector_load %arg16[%parallel_loop3A_327, %parallel_loop3A_328] {strides = array<i32>} : memref<256x128xf32, #tpu.memory_space<vmem>>, vector<1x16xf32>,
      %parallel_loop3A_330 = vector.shape_cast %parallel_loop3A_329 : vector<1x16xf32> to vector<16xf32>
      %parallel_loop3A_331 = vector.shape_cast %parallel_loop3A_322 : vector<16xf32> to vector<1x16xf32>
      tpu.vector_store %arg16[%parallel_loop3A_327, %parallel_loop3A_328], %parallel_loop3A_331 {strides = array<i32>} : memref<256x128xf32, #tpu.memory_space<vmem>>, vector<1x16xf32>,
      %parallel_loop3A_332 = arith.index_cast %parallel_loop3A_46 : i32 to index
      %parallel_loop3A_333 = arith.constant 112 : index
      %parallel_loop3A_334 = tpu.vector_load %arg14[%parallel_loop3A_332, %parallel_loop3A_333] {strides = array<i32>} : memref<64x128xf32, #tpu.memory_space<vmem>>, vector<1x16xf32>,
      %parallel_loop3A_335 = vector.shape_cast %parallel_loop3A_334 : vector<1x16xf32> to vector<16xf32>
      %parallel_loop3A_336 = arith.constant 1 : i32
      %parallel_loop3A_337 = arith.index_cast %parallel_loop3A_336 : i32 to index
      %parallel_loop3A_338 = arith.constant 112 : index
      %parallel_loop3A_339 = tpu.vector_load %arg15[%parallel_loop3A_337, %parallel_loop3A_338] {strides = array<i32>} : memref<3x128xf32, #tpu.memory_space<vmem>>, vector<1x16xf32>,
      %parallel_loop3A_340 = vector.shape_cast %parallel_loop3A_339 : vector<1x16xf32> to vector<16xf32>
      %parallel_loop3A_341 = arith.addf %parallel_loop3A_335, %parallel_loop3A_340 : vector<16xf32>
      %parallel_loop3A_342 = arith.constant 3 : i32
      %parallel_loop3A_343 = arith.muli %parallel_loop3A_46, %parallel_loop3A_342 : i32
      %parallel_loop3A_344 = arith.constant 1 : i32
      %parallel_loop3A_345 = arith.addi %parallel_loop3A_343, %parallel_loop3A_344 : i32
      %parallel_loop3A_346 = arith.index_cast %parallel_loop3A_345 : i32 to index
      %parallel_loop3A_347 = arith.constant 112 : index
      %parallel_loop3A_348 = tpu.vector_load %arg16[%parallel_loop3A_346, %parallel_loop3A_347] {strides = array<i32>} : memref<256x128xf32, #tpu.memory_space<vmem>>, vector<1x16xf32>,
      %parallel_loop3A_349 = vector.shape_cast %parallel_loop3A_348 : vector<1x16xf32> to vector<16xf32>
      %parallel_loop3A_350 = vector.shape_cast %parallel_loop3A_341 : vector<16xf32> to vector<1x16xf32>
      tpu.vector_store %arg16[%parallel_loop3A_346, %parallel_loop3A_347], %parallel_loop3A_350 {strides = array<i32>} : memref<256x128xf32, #tpu.memory_space<vmem>>, vector<1x16xf32>,
      %parallel_loop3A_351 = arith.index_cast %parallel_loop3A_46 : i32 to index
      %parallel_loop3A_352 = arith.constant 0 : index
      %parallel_loop3A_353 = tpu.vector_load %arg14[%parallel_loop3A_351, %parallel_loop3A_352] {strides = array<i32>} : memref<64x128xf32, #tpu.memory_space<vmem>>, vector<1x16xf32>,
      %parallel_loop3A_354 = vector.shape_cast %parallel_loop3A_353 : vector<1x16xf32> to vector<16xf32>
      %parallel_loop3A_355 = arith.constant 2 : i32
      %parallel_loop3A_356 = arith.index_cast %parallel_loop3A_355 : i32 to index
      %parallel_loop3A_357 = arith.constant 0 : index
      %parallel_loop3A_358 = tpu.vector_load %arg15[%parallel_loop3A_356, %parallel_loop3A_357] {strides = array<i32>} : memref<3x128xf32, #tpu.memory_space<vmem>>, vector<1x16xf32>,
      %parallel_loop3A_359 = vector.shape_cast %parallel_loop3A_358 : vector<1x16xf32> to vector<16xf32>
      %parallel_loop3A_360 = arith.addf %parallel_loop3A_354, %parallel_loop3A_359 : vector<16xf32>
      %parallel_loop3A_361 = arith.constant 3 : i32
      %parallel_loop3A_362 = arith.muli %parallel_loop3A_46, %parallel_loop3A_361 : i32
      %parallel_loop3A_363 = arith.constant 2 : i32
      %parallel_loop3A_364 = arith.addi %parallel_loop3A_362, %parallel_loop3A_363 : i32
      %parallel_loop3A_365 = arith.index_cast %parallel_loop3A_364 : i32 to index
      %parallel_loop3A_366 = arith.constant 0 : index
      %parallel_loop3A_367 = tpu.vector_load %arg16[%parallel_loop3A_365, %parallel_loop3A_366] {strides = array<i32>} : memref<256x128xf32, #tpu.memory_space<vmem>>, vector<1x16xf32>,
      %parallel_loop3A_368 = vector.shape_cast %parallel_loop3A_367 : vector<1x16xf32> to vector<16xf32>
      %parallel_loop3A_369 = vector.shape_cast %parallel_loop3A_360 : vector<16xf32> to vector<1x16xf32>
      tpu.vector_store %arg16[%parallel_loop3A_365, %parallel_loop3A_366], %parallel_loop3A_369 {strides = array<i32>} : memref<256x128xf32, #tpu.memory_space<vmem>>, vector<1x16xf32>,
      %parallel_loop3A_370 = arith.index_cast %parallel_loop3A_46 : i32 to index
      %parallel_loop3A_371 = arith.constant 16 : index
      %parallel_loop3A_372 = tpu.vector_load %arg14[%parallel_loop3A_370, %parallel_loop3A_371] {strides = array<i32>} : memref<64x128xf32, #tpu.memory_space<vmem>>, vector<1x16xf32>,
      %parallel_loop3A_373 = vector.shape_cast %parallel_loop3A_372 : vector<1x16xf32> to vector<16xf32>
      %parallel_loop3A_374 = arith.constant 2 : i32
      %parallel_loop3A_375 = arith.index_cast %parallel_loop3A_374 : i32 to index
      %parallel_loop3A_376 = arith.constant 16 : index
      %parallel_loop3A_377 = tpu.vector_load %arg15[%parallel_loop3A_375, %parallel_loop3A_376] {strides = array<i32>} : memref<3x128xf32, #tpu.memory_space<vmem>>, vector<1x16xf32>,
      %parallel_loop3A_378 = vector.shape_cast %parallel_loop3A_377 : vector<1x16xf32> to vector<16xf32>
      %parallel_loop3A_379 = arith.addf %parallel_loop3A_373, %parallel_loop3A_378 : vector<16xf32>
      %parallel_loop3A_380 = arith.constant 3 : i32
      %parallel_loop3A_381 = arith.muli %parallel_loop3A_46, %parallel_loop3A_380 : i32
      %parallel_loop3A_382 = arith.constant 2 : i32
      %parallel_loop3A_383 = arith.addi %parallel_loop3A_381, %parallel_loop3A_382 : i32
      %parallel_loop3A_384 = arith.index_cast %parallel_loop3A_383 : i32 to index
      %parallel_loop3A_385 = arith.constant 16 : index
      %parallel_loop3A_386 = tpu.vector_load %arg16[%parallel_loop3A_384, %parallel_loop3A_385] {strides = array<i32>} : memref<256x128xf32, #tpu.memory_space<vmem>>, vector<1x16xf32>,
      %parallel_loop3A_387 = vector.shape_cast %parallel_loop3A_386 : vector<1x16xf32> to vector<16xf32>
      %parallel_loop3A_388 = vector.shape_cast %parallel_loop3A_379 : vector<16xf32> to vector<1x16xf32>
      tpu.vector_store %arg16[%parallel_loop3A_384, %parallel_loop3A_385], %parallel_loop3A_388 {strides = array<i32>} : memref<256x128xf32, #tpu.memory_space<vmem>>, vector<1x16xf32>,
      %parallel_loop3A_389 = arith.index_cast %parallel_loop3A_46 : i32 to index
      %parallel_loop3A_390 = arith.constant 32 : index
      %parallel_loop3A_391 = tpu.vector_load %arg14[%parallel_loop3A_389, %parallel_loop3A_390] {strides = array<i32>} : memref<64x128xf32, #tpu.memory_space<vmem>>, vector<1x16xf32>,
      %parallel_loop3A_392 = vector.shape_cast %parallel_loop3A_391 : vector<1x16xf32> to vector<16xf32>
      %parallel_loop3A_393 = arith.constant 2 : i32
      %parallel_loop3A_394 = arith.index_cast %parallel_loop3A_393 : i32 to index
      %parallel_loop3A_395 = arith.constant 32 : index
      %parallel_loop3A_396 = tpu.vector_load %arg15[%parallel_loop3A_394, %parallel_loop3A_395] {strides = array<i32>} : memref<3x128xf32, #tpu.memory_space<vmem>>, vector<1x16xf32>,
      %parallel_loop3A_397 = vector.shape_cast %parallel_loop3A_396 : vector<1x16xf32> to vector<16xf32>
      %parallel_loop3A_398 = arith.addf %parallel_loop3A_392, %parallel_loop3A_397 : vector<16xf32>
      %parallel_loop3A_399 = arith.constant 3 : i32
      %parallel_loop3A_400 = arith.muli %parallel_loop3A_46, %parallel_loop3A_399 : i32
      %parallel_loop3A_401 = arith.constant 2 : i32
      %parallel_loop3A_402 = arith.addi %parallel_loop3A_400, %parallel_loop3A_401 : i32
      %parallel_loop3A_403 = arith.index_cast %parallel_loop3A_402 : i32 to index
      %parallel_loop3A_404 = arith.constant 32 : index
      %parallel_loop3A_405 = tpu.vector_load %arg16[%parallel_loop3A_403, %parallel_loop3A_404] {strides = array<i32>} : memref<256x128xf32, #tpu.memory_space<vmem>>, vector<1x16xf32>,
      %parallel_loop3A_406 = vector.shape_cast %parallel_loop3A_405 : vector<1x16xf32> to vector<16xf32>
      %parallel_loop3A_407 = vector.shape_cast %parallel_loop3A_398 : vector<16xf32> to vector<1x16xf32>
      tpu.vector_store %arg16[%parallel_loop3A_403, %parallel_loop3A_404], %parallel_loop3A_407 {strides = array<i32>} : memref<256x128xf32, #tpu.memory_space<vmem>>, vector<1x16xf32>,
      %parallel_loop3A_408 = arith.index_cast %parallel_loop3A_46 : i32 to index
      %parallel_loop3A_409 = arith.constant 48 : index
      %parallel_loop3A_410 = tpu.vector_load %arg14[%parallel_loop3A_408, %parallel_loop3A_409] {strides = array<i32>} : memref<64x128xf32, #tpu.memory_space<vmem>>, vector<1x16xf32>,
      %parallel_loop3A_411 = vector.shape_cast %parallel_loop3A_410 : vector<1x16xf32> to vector<16xf32>
      %parallel_loop3A_412 = arith.constant 2 : i32
      %parallel_loop3A_413 = arith.index_cast %parallel_loop3A_412 : i32 to index
      %parallel_loop3A_414 = arith.constant 48 : index
      %parallel_loop3A_415 = tpu.vector_load %arg15[%parallel_loop3A_413, %parallel_loop3A_414] {strides = array<i32>} : memref<3x128xf32, #tpu.memory_space<vmem>>, vector<1x16xf32>,
      %parallel_loop3A_416 = vector.shape_cast %parallel_loop3A_415 : vector<1x16xf32> to vector<16xf32>
      %parallel_loop3A_417 = arith.addf %parallel_loop3A_411, %parallel_loop3A_416 : vector<16xf32>
      %parallel_loop3A_418 = arith.constant 3 : i32
      %parallel_loop3A_419 = arith.muli %parallel_loop3A_46, %parallel_loop3A_418 : i32
      %parallel_loop3A_420 = arith.constant 2 : i32
      %parallel_loop3A_421 = arith.addi %parallel_loop3A_419, %parallel_loop3A_420 : i32
      %parallel_loop3A_422 = arith.index_cast %parallel_loop3A_421 : i32 to index
      %parallel_loop3A_423 = arith.constant 48 : index
      %parallel_loop3A_424 = tpu.vector_load %arg16[%parallel_loop3A_422, %parallel_loop3A_423] {strides = array<i32>} : memref<256x128xf32, #tpu.memory_space<vmem>>, vector<1x16xf32>,
      %parallel_loop3A_425 = vector.shape_cast %parallel_loop3A_424 : vector<1x16xf32> to vector<16xf32>
      %parallel_loop3A_426 = vector.shape_cast %parallel_loop3A_417 : vector<16xf32> to vector<1x16xf32>
      tpu.vector_store %arg16[%parallel_loop3A_422, %parallel_loop3A_423], %parallel_loop3A_426 {strides = array<i32>} : memref<256x128xf32, #tpu.memory_space<vmem>>, vector<1x16xf32>,
      %parallel_loop3A_427 = arith.index_cast %parallel_loop3A_46 : i32 to index
      %parallel_loop3A_428 = arith.constant 64 : index
      %parallel_loop3A_429 = tpu.vector_load %arg14[%parallel_loop3A_427, %parallel_loop3A_428] {strides = array<i32>} : memref<64x128xf32, #tpu.memory_space<vmem>>, vector<1x16xf32>,
      %parallel_loop3A_430 = vector.shape_cast %parallel_loop3A_429 : vector<1x16xf32> to vector<16xf32>
      %parallel_loop3A_431 = arith.constant 2 : i32
      %parallel_loop3A_432 = arith.index_cast %parallel_loop3A_431 : i32 to index
      %parallel_loop3A_433 = arith.constant 64 : index
      %parallel_loop3A_434 = tpu.vector_load %arg15[%parallel_loop3A_432, %parallel_loop3A_433] {strides = array<i32>} : memref<3x128xf32, #tpu.memory_space<vmem>>, vector<1x16xf32>,
      %parallel_loop3A_435 = vector.shape_cast %parallel_loop3A_434 : vector<1x16xf32> to vector<16xf32>
      %parallel_loop3A_436 = arith.addf %parallel_loop3A_430, %parallel_loop3A_435 : vector<16xf32>
      %parallel_loop3A_437 = arith.constant 3 : i32
      %parallel_loop3A_438 = arith.muli %parallel_loop3A_46, %parallel_loop3A_437 : i32
      %parallel_loop3A_439 = arith.constant 2 : i32
      %parallel_loop3A_440 = arith.addi %parallel_loop3A_438, %parallel_loop3A_439 : i32
      %parallel_loop3A_441 = arith.index_cast %parallel_loop3A_440 : i32 to index
      %parallel_loop3A_442 = arith.constant 64 : index
      %parallel_loop3A_443 = tpu.vector_load %arg16[%parallel_loop3A_441, %parallel_loop3A_442] {strides = array<i32>} : memref<256x128xf32, #tpu.memory_space<vmem>>, vector<1x16xf32>,
      %parallel_loop3A_444 = vector.shape_cast %parallel_loop3A_443 : vector<1x16xf32> to vector<16xf32>
      %parallel_loop3A_445 = vector.shape_cast %parallel_loop3A_436 : vector<16xf32> to vector<1x16xf32>
      tpu.vector_store %arg16[%parallel_loop3A_441, %parallel_loop3A_442], %parallel_loop3A_445 {strides = array<i32>} : memref<256x128xf32, #tpu.memory_space<vmem>>, vector<1x16xf32>,
      %parallel_loop3A_446 = arith.index_cast %parallel_loop3A_46 : i32 to index
      %parallel_loop3A_447 = arith.constant 80 : index
      %parallel_loop3A_448 = tpu.vector_load %arg14[%parallel_loop3A_446, %parallel_loop3A_447] {strides = array<i32>} : memref<64x128xf32, #tpu.memory_space<vmem>>, vector<1x16xf32>,
      %parallel_loop3A_449 = vector.shape_cast %parallel_loop3A_448 : vector<1x16xf32> to vector<16xf32>
      %parallel_loop3A_450 = arith.constant 2 : i32
      %parallel_loop3A_451 = arith.index_cast %parallel_loop3A_450 : i32 to index
      %parallel_loop3A_452 = arith.constant 80 : index
      %parallel_loop3A_453 = tpu.vector_load %arg15[%parallel_loop3A_451, %parallel_loop3A_452] {strides = array<i32>} : memref<3x128xf32, #tpu.memory_space<vmem>>, vector<1x16xf32>,
      %parallel_loop3A_454 = vector.shape_cast %parallel_loop3A_453 : vector<1x16xf32> to vector<16xf32>
      %parallel_loop3A_455 = arith.addf %parallel_loop3A_449, %parallel_loop3A_454 : vector<16xf32>
      %parallel_loop3A_456 = arith.constant 3 : i32
      %parallel_loop3A_457 = arith.muli %parallel_loop3A_46, %parallel_loop3A_456 : i32
      %parallel_loop3A_458 = arith.constant 2 : i32
      %parallel_loop3A_459 = arith.addi %parallel_loop3A_457, %parallel_loop3A_458 : i32
      %parallel_loop3A_460 = arith.index_cast %parallel_loop3A_459 : i32 to index
      %parallel_loop3A_461 = arith.constant 80 : index
      %parallel_loop3A_462 = tpu.vector_load %arg16[%parallel_loop3A_460, %parallel_loop3A_461] {strides = array<i32>} : memref<256x128xf32, #tpu.memory_space<vmem>>, vector<1x16xf32>,
      %parallel_loop3A_463 = vector.shape_cast %parallel_loop3A_462 : vector<1x16xf32> to vector<16xf32>
      %parallel_loop3A_464 = vector.shape_cast %parallel_loop3A_455 : vector<16xf32> to vector<1x16xf32>
      tpu.vector_store %arg16[%parallel_loop3A_460, %parallel_loop3A_461], %parallel_loop3A_464 {strides = array<i32>} : memref<256x128xf32, #tpu.memory_space<vmem>>, vector<1x16xf32>,
      %parallel_loop3A_465 = arith.index_cast %parallel_loop3A_46 : i32 to index
      %parallel_loop3A_466 = arith.constant 96 : index
      %parallel_loop3A_467 = tpu.vector_load %arg14[%parallel_loop3A_465, %parallel_loop3A_466] {strides = array<i32>} : memref<64x128xf32, #tpu.memory_space<vmem>>, vector<1x16xf32>,
      %parallel_loop3A_468 = vector.shape_cast %parallel_loop3A_467 : vector<1x16xf32> to vector<16xf32>
      %parallel_loop3A_469 = arith.constant 2 : i32
      %parallel_loop3A_470 = arith.index_cast %parallel_loop3A_469 : i32 to index
      %parallel_loop3A_471 = arith.constant 96 : index
      %parallel_loop3A_472 = tpu.vector_load %arg15[%parallel_loop3A_470, %parallel_loop3A_471] {strides = array<i32>} : memref<3x128xf32, #tpu.memory_space<vmem>>, vector<1x16xf32>,
      %parallel_loop3A_473 = vector.shape_cast %parallel_loop3A_472 : vector<1x16xf32> to vector<16xf32>
      %parallel_loop3A_474 = arith.addf %parallel_loop3A_468, %parallel_loop3A_473 : vector<16xf32>
      %parallel_loop3A_475 = arith.constant 3 : i32
      %parallel_loop3A_476 = arith.muli %parallel_loop3A_46, %parallel_loop3A_475 : i32
      %parallel_loop3A_477 = arith.constant 2 : i32
      %parallel_loop3A_478 = arith.addi %parallel_loop3A_476, %parallel_loop3A_477 : i32
      %parallel_loop3A_479 = arith.index_cast %parallel_loop3A_478 : i32 to index
      %parallel_loop3A_480 = arith.constant 96 : index
      %parallel_loop3A_481 = tpu.vector_load %arg16[%parallel_loop3A_479, %parallel_loop3A_480] {strides = array<i32>} : memref<256x128xf32, #tpu.memory_space<vmem>>, vector<1x16xf32>,
      %parallel_loop3A_482 = vector.shape_cast %parallel_loop3A_481 : vector<1x16xf32> to vector<16xf32>
      %parallel_loop3A_483 = vector.shape_cast %parallel_loop3A_474 : vector<16xf32> to vector<1x16xf32>
      tpu.vector_store %arg16[%parallel_loop3A_479, %parallel_loop3A_480], %parallel_loop3A_483 {strides = array<i32>} : memref<256x128xf32, #tpu.memory_space<vmem>>, vector<1x16xf32>,
      %parallel_loop3A_484 = arith.index_cast %parallel_loop3A_46 : i32 to index
      %parallel_loop3A_485 = arith.constant 112 : index
      %parallel_loop3A_486 = tpu.vector_load %arg14[%parallel_loop3A_484, %parallel_loop3A_485] {strides = array<i32>} : memref<64x128xf32, #tpu.memory_space<vmem>>, vector<1x16xf32>,
      %parallel_loop3A_487 = vector.shape_cast %parallel_loop3A_486 : vector<1x16xf32> to vector<16xf32>
      %parallel_loop3A_488 = arith.constant 2 : i32
      %parallel_loop3A_489 = arith.index_cast %parallel_loop3A_488 : i32 to index
      %parallel_loop3A_490 = arith.constant 112 : index
      %parallel_loop3A_491 = tpu.vector_load %arg15[%parallel_loop3A_489, %parallel_loop3A_490] {strides = array<i32>} : memref<3x128xf32, #tpu.memory_space<vmem>>, vector<1x16xf32>,
      %parallel_loop3A_492 = vector.shape_cast %parallel_loop3A_491 : vector<1x16xf32> to vector<16xf32>
      %parallel_loop3A_493 = arith.addf %parallel_loop3A_487, %parallel_loop3A_492 : vector<16xf32>
      %parallel_loop3A_494 = arith.constant 3 : i32
      %parallel_loop3A_495 = arith.muli %parallel_loop3A_46, %parallel_loop3A_494 : i32
      %parallel_loop3A_496 = arith.constant 2 : i32
      %parallel_loop3A_497 = arith.addi %parallel_loop3A_495, %parallel_loop3A_496 : i32
      %parallel_loop3A_498 = arith.index_cast %parallel_loop3A_497 : i32 to index
      %parallel_loop3A_499 = arith.constant 112 : index
      %parallel_loop3A_500 = tpu.vector_load %arg16[%parallel_loop3A_498, %parallel_loop3A_499] {strides = array<i32>} : memref<256x128xf32, #tpu.memory_space<vmem>>, vector<1x16xf32>,
      %parallel_loop3A_501 = vector.shape_cast %parallel_loop3A_500 : vector<1x16xf32> to vector<16xf32>
      %parallel_loop3A_502 = vector.shape_cast %parallel_loop3A_493 : vector<16xf32> to vector<1x16xf32>
      tpu.vector_store %arg16[%parallel_loop3A_498, %parallel_loop3A_499], %parallel_loop3A_502 {strides = array<i32>} : memref<256x128xf32, #tpu.memory_space<vmem>>, vector<1x16xf32>,
    } {sc.loop_unroll_factor = 2 : i64, sc.parallel_access}
    %parallel_loop3A_20 = arith.constant 0 : i32
    %parallel_loop3A_21 = arith.constant 64 : i32
    %parallel_loop3A_22 = arith.constant 1 : i32
    scf.for %parallel_loop3A_46 = %parallel_loop3A_20 to %parallel_loop3A_21 step %parallel_loop3A_22  : i32 {
      %parallel_loop3A_47 = arith.index_cast %parallel_loop3A_46 : i32 to index
      %parallel_loop3A_48 = arith.constant 0 : index
      %parallel_loop3A_49 = tpu.vector_load %arg16[%parallel_loop3A_47, %parallel_loop3A_48] {strides = array<i32>} : memref<256x128xf32, #tpu.memory_space<vmem>>, vector<1x16xf32>,
      %parallel_loop3A_50 = vector.shape_cast %parallel_loop3A_49 : vector<1x16xf32> to vector<16xf32>
      %parallel_loop3A_51 = arith.constant 192 : i32
      %parallel_loop3A_52 = arith.addi %parallel_loop3A_51, %parallel_loop3A_46 : i32
      %parallel_loop3A_53 = arith.index_cast %parallel_loop3A_52 : i32 to index
      %parallel_loop3A_54 = arith.constant 0 : index
      %parallel_loop3A_55 = tpu.vector_load %arg16[%parallel_loop3A_53, %parallel_loop3A_54] {strides = array<i32>} : memref<256x128xf32, #tpu.memory_space<vmem>>, vector<1x16xf32>,
      %parallel_loop3A_56 = vector.shape_cast %parallel_loop3A_55 : vector<1x16xf32> to vector<16xf32>
      %parallel_loop3A_57 = vector.shape_cast %parallel_loop3A_50 : vector<16xf32> to vector<1x16xf32>
      tpu.vector_store %arg16[%parallel_loop3A_53, %parallel_loop3A_54], %parallel_loop3A_57 {strides = array<i32>} : memref<256x128xf32, #tpu.memory_space<vmem>>, vector<1x16xf32>,
      %parallel_loop3A_58 = arith.index_cast %parallel_loop3A_46 : i32 to index
      %parallel_loop3A_59 = arith.constant 16 : index
      %parallel_loop3A_60 = tpu.vector_load %arg16[%parallel_loop3A_58, %parallel_loop3A_59] {strides = array<i32>} : memref<256x128xf32, #tpu.memory_space<vmem>>, vector<1x16xf32>,
      %parallel_loop3A_61 = vector.shape_cast %parallel_loop3A_60 : vector<1x16xf32> to vector<16xf32>
      %parallel_loop3A_62 = arith.constant 192 : i32
      %parallel_loop3A_63 = arith.addi %parallel_loop3A_62, %parallel_loop3A_46 : i32
      %parallel_loop3A_64 = arith.index_cast %parallel_loop3A_63 : i32 to index
      %parallel_loop3A_65 = arith.constant 16 : index
      %parallel_loop3A_66 = tpu.vector_load %arg16[%parallel_loop3A_64, %parallel_loop3A_65] {strides = array<i32>} : memref<256x128xf32, #tpu.memory_space<vmem>>, vector<1x16xf32>,
      %parallel_loop3A_67 = vector.shape_cast %parallel_loop3A_66 : vector<1x16xf32> to vector<16xf32>
      %parallel_loop3A_68 = vector.shape_cast %parallel_loop3A_61 : vector<16xf32> to vector<1x16xf32>
      tpu.vector_store %arg16[%parallel_loop3A_64, %parallel_loop3A_65], %parallel_loop3A_68 {strides = array<i32>} : memref<256x128xf32, #tpu.memory_space<vmem>>, vector<1x16xf32>,
      %parallel_loop3A_69 = arith.index_cast %parallel_loop3A_46 : i32 to index
      %parallel_loop3A_70 = arith.constant 32 : index
      %parallel_loop3A_71 = tpu.vector_load %arg16[%parallel_loop3A_69, %parallel_loop3A_70] {strides = array<i32>} : memref<256x128xf32, #tpu.memory_space<vmem>>, vector<1x16xf32>,
      %parallel_loop3A_72 = vector.shape_cast %parallel_loop3A_71 : vector<1x16xf32> to vector<16xf32>
      %parallel_loop3A_73 = arith.constant 192 : i32
      %parallel_loop3A_74 = arith.addi %parallel_loop3A_73, %parallel_loop3A_46 : i32
      %parallel_loop3A_75 = arith.index_cast %parallel_loop3A_74 : i32 to index
      %parallel_loop3A_76 = arith.constant 32 : index
      %parallel_loop3A_77 = tpu.vector_load %arg16[%parallel_loop3A_75, %parallel_loop3A_76] {strides = array<i32>} : memref<256x128xf32, #tpu.memory_space<vmem>>, vector<1x16xf32>,
      %parallel_loop3A_78 = vector.shape_cast %parallel_loop3A_77 : vector<1x16xf32> to vector<16xf32>
      %parallel_loop3A_79 = vector.shape_cast %parallel_loop3A_72 : vector<16xf32> to vector<1x16xf32>
      tpu.vector_store %arg16[%parallel_loop3A_75, %parallel_loop3A_76], %parallel_loop3A_79 {strides = array<i32>} : memref<256x128xf32, #tpu.memory_space<vmem>>, vector<1x16xf32>,
      %parallel_loop3A_80 = arith.index_cast %parallel_loop3A_46 : i32 to index
      %parallel_loop3A_81 = arith.constant 48 : index
      %parallel_loop3A_82 = tpu.vector_load %arg16[%parallel_loop3A_80, %parallel_loop3A_81] {strides = array<i32>} : memref<256x128xf32, #tpu.memory_space<vmem>>, vector<1x16xf32>,
      %parallel_loop3A_83 = vector.shape_cast %parallel_loop3A_82 : vector<1x16xf32> to vector<16xf32>
      %parallel_loop3A_84 = arith.constant 192 : i32
      %parallel_loop3A_85 = arith.addi %parallel_loop3A_84, %parallel_loop3A_46 : i32
      %parallel_loop3A_86 = arith.index_cast %parallel_loop3A_85 : i32 to index
      %parallel_loop3A_87 = arith.constant 48 : index
      %parallel_loop3A_88 = tpu.vector_load %arg16[%parallel_loop3A_86, %parallel_loop3A_87] {strides = array<i32>} : memref<256x128xf32, #tpu.memory_space<vmem>>, vector<1x16xf32>,
      %parallel_loop3A_89 = vector.shape_cast %parallel_loop3A_88 : vector<1x16xf32> to vector<16xf32>
      %parallel_loop3A_90 = vector.shape_cast %parallel_loop3A_83 : vector<16xf32> to vector<1x16xf32>
      tpu.vector_store %arg16[%parallel_loop3A_86, %parallel_loop3A_87], %parallel_loop3A_90 {strides = array<i32>} : memref<256x128xf32, #tpu.memory_space<vmem>>, vector<1x16xf32>,
      %parallel_loop3A_91 = arith.index_cast %parallel_loop3A_46 : i32 to index
      %parallel_loop3A_92 = arith.constant 64 : index
      %parallel_loop3A_93 = tpu.vector_load %arg16[%parallel_loop3A_91, %parallel_loop3A_92] {strides = array<i32>} : memref<256x128xf32, #tpu.memory_space<vmem>>, vector<1x16xf32>,
      %parallel_loop3A_94 = vector.shape_cast %parallel_loop3A_93 : vector<1x16xf32> to vector<16xf32>
      %parallel_loop3A_95 = arith.constant 192 : i32
      %parallel_loop3A_96 = arith.addi %parallel_loop3A_95, %parallel_loop3A_46 : i32
      %parallel_loop3A_97 = arith.index_cast %parallel_loop3A_96 : i32 to index
      %parallel_loop3A_98 = arith.constant 64 : index
      %parallel_loop3A_99 = tpu.vector_load %arg16[%parallel_loop3A_97, %parallel_loop3A_98] {strides = array<i32>} : memref<256x128xf32, #tpu.memory_space<vmem>>, vector<1x16xf32>,
      %parallel_loop3A_100 = vector.shape_cast %parallel_loop3A_99 : vector<1x16xf32> to vector<16xf32>
      %parallel_loop3A_101 = vector.shape_cast %parallel_loop3A_94 : vector<16xf32> to vector<1x16xf32>
      tpu.vector_store %arg16[%parallel_loop3A_97, %parallel_loop3A_98], %parallel_loop3A_101 {strides = array<i32>} : memref<256x128xf32, #tpu.memory_space<vmem>>, vector<1x16xf32>,
      %parallel_loop3A_102 = arith.index_cast %parallel_loop3A_46 : i32 to index
      %parallel_loop3A_103 = arith.constant 80 : index
      %parallel_loop3A_104 = tpu.vector_load %arg16[%parallel_loop3A_102, %parallel_loop3A_103] {strides = array<i32>} : memref<256x128xf32, #tpu.memory_space<vmem>>, vector<1x16xf32>,
      %parallel_loop3A_105 = vector.shape_cast %parallel_loop3A_104 : vector<1x16xf32> to vector<16xf32>
      %parallel_loop3A_106 = arith.constant 192 : i32
      %parallel_loop3A_107 = arith.addi %parallel_loop3A_106, %parallel_loop3A_46 : i32
      %parallel_loop3A_108 = arith.index_cast %parallel_loop3A_107 : i32 to index
      %parallel_loop3A_109 = arith.constant 80 : index
      %parallel_loop3A_110 = tpu.vector_load %arg16[%parallel_loop3A_108, %parallel_loop3A_109] {strides = array<i32>} : memref<256x128xf32, #tpu.memory_space<vmem>>, vector<1x16xf32>,
      %parallel_loop3A_111 = vector.shape_cast %parallel_loop3A_110 : vector<1x16xf32> to vector<16xf32>
      %parallel_loop3A_112 = vector.shape_cast %parallel_loop3A_105 : vector<16xf32> to vector<1x16xf32>
      tpu.vector_store %arg16[%parallel_loop3A_108, %parallel_loop3A_109], %parallel_loop3A_112 {strides = array<i32>} : memref<256x128xf32, #tpu.memory_space<vmem>>, vector<1x16xf32>,
      %parallel_loop3A_113 = arith.index_cast %parallel_loop3A_46 : i32 to index
      %parallel_loop3A_114 = arith.constant 96 : index
      %parallel_loop3A_115 = tpu.vector_load %arg16[%parallel_loop3A_113, %parallel_loop3A_114] {strides = array<i32>} : memref<256x128xf32, #tpu.memory_space<vmem>>, vector<1x16xf32>,
      %parallel_loop3A_116 = vector.shape_cast %parallel_loop3A_115 : vector<1x16xf32> to vector<16xf32>
      %parallel_loop3A_117 = arith.constant 192 : i32
      %parallel_loop3A_118 = arith.addi %parallel_loop3A_117, %parallel_loop3A_46 : i32
      %parallel_loop3A_119 = arith.index_cast %parallel_loop3A_118 : i32 to index
      %parallel_loop3A_120 = arith.constant 96 : index
      %parallel_loop3A_121 = tpu.vector_load %arg16[%parallel_loop3A_119, %parallel_loop3A_120] {strides = array<i32>} : memref<256x128xf32, #tpu.memory_space<vmem>>, vector<1x16xf32>,
      %parallel_loop3A_122 = vector.shape_cast %parallel_loop3A_121 : vector<1x16xf32> to vector<16xf32>
      %parallel_loop3A_123 = vector.shape_cast %parallel_loop3A_116 : vector<16xf32> to vector<1x16xf32>
      tpu.vector_store %arg16[%parallel_loop3A_119, %parallel_loop3A_120], %parallel_loop3A_123 {strides = array<i32>} : memref<256x128xf32, #tpu.memory_space<vmem>>, vector<1x16xf32>,
      %parallel_loop3A_124 = arith.index_cast %parallel_loop3A_46 : i32 to index
      %parallel_loop3A_125 = arith.constant 112 : index
      %parallel_loop3A_126 = tpu.vector_load %arg16[%parallel_loop3A_124, %parallel_loop3A_125] {strides = array<i32>} : memref<256x128xf32, #tpu.memory_space<vmem>>, vector<1x16xf32>,
      %parallel_loop3A_127 = vector.shape_cast %parallel_loop3A_126 : vector<1x16xf32> to vector<16xf32>
      %parallel_loop3A_128 = arith.constant 192 : i32
      %parallel_loop3A_129 = arith.addi %parallel_loop3A_128, %parallel_loop3A_46 : i32
      %parallel_loop3A_130 = arith.index_cast %parallel_loop3A_129 : i32 to index
      %parallel_loop3A_131 = arith.constant 112 : index
      %parallel_loop3A_132 = tpu.vector_load %arg16[%parallel_loop3A_130, %parallel_loop3A_131] {strides = array<i32>} : memref<256x128xf32, #tpu.memory_space<vmem>>, vector<1x16xf32>,
      %parallel_loop3A_133 = vector.shape_cast %parallel_loop3A_132 : vector<1x16xf32> to vector<16xf32>
      %parallel_loop3A_134 = vector.shape_cast %parallel_loop3A_127 : vector<16xf32> to vector<1x16xf32>
      tpu.vector_store %arg16[%parallel_loop3A_130, %parallel_loop3A_131], %parallel_loop3A_134 {strides = array<i32>} : memref<256x128xf32, #tpu.memory_space<vmem>>, vector<1x16xf32>,
    } {sc.loop_unroll_factor = 2 : i64, sc.parallel_access}
    %scan3A = arith.constant 0 : i32
    %scan3A_23 = arith.constant 0 : i32
    %scan3A_24 = arith.constant 8 : i32
    %scan3A_25 = arith.addi %scan3A_23, %scan3A_24 : i32
    %scan3A_26 = arith.constant 1 : i32
    %scan3A_27 = scf.for %scan3A_46 = %scan3A_23 to %scan3A_25 step %scan3A_26 iter_args(%scan3A_47 = %scan3A) -> (i32)  : i32 {
      %mul3A_48 = arith.constant 6 : i32
      %mul3A_49 = arith.muli %mul3A_48, %scan3A_46 : i32
      %add3A_50 = arith.constant 0 : i32
      %add3A_51 = arith.addi %mul3A_49, %add3A_50 : i32
      %dma_wait3A_52 = arith.constant 0 : i32
      %dma_wait3A_53 = arith.constant 0 : i32
      %dma_wait3A_54 = tpu.memref_slice %arg8[%dma_wait3A_52, %dma_wait3A_53] : memref<48x128xi32, #tpu.memory_space<vmem>> -> memref<1x128xi32, #tpu.memory_space<vmem>>
      %dma_wait3A_55 = tpu.memref_squeeze %dma_wait3A_54 : memref<1x128xi32, #tpu.memory_space<vmem>> -> memref<128xi32, #tpu.memory_space<vmem>>
      %dma_wait3A_56 = arith.constant 0 : i32
      %dma_wait3A_57 = arith.constant 0 : i32
      %dma_wait3A_58 = tpu.memref_slice %arg3[%dma_wait3A_56, %dma_wait3A_57] : memref<100000x128xf32, #tpu.memory_space<hbm>> -> memref<100000x128xf32, #tpu.memory_space<hbm>>
      tpu.wait_indirect_dma semaphore(%arg17 : memref<!tpu.dma_semaphore, #tpu.memory_space<semaphore_mem>>) src(%dma_wait3A_58 : memref<100000x128xf32, #tpu.memory_space<hbm>>) dst(%arg9 : memref<128x128xf32, #tpu.memory_space<vmem>>)
      %mul3A_59 = arith.constant 128 : i32
      %mul3A_60 = arith.muli %add3A_51, %mul3A_59 : i32
      %add3A_61 = arith.addi %mul3A_2, %mul3A_60 : i32
      %dma_start3A_62 = arith.constant 0 : i32
      %dma_start3A_63 = tpu.memref_slice %arg7[%add3A_61, %dma_start3A_62] : memref<196608x128xf32, #tpu.memory_space<hbm>> -> memref<128x128xf32, #tpu.memory_space<hbm>>
      %dma_start3A_64 = arith.constant 0 : i32
      %dma_start3A_65 = tpu.memref_slice %arg7[%add3A_61, %dma_start3A_64] : memref<196608x128xf32, #tpu.memory_space<hbm>> -> memref<128x128xf32, #tpu.memory_space<hbm>>
      tpu.enqueue_dma source(%arg9 : memref<128x128xf32, #tpu.memory_space<vmem>>) target(%dma_start3A_65 : memref<128x128xf32, #tpu.memory_space<hbm>>) target_semaphore(%arg20 : memref<!tpu.dma_semaphore, #tpu.memory_space<semaphore_mem>>)
      %ge3A = arith.constant 2 : i32
      %ge3A_66 = arith.cmpi sge, %add3A_51, %ge3A : i32
      %convert_element_type3A = arith.extui %ge3A_66 : i1 to i32
      %cond3A = arith.constant 0 : i32
      %cond3A_67 = arith.cmpi ne, %convert_element_type3A, %cond3A : i32
      scf.if %cond3A_67 {
        %dma_wait3A_297 = arith.constant 0 : i32
        %dma_wait3A_298 = arith.constant 0 : i32
        %dma_wait3A_299 = tpu.memref_slice %arg6[%dma_wait3A_297, %dma_wait3A_298] : memref<196608x128xf32, #tpu.memory_space<hbm>> -> memref<128x128xf32, #tpu.memory_space<hbm>>
        %dma_wait3A_300 = arith.constant 0 : i32
        %dma_wait3A_301 = arith.constant 0 : i32
        %dma_wait3A_302 = tpu.memref_slice %arg6[%dma_wait3A_300, %dma_wait3A_301] : memref<196608x128xf32, #tpu.memory_space<hbm>> -> memref<128x128xf32, #tpu.memory_space<hbm>>
        tpu.wait_dma2 semaphore(%arg23 : memref<!tpu.dma_semaphore, #tpu.memory_space<semaphore_mem>>) src(%arg12 : memref<128x128xf32, #tpu.memory_space<vmem>>) dst(%dma_wait3A_302 : memref<128x128xf32, #tpu.memory_space<hbm>>)
      } else {
      }
      %parallel_loop3A_68 = arith.constant 0 : i32
      %parallel_loop3A_69 = arith.constant 128 : i32
      %parallel_loop3A_70 = arith.constant 1 : i32
      scf.for %parallel_loop3A_297 = %parallel_loop3A_68 to %parallel_loop3A_69 step %parallel_loop3A_70  : i32 {
        %parallel_loop3A_298 = arith.index_cast %parallel_loop3A_297 : i32 to index
        %parallel_loop3A_299 = arith.constant 0 : index
        %parallel_loop3A_300 = tpu.vector_load %arg9[%parallel_loop3A_298, %parallel_loop3A_299] {strides = array<i32>} : memref<128x128xf32, #tpu.memory_space<vmem>>, vector<1x16xf32>,
        %parallel_loop3A_301 = vector.shape_cast %parallel_loop3A_300 : vector<1x16xf32> to vector<16xf32>
        %parallel_loop3A_302 = arith.constant 0 : i32
        %parallel_loop3A_303 = arith.addi %parallel_loop3A_302, %parallel_loop3A_297 : i32
        %parallel_loop3A_304 = arith.index_cast %parallel_loop3A_303 : i32 to index
        %parallel_loop3A_305 = arith.constant 0 : index
        %parallel_loop3A_306 = tpu.vector_load %arg16[%parallel_loop3A_304, %parallel_loop3A_305] {strides = array<i32>} : memref<256x128xf32, #tpu.memory_space<vmem>>, vector<1x16xf32>,
        %parallel_loop3A_307 = vector.shape_cast %parallel_loop3A_306 : vector<1x16xf32> to vector<16xf32>
        %parallel_loop3A_308 = arith.addf %parallel_loop3A_301, %parallel_loop3A_307 : vector<16xf32>
        %parallel_loop3A_309 = arith.index_cast %parallel_loop3A_297 : i32 to index
        %parallel_loop3A_310 = arith.constant 0 : index
        %parallel_loop3A_311 = tpu.vector_load %arg12[%parallel_loop3A_309, %parallel_loop3A_310] {strides = array<i32>} : memref<128x128xf32, #tpu.memory_space<vmem>>, vector<1x16xf32>,
        %parallel_loop3A_312 = vector.shape_cast %parallel_loop3A_311 : vector<1x16xf32> to vector<16xf32>
        %parallel_loop3A_313 = vector.shape_cast %parallel_loop3A_308 : vector<16xf32> to vector<1x16xf32>
        tpu.vector_store %arg12[%parallel_loop3A_309, %parallel_loop3A_310], %parallel_loop3A_313 {strides = array<i32>} : memref<128x128xf32, #tpu.memory_space<vmem>>, vector<1x16xf32>,
        %parallel_loop3A_314 = arith.index_cast %parallel_loop3A_297 : i32 to index
        %parallel_loop3A_315 = arith.constant 16 : index
        %parallel_loop3A_316 = tpu.vector_load %arg9[%parallel_loop3A_314, %parallel_loop3A_315] {strides = array<i32>} : memref<128x128xf32, #tpu.memory_space<vmem>>, vector<1x16xf32>,
        %parallel_loop3A_317 = vector.shape_cast %parallel_loop3A_316 : vector<1x16xf32> to vector<16xf32>
        %parallel_loop3A_318 = arith.constant 0 : i32
        %parallel_loop3A_319 = arith.addi %parallel_loop3A_318, %parallel_loop3A_297 : i32
        %parallel_loop3A_320 = arith.index_cast %parallel_loop3A_319 : i32 to index
        %parallel_loop3A_321 = arith.constant 16 : index
        %parallel_loop3A_322 = tpu.vector_load %arg16[%parallel_loop3A_320, %parallel_loop3A_321] {strides = array<i32>} : memref<256x128xf32, #tpu.memory_space<vmem>>, vector<1x16xf32>,
        %parallel_loop3A_323 = vector.shape_cast %parallel_loop3A_322 : vector<1x16xf32> to vector<16xf32>
        %parallel_loop3A_324 = arith.addf %parallel_loop3A_317, %parallel_loop3A_323 : vector<16xf32>
        %parallel_loop3A_325 = arith.index_cast %parallel_loop3A_297 : i32 to index
        %parallel_loop3A_326 = arith.constant 16 : index
        %parallel_loop3A_327 = tpu.vector_load %arg12[%parallel_loop3A_325, %parallel_loop3A_326] {strides = array<i32>} : memref<128x128xf32, #tpu.memory_space<vmem>>, vector<1x16xf32>,
        %parallel_loop3A_328 = vector.shape_cast %parallel_loop3A_327 : vector<1x16xf32> to vector<16xf32>
        %parallel_loop3A_329 = vector.shape_cast %parallel_loop3A_324 : vector<16xf32> to vector<1x16xf32>
        tpu.vector_store %arg12[%parallel_loop3A_325, %parallel_loop3A_326], %parallel_loop3A_329 {strides = array<i32>} : memref<128x128xf32, #tpu.memory_space<vmem>>, vector<1x16xf32>,
        %parallel_loop3A_330 = arith.index_cast %parallel_loop3A_297 : i32 to index
        %parallel_loop3A_331 = arith.constant 32 : index
        %parallel_loop3A_332 = tpu.vector_load %arg9[%parallel_loop3A_330, %parallel_loop3A_331] {strides = array<i32>} : memref<128x128xf32, #tpu.memory_space<vmem>>, vector<1x16xf32>,
        %parallel_loop3A_333 = vector.shape_cast %parallel_loop3A_332 : vector<1x16xf32> to vector<16xf32>
        %parallel_loop3A_334 = arith.constant 0 : i32
        %parallel_loop3A_335 = arith.addi %parallel_loop3A_334, %parallel_loop3A_297 : i32
        %parallel_loop3A_336 = arith.index_cast %parallel_loop3A_335 : i32 to index
        %parallel_loop3A_337 = arith.constant 32 : index
        %parallel_loop3A_338 = tpu.vector_load %arg16[%parallel_loop3A_336, %parallel_loop3A_337] {strides = array<i32>} : memref<256x128xf32, #tpu.memory_space<vmem>>, vector<1x16xf32>,
        %parallel_loop3A_339 = vector.shape_cast %parallel_loop3A_338 : vector<1x16xf32> to vector<16xf32>
        %parallel_loop3A_340 = arith.addf %parallel_loop3A_333, %parallel_loop3A_339 : vector<16xf32>
        %parallel_loop3A_341 = arith.index_cast %parallel_loop3A_297 : i32 to index
        %parallel_loop3A_342 = arith.constant 32 : index
        %parallel_loop3A_343 = tpu.vector_load %arg12[%parallel_loop3A_341, %parallel_loop3A_342] {strides = array<i32>} : memref<128x128xf32, #tpu.memory_space<vmem>>, vector<1x16xf32>,
        %parallel_loop3A_344 = vector.shape_cast %parallel_loop3A_343 : vector<1x16xf32> to vector<16xf32>
        %parallel_loop3A_345 = vector.shape_cast %parallel_loop3A_340 : vector<16xf32> to vector<1x16xf32>
        tpu.vector_store %arg12[%parallel_loop3A_341, %parallel_loop3A_342], %parallel_loop3A_345 {strides = array<i32>} : memref<128x128xf32, #tpu.memory_space<vmem>>, vector<1x16xf32>,
        %parallel_loop3A_346 = arith.index_cast %parallel_loop3A_297 : i32 to index
        %parallel_loop3A_347 = arith.constant 48 : index
        %parallel_loop3A_348 = tpu.vector_load %arg9[%parallel_loop3A_346, %parallel_loop3A_347] {strides = array<i32>} : memref<128x128xf32, #tpu.memory_space<vmem>>, vector<1x16xf32>,
        %parallel_loop3A_349 = vector.shape_cast %parallel_loop3A_348 : vector<1x16xf32> to vector<16xf32>
        %parallel_loop3A_350 = arith.constant 0 : i32
        %parallel_loop3A_351 = arith.addi %parallel_loop3A_350, %parallel_loop3A_297 : i32
        %parallel_loop3A_352 = arith.index_cast %parallel_loop3A_351 : i32 to index
        %parallel_loop3A_353 = arith.constant 48 : index
        %parallel_loop3A_354 = tpu.vector_load %arg16[%parallel_loop3A_352, %parallel_loop3A_353] {strides = array<i32>} : memref<256x128xf32, #tpu.memory_space<vmem>>, vector<1x16xf32>,
        %parallel_loop3A_355 = vector.shape_cast %parallel_loop3A_354 : vector<1x16xf32> to vector<16xf32>
        %parallel_loop3A_356 = arith.addf %parallel_loop3A_349, %parallel_loop3A_355 : vector<16xf32>
        %parallel_loop3A_357 = arith.index_cast %parallel_loop3A_297 : i32 to index
        %parallel_loop3A_358 = arith.constant 48 : index
        %parallel_loop3A_359 = tpu.vector_load %arg12[%parallel_loop3A_357, %parallel_loop3A_358] {strides = array<i32>} : memref<128x128xf32, #tpu.memory_space<vmem>>, vector<1x16xf32>,
        %parallel_loop3A_360 = vector.shape_cast %parallel_loop3A_359 : vector<1x16xf32> to vector<16xf32>
        %parallel_loop3A_361 = vector.shape_cast %parallel_loop3A_356 : vector<16xf32> to vector<1x16xf32>
        tpu.vector_store %arg12[%parallel_loop3A_357, %parallel_loop3A_358], %parallel_loop3A_361 {strides = array<i32>} : memref<128x128xf32, #tpu.memory_space<vmem>>, vector<1x16xf32>,
        %parallel_loop3A_362 = arith.index_cast %parallel_loop3A_297 : i32 to index
        %parallel_loop3A_363 = arith.constant 64 : index
        %parallel_loop3A_364 = tpu.vector_load %arg9[%parallel_loop3A_362, %parallel_loop3A_363] {strides = array<i32>} : memref<128x128xf32, #tpu.memory_space<vmem>>, vector<1x16xf32>,
        %parallel_loop3A_365 = vector.shape_cast %parallel_loop3A_364 : vector<1x16xf32> to vector<16xf32>
        %parallel_loop3A_366 = arith.constant 0 : i32
        %parallel_loop3A_367 = arith.addi %parallel_loop3A_366, %parallel_loop3A_297 : i32
        %parallel_loop3A_368 = arith.index_cast %parallel_loop3A_367 : i32 to index
        %parallel_loop3A_369 = arith.constant 64 : index
        %parallel_loop3A_370 = tpu.vector_load %arg16[%parallel_loop3A_368, %parallel_loop3A_369] {strides = array<i32>} : memref<256x128xf32, #tpu.memory_space<vmem>>, vector<1x16xf32>,
        %parallel_loop3A_371 = vector.shape_cast %parallel_loop3A_370 : vector<1x16xf32> to vector<16xf32>
        %parallel_loop3A_372 = arith.addf %parallel_loop3A_365, %parallel_loop3A_371 : vector<16xf32>
        %parallel_loop3A_373 = arith.index_cast %parallel_loop3A_297 : i32 to index
        %parallel_loop3A_374 = arith.constant 64 : index
        %parallel_loop3A_375 = tpu.vector_load %arg12[%parallel_loop3A_373, %parallel_loop3A_374] {strides = array<i32>} : memref<128x128xf32, #tpu.memory_space<vmem>>, vector<1x16xf32>,
        %parallel_loop3A_376 = vector.shape_cast %parallel_loop3A_375 : vector<1x16xf32> to vector<16xf32>
        %parallel_loop3A_377 = vector.shape_cast %parallel_loop3A_372 : vector<16xf32> to vector<1x16xf32>
        tpu.vector_store %arg12[%parallel_loop3A_373, %parallel_loop3A_374], %parallel_loop3A_377 {strides = array<i32>} : memref<128x128xf32, #tpu.memory_space<vmem>>, vector<1x16xf32>,
        %parallel_loop3A_378 = arith.index_cast %parallel_loop3A_297 : i32 to index
        %parallel_loop3A_379 = arith.constant 80 : index
        %parallel_loop3A_380 = tpu.vector_load %arg9[%parallel_loop3A_378, %parallel_loop3A_379] {strides = array<i32>} : memref<128x128xf32, #tpu.memory_space<vmem>>, vector<1x16xf32>,
        %parallel_loop3A_381 = vector.shape_cast %parallel_loop3A_380 : vector<1x16xf32> to vector<16xf32>
        %parallel_loop3A_382 = arith.constant 0 : i32
        %parallel_loop3A_383 = arith.addi %parallel_loop3A_382, %parallel_loop3A_297 : i32
        %parallel_loop3A_384 = arith.index_cast %parallel_loop3A_383 : i32 to index
        %parallel_loop3A_385 = arith.constant 80 : index
        %parallel_loop3A_386 = tpu.vector_load %arg16[%parallel_loop3A_384, %parallel_loop3A_385] {strides = array<i32>} : memref<256x128xf32, #tpu.memory_space<vmem>>, vector<1x16xf32>,
        %parallel_loop3A_387 = vector.shape_cast %parallel_loop3A_386 : vector<1x16xf32> to vector<16xf32>
        %parallel_loop3A_388 = arith.addf %parallel_loop3A_381, %parallel_loop3A_387 : vector<16xf32>
        %parallel_loop3A_389 = arith.index_cast %parallel_loop3A_297 : i32 to index
        %parallel_loop3A_390 = arith.constant 80 : index
        %parallel_loop3A_391 = tpu.vector_load %arg12[%parallel_loop3A_389, %parallel_loop3A_390] {strides = array<i32>} : memref<128x128xf32, #tpu.memory_space<vmem>>, vector<1x16xf32>,
        %parallel_loop3A_392 = vector.shape_cast %parallel_loop3A_391 : vector<1x16xf32> to vector<16xf32>
        %parallel_loop3A_393 = vector.shape_cast %parallel_loop3A_388 : vector<16xf32> to vector<1x16xf32>
        tpu.vector_store %arg12[%parallel_loop3A_389, %parallel_loop3A_390], %parallel_loop3A_393 {strides = array<i32>} : memref<128x128xf32, #tpu.memory_space<vmem>>, vector<1x16xf32>,
        %parallel_loop3A_394 = arith.index_cast %parallel_loop3A_297 : i32 to index
        %parallel_loop3A_395 = arith.constant 96 : index
        %parallel_loop3A_396 = tpu.vector_load %arg9[%parallel_loop3A_394, %parallel_loop3A_395] {strides = array<i32>} : memref<128x128xf32, #tpu.memory_space<vmem>>, vector<1x16xf32>,
        %parallel_loop3A_397 = vector.shape_cast %parallel_loop3A_396 : vector<1x16xf32> to vector<16xf32>
        %parallel_loop3A_398 = arith.constant 0 : i32
        %parallel_loop3A_399 = arith.addi %parallel_loop3A_398, %parallel_loop3A_297 : i32
        %parallel_loop3A_400 = arith.index_cast %parallel_loop3A_399 : i32 to index
        %parallel_loop3A_401 = arith.constant 96 : index
        %parallel_loop3A_402 = tpu.vector_load %arg16[%parallel_loop3A_400, %parallel_loop3A_401] {strides = array<i32>} : memref<256x128xf32, #tpu.memory_space<vmem>>, vector<1x16xf32>,
        %parallel_loop3A_403 = vector.shape_cast %parallel_loop3A_402 : vector<1x16xf32> to vector<16xf32>
        %parallel_loop3A_404 = arith.addf %parallel_loop3A_397, %parallel_loop3A_403 : vector<16xf32>
        %parallel_loop3A_405 = arith.index_cast %parallel_loop3A_297 : i32 to index
        %parallel_loop3A_406 = arith.constant 96 : index
        %parallel_loop3A_407 = tpu.vector_load %arg12[%parallel_loop3A_405, %parallel_loop3A_406] {strides = array<i32>} : memref<128x128xf32, #tpu.memory_space<vmem>>, vector<1x16xf32>,
        %parallel_loop3A_408 = vector.shape_cast %parallel_loop3A_407 : vector<1x16xf32> to vector<16xf32>
        %parallel_loop3A_409 = vector.shape_cast %parallel_loop3A_404 : vector<16xf32> to vector<1x16xf32>
        tpu.vector_store %arg12[%parallel_loop3A_405, %parallel_loop3A_406], %parallel_loop3A_409 {strides = array<i32>} : memref<128x128xf32, #tpu.memory_space<vmem>>, vector<1x16xf32>,
        %parallel_loop3A_410 = arith.index_cast %parallel_loop3A_297 : i32 to index
        %parallel_loop3A_411 = arith.constant 112 : index
        %parallel_loop3A_412 = tpu.vector_load %arg9[%parallel_loop3A_410, %parallel_loop3A_411] {strides = array<i32>} : memref<128x128xf32, #tpu.memory_space<vmem>>, vector<1x16xf32>,
        %parallel_loop3A_413 = vector.shape_cast %parallel_loop3A_412 : vector<1x16xf32> to vector<16xf32>
        %parallel_loop3A_414 = arith.constant 0 : i32
        %parallel_loop3A_415 = arith.addi %parallel_loop3A_414, %parallel_loop3A_297 : i32
        %parallel_loop3A_416 = arith.index_cast %parallel_loop3A_415 : i32 to index
        %parallel_loop3A_417 = arith.constant 112 : index
        %parallel_loop3A_418 = tpu.vector_load %arg16[%parallel_loop3A_416, %parallel_loop3A_417] {strides = array<i32>} : memref<256x128xf32, #tpu.memory_space<vmem>>, vector<1x16xf32>,
        %parallel_loop3A_419 = vector.shape_cast %parallel_loop3A_418 : vector<1x16xf32> to vector<16xf32>
        %parallel_loop3A_420 = arith.addf %parallel_loop3A_413, %parallel_loop3A_419 : vector<16xf32>
        %parallel_loop3A_421 = arith.index_cast %parallel_loop3A_297 : i32 to index
        %parallel_loop3A_422 = arith.constant 112 : index
        %parallel_loop3A_423 = tpu.vector_load %arg12[%parallel_loop3A_421, %parallel_loop3A_422] {strides = array<i32>} : memref<128x128xf32, #tpu.memory_space<vmem>>, vector<1x16xf32>,
        %parallel_loop3A_424 = vector.shape_cast %parallel_loop3A_423 : vector<1x16xf32> to vector<16xf32>
        %parallel_loop3A_425 = vector.shape_cast %parallel_loop3A_420 : vector<16xf32> to vector<1x16xf32>
        tpu.vector_store %arg12[%parallel_loop3A_421, %parallel_loop3A_422], %parallel_loop3A_425 {strides = array<i32>} : memref<128x128xf32, #tpu.memory_space<vmem>>, vector<1x16xf32>,
      } {sc.loop_unroll_factor = 4 : i64, sc.parallel_access}
      %dma_start3A_71 = arith.constant 0 : i32
      %dma_start3A_72 = tpu.memref_slice %arg6[%add3A_61, %dma_start3A_71] : memref<196608x128xf32, #tpu.memory_space<hbm>> -> memref<128x128xf32, #tpu.memory_space<hbm>>
      %dma_start3A_73 = arith.constant 0 : i32
      %dma_start3A_74 = tpu.memref_slice %arg6[%add3A_61, %dma_start3A_73] : memref<196608x128xf32, #tpu.memory_space<hbm>> -> memref<128x128xf32, #tpu.memory_space<hbm>>
      tpu.enqueue_dma source(%arg12 : memref<128x128xf32, #tpu.memory_space<vmem>>) target(%dma_start3A_74 : memref<128x128xf32, #tpu.memory_space<hbm>>) target_semaphore(%arg23 : memref<!tpu.dma_semaphore, #tpu.memory_space<semaphore_mem>>)
      %ge3A_75 = arith.constant 1 : i32
      %ge3A_76 = arith.cmpi sge, %add3A_51, %ge3A_75 : i32
      %convert_element_type3A_77 = arith.extui %ge3A_76 : i1 to i32
      %cond3A_78 = arith.constant 0 : i32
      %cond3A_79 = arith.cmpi ne, %convert_element_type3A_77, %cond3A_78 : i32
      scf.if %cond3A_79 {
        %dma_wait3A_297 = arith.constant 0 : i32
        %dma_wait3A_298 = arith.constant 0 : i32
        %dma_wait3A_299 = tpu.memref_slice %arg7[%dma_wait3A_297, %dma_wait3A_298] : memref<196608x128xf32, #tpu.memory_space<hbm>> -> memref<128x128xf32, #tpu.memory_space<hbm>>
        %dma_wait3A_300 = arith.constant 0 : i32
        %dma_wait3A_301 = arith.constant 0 : i32
        %dma_wait3A_302 = tpu.memref_slice %arg7[%dma_wait3A_300, %dma_wait3A_301] : memref<196608x128xf32, #tpu.memory_space<hbm>> -> memref<128x128xf32, #tpu.memory_space<hbm>>
        tpu.wait_dma2 semaphore(%arg22 : memref<!tpu.dma_semaphore, #tpu.memory_space<semaphore_mem>>) src(%arg11 : memref<128x128xf32, #tpu.memory_space<vmem>>) dst(%dma_wait3A_302 : memref<128x128xf32, #tpu.memory_space<hbm>>)
      } else {
      }
      %add3A_80 = arith.constant 2 : i32
      %add3A_81 = arith.addi %add3A_51, %add3A_80 : i32
      %lt3A = arith.constant 48 : i32
      %lt3A_82 = arith.cmpi slt, %add3A_81, %lt3A : i32
      %convert_element_type3A_83 = arith.extui %lt3A_82 : i1 to i32
      %cond3A_84 = arith.constant 0 : i32
      %cond3A_85 = arith.cmpi ne, %convert_element_type3A_83, %cond3A_84 : i32
      scf.if %cond3A_85 {
        %add3A_297 = arith.constant 2 : i32
        %add3A_298 = arith.addi %add3A_51, %add3A_297 : i32
        %dma_start3A_299 = arith.constant 0 : i32
        %dma_start3A_300 = tpu.memref_slice %arg8[%add3A_298, %dma_start3A_299] : memref<48x128xi32, #tpu.memory_space<vmem>> -> memref<1x128xi32, #tpu.memory_space<vmem>>
        %dma_start3A_301 = tpu.memref_squeeze %dma_start3A_300 : memref<1x128xi32, #tpu.memory_space<vmem>> -> memref<128xi32, #tpu.memory_space<vmem>>
        %dma_start3A_302 = arith.constant 0 : i32
        %dma_start3A_303 = arith.constant 0 : i32
        %dma_start3A_304 = tpu.memref_slice %arg3[%dma_start3A_302, %dma_start3A_303] : memref<100000x128xf32, #tpu.memory_space<hbm>> -> memref<100000x128xf32, #tpu.memory_space<hbm>>
        tpu.enqueue_indirect_dma source(%dma_start3A_304 : memref<100000x128xf32, #tpu.memory_space<hbm>>) target(%arg11 : memref<128x128xf32, #tpu.memory_space<vmem>>) offsets(%dma_start3A_301 : memref<128xi32, #tpu.memory_space<vmem>>) semaphore(%arg19 : memref<!tpu.dma_semaphore, #tpu.memory_space<semaphore_mem>>)
      } else {
      }
      %mul3A_86 = arith.constant 6 : i32
      %mul3A_87 = arith.muli %mul3A_86, %scan3A_46 : i32
      %add3A_88 = arith.constant 1 : i32
      %add3A_89 = arith.addi %mul3A_87, %add3A_88 : i32
      %dma_wait3A_90 = arith.constant 0 : i32
      %dma_wait3A_91 = arith.constant 0 : i32
      %dma_wait3A_92 = tpu.memref_slice %arg8[%dma_wait3A_90, %dma_wait3A_91] : memref<48x128xi32, #tpu.memory_space<vmem>> -> memref<1x128xi32, #tpu.memory_space<vmem>>
      %dma_wait3A_93 = tpu.memref_squeeze %dma_wait3A_92 : memref<1x128xi32, #tpu.memory_space<vmem>> -> memref<128xi32, #tpu.memory_space<vmem>>
      %dma_wait3A_94 = arith.constant 0 : i32
      %dma_wait3A_95 = arith.constant 0 : i32
      %dma_wait3A_96 = tpu.memref_slice %arg3[%dma_wait3A_94, %dma_wait3A_95] : memref<100000x128xf32, #tpu.memory_space<hbm>> -> memref<100000x128xf32, #tpu.memory_space<hbm>>
      tpu.wait_indirect_dma semaphore(%arg18 : memref<!tpu.dma_semaphore, #tpu.memory_space<semaphore_mem>>) src(%dma_wait3A_96 : memref<100000x128xf32, #tpu.memory_space<hbm>>) dst(%arg10 : memref<128x128xf32, #tpu.memory_space<vmem>>)
      %mul3A_97 = arith.constant 128 : i32
      %mul3A_98 = arith.muli %add3A_89, %mul3A_97 : i32
      %add3A_99 = arith.addi %mul3A_2, %mul3A_98 : i32
      %dma_start3A_100 = arith.constant 0 : i32
      %dma_start3A_101 = tpu.memref_slice %arg7[%add3A_99, %dma_start3A_100] : memref<196608x128xf32, #tpu.memory_space<hbm>> -> memref<128x128xf32, #tpu.memory_space<hbm>>
      %dma_start3A_102 = arith.constant 0 : i32
      %dma_start3A_103 = tpu.memref_slice %arg7[%add3A_99, %dma_start3A_102] : memref<196608x128xf32, #tpu.memory_space<hbm>> -> memref<128x128xf32, #tpu.memory_space<hbm>>
      tpu.enqueue_dma source(%arg10 : memref<128x128xf32, #tpu.memory_space<vmem>>) target(%dma_start3A_103 : memref<128x128xf32, #tpu.memory_space<hbm>>) target_semaphore(%arg21 : memref<!tpu.dma_semaphore, #tpu.memory_space<semaphore_mem>>)
      %ge3A_104 = arith.constant 2 : i32
      %ge3A_105 = arith.cmpi sge, %add3A_89, %ge3A_104 : i32
      %convert_element_type3A_106 = arith.extui %ge3A_105 : i1 to i32
      %cond3A_107 = arith.constant 0 : i32
      %cond3A_108 = arith.cmpi ne, %convert_element_type3A_106, %cond3A_107 : i32
      scf.if %cond3A_108 {
        %dma_wait3A_297 = arith.constant 0 : i32
        %dma_wait3A_298 = arith.constant 0 : i32
        %dma_wait3A_299 = tpu.memref_slice %arg6[%dma_wait3A_297, %dma_wait3A_298] : memref<196608x128xf32, #tpu.memory_space<hbm>> -> memref<128x128xf32, #tpu.memory_space<hbm>>
        %dma_wait3A_300 = arith.constant 0 : i32
        %dma_wait3A_301 = arith.constant 0 : i32
        %dma_wait3A_302 = tpu.memref_slice %arg6[%dma_wait3A_300, %dma_wait3A_301] : memref<196608x128xf32, #tpu.memory_space<hbm>> -> memref<128x128xf32, #tpu.memory_space<hbm>>
        tpu.wait_dma2 semaphore(%arg24 : memref<!tpu.dma_semaphore, #tpu.memory_space<semaphore_mem>>) src(%arg13 : memref<128x128xf32, #tpu.memory_space<vmem>>) dst(%dma_wait3A_302 : memref<128x128xf32, #tpu.memory_space<hbm>>)
      } else {
      }
      %parallel_loop3A_109 = arith.constant 0 : i32
      %parallel_loop3A_110 = arith.constant 128 : i32
      %parallel_loop3A_111 = arith.constant 1 : i32
      scf.for %parallel_loop3A_297 = %parallel_loop3A_109 to %parallel_loop3A_110 step %parallel_loop3A_111  : i32 {
        %parallel_loop3A_298 = arith.index_cast %parallel_loop3A_297 : i32 to index
        %parallel_loop3A_299 = arith.constant 0 : index
        %parallel_loop3A_300 = tpu.vector_load %arg10[%parallel_loop3A_298, %parallel_loop3A_299] {strides = array<i32>} : memref<128x128xf32, #tpu.memory_space<vmem>>, vector<1x16xf32>,
        %parallel_loop3A_301 = vector.shape_cast %parallel_loop3A_300 : vector<1x16xf32> to vector<16xf32>
        %parallel_loop3A_302 = arith.constant 128 : i32
        %parallel_loop3A_303 = arith.addi %parallel_loop3A_302, %parallel_loop3A_297 : i32
        %parallel_loop3A_304 = arith.index_cast %parallel_loop3A_303 : i32 to index
        %parallel_loop3A_305 = arith.constant 0 : index
        %parallel_loop3A_306 = tpu.vector_load %arg16[%parallel_loop3A_304, %parallel_loop3A_305] {strides = array<i32>} : memref<256x128xf32, #tpu.memory_space<vmem>>, vector<1x16xf32>,
        %parallel_loop3A_307 = vector.shape_cast %parallel_loop3A_306 : vector<1x16xf32> to vector<16xf32>
        %parallel_loop3A_308 = arith.addf %parallel_loop3A_301, %parallel_loop3A_307 : vector<16xf32>
        %parallel_loop3A_309 = arith.index_cast %parallel_loop3A_297 : i32 to index
        %parallel_loop3A_310 = arith.constant 0 : index
        %parallel_loop3A_311 = tpu.vector_load %arg13[%parallel_loop3A_309, %parallel_loop3A_310] {strides = array<i32>} : memref<128x128xf32, #tpu.memory_space<vmem>>, vector<1x16xf32>,
        %parallel_loop3A_312 = vector.shape_cast %parallel_loop3A_311 : vector<1x16xf32> to vector<16xf32>
        %parallel_loop3A_313 = vector.shape_cast %parallel_loop3A_308 : vector<16xf32> to vector<1x16xf32>
        tpu.vector_store %arg13[%parallel_loop3A_309, %parallel_loop3A_310], %parallel_loop3A_313 {strides = array<i32>} : memref<128x128xf32, #tpu.memory_space<vmem>>, vector<1x16xf32>,
        %parallel_loop3A_314 = arith.index_cast %parallel_loop3A_297 : i32 to index
        %parallel_loop3A_315 = arith.constant 16 : index
        %parallel_loop3A_316 = tpu.vector_load %arg10[%parallel_loop3A_314, %parallel_loop3A_315] {strides = array<i32>} : memref<128x128xf32, #tpu.memory_space<vmem>>, vector<1x16xf32>,
        %parallel_loop3A_317 = vector.shape_cast %parallel_loop3A_316 : vector<1x16xf32> to vector<16xf32>
        %parallel_loop3A_318 = arith.constant 128 : i32
        %parallel_loop3A_319 = arith.addi %parallel_loop3A_318, %parallel_loop3A_297 : i32
        %parallel_loop3A_320 = arith.index_cast %parallel_loop3A_319 : i32 to index
        %parallel_loop3A_321 = arith.constant 16 : index
        %parallel_loop3A_322 = tpu.vector_load %arg16[%parallel_loop3A_320, %parallel_loop3A_321] {strides = array<i32>} : memref<256x128xf32, #tpu.memory_space<vmem>>, vector<1x16xf32>,
        %parallel_loop3A_323 = vector.shape_cast %parallel_loop3A_322 : vector<1x16xf32> to vector<16xf32>
        %parallel_loop3A_324 = arith.addf %parallel_loop3A_317, %parallel_loop3A_323 : vector<16xf32>
        %parallel_loop3A_325 = arith.index_cast %parallel_loop3A_297 : i32 to index
        %parallel_loop3A_326 = arith.constant 16 : index
        %parallel_loop3A_327 = tpu.vector_load %arg13[%parallel_loop3A_325, %parallel_loop3A_326] {strides = array<i32>} : memref<128x128xf32, #tpu.memory_space<vmem>>, vector<1x16xf32>,
        %parallel_loop3A_328 = vector.shape_cast %parallel_loop3A_327 : vector<1x16xf32> to vector<16xf32>
        %parallel_loop3A_329 = vector.shape_cast %parallel_loop3A_324 : vector<16xf32> to vector<1x16xf32>
        tpu.vector_store %arg13[%parallel_loop3A_325, %parallel_loop3A_326], %parallel_loop3A_329 {strides = array<i32>} : memref<128x128xf32, #tpu.memory_space<vmem>>, vector<1x16xf32>,
        %parallel_loop3A_330 = arith.index_cast %parallel_loop3A_297 : i32 to index
        %parallel_loop3A_331 = arith.constant 32 : index
        %parallel_loop3A_332 = tpu.vector_load %arg10[%parallel_loop3A_330, %parallel_loop3A_331] {strides = array<i32>} : memref<128x128xf32, #tpu.memory_space<vmem>>, vector<1x16xf32>,
        %parallel_loop3A_333 = vector.shape_cast %parallel_loop3A_332 : vector<1x16xf32> to vector<16xf32>
        %parallel_loop3A_334 = arith.constant 128 : i32
        %parallel_loop3A_335 = arith.addi %parallel_loop3A_334, %parallel_loop3A_297 : i32
        %parallel_loop3A_336 = arith.index_cast %parallel_loop3A_335 : i32 to index
        %parallel_loop3A_337 = arith.constant 32 : index
        %parallel_loop3A_338 = tpu.vector_load %arg16[%parallel_loop3A_336, %parallel_loop3A_337] {strides = array<i32>} : memref<256x128xf32, #tpu.memory_space<vmem>>, vector<1x16xf32>,
        %parallel_loop3A_339 = vector.shape_cast %parallel_loop3A_338 : vector<1x16xf32> to vector<16xf32>
        %parallel_loop3A_340 = arith.addf %parallel_loop3A_333, %parallel_loop3A_339 : vector<16xf32>
        %parallel_loop3A_341 = arith.index_cast %parallel_loop3A_297 : i32 to index
        %parallel_loop3A_342 = arith.constant 32 : index
        %parallel_loop3A_343 = tpu.vector_load %arg13[%parallel_loop3A_341, %parallel_loop3A_342] {strides = array<i32>} : memref<128x128xf32, #tpu.memory_space<vmem>>, vector<1x16xf32>,
        %parallel_loop3A_344 = vector.shape_cast %parallel_loop3A_343 : vector<1x16xf32> to vector<16xf32>
        %parallel_loop3A_345 = vector.shape_cast %parallel_loop3A_340 : vector<16xf32> to vector<1x16xf32>
        tpu.vector_store %arg13[%parallel_loop3A_341, %parallel_loop3A_342], %parallel_loop3A_345 {strides = array<i32>} : memref<128x128xf32, #tpu.memory_space<vmem>>, vector<1x16xf32>,
        %parallel_loop3A_346 = arith.index_cast %parallel_loop3A_297 : i32 to index
        %parallel_loop3A_347 = arith.constant 48 : index
        %parallel_loop3A_348 = tpu.vector_load %arg10[%parallel_loop3A_346, %parallel_loop3A_347] {strides = array<i32>} : memref<128x128xf32, #tpu.memory_space<vmem>>, vector<1x16xf32>,
        %parallel_loop3A_349 = vector.shape_cast %parallel_loop3A_348 : vector<1x16xf32> to vector<16xf32>
        %parallel_loop3A_350 = arith.constant 128 : i32
        %parallel_loop3A_351 = arith.addi %parallel_loop3A_350, %parallel_loop3A_297 : i32
        %parallel_loop3A_352 = arith.index_cast %parallel_loop3A_351 : i32 to index
        %parallel_loop3A_353 = arith.constant 48 : index
        %parallel_loop3A_354 = tpu.vector_load %arg16[%parallel_loop3A_352, %parallel_loop3A_353] {strides = array<i32>} : memref<256x128xf32, #tpu.memory_space<vmem>>, vector<1x16xf32>,
        %parallel_loop3A_355 = vector.shape_cast %parallel_loop3A_354 : vector<1x16xf32> to vector<16xf32>
        %parallel_loop3A_356 = arith.addf %parallel_loop3A_349, %parallel_loop3A_355 : vector<16xf32>
        %parallel_loop3A_357 = arith.index_cast %parallel_loop3A_297 : i32 to index
        %parallel_loop3A_358 = arith.constant 48 : index
        %parallel_loop3A_359 = tpu.vector_load %arg13[%parallel_loop3A_357, %parallel_loop3A_358] {strides = array<i32>} : memref<128x128xf32, #tpu.memory_space<vmem>>, vector<1x16xf32>,
        %parallel_loop3A_360 = vector.shape_cast %parallel_loop3A_359 : vector<1x16xf32> to vector<16xf32>
        %parallel_loop3A_361 = vector.shape_cast %parallel_loop3A_356 : vector<16xf32> to vector<1x16xf32>
        tpu.vector_store %arg13[%parallel_loop3A_357, %parallel_loop3A_358], %parallel_loop3A_361 {strides = array<i32>} : memref<128x128xf32, #tpu.memory_space<vmem>>, vector<1x16xf32>,
        %parallel_loop3A_362 = arith.index_cast %parallel_loop3A_297 : i32 to index
        %parallel_loop3A_363 = arith.constant 64 : index
        %parallel_loop3A_364 = tpu.vector_load %arg10[%parallel_loop3A_362, %parallel_loop3A_363] {strides = array<i32>} : memref<128x128xf32, #tpu.memory_space<vmem>>, vector<1x16xf32>,
        %parallel_loop3A_365 = vector.shape_cast %parallel_loop3A_364 : vector<1x16xf32> to vector<16xf32>
        %parallel_loop3A_366 = arith.constant 128 : i32
        %parallel_loop3A_367 = arith.addi %parallel_loop3A_366, %parallel_loop3A_297 : i32
        %parallel_loop3A_368 = arith.index_cast %parallel_loop3A_367 : i32 to index
        %parallel_loop3A_369 = arith.constant 64 : index
        %parallel_loop3A_370 = tpu.vector_load %arg16[%parallel_loop3A_368, %parallel_loop3A_369] {strides = array<i32>} : memref<256x128xf32, #tpu.memory_space<vmem>>, vector<1x16xf32>,
        %parallel_loop3A_371 = vector.shape_cast %parallel_loop3A_370 : vector<1x16xf32> to vector<16xf32>
        %parallel_loop3A_372 = arith.addf %parallel_loop3A_365, %parallel_loop3A_371 : vector<16xf32>
        %parallel_loop3A_373 = arith.index_cast %parallel_loop3A_297 : i32 to index
        %parallel_loop3A_374 = arith.constant 64 : index
        %parallel_loop3A_375 = tpu.vector_load %arg13[%parallel_loop3A_373, %parallel_loop3A_374] {strides = array<i32>} : memref<128x128xf32, #tpu.memory_space<vmem>>, vector<1x16xf32>,
        %parallel_loop3A_376 = vector.shape_cast %parallel_loop3A_375 : vector<1x16xf32> to vector<16xf32>
        %parallel_loop3A_377 = vector.shape_cast %parallel_loop3A_372 : vector<16xf32> to vector<1x16xf32>
        tpu.vector_store %arg13[%parallel_loop3A_373, %parallel_loop3A_374], %parallel_loop3A_377 {strides = array<i32>} : memref<128x128xf32, #tpu.memory_space<vmem>>, vector<1x16xf32>,
        %parallel_loop3A_378 = arith.index_cast %parallel_loop3A_297 : i32 to index
        %parallel_loop3A_379 = arith.constant 80 : index
        %parallel_loop3A_380 = tpu.vector_load %arg10[%parallel_loop3A_378, %parallel_loop3A_379] {strides = array<i32>} : memref<128x128xf32, #tpu.memory_space<vmem>>, vector<1x16xf32>,
        %parallel_loop3A_381 = vector.shape_cast %parallel_loop3A_380 : vector<1x16xf32> to vector<16xf32>
        %parallel_loop3A_382 = arith.constant 128 : i32
        %parallel_loop3A_383 = arith.addi %parallel_loop3A_382, %parallel_loop3A_297 : i32
        %parallel_loop3A_384 = arith.index_cast %parallel_loop3A_383 : i32 to index
        %parallel_loop3A_385 = arith.constant 80 : index
        %parallel_loop3A_386 = tpu.vector_load %arg16[%parallel_loop3A_384, %parallel_loop3A_385] {strides = array<i32>} : memref<256x128xf32, #tpu.memory_space<vmem>>, vector<1x16xf32>,
        %parallel_loop3A_387 = vector.shape_cast %parallel_loop3A_386 : vector<1x16xf32> to vector<16xf32>
        %parallel_loop3A_388 = arith.addf %parallel_loop3A_381, %parallel_loop3A_387 : vector<16xf32>
        %parallel_loop3A_389 = arith.index_cast %parallel_loop3A_297 : i32 to index
        %parallel_loop3A_390 = arith.constant 80 : index
        %parallel_loop3A_391 = tpu.vector_load %arg13[%parallel_loop3A_389, %parallel_loop3A_390] {strides = array<i32>} : memref<128x128xf32, #tpu.memory_space<vmem>>, vector<1x16xf32>,
        %parallel_loop3A_392 = vector.shape_cast %parallel_loop3A_391 : vector<1x16xf32> to vector<16xf32>
        %parallel_loop3A_393 = vector.shape_cast %parallel_loop3A_388 : vector<16xf32> to vector<1x16xf32>
        tpu.vector_store %arg13[%parallel_loop3A_389, %parallel_loop3A_390], %parallel_loop3A_393 {strides = array<i32>} : memref<128x128xf32, #tpu.memory_space<vmem>>, vector<1x16xf32>,
        %parallel_loop3A_394 = arith.index_cast %parallel_loop3A_297 : i32 to index
        %parallel_loop3A_395 = arith.constant 96 : index
        %parallel_loop3A_396 = tpu.vector_load %arg10[%parallel_loop3A_394, %parallel_loop3A_395] {strides = array<i32>} : memref<128x128xf32, #tpu.memory_space<vmem>>, vector<1x16xf32>,
        %parallel_loop3A_397 = vector.shape_cast %parallel_loop3A_396 : vector<1x16xf32> to vector<16xf32>
        %parallel_loop3A_398 = arith.constant 128 : i32
        %parallel_loop3A_399 = arith.addi %parallel_loop3A_398, %parallel_loop3A_297 : i32
        %parallel_loop3A_400 = arith.index_cast %parallel_loop3A_399 : i32 to index
        %parallel_loop3A_401 = arith.constant 96 : index
        %parallel_loop3A_402 = tpu.vector_load %arg16[%parallel_loop3A_400, %parallel_loop3A_401] {strides = array<i32>} : memref<256x128xf32, #tpu.memory_space<vmem>>, vector<1x16xf32>,
        %parallel_loop3A_403 = vector.shape_cast %parallel_loop3A_402 : vector<1x16xf32> to vector<16xf32>
        %parallel_loop3A_404 = arith.addf %parallel_loop3A_397, %parallel_loop3A_403 : vector<16xf32>
        %parallel_loop3A_405 = arith.index_cast %parallel_loop3A_297 : i32 to index
        %parallel_loop3A_406 = arith.constant 96 : index
        %parallel_loop3A_407 = tpu.vector_load %arg13[%parallel_loop3A_405, %parallel_loop3A_406] {strides = array<i32>} : memref<128x128xf32, #tpu.memory_space<vmem>>, vector<1x16xf32>,
        %parallel_loop3A_408 = vector.shape_cast %parallel_loop3A_407 : vector<1x16xf32> to vector<16xf32>
        %parallel_loop3A_409 = vector.shape_cast %parallel_loop3A_404 : vector<16xf32> to vector<1x16xf32>
        tpu.vector_store %arg13[%parallel_loop3A_405, %parallel_loop3A_406], %parallel_loop3A_409 {strides = array<i32>} : memref<128x128xf32, #tpu.memory_space<vmem>>, vector<1x16xf32>,
        %parallel_loop3A_410 = arith.index_cast %parallel_loop3A_297 : i32 to index
        %parallel_loop3A_411 = arith.constant 112 : index
        %parallel_loop3A_412 = tpu.vector_load %arg10[%parallel_loop3A_410, %parallel_loop3A_411] {strides = array<i32>} : memref<128x128xf32, #tpu.memory_space<vmem>>, vector<1x16xf32>,
        %parallel_loop3A_413 = vector.shape_cast %parallel_loop3A_412 : vector<1x16xf32> to vector<16xf32>
        %parallel_loop3A_414 = arith.constant 128 : i32
        %parallel_loop3A_415 = arith.addi %parallel_loop3A_414, %parallel_loop3A_297 : i32
        %parallel_loop3A_416 = arith.index_cast %parallel_loop3A_415 : i32 to index
        %parallel_loop3A_417 = arith.constant 112 : index
        %parallel_loop3A_418 = tpu.vector_load %arg16[%parallel_loop3A_416, %parallel_loop3A_417] {strides = array<i32>} : memref<256x128xf32, #tpu.memory_space<vmem>>, vector<1x16xf32>,
        %parallel_loop3A_419 = vector.shape_cast %parallel_loop3A_418 : vector<1x16xf32> to vector<16xf32>
        %parallel_loop3A_420 = arith.addf %parallel_loop3A_413, %parallel_loop3A_419 : vector<16xf32>
        %parallel_loop3A_421 = arith.index_cast %parallel_loop3A_297 : i32 to index
        %parallel_loop3A_422 = arith.constant 112 : index
        %parallel_loop3A_423 = tpu.vector_load %arg13[%parallel_loop3A_421, %parallel_loop3A_422] {strides = array<i32>} : memref<128x128xf32, #tpu.memory_space<vmem>>, vector<1x16xf32>,
        %parallel_loop3A_424 = vector.shape_cast %parallel_loop3A_423 : vector<1x16xf32> to vector<16xf32>
        %parallel_loop3A_425 = vector.shape_cast %parallel_loop3A_420 : vector<16xf32> to vector<1x16xf32>
        tpu.vector_store %arg13[%parallel_loop3A_421, %parallel_loop3A_422], %parallel_loop3A_425 {strides = array<i32>} : memref<128x128xf32, #tpu.memory_space<vmem>>, vector<1x16xf32>,
      } {sc.loop_unroll_factor = 4 : i64, sc.parallel_access}
      %dma_start3A_112 = arith.constant 0 : i32
      %dma_start3A_113 = tpu.memref_slice %arg6[%add3A_99, %dma_start3A_112] : memref<196608x128xf32, #tpu.memory_space<hbm>> -> memref<128x128xf32, #tpu.memory_space<hbm>>
      %dma_start3A_114 = arith.constant 0 : i32
      %dma_start3A_115 = tpu.memref_slice %arg6[%add3A_99, %dma_start3A_114] : memref<196608x128xf32, #tpu.memory_space<hbm>> -> memref<128x128xf32, #tpu.memory_space<hbm>>
      tpu.enqueue_dma source(%arg13 : memref<128x128xf32, #tpu.memory_space<vmem>>) target(%dma_start3A_115 : memref<128x128xf32, #tpu.memory_space<hbm>>) target_semaphore(%arg24 : memref<!tpu.dma_semaphore, #tpu.memory_space<semaphore_mem>>)
      %ge3A_116 = arith.constant 1 : i32
      %ge3A_117 = arith.cmpi sge, %add3A_89, %ge3A_116 : i32
      %convert_element_type3A_118 = arith.extui %ge3A_117 : i1 to i32
      %cond3A_119 = arith.constant 0 : i32
      %cond3A_120 = arith.cmpi ne, %convert_element_type3A_118, %cond3A_119 : i32
      scf.if %cond3A_120 {
        %dma_wait3A_297 = arith.constant 0 : i32
        %dma_wait3A_298 = arith.constant 0 : i32
        %dma_wait3A_299 = tpu.memref_slice %arg7[%dma_wait3A_297, %dma_wait3A_298] : memref<196608x128xf32, #tpu.memory_space<hbm>> -> memref<128x128xf32, #tpu.memory_space<hbm>>
        %dma_wait3A_300 = arith.constant 0 : i32
        %dma_wait3A_301 = arith.constant 0 : i32
        %dma_wait3A_302 = tpu.memref_slice %arg7[%dma_wait3A_300, %dma_wait3A_301] : memref<196608x128xf32, #tpu.memory_space<hbm>> -> memref<128x128xf32, #tpu.memory_space<hbm>>
        tpu.wait_dma2 semaphore(%arg20 : memref<!tpu.dma_semaphore, #tpu.memory_space<semaphore_mem>>) src(%arg9 : memref<128x128xf32, #tpu.memory_space<vmem>>) dst(%dma_wait3A_302 : memref<128x128xf32, #tpu.memory_space<hbm>>)
      } else {
      }
      %add3A_121 = arith.constant 2 : i32
      %add3A_122 = arith.addi %add3A_89, %add3A_121 : i32
      %lt3A_123 = arith.constant 48 : i32
      %lt3A_124 = arith.cmpi slt, %add3A_122, %lt3A_123 : i32
      %convert_element_type3A_125 = arith.extui %lt3A_124 : i1 to i32
      %cond3A_126 = arith.constant 0 : i32
      %cond3A_127 = arith.cmpi ne, %convert_element_type3A_125, %cond3A_126 : i32
      scf.if %cond3A_127 {
        %add3A_297 = arith.constant 2 : i32
        %add3A_298 = arith.addi %add3A_89, %add3A_297 : i32
        %dma_start3A_299 = arith.constant 0 : i32
        %dma_start3A_300 = tpu.memref_slice %arg8[%add3A_298, %dma_start3A_299] : memref<48x128xi32, #tpu.memory_space<vmem>> -> memref<1x128xi32, #tpu.memory_space<vmem>>
        %dma_start3A_301 = tpu.memref_squeeze %dma_start3A_300 : memref<1x128xi32, #tpu.memory_space<vmem>> -> memref<128xi32, #tpu.memory_space<vmem>>
        %dma_start3A_302 = arith.constant 0 : i32
        %dma_start3A_303 = arith.constant 0 : i32
        %dma_start3A_304 = tpu.memref_slice %arg3[%dma_start3A_302, %dma_start3A_303] : memref<100000x128xf32, #tpu.memory_space<hbm>> -> memref<100000x128xf32, #tpu.memory_space<hbm>>
        tpu.enqueue_indirect_dma source(%dma_start3A_304 : memref<100000x128xf32, #tpu.memory_space<hbm>>) target(%arg9 : memref<128x128xf32, #tpu.memory_space<vmem>>) offsets(%dma_start3A_301 : memref<128xi32, #tpu.memory_space<vmem>>) semaphore(%arg17 : memref<!tpu.dma_semaphore, #tpu.memory_space<semaphore_mem>>)
      } else {
      }
      %mul3A_128 = arith.constant 6 : i32
      %mul3A_129 = arith.muli %mul3A_128, %scan3A_46 : i32
      %add3A_130 = arith.constant 2 : i32
      %add3A_131 = arith.addi %mul3A_129, %add3A_130 : i32
      %dma_wait3A_132 = arith.constant 0 : i32
      %dma_wait3A_133 = arith.constant 0 : i32
      %dma_wait3A_134 = tpu.memref_slice %arg8[%dma_wait3A_132, %dma_wait3A_133] : memref<48x128xi32, #tpu.memory_space<vmem>> -> memref<1x128xi32, #tpu.memory_space<vmem>>
      %dma_wait3A_135 = tpu.memref_squeeze %dma_wait3A_134 : memref<1x128xi32, #tpu.memory_space<vmem>> -> memref<128xi32, #tpu.memory_space<vmem>>
      %dma_wait3A_136 = arith.constant 0 : i32
      %dma_wait3A_137 = arith.constant 0 : i32
      %dma_wait3A_138 = tpu.memref_slice %arg3[%dma_wait3A_136, %dma_wait3A_137] : memref<100000x128xf32, #tpu.memory_space<hbm>> -> memref<100000x128xf32, #tpu.memory_space<hbm>>
      tpu.wait_indirect_dma semaphore(%arg19 : memref<!tpu.dma_semaphore, #tpu.memory_space<semaphore_mem>>) src(%dma_wait3A_138 : memref<100000x128xf32, #tpu.memory_space<hbm>>) dst(%arg11 : memref<128x128xf32, #tpu.memory_space<vmem>>)
      %mul3A_139 = arith.constant 128 : i32
      %mul3A_140 = arith.muli %add3A_131, %mul3A_139 : i32
      %add3A_141 = arith.addi %mul3A_2, %mul3A_140 : i32
      %dma_start3A_142 = arith.constant 0 : i32
      %dma_start3A_143 = tpu.memref_slice %arg7[%add3A_141, %dma_start3A_142] : memref<196608x128xf32, #tpu.memory_space<hbm>> -> memref<128x128xf32, #tpu.memory_space<hbm>>
      %dma_start3A_144 = arith.constant 0 : i32
      %dma_start3A_145 = tpu.memref_slice %arg7[%add3A_141, %dma_start3A_144] : memref<196608x128xf32, #tpu.memory_space<hbm>> -> memref<128x128xf32, #tpu.memory_space<hbm>>
      tpu.enqueue_dma source(%arg11 : memref<128x128xf32, #tpu.memory_space<vmem>>) target(%dma_start3A_145 : memref<128x128xf32, #tpu.memory_space<hbm>>) target_semaphore(%arg22 : memref<!tpu.dma_semaphore, #tpu.memory_space<semaphore_mem>>)
      %ge3A_146 = arith.constant 2 : i32
      %ge3A_147 = arith.cmpi sge, %add3A_131, %ge3A_146 : i32
      %convert_element_type3A_148 = arith.extui %ge3A_147 : i1 to i32
      %cond3A_149 = arith.constant 0 : i32
      %cond3A_150 = arith.cmpi ne, %convert_element_type3A_148, %cond3A_149 : i32
      scf.if %cond3A_150 {
        %dma_wait3A_297 = arith.constant 0 : i32
        %dma_wait3A_298 = arith.constant 0 : i32
        %dma_wait3A_299 = tpu.memref_slice %arg6[%dma_wait3A_297, %dma_wait3A_298] : memref<196608x128xf32, #tpu.memory_space<hbm>> -> memref<128x128xf32, #tpu.memory_space<hbm>>
        %dma_wait3A_300 = arith.constant 0 : i32
        %dma_wait3A_301 = arith.constant 0 : i32
        %dma_wait3A_302 = tpu.memref_slice %arg6[%dma_wait3A_300, %dma_wait3A_301] : memref<196608x128xf32, #tpu.memory_space<hbm>> -> memref<128x128xf32, #tpu.memory_space<hbm>>
        tpu.wait_dma2 semaphore(%arg23 : memref<!tpu.dma_semaphore, #tpu.memory_space<semaphore_mem>>) src(%arg12 : memref<128x128xf32, #tpu.memory_space<vmem>>) dst(%dma_wait3A_302 : memref<128x128xf32, #tpu.memory_space<hbm>>)
      } else {
      }
      %parallel_loop3A_151 = arith.constant 0 : i32
      %parallel_loop3A_152 = arith.constant 128 : i32
      %parallel_loop3A_153 = arith.constant 1 : i32
      scf.for %parallel_loop3A_297 = %parallel_loop3A_151 to %parallel_loop3A_152 step %parallel_loop3A_153  : i32 {
        %parallel_loop3A_298 = arith.index_cast %parallel_loop3A_297 : i32 to index
        %parallel_loop3A_299 = arith.constant 0 : index
        %parallel_loop3A_300 = tpu.vector_load %arg11[%parallel_loop3A_298, %parallel_loop3A_299] {strides = array<i32>} : memref<128x128xf32, #tpu.memory_space<vmem>>, vector<1x16xf32>,
        %parallel_loop3A_301 = vector.shape_cast %parallel_loop3A_300 : vector<1x16xf32> to vector<16xf32>
        %parallel_loop3A_302 = arith.constant 64 : i32
        %parallel_loop3A_303 = arith.addi %parallel_loop3A_302, %parallel_loop3A_297 : i32
        %parallel_loop3A_304 = arith.index_cast %parallel_loop3A_303 : i32 to index
        %parallel_loop3A_305 = arith.constant 0 : index
        %parallel_loop3A_306 = tpu.vector_load %arg16[%parallel_loop3A_304, %parallel_loop3A_305] {strides = array<i32>} : memref<256x128xf32, #tpu.memory_space<vmem>>, vector<1x16xf32>,
        %parallel_loop3A_307 = vector.shape_cast %parallel_loop3A_306 : vector<1x16xf32> to vector<16xf32>
        %parallel_loop3A_308 = arith.addf %parallel_loop3A_301, %parallel_loop3A_307 : vector<16xf32>
        %parallel_loop3A_309 = arith.index_cast %parallel_loop3A_297 : i32 to index
        %parallel_loop3A_310 = arith.constant 0 : index
        %parallel_loop3A_311 = tpu.vector_load %arg12[%parallel_loop3A_309, %parallel_loop3A_310] {strides = array<i32>} : memref<128x128xf32, #tpu.memory_space<vmem>>, vector<1x16xf32>,
        %parallel_loop3A_312 = vector.shape_cast %parallel_loop3A_311 : vector<1x16xf32> to vector<16xf32>
        %parallel_loop3A_313 = vector.shape_cast %parallel_loop3A_308 : vector<16xf32> to vector<1x16xf32>
        tpu.vector_store %arg12[%parallel_loop3A_309, %parallel_loop3A_310], %parallel_loop3A_313 {strides = array<i32>} : memref<128x128xf32, #tpu.memory_space<vmem>>, vector<1x16xf32>,
        %parallel_loop3A_314 = arith.index_cast %parallel_loop3A_297 : i32 to index
        %parallel_loop3A_315 = arith.constant 16 : index
        %parallel_loop3A_316 = tpu.vector_load %arg11[%parallel_loop3A_314, %parallel_loop3A_315] {strides = array<i32>} : memref<128x128xf32, #tpu.memory_space<vmem>>, vector<1x16xf32>,
        %parallel_loop3A_317 = vector.shape_cast %parallel_loop3A_316 : vector<1x16xf32> to vector<16xf32>
        %parallel_loop3A_318 = arith.constant 64 : i32
        %parallel_loop3A_319 = arith.addi %parallel_loop3A_318, %parallel_loop3A_297 : i32
        %parallel_loop3A_320 = arith.index_cast %parallel_loop3A_319 : i32 to index
        %parallel_loop3A_321 = arith.constant 16 : index
        %parallel_loop3A_322 = tpu.vector_load %arg16[%parallel_loop3A_320, %parallel_loop3A_321] {strides = array<i32>} : memref<256x128xf32, #tpu.memory_space<vmem>>, vector<1x16xf32>,
        %parallel_loop3A_323 = vector.shape_cast %parallel_loop3A_322 : vector<1x16xf32> to vector<16xf32>
        %parallel_loop3A_324 = arith.addf %parallel_loop3A_317, %parallel_loop3A_323 : vector<16xf32>
        %parallel_loop3A_325 = arith.index_cast %parallel_loop3A_297 : i32 to index
        %parallel_loop3A_326 = arith.constant 16 : index
        %parallel_loop3A_327 = tpu.vector_load %arg12[%parallel_loop3A_325, %parallel_loop3A_326] {strides = array<i32>} : memref<128x128xf32, #tpu.memory_space<vmem>>, vector<1x16xf32>,
        %parallel_loop3A_328 = vector.shape_cast %parallel_loop3A_327 : vector<1x16xf32> to vector<16xf32>
        %parallel_loop3A_329 = vector.shape_cast %parallel_loop3A_324 : vector<16xf32> to vector<1x16xf32>
        tpu.vector_store %arg12[%parallel_loop3A_325, %parallel_loop3A_326], %parallel_loop3A_329 {strides = array<i32>} : memref<128x128xf32, #tpu.memory_space<vmem>>, vector<1x16xf32>,
        %parallel_loop3A_330 = arith.index_cast %parallel_loop3A_297 : i32 to index
        %parallel_loop3A_331 = arith.constant 32 : index
        %parallel_loop3A_332 = tpu.vector_load %arg11[%parallel_loop3A_330, %parallel_loop3A_331] {strides = array<i32>} : memref<128x128xf32, #tpu.memory_space<vmem>>, vector<1x16xf32>,
        %parallel_loop3A_333 = vector.shape_cast %parallel_loop3A_332 : vector<1x16xf32> to vector<16xf32>
        %parallel_loop3A_334 = arith.constant 64 : i32
        %parallel_loop3A_335 = arith.addi %parallel_loop3A_334, %parallel_loop3A_297 : i32
        %parallel_loop3A_336 = arith.index_cast %parallel_loop3A_335 : i32 to index
        %parallel_loop3A_337 = arith.constant 32 : index
        %parallel_loop3A_338 = tpu.vector_load %arg16[%parallel_loop3A_336, %parallel_loop3A_337] {strides = array<i32>} : memref<256x128xf32, #tpu.memory_space<vmem>>, vector<1x16xf32>,
        %parallel_loop3A_339 = vector.shape_cast %parallel_loop3A_338 : vector<1x16xf32> to vector<16xf32>
        %parallel_loop3A_340 = arith.addf %parallel_loop3A_333, %parallel_loop3A_339 : vector<16xf32>
        %parallel_loop3A_341 = arith.index_cast %parallel_loop3A_297 : i32 to index
        %parallel_loop3A_342 = arith.constant 32 : index
        %parallel_loop3A_343 = tpu.vector_load %arg12[%parallel_loop3A_341, %parallel_loop3A_342] {strides = array<i32>} : memref<128x128xf32, #tpu.memory_space<vmem>>, vector<1x16xf32>,
        %parallel_loop3A_344 = vector.shape_cast %parallel_loop3A_343 : vector<1x16xf32> to vector<16xf32>
        %parallel_loop3A_345 = vector.shape_cast %parallel_loop3A_340 : vector<16xf32> to vector<1x16xf32>
        tpu.vector_store %arg12[%parallel_loop3A_341, %parallel_loop3A_342], %parallel_loop3A_345 {strides = array<i32>} : memref<128x128xf32, #tpu.memory_space<vmem>>, vector<1x16xf32>,
        %parallel_loop3A_346 = arith.index_cast %parallel_loop3A_297 : i32 to index
        %parallel_loop3A_347 = arith.constant 48 : index
        %parallel_loop3A_348 = tpu.vector_load %arg11[%parallel_loop3A_346, %parallel_loop3A_347] {strides = array<i32>} : memref<128x128xf32, #tpu.memory_space<vmem>>, vector<1x16xf32>,
        %parallel_loop3A_349 = vector.shape_cast %parallel_loop3A_348 : vector<1x16xf32> to vector<16xf32>
        %parallel_loop3A_350 = arith.constant 64 : i32
        %parallel_loop3A_351 = arith.addi %parallel_loop3A_350, %parallel_loop3A_297 : i32
        %parallel_loop3A_352 = arith.index_cast %parallel_loop3A_351 : i32 to index
        %parallel_loop3A_353 = arith.constant 48 : index
        %parallel_loop3A_354 = tpu.vector_load %arg16[%parallel_loop3A_352, %parallel_loop3A_353] {strides = array<i32>} : memref<256x128xf32, #tpu.memory_space<vmem>>, vector<1x16xf32>,
        %parallel_loop3A_355 = vector.shape_cast %parallel_loop3A_354 : vector<1x16xf32> to vector<16xf32>
        %parallel_loop3A_356 = arith.addf %parallel_loop3A_349, %parallel_loop3A_355 : vector<16xf32>
        %parallel_loop3A_357 = arith.index_cast %parallel_loop3A_297 : i32 to index
        %parallel_loop3A_358 = arith.constant 48 : index
        %parallel_loop3A_359 = tpu.vector_load %arg12[%parallel_loop3A_357, %parallel_loop3A_358] {strides = array<i32>} : memref<128x128xf32, #tpu.memory_space<vmem>>, vector<1x16xf32>,
        %parallel_loop3A_360 = vector.shape_cast %parallel_loop3A_359 : vector<1x16xf32> to vector<16xf32>
        %parallel_loop3A_361 = vector.shape_cast %parallel_loop3A_356 : vector<16xf32> to vector<1x16xf32>
        tpu.vector_store %arg12[%parallel_loop3A_357, %parallel_loop3A_358], %parallel_loop3A_361 {strides = array<i32>} : memref<128x128xf32, #tpu.memory_space<vmem>>, vector<1x16xf32>,
        %parallel_loop3A_362 = arith.index_cast %parallel_loop3A_297 : i32 to index
        %parallel_loop3A_363 = arith.constant 64 : index
        %parallel_loop3A_364 = tpu.vector_load %arg11[%parallel_loop3A_362, %parallel_loop3A_363] {strides = array<i32>} : memref<128x128xf32, #tpu.memory_space<vmem>>, vector<1x16xf32>,
        %parallel_loop3A_365 = vector.shape_cast %parallel_loop3A_364 : vector<1x16xf32> to vector<16xf32>
        %parallel_loop3A_366 = arith.constant 64 : i32
        %parallel_loop3A_367 = arith.addi %parallel_loop3A_366, %parallel_loop3A_297 : i32
        %parallel_loop3A_368 = arith.index_cast %parallel_loop3A_367 : i32 to index
        %parallel_loop3A_369 = arith.constant 64 : index
        %parallel_loop3A_370 = tpu.vector_load %arg16[%parallel_loop3A_368, %parallel_loop3A_369] {strides = array<i32>} : memref<256x128xf32, #tpu.memory_space<vmem>>, vector<1x16xf32>,
        %parallel_loop3A_371 = vector.shape_cast %parallel_loop3A_370 : vector<1x16xf32> to vector<16xf32>
        %parallel_loop3A_372 = arith.addf %parallel_loop3A_365, %parallel_loop3A_371 : vector<16xf32>
        %parallel_loop3A_373 = arith.index_cast %parallel_loop3A_297 : i32 to index
        %parallel_loop3A_374 = arith.constant 64 : index
        %parallel_loop3A_375 = tpu.vector_load %arg12[%parallel_loop3A_373, %parallel_loop3A_374] {strides = array<i32>} : memref<128x128xf32, #tpu.memory_space<vmem>>, vector<1x16xf32>,
        %parallel_loop3A_376 = vector.shape_cast %parallel_loop3A_375 : vector<1x16xf32> to vector<16xf32>
        %parallel_loop3A_377 = vector.shape_cast %parallel_loop3A_372 : vector<16xf32> to vector<1x16xf32>
        tpu.vector_store %arg12[%parallel_loop3A_373, %parallel_loop3A_374], %parallel_loop3A_377 {strides = array<i32>} : memref<128x128xf32, #tpu.memory_space<vmem>>, vector<1x16xf32>,
        %parallel_loop3A_378 = arith.index_cast %parallel_loop3A_297 : i32 to index
        %parallel_loop3A_379 = arith.constant 80 : index
        %parallel_loop3A_380 = tpu.vector_load %arg11[%parallel_loop3A_378, %parallel_loop3A_379] {strides = array<i32>} : memref<128x128xf32, #tpu.memory_space<vmem>>, vector<1x16xf32>,
        %parallel_loop3A_381 = vector.shape_cast %parallel_loop3A_380 : vector<1x16xf32> to vector<16xf32>
        %parallel_loop3A_382 = arith.constant 64 : i32
        %parallel_loop3A_383 = arith.addi %parallel_loop3A_382, %parallel_loop3A_297 : i32
        %parallel_loop3A_384 = arith.index_cast %parallel_loop3A_383 : i32 to index
        %parallel_loop3A_385 = arith.constant 80 : index
        %parallel_loop3A_386 = tpu.vector_load %arg16[%parallel_loop3A_384, %parallel_loop3A_385] {strides = array<i32>} : memref<256x128xf32, #tpu.memory_space<vmem>>, vector<1x16xf32>,
        %parallel_loop3A_387 = vector.shape_cast %parallel_loop3A_386 : vector<1x16xf32> to vector<16xf32>
        %parallel_loop3A_388 = arith.addf %parallel_loop3A_381, %parallel_loop3A_387 : vector<16xf32>
        %parallel_loop3A_389 = arith.index_cast %parallel_loop3A_297 : i32 to index
        %parallel_loop3A_390 = arith.constant 80 : index
        %parallel_loop3A_391 = tpu.vector_load %arg12[%parallel_loop3A_389, %parallel_loop3A_390] {strides = array<i32>} : memref<128x128xf32, #tpu.memory_space<vmem>>, vector<1x16xf32>,
        %parallel_loop3A_392 = vector.shape_cast %parallel_loop3A_391 : vector<1x16xf32> to vector<16xf32>
        %parallel_loop3A_393 = vector.shape_cast %parallel_loop3A_388 : vector<16xf32> to vector<1x16xf32>
        tpu.vector_store %arg12[%parallel_loop3A_389, %parallel_loop3A_390], %parallel_loop3A_393 {strides = array<i32>} : memref<128x128xf32, #tpu.memory_space<vmem>>, vector<1x16xf32>,
        %parallel_loop3A_394 = arith.index_cast %parallel_loop3A_297 : i32 to index
        %parallel_loop3A_395 = arith.constant 96 : index
        %parallel_loop3A_396 = tpu.vector_load %arg11[%parallel_loop3A_394, %parallel_loop3A_395] {strides = array<i32>} : memref<128x128xf32, #tpu.memory_space<vmem>>, vector<1x16xf32>,
        %parallel_loop3A_397 = vector.shape_cast %parallel_loop3A_396 : vector<1x16xf32> to vector<16xf32>
        %parallel_loop3A_398 = arith.constant 64 : i32
        %parallel_loop3A_399 = arith.addi %parallel_loop3A_398, %parallel_loop3A_297 : i32
        %parallel_loop3A_400 = arith.index_cast %parallel_loop3A_399 : i32 to index
        %parallel_loop3A_401 = arith.constant 96 : index
        %parallel_loop3A_402 = tpu.vector_load %arg16[%parallel_loop3A_400, %parallel_loop3A_401] {strides = array<i32>} : memref<256x128xf32, #tpu.memory_space<vmem>>, vector<1x16xf32>,
        %parallel_loop3A_403 = vector.shape_cast %parallel_loop3A_402 : vector<1x16xf32> to vector<16xf32>
        %parallel_loop3A_404 = arith.addf %parallel_loop3A_397, %parallel_loop3A_403 : vector<16xf32>
        %parallel_loop3A_405 = arith.index_cast %parallel_loop3A_297 : i32 to index
        %parallel_loop3A_406 = arith.constant 96 : index
        %parallel_loop3A_407 = tpu.vector_load %arg12[%parallel_loop3A_405, %parallel_loop3A_406] {strides = array<i32>} : memref<128x128xf32, #tpu.memory_space<vmem>>, vector<1x16xf32>,
        %parallel_loop3A_408 = vector.shape_cast %parallel_loop3A_407 : vector<1x16xf32> to vector<16xf32>
        %parallel_loop3A_409 = vector.shape_cast %parallel_loop3A_404 : vector<16xf32> to vector<1x16xf32>
        tpu.vector_store %arg12[%parallel_loop3A_405, %parallel_loop3A_406], %parallel_loop3A_409 {strides = array<i32>} : memref<128x128xf32, #tpu.memory_space<vmem>>, vector<1x16xf32>,
        %parallel_loop3A_410 = arith.index_cast %parallel_loop3A_297 : i32 to index
        %parallel_loop3A_411 = arith.constant 112 : index
        %parallel_loop3A_412 = tpu.vector_load %arg11[%parallel_loop3A_410, %parallel_loop3A_411] {strides = array<i32>} : memref<128x128xf32, #tpu.memory_space<vmem>>, vector<1x16xf32>,
        %parallel_loop3A_413 = vector.shape_cast %parallel_loop3A_412 : vector<1x16xf32> to vector<16xf32>
        %parallel_loop3A_414 = arith.constant 64 : i32
        %parallel_loop3A_415 = arith.addi %parallel_loop3A_414, %parallel_loop3A_297 : i32
        %parallel_loop3A_416 = arith.index_cast %parallel_loop3A_415 : i32 to index
        %parallel_loop3A_417 = arith.constant 112 : index
        %parallel_loop3A_418 = tpu.vector_load %arg16[%parallel_loop3A_416, %parallel_loop3A_417] {strides = array<i32>} : memref<256x128xf32, #tpu.memory_space<vmem>>, vector<1x16xf32>,
        %parallel_loop3A_419 = vector.shape_cast %parallel_loop3A_418 : vector<1x16xf32> to vector<16xf32>
        %parallel_loop3A_420 = arith.addf %parallel_loop3A_413, %parallel_loop3A_419 : vector<16xf32>
        %parallel_loop3A_421 = arith.index_cast %parallel_loop3A_297 : i32 to index
        %parallel_loop3A_422 = arith.constant 112 : index
        %parallel_loop3A_423 = tpu.vector_load %arg12[%parallel_loop3A_421, %parallel_loop3A_422] {strides = array<i32>} : memref<128x128xf32, #tpu.memory_space<vmem>>, vector<1x16xf32>,
        %parallel_loop3A_424 = vector.shape_cast %parallel_loop3A_423 : vector<1x16xf32> to vector<16xf32>
        %parallel_loop3A_425 = vector.shape_cast %parallel_loop3A_420 : vector<16xf32> to vector<1x16xf32>
        tpu.vector_store %arg12[%parallel_loop3A_421, %parallel_loop3A_422], %parallel_loop3A_425 {strides = array<i32>} : memref<128x128xf32, #tpu.memory_space<vmem>>, vector<1x16xf32>,
      } {sc.loop_unroll_factor = 4 : i64, sc.parallel_access}
      %dma_start3A_154 = arith.constant 0 : i32
      %dma_start3A_155 = tpu.memref_slice %arg6[%add3A_141, %dma_start3A_154] : memref<196608x128xf32, #tpu.memory_space<hbm>> -> memref<128x128xf32, #tpu.memory_space<hbm>>
      %dma_start3A_156 = arith.constant 0 : i32
      %dma_start3A_157 = tpu.memref_slice %arg6[%add3A_141, %dma_start3A_156] : memref<196608x128xf32, #tpu.memory_space<hbm>> -> memref<128x128xf32, #tpu.memory_space<hbm>>
      tpu.enqueue_dma source(%arg12 : memref<128x128xf32, #tpu.memory_space<vmem>>) target(%dma_start3A_157 : memref<128x128xf32, #tpu.memory_space<hbm>>) target_semaphore(%arg23 : memref<!tpu.dma_semaphore, #tpu.memory_space<semaphore_mem>>)
      %ge3A_158 = arith.constant 1 : i32
      %ge3A_159 = arith.cmpi sge, %add3A_131, %ge3A_158 : i32
      %convert_element_type3A_160 = arith.extui %ge3A_159 : i1 to i32
      %cond3A_161 = arith.constant 0 : i32
      %cond3A_162 = arith.cmpi ne, %convert_element_type3A_160, %cond3A_161 : i32
      scf.if %cond3A_162 {
        %dma_wait3A_297 = arith.constant 0 : i32
        %dma_wait3A_298 = arith.constant 0 : i32
        %dma_wait3A_299 = tpu.memref_slice %arg7[%dma_wait3A_297, %dma_wait3A_298] : memref<196608x128xf32, #tpu.memory_space<hbm>> -> memref<128x128xf32, #tpu.memory_space<hbm>>
        %dma_wait3A_300 = arith.constant 0 : i32
        %dma_wait3A_301 = arith.constant 0 : i32
        %dma_wait3A_302 = tpu.memref_slice %arg7[%dma_wait3A_300, %dma_wait3A_301] : memref<196608x128xf32, #tpu.memory_space<hbm>> -> memref<128x128xf32, #tpu.memory_space<hbm>>
        tpu.wait_dma2 semaphore(%arg21 : memref<!tpu.dma_semaphore, #tpu.memory_space<semaphore_mem>>) src(%arg10 : memref<128x128xf32, #tpu.memory_space<vmem>>) dst(%dma_wait3A_302 : memref<128x128xf32, #tpu.memory_space<hbm>>)
      } else {
      }
      %add3A_163 = arith.constant 2 : i32
      %add3A_164 = arith.addi %add3A_131, %add3A_163 : i32
      %lt3A_165 = arith.constant 48 : i32
      %lt3A_166 = arith.cmpi slt, %add3A_164, %lt3A_165 : i32
      %convert_element_type3A_167 = arith.extui %lt3A_166 : i1 to i32
      %cond3A_168 = arith.constant 0 : i32
      %cond3A_169 = arith.cmpi ne, %convert_element_type3A_167, %cond3A_168 : i32
      scf.if %cond3A_169 {
        %add3A_297 = arith.constant 2 : i32
        %add3A_298 = arith.addi %add3A_131, %add3A_297 : i32
        %dma_start3A_299 = arith.constant 0 : i32
        %dma_start3A_300 = tpu.memref_slice %arg8[%add3A_298, %dma_start3A_299] : memref<48x128xi32, #tpu.memory_space<vmem>> -> memref<1x128xi32, #tpu.memory_space<vmem>>
        %dma_start3A_301 = tpu.memref_squeeze %dma_start3A_300 : memref<1x128xi32, #tpu.memory_space<vmem>> -> memref<128xi32, #tpu.memory_space<vmem>>
        %dma_start3A_302 = arith.constant 0 : i32
        %dma_start3A_303 = arith.constant 0 : i32
        %dma_start3A_304 = tpu.memref_slice %arg3[%dma_start3A_302, %dma_start3A_303] : memref<100000x128xf32, #tpu.memory_space<hbm>> -> memref<100000x128xf32, #tpu.memory_space<hbm>>
        tpu.enqueue_indirect_dma source(%dma_start3A_304 : memref<100000x128xf32, #tpu.memory_space<hbm>>) target(%arg10 : memref<128x128xf32, #tpu.memory_space<vmem>>) offsets(%dma_start3A_301 : memref<128xi32, #tpu.memory_space<vmem>>) semaphore(%arg18 : memref<!tpu.dma_semaphore, #tpu.memory_space<semaphore_mem>>)
      } else {
      }
      %mul3A_170 = arith.constant 6 : i32
      %mul3A_171 = arith.muli %mul3A_170, %scan3A_46 : i32
      %add3A_172 = arith.constant 3 : i32
      %add3A_173 = arith.addi %mul3A_171, %add3A_172 : i32
      %dma_wait3A_174 = arith.constant 0 : i32
      %dma_wait3A_175 = arith.constant 0 : i32
      %dma_wait3A_176 = tpu.memref_slice %arg8[%dma_wait3A_174, %dma_wait3A_175] : memref<48x128xi32, #tpu.memory_space<vmem>> -> memref<1x128xi32, #tpu.memory_space<vmem>>
      %dma_wait3A_177 = tpu.memref_squeeze %dma_wait3A_176 : memref<1x128xi32, #tpu.memory_space<vmem>> -> memref<128xi32, #tpu.memory_space<vmem>>
      %dma_wait3A_178 = arith.constant 0 : i32
      %dma_wait3A_179 = arith.constant 0 : i32
      %dma_wait3A_180 = tpu.memref_slice %arg3[%dma_wait3A_178, %dma_wait3A_179] : memref<100000x128xf32, #tpu.memory_space<hbm>> -> memref<100000x128xf32, #tpu.memory_space<hbm>>
      tpu.wait_indirect_dma semaphore(%arg17 : memref<!tpu.dma_semaphore, #tpu.memory_space<semaphore_mem>>) src(%dma_wait3A_180 : memref<100000x128xf32, #tpu.memory_space<hbm>>) dst(%arg9 : memref<128x128xf32, #tpu.memory_space<vmem>>)
      %mul3A_181 = arith.constant 128 : i32
      %mul3A_182 = arith.muli %add3A_173, %mul3A_181 : i32
      %add3A_183 = arith.addi %mul3A_2, %mul3A_182 : i32
      %dma_start3A_184 = arith.constant 0 : i32
      %dma_start3A_185 = tpu.memref_slice %arg7[%add3A_183, %dma_start3A_184] : memref<196608x128xf32, #tpu.memory_space<hbm>> -> memref<128x128xf32, #tpu.memory_space<hbm>>
      %dma_start3A_186 = arith.constant 0 : i32
      %dma_start3A_187 = tpu.memref_slice %arg7[%add3A_183, %dma_start3A_186] : memref<196608x128xf32, #tpu.memory_space<hbm>> -> memref<128x128xf32, #tpu.memory_space<hbm>>
      tpu.enqueue_dma source(%arg9 : memref<128x128xf32, #tpu.memory_space<vmem>>) target(%dma_start3A_187 : memref<128x128xf32, #tpu.memory_space<hbm>>) target_semaphore(%arg20 : memref<!tpu.dma_semaphore, #tpu.memory_space<semaphore_mem>>)
      %ge3A_188 = arith.constant 2 : i32
      %ge3A_189 = arith.cmpi sge, %add3A_173, %ge3A_188 : i32
      %convert_element_type3A_190 = arith.extui %ge3A_189 : i1 to i32
      %cond3A_191 = arith.constant 0 : i32
      %cond3A_192 = arith.cmpi ne, %convert_element_type3A_190, %cond3A_191 : i32
      scf.if %cond3A_192 {
        %dma_wait3A_297 = arith.constant 0 : i32
        %dma_wait3A_298 = arith.constant 0 : i32
        %dma_wait3A_299 = tpu.memref_slice %arg6[%dma_wait3A_297, %dma_wait3A_298] : memref<196608x128xf32, #tpu.memory_space<hbm>> -> memref<128x128xf32, #tpu.memory_space<hbm>>
        %dma_wait3A_300 = arith.constant 0 : i32
        %dma_wait3A_301 = arith.constant 0 : i32
        %dma_wait3A_302 = tpu.memref_slice %arg6[%dma_wait3A_300, %dma_wait3A_301] : memref<196608x128xf32, #tpu.memory_space<hbm>> -> memref<128x128xf32, #tpu.memory_space<hbm>>
        tpu.wait_dma2 semaphore(%arg24 : memref<!tpu.dma_semaphore, #tpu.memory_space<semaphore_mem>>) src(%arg13 : memref<128x128xf32, #tpu.memory_space<vmem>>) dst(%dma_wait3A_302 : memref<128x128xf32, #tpu.memory_space<hbm>>)
      } else {
      }
      %parallel_loop3A_193 = arith.constant 0 : i32
      %parallel_loop3A_194 = arith.constant 128 : i32
      %parallel_loop3A_195 = arith.constant 1 : i32
      scf.for %parallel_loop3A_297 = %parallel_loop3A_193 to %parallel_loop3A_194 step %parallel_loop3A_195  : i32 {
        %parallel_loop3A_298 = arith.index_cast %parallel_loop3A_297 : i32 to index
        %parallel_loop3A_299 = arith.constant 0 : index
        %parallel_loop3A_300 = tpu.vector_load %arg9[%parallel_loop3A_298, %parallel_loop3A_299] {strides = array<i32>} : memref<128x128xf32, #tpu.memory_space<vmem>>, vector<1x16xf32>,
        %parallel_loop3A_301 = vector.shape_cast %parallel_loop3A_300 : vector<1x16xf32> to vector<16xf32>
        %parallel_loop3A_302 = arith.constant 0 : i32
        %parallel_loop3A_303 = arith.addi %parallel_loop3A_302, %parallel_loop3A_297 : i32
        %parallel_loop3A_304 = arith.index_cast %parallel_loop3A_303 : i32 to index
        %parallel_loop3A_305 = arith.constant 0 : index
        %parallel_loop3A_306 = tpu.vector_load %arg16[%parallel_loop3A_304, %parallel_loop3A_305] {strides = array<i32>} : memref<256x128xf32, #tpu.memory_space<vmem>>, vector<1x16xf32>,
        %parallel_loop3A_307 = vector.shape_cast %parallel_loop3A_306 : vector<1x16xf32> to vector<16xf32>
        %parallel_loop3A_308 = arith.addf %parallel_loop3A_301, %parallel_loop3A_307 : vector<16xf32>
        %parallel_loop3A_309 = arith.index_cast %parallel_loop3A_297 : i32 to index
        %parallel_loop3A_310 = arith.constant 0 : index
        %parallel_loop3A_311 = tpu.vector_load %arg13[%parallel_loop3A_309, %parallel_loop3A_310] {strides = array<i32>} : memref<128x128xf32, #tpu.memory_space<vmem>>, vector<1x16xf32>,
        %parallel_loop3A_312 = vector.shape_cast %parallel_loop3A_311 : vector<1x16xf32> to vector<16xf32>
        %parallel_loop3A_313 = vector.shape_cast %parallel_loop3A_308 : vector<16xf32> to vector<1x16xf32>
        tpu.vector_store %arg13[%parallel_loop3A_309, %parallel_loop3A_310], %parallel_loop3A_313 {strides = array<i32>} : memref<128x128xf32, #tpu.memory_space<vmem>>, vector<1x16xf32>,
        %parallel_loop3A_314 = arith.index_cast %parallel_loop3A_297 : i32 to index
        %parallel_loop3A_315 = arith.constant 16 : index
        %parallel_loop3A_316 = tpu.vector_load %arg9[%parallel_loop3A_314, %parallel_loop3A_315] {strides = array<i32>} : memref<128x128xf32, #tpu.memory_space<vmem>>, vector<1x16xf32>,
        %parallel_loop3A_317 = vector.shape_cast %parallel_loop3A_316 : vector<1x16xf32> to vector<16xf32>
        %parallel_loop3A_318 = arith.constant 0 : i32
        %parallel_loop3A_319 = arith.addi %parallel_loop3A_318, %parallel_loop3A_297 : i32
        %parallel_loop3A_320 = arith.index_cast %parallel_loop3A_319 : i32 to index
        %parallel_loop3A_321 = arith.constant 16 : index
        %parallel_loop3A_322 = tpu.vector_load %arg16[%parallel_loop3A_320, %parallel_loop3A_321] {strides = array<i32>} : memref<256x128xf32, #tpu.memory_space<vmem>>, vector<1x16xf32>,
        %parallel_loop3A_323 = vector.shape_cast %parallel_loop3A_322 : vector<1x16xf32> to vector<16xf32>
        %parallel_loop3A_324 = arith.addf %parallel_loop3A_317, %parallel_loop3A_323 : vector<16xf32>
        %parallel_loop3A_325 = arith.index_cast %parallel_loop3A_297 : i32 to index
        %parallel_loop3A_326 = arith.constant 16 : index
        %parallel_loop3A_327 = tpu.vector_load %arg13[%parallel_loop3A_325, %parallel_loop3A_326] {strides = array<i32>} : memref<128x128xf32, #tpu.memory_space<vmem>>, vector<1x16xf32>,
        %parallel_loop3A_328 = vector.shape_cast %parallel_loop3A_327 : vector<1x16xf32> to vector<16xf32>
        %parallel_loop3A_329 = vector.shape_cast %parallel_loop3A_324 : vector<16xf32> to vector<1x16xf32>
        tpu.vector_store %arg13[%parallel_loop3A_325, %parallel_loop3A_326], %parallel_loop3A_329 {strides = array<i32>} : memref<128x128xf32, #tpu.memory_space<vmem>>, vector<1x16xf32>,
        %parallel_loop3A_330 = arith.index_cast %parallel_loop3A_297 : i32 to index
        %parallel_loop3A_331 = arith.constant 32 : index
        %parallel_loop3A_332 = tpu.vector_load %arg9[%parallel_loop3A_330, %parallel_loop3A_331] {strides = array<i32>} : memref<128x128xf32, #tpu.memory_space<vmem>>, vector<1x16xf32>,
        %parallel_loop3A_333 = vector.shape_cast %parallel_loop3A_332 : vector<1x16xf32> to vector<16xf32>
        %parallel_loop3A_334 = arith.constant 0 : i32
        %parallel_loop3A_335 = arith.addi %parallel_loop3A_334, %parallel_loop3A_297 : i32
        %parallel_loop3A_336 = arith.index_cast %parallel_loop3A_335 : i32 to index
        %parallel_loop3A_337 = arith.constant 32 : index
        %parallel_loop3A_338 = tpu.vector_load %arg16[%parallel_loop3A_336, %parallel_loop3A_337] {strides = array<i32>} : memref<256x128xf32, #tpu.memory_space<vmem>>, vector<1x16xf32>,
        %parallel_loop3A_339 = vector.shape_cast %parallel_loop3A_338 : vector<1x16xf32> to vector<16xf32>
        %parallel_loop3A_340 = arith.addf %parallel_loop3A_333, %parallel_loop3A_339 : vector<16xf32>
        %parallel_loop3A_341 = arith.index_cast %parallel_loop3A_297 : i32 to index
        %parallel_loop3A_342 = arith.constant 32 : index
        %parallel_loop3A_343 = tpu.vector_load %arg13[%parallel_loop3A_341, %parallel_loop3A_342] {strides = array<i32>} : memref<128x128xf32, #tpu.memory_space<vmem>>, vector<1x16xf32>,
        %parallel_loop3A_344 = vector.shape_cast %parallel_loop3A_343 : vector<1x16xf32> to vector<16xf32>
        %parallel_loop3A_345 = vector.shape_cast %parallel_loop3A_340 : vector<16xf32> to vector<1x16xf32>
        tpu.vector_store %arg13[%parallel_loop3A_341, %parallel_loop3A_342], %parallel_loop3A_345 {strides = array<i32>} : memref<128x128xf32, #tpu.memory_space<vmem>>, vector<1x16xf32>,
        %parallel_loop3A_346 = arith.index_cast %parallel_loop3A_297 : i32 to index
        %parallel_loop3A_347 = arith.constant 48 : index
        %parallel_loop3A_348 = tpu.vector_load %arg9[%parallel_loop3A_346, %parallel_loop3A_347] {strides = array<i32>} : memref<128x128xf32, #tpu.memory_space<vmem>>, vector<1x16xf32>,
        %parallel_loop3A_349 = vector.shape_cast %parallel_loop3A_348 : vector<1x16xf32> to vector<16xf32>
        %parallel_loop3A_350 = arith.constant 0 : i32
        %parallel_loop3A_351 = arith.addi %parallel_loop3A_350, %parallel_loop3A_297 : i32
        %parallel_loop3A_352 = arith.index_cast %parallel_loop3A_351 : i32 to index
        %parallel_loop3A_353 = arith.constant 48 : index
        %parallel_loop3A_354 = tpu.vector_load %arg16[%parallel_loop3A_352, %parallel_loop3A_353] {strides = array<i32>} : memref<256x128xf32, #tpu.memory_space<vmem>>, vector<1x16xf32>,
        %parallel_loop3A_355 = vector.shape_cast %parallel_loop3A_354 : vector<1x16xf32> to vector<16xf32>
        %parallel_loop3A_356 = arith.addf %parallel_loop3A_349, %parallel_loop3A_355 : vector<16xf32>
        %parallel_loop3A_357 = arith.index_cast %parallel_loop3A_297 : i32 to index
        %parallel_loop3A_358 = arith.constant 48 : index
        %parallel_loop3A_359 = tpu.vector_load %arg13[%parallel_loop3A_357, %parallel_loop3A_358] {strides = array<i32>} : memref<128x128xf32, #tpu.memory_space<vmem>>, vector<1x16xf32>,
        %parallel_loop3A_360 = vector.shape_cast %parallel_loop3A_359 : vector<1x16xf32> to vector<16xf32>
        %parallel_loop3A_361 = vector.shape_cast %parallel_loop3A_356 : vector<16xf32> to vector<1x16xf32>
        tpu.vector_store %arg13[%parallel_loop3A_357, %parallel_loop3A_358], %parallel_loop3A_361 {strides = array<i32>} : memref<128x128xf32, #tpu.memory_space<vmem>>, vector<1x16xf32>,
        %parallel_loop3A_362 = arith.index_cast %parallel_loop3A_297 : i32 to index
        %parallel_loop3A_363 = arith.constant 64 : index
        %parallel_loop3A_364 = tpu.vector_load %arg9[%parallel_loop3A_362, %parallel_loop3A_363] {strides = array<i32>} : memref<128x128xf32, #tpu.memory_space<vmem>>, vector<1x16xf32>,
        %parallel_loop3A_365 = vector.shape_cast %parallel_loop3A_364 : vector<1x16xf32> to vector<16xf32>
        %parallel_loop3A_366 = arith.constant 0 : i32
        %parallel_loop3A_367 = arith.addi %parallel_loop3A_366, %parallel_loop3A_297 : i32
        %parallel_loop3A_368 = arith.index_cast %parallel_loop3A_367 : i32 to index
        %parallel_loop3A_369 = arith.constant 64 : index
        %parallel_loop3A_370 = tpu.vector_load %arg16[%parallel_loop3A_368, %parallel_loop3A_369] {strides = array<i32>} : memref<256x128xf32, #tpu.memory_space<vmem>>, vector<1x16xf32>,
        %parallel_loop3A_371 = vector.shape_cast %parallel_loop3A_370 : vector<1x16xf32> to vector<16xf32>
        %parallel_loop3A_372 = arith.addf %parallel_loop3A_365, %parallel_loop3A_371 : vector<16xf32>
        %parallel_loop3A_373 = arith.index_cast %parallel_loop3A_297 : i32 to index
        %parallel_loop3A_374 = arith.constant 64 : index
        %parallel_loop3A_375 = tpu.vector_load %arg13[%parallel_loop3A_373, %parallel_loop3A_374] {strides = array<i32>} : memref<128x128xf32, #tpu.memory_space<vmem>>, vector<1x16xf32>,
        %parallel_loop3A_376 = vector.shape_cast %parallel_loop3A_375 : vector<1x16xf32> to vector<16xf32>
        %parallel_loop3A_377 = vector.shape_cast %parallel_loop3A_372 : vector<16xf32> to vector<1x16xf32>
        tpu.vector_store %arg13[%parallel_loop3A_373, %parallel_loop3A_374], %parallel_loop3A_377 {strides = array<i32>} : memref<128x128xf32, #tpu.memory_space<vmem>>, vector<1x16xf32>,
        %parallel_loop3A_378 = arith.index_cast %parallel_loop3A_297 : i32 to index
        %parallel_loop3A_379 = arith.constant 80 : index
        %parallel_loop3A_380 = tpu.vector_load %arg9[%parallel_loop3A_378, %parallel_loop3A_379] {strides = array<i32>} : memref<128x128xf32, #tpu.memory_space<vmem>>, vector<1x16xf32>,
        %parallel_loop3A_381 = vector.shape_cast %parallel_loop3A_380 : vector<1x16xf32> to vector<16xf32>
        %parallel_loop3A_382 = arith.constant 0 : i32
        %parallel_loop3A_383 = arith.addi %parallel_loop3A_382, %parallel_loop3A_297 : i32
        %parallel_loop3A_384 = arith.index_cast %parallel_loop3A_383 : i32 to index
        %parallel_loop3A_385 = arith.constant 80 : index
        %parallel_loop3A_386 = tpu.vector_load %arg16[%parallel_loop3A_384, %parallel_loop3A_385] {strides = array<i32>} : memref<256x128xf32, #tpu.memory_space<vmem>>, vector<1x16xf32>,
        %parallel_loop3A_387 = vector.shape_cast %parallel_loop3A_386 : vector<1x16xf32> to vector<16xf32>
        %parallel_loop3A_388 = arith.addf %parallel_loop3A_381, %parallel_loop3A_387 : vector<16xf32>
        %parallel_loop3A_389 = arith.index_cast %parallel_loop3A_297 : i32 to index
        %parallel_loop3A_390 = arith.constant 80 : index
        %parallel_loop3A_391 = tpu.vector_load %arg13[%parallel_loop3A_389, %parallel_loop3A_390] {strides = array<i32>} : memref<128x128xf32, #tpu.memory_space<vmem>>, vector<1x16xf32>,
        %parallel_loop3A_392 = vector.shape_cast %parallel_loop3A_391 : vector<1x16xf32> to vector<16xf32>
        %parallel_loop3A_393 = vector.shape_cast %parallel_loop3A_388 : vector<16xf32> to vector<1x16xf32>
        tpu.vector_store %arg13[%parallel_loop3A_389, %parallel_loop3A_390], %parallel_loop3A_393 {strides = array<i32>} : memref<128x128xf32, #tpu.memory_space<vmem>>, vector<1x16xf32>,
        %parallel_loop3A_394 = arith.index_cast %parallel_loop3A_297 : i32 to index
        %parallel_loop3A_395 = arith.constant 96 : index
        %parallel_loop3A_396 = tpu.vector_load %arg9[%parallel_loop3A_394, %parallel_loop3A_395] {strides = array<i32>} : memref<128x128xf32, #tpu.memory_space<vmem>>, vector<1x16xf32>,
        %parallel_loop3A_397 = vector.shape_cast %parallel_loop3A_396 : vector<1x16xf32> to vector<16xf32>
        %parallel_loop3A_398 = arith.constant 0 : i32
        %parallel_loop3A_399 = arith.addi %parallel_loop3A_398, %parallel_loop3A_297 : i32
        %parallel_loop3A_400 = arith.index_cast %parallel_loop3A_399 : i32 to index
        %parallel_loop3A_401 = arith.constant 96 : index
        %parallel_loop3A_402 = tpu.vector_load %arg16[%parallel_loop3A_400, %parallel_loop3A_401] {strides = array<i32>} : memref<256x128xf32, #tpu.memory_space<vmem>>, vector<1x16xf32>,
        %parallel_loop3A_403 = vector.shape_cast %parallel_loop3A_402 : vector<1x16xf32> to vector<16xf32>
        %parallel_loop3A_404 = arith.addf %parallel_loop3A_397, %parallel_loop3A_403 : vector<16xf32>
        %parallel_loop3A_405 = arith.index_cast %parallel_loop3A_297 : i32 to index
        %parallel_loop3A_406 = arith.constant 96 : index
        %parallel_loop3A_407 = tpu.vector_load %arg13[%parallel_loop3A_405, %parallel_loop3A_406] {strides = array<i32>} : memref<128x128xf32, #tpu.memory_space<vmem>>, vector<1x16xf32>,
        %parallel_loop3A_408 = vector.shape_cast %parallel_loop3A_407 : vector<1x16xf32> to vector<16xf32>
        %parallel_loop3A_409 = vector.shape_cast %parallel_loop3A_404 : vector<16xf32> to vector<1x16xf32>
        tpu.vector_store %arg13[%parallel_loop3A_405, %parallel_loop3A_406], %parallel_loop3A_409 {strides = array<i32>} : memref<128x128xf32, #tpu.memory_space<vmem>>, vector<1x16xf32>,
        %parallel_loop3A_410 = arith.index_cast %parallel_loop3A_297 : i32 to index
        %parallel_loop3A_411 = arith.constant 112 : index
        %parallel_loop3A_412 = tpu.vector_load %arg9[%parallel_loop3A_410, %parallel_loop3A_411] {strides = array<i32>} : memref<128x128xf32, #tpu.memory_space<vmem>>, vector<1x16xf32>,
        %parallel_loop3A_413 = vector.shape_cast %parallel_loop3A_412 : vector<1x16xf32> to vector<16xf32>
        %parallel_loop3A_414 = arith.constant 0 : i32
        %parallel_loop3A_415 = arith.addi %parallel_loop3A_414, %parallel_loop3A_297 : i32
        %parallel_loop3A_416 = arith.index_cast %parallel_loop3A_415 : i32 to index
        %parallel_loop3A_417 = arith.constant 112 : index
        %parallel_loop3A_418 = tpu.vector_load %arg16[%parallel_loop3A_416, %parallel_loop3A_417] {strides = array<i32>} : memref<256x128xf32, #tpu.memory_space<vmem>>, vector<1x16xf32>,
        %parallel_loop3A_419 = vector.shape_cast %parallel_loop3A_418 : vector<1x16xf32> to vector<16xf32>
        %parallel_loop3A_420 = arith.addf %parallel_loop3A_413, %parallel_loop3A_419 : vector<16xf32>
        %parallel_loop3A_421 = arith.index_cast %parallel_loop3A_297 : i32 to index
        %parallel_loop3A_422 = arith.constant 112 : index
        %parallel_loop3A_423 = tpu.vector_load %arg13[%parallel_loop3A_421, %parallel_loop3A_422] {strides = array<i32>} : memref<128x128xf32, #tpu.memory_space<vmem>>, vector<1x16xf32>,
        %parallel_loop3A_424 = vector.shape_cast %parallel_loop3A_423 : vector<1x16xf32> to vector<16xf32>
        %parallel_loop3A_425 = vector.shape_cast %parallel_loop3A_420 : vector<16xf32> to vector<1x16xf32>
        tpu.vector_store %arg13[%parallel_loop3A_421, %parallel_loop3A_422], %parallel_loop3A_425 {strides = array<i32>} : memref<128x128xf32, #tpu.memory_space<vmem>>, vector<1x16xf32>,
      } {sc.loop_unroll_factor = 4 : i64, sc.parallel_access}
      %dma_start3A_196 = arith.constant 0 : i32
      %dma_start3A_197 = tpu.memref_slice %arg6[%add3A_183, %dma_start3A_196] : memref<196608x128xf32, #tpu.memory_space<hbm>> -> memref<128x128xf32, #tpu.memory_space<hbm>>
      %dma_start3A_198 = arith.constant 0 : i32
      %dma_start3A_199 = tpu.memref_slice %arg6[%add3A_183, %dma_start3A_198] : memref<196608x128xf32, #tpu.memory_space<hbm>> -> memref<128x128xf32, #tpu.memory_space<hbm>>
      tpu.enqueue_dma source(%arg13 : memref<128x128xf32, #tpu.memory_space<vmem>>) target(%dma_start3A_199 : memref<128x128xf32, #tpu.memory_space<hbm>>) target_semaphore(%arg24 : memref<!tpu.dma_semaphore, #tpu.memory_space<semaphore_mem>>)
      %ge3A_200 = arith.constant 1 : i32
      %ge3A_201 = arith.cmpi sge, %add3A_173, %ge3A_200 : i32
      %convert_element_type3A_202 = arith.extui %ge3A_201 : i1 to i32
      %cond3A_203 = arith.constant 0 : i32
      %cond3A_204 = arith.cmpi ne, %convert_element_type3A_202, %cond3A_203 : i32
      scf.if %cond3A_204 {
        %dma_wait3A_297 = arith.constant 0 : i32
        %dma_wait3A_298 = arith.constant 0 : i32
        %dma_wait3A_299 = tpu.memref_slice %arg7[%dma_wait3A_297, %dma_wait3A_298] : memref<196608x128xf32, #tpu.memory_space<hbm>> -> memref<128x128xf32, #tpu.memory_space<hbm>>
        %dma_wait3A_300 = arith.constant 0 : i32
        %dma_wait3A_301 = arith.constant 0 : i32
        %dma_wait3A_302 = tpu.memref_slice %arg7[%dma_wait3A_300, %dma_wait3A_301] : memref<196608x128xf32, #tpu.memory_space<hbm>> -> memref<128x128xf32, #tpu.memory_space<hbm>>
        tpu.wait_dma2 semaphore(%arg22 : memref<!tpu.dma_semaphore, #tpu.memory_space<semaphore_mem>>) src(%arg11 : memref<128x128xf32, #tpu.memory_space<vmem>>) dst(%dma_wait3A_302 : memref<128x128xf32, #tpu.memory_space<hbm>>)
      } else {
      }
      %add3A_205 = arith.constant 2 : i32
      %add3A_206 = arith.addi %add3A_173, %add3A_205 : i32
      %lt3A_207 = arith.constant 48 : i32
      %lt3A_208 = arith.cmpi slt, %add3A_206, %lt3A_207 : i32
      %convert_element_type3A_209 = arith.extui %lt3A_208 : i1 to i32
      %cond3A_210 = arith.constant 0 : i32
      %cond3A_211 = arith.cmpi ne, %convert_element_type3A_209, %cond3A_210 : i32
      scf.if %cond3A_211 {
        %add3A_297 = arith.constant 2 : i32
        %add3A_298 = arith.addi %add3A_173, %add3A_297 : i32
        %dma_start3A_299 = arith.constant 0 : i32
        %dma_start3A_300 = tpu.memref_slice %arg8[%add3A_298, %dma_start3A_299] : memref<48x128xi32, #tpu.memory_space<vmem>> -> memref<1x128xi32, #tpu.memory_space<vmem>>
        %dma_start3A_301 = tpu.memref_squeeze %dma_start3A_300 : memref<1x128xi32, #tpu.memory_space<vmem>> -> memref<128xi32, #tpu.memory_space<vmem>>
        %dma_start3A_302 = arith.constant 0 : i32
        %dma_start3A_303 = arith.constant 0 : i32
        %dma_start3A_304 = tpu.memref_slice %arg3[%dma_start3A_302, %dma_start3A_303] : memref<100000x128xf32, #tpu.memory_space<hbm>> -> memref<100000x128xf32, #tpu.memory_space<hbm>>
        tpu.enqueue_indirect_dma source(%dma_start3A_304 : memref<100000x128xf32, #tpu.memory_space<hbm>>) target(%arg11 : memref<128x128xf32, #tpu.memory_space<vmem>>) offsets(%dma_start3A_301 : memref<128xi32, #tpu.memory_space<vmem>>) semaphore(%arg19 : memref<!tpu.dma_semaphore, #tpu.memory_space<semaphore_mem>>)
      } else {
      }
      %mul3A_212 = arith.constant 6 : i32
      %mul3A_213 = arith.muli %mul3A_212, %scan3A_46 : i32
      %add3A_214 = arith.constant 4 : i32
      %add3A_215 = arith.addi %mul3A_213, %add3A_214 : i32
      %dma_wait3A_216 = arith.constant 0 : i32
      %dma_wait3A_217 = arith.constant 0 : i32
      %dma_wait3A_218 = tpu.memref_slice %arg8[%dma_wait3A_216, %dma_wait3A_217] : memref<48x128xi32, #tpu.memory_space<vmem>> -> memref<1x128xi32, #tpu.memory_space<vmem>>
      %dma_wait3A_219 = tpu.memref_squeeze %dma_wait3A_218 : memref<1x128xi32, #tpu.memory_space<vmem>> -> memref<128xi32, #tpu.memory_space<vmem>>
      %dma_wait3A_220 = arith.constant 0 : i32
      %dma_wait3A_221 = arith.constant 0 : i32
      %dma_wait3A_222 = tpu.memref_slice %arg3[%dma_wait3A_220, %dma_wait3A_221] : memref<100000x128xf32, #tpu.memory_space<hbm>> -> memref<100000x128xf32, #tpu.memory_space<hbm>>
      tpu.wait_indirect_dma semaphore(%arg18 : memref<!tpu.dma_semaphore, #tpu.memory_space<semaphore_mem>>) src(%dma_wait3A_222 : memref<100000x128xf32, #tpu.memory_space<hbm>>) dst(%arg10 : memref<128x128xf32, #tpu.memory_space<vmem>>)
      %mul3A_223 = arith.constant 128 : i32
      %mul3A_224 = arith.muli %add3A_215, %mul3A_223 : i32
      %add3A_225 = arith.addi %mul3A_2, %mul3A_224 : i32
      %dma_start3A_226 = arith.constant 0 : i32
      %dma_start3A_227 = tpu.memref_slice %arg7[%add3A_225, %dma_start3A_226] : memref<196608x128xf32, #tpu.memory_space<hbm>> -> memref<128x128xf32, #tpu.memory_space<hbm>>
      %dma_start3A_228 = arith.constant 0 : i32
      %dma_start3A_229 = tpu.memref_slice %arg7[%add3A_225, %dma_start3A_228] : memref<196608x128xf32, #tpu.memory_space<hbm>> -> memref<128x128xf32, #tpu.memory_space<hbm>>
      tpu.enqueue_dma source(%arg10 : memref<128x128xf32, #tpu.memory_space<vmem>>) target(%dma_start3A_229 : memref<128x128xf32, #tpu.memory_space<hbm>>) target_semaphore(%arg21 : memref<!tpu.dma_semaphore, #tpu.memory_space<semaphore_mem>>)
      %ge3A_230 = arith.constant 2 : i32
      %ge3A_231 = arith.cmpi sge, %add3A_215, %ge3A_230 : i32
      %convert_element_type3A_232 = arith.extui %ge3A_231 : i1 to i32
      %cond3A_233 = arith.constant 0 : i32
      %cond3A_234 = arith.cmpi ne, %convert_element_type3A_232, %cond3A_233 : i32
      scf.if %cond3A_234 {
        %dma_wait3A_297 = arith.constant 0 : i32
        %dma_wait3A_298 = arith.constant 0 : i32
        %dma_wait3A_299 = tpu.memref_slice %arg6[%dma_wait3A_297, %dma_wait3A_298] : memref<196608x128xf32, #tpu.memory_space<hbm>> -> memref<128x128xf32, #tpu.memory_space<hbm>>
        %dma_wait3A_300 = arith.constant 0 : i32
        %dma_wait3A_301 = arith.constant 0 : i32
        %dma_wait3A_302 = tpu.memref_slice %arg6[%dma_wait3A_300, %dma_wait3A_301] : memref<196608x128xf32, #tpu.memory_space<hbm>> -> memref<128x128xf32, #tpu.memory_space<hbm>>
        tpu.wait_dma2 semaphore(%arg23 : memref<!tpu.dma_semaphore, #tpu.memory_space<semaphore_mem>>) src(%arg12 : memref<128x128xf32, #tpu.memory_space<vmem>>) dst(%dma_wait3A_302 : memref<128x128xf32, #tpu.memory_space<hbm>>)
      } else {
      }
      %parallel_loop3A_235 = arith.constant 0 : i32
      %parallel_loop3A_236 = arith.constant 128 : i32
      %parallel_loop3A_237 = arith.constant 1 : i32
      scf.for %parallel_loop3A_297 = %parallel_loop3A_235 to %parallel_loop3A_236 step %parallel_loop3A_237  : i32 {
        %parallel_loop3A_298 = arith.index_cast %parallel_loop3A_297 : i32 to index
        %parallel_loop3A_299 = arith.constant 0 : index
        %parallel_loop3A_300 = tpu.vector_load %arg10[%parallel_loop3A_298, %parallel_loop3A_299] {strides = array<i32>} : memref<128x128xf32, #tpu.memory_space<vmem>>, vector<1x16xf32>,
        %parallel_loop3A_301 = vector.shape_cast %parallel_loop3A_300 : vector<1x16xf32> to vector<16xf32>
        %parallel_loop3A_302 = arith.constant 128 : i32
        %parallel_loop3A_303 = arith.addi %parallel_loop3A_302, %parallel_loop3A_297 : i32
        %parallel_loop3A_304 = arith.index_cast %parallel_loop3A_303 : i32 to index
        %parallel_loop3A_305 = arith.constant 0 : index
        %parallel_loop3A_306 = tpu.vector_load %arg16[%parallel_loop3A_304, %parallel_loop3A_305] {strides = array<i32>} : memref<256x128xf32, #tpu.memory_space<vmem>>, vector<1x16xf32>,
        %parallel_loop3A_307 = vector.shape_cast %parallel_loop3A_306 : vector<1x16xf32> to vector<16xf32>
        %parallel_loop3A_308 = arith.addf %parallel_loop3A_301, %parallel_loop3A_307 : vector<16xf32>
        %parallel_loop3A_309 = arith.index_cast %parallel_loop3A_297 : i32 to index
        %parallel_loop3A_310 = arith.constant 0 : index
        %parallel_loop3A_311 = tpu.vector_load %arg12[%parallel_loop3A_309, %parallel_loop3A_310] {strides = array<i32>} : memref<128x128xf32, #tpu.memory_space<vmem>>, vector<1x16xf32>,
        %parallel_loop3A_312 = vector.shape_cast %parallel_loop3A_311 : vector<1x16xf32> to vector<16xf32>
        %parallel_loop3A_313 = vector.shape_cast %parallel_loop3A_308 : vector<16xf32> to vector<1x16xf32>
        tpu.vector_store %arg12[%parallel_loop3A_309, %parallel_loop3A_310], %parallel_loop3A_313 {strides = array<i32>} : memref<128x128xf32, #tpu.memory_space<vmem>>, vector<1x16xf32>,
        %parallel_loop3A_314 = arith.index_cast %parallel_loop3A_297 : i32 to index
        %parallel_loop3A_315 = arith.constant 16 : index
        %parallel_loop3A_316 = tpu.vector_load %arg10[%parallel_loop3A_314, %parallel_loop3A_315] {strides = array<i32>} : memref<128x128xf32, #tpu.memory_space<vmem>>, vector<1x16xf32>,
        %parallel_loop3A_317 = vector.shape_cast %parallel_loop3A_316 : vector<1x16xf32> to vector<16xf32>
        %parallel_loop3A_318 = arith.constant 128 : i32
        %parallel_loop3A_319 = arith.addi %parallel_loop3A_318, %parallel_loop3A_297 : i32
        %parallel_loop3A_320 = arith.index_cast %parallel_loop3A_319 : i32 to index
        %parallel_loop3A_321 = arith.constant 16 : index
        %parallel_loop3A_322 = tpu.vector_load %arg16[%parallel_loop3A_320, %parallel_loop3A_321] {strides = array<i32>} : memref<256x128xf32, #tpu.memory_space<vmem>>, vector<1x16xf32>,
        %parallel_loop3A_323 = vector.shape_cast %parallel_loop3A_322 : vector<1x16xf32> to vector<16xf32>
        %parallel_loop3A_324 = arith.addf %parallel_loop3A_317, %parallel_loop3A_323 : vector<16xf32>
        %parallel_loop3A_325 = arith.index_cast %parallel_loop3A_297 : i32 to index
        %parallel_loop3A_326 = arith.constant 16 : index
        %parallel_loop3A_327 = tpu.vector_load %arg12[%parallel_loop3A_325, %parallel_loop3A_326] {strides = array<i32>} : memref<128x128xf32, #tpu.memory_space<vmem>>, vector<1x16xf32>,
        %parallel_loop3A_328 = vector.shape_cast %parallel_loop3A_327 : vector<1x16xf32> to vector<16xf32>
        %parallel_loop3A_329 = vector.shape_cast %parallel_loop3A_324 : vector<16xf32> to vector<1x16xf32>
        tpu.vector_store %arg12[%parallel_loop3A_325, %parallel_loop3A_326], %parallel_loop3A_329 {strides = array<i32>} : memref<128x128xf32, #tpu.memory_space<vmem>>, vector<1x16xf32>,
        %parallel_loop3A_330 = arith.index_cast %parallel_loop3A_297 : i32 to index
        %parallel_loop3A_331 = arith.constant 32 : index
        %parallel_loop3A_332 = tpu.vector_load %arg10[%parallel_loop3A_330, %parallel_loop3A_331] {strides = array<i32>} : memref<128x128xf32, #tpu.memory_space<vmem>>, vector<1x16xf32>,
        %parallel_loop3A_333 = vector.shape_cast %parallel_loop3A_332 : vector<1x16xf32> to vector<16xf32>
        %parallel_loop3A_334 = arith.constant 128 : i32
        %parallel_loop3A_335 = arith.addi %parallel_loop3A_334, %parallel_loop3A_297 : i32
        %parallel_loop3A_336 = arith.index_cast %parallel_loop3A_335 : i32 to index
        %parallel_loop3A_337 = arith.constant 32 : index
        %parallel_loop3A_338 = tpu.vector_load %arg16[%parallel_loop3A_336, %parallel_loop3A_337] {strides = array<i32>} : memref<256x128xf32, #tpu.memory_space<vmem>>, vector<1x16xf32>,
        %parallel_loop3A_339 = vector.shape_cast %parallel_loop3A_338 : vector<1x16xf32> to vector<16xf32>
        %parallel_loop3A_340 = arith.addf %parallel_loop3A_333, %parallel_loop3A_339 : vector<16xf32>
        %parallel_loop3A_341 = arith.index_cast %parallel_loop3A_297 : i32 to index
        %parallel_loop3A_342 = arith.constant 32 : index
        %parallel_loop3A_343 = tpu.vector_load %arg12[%parallel_loop3A_341, %parallel_loop3A_342] {strides = array<i32>} : memref<128x128xf32, #tpu.memory_space<vmem>>, vector<1x16xf32>,
        %parallel_loop3A_344 = vector.shape_cast %parallel_loop3A_343 : vector<1x16xf32> to vector<16xf32>
        %parallel_loop3A_345 = vector.shape_cast %parallel_loop3A_340 : vector<16xf32> to vector<1x16xf32>
        tpu.vector_store %arg12[%parallel_loop3A_341, %parallel_loop3A_342], %parallel_loop3A_345 {strides = array<i32>} : memref<128x128xf32, #tpu.memory_space<vmem>>, vector<1x16xf32>,
        %parallel_loop3A_346 = arith.index_cast %parallel_loop3A_297 : i32 to index
        %parallel_loop3A_347 = arith.constant 48 : index
        %parallel_loop3A_348 = tpu.vector_load %arg10[%parallel_loop3A_346, %parallel_loop3A_347] {strides = array<i32>} : memref<128x128xf32, #tpu.memory_space<vmem>>, vector<1x16xf32>,
        %parallel_loop3A_349 = vector.shape_cast %parallel_loop3A_348 : vector<1x16xf32> to vector<16xf32>
        %parallel_loop3A_350 = arith.constant 128 : i32
        %parallel_loop3A_351 = arith.addi %parallel_loop3A_350, %parallel_loop3A_297 : i32
        %parallel_loop3A_352 = arith.index_cast %parallel_loop3A_351 : i32 to index
        %parallel_loop3A_353 = arith.constant 48 : index
        %parallel_loop3A_354 = tpu.vector_load %arg16[%parallel_loop3A_352, %parallel_loop3A_353] {strides = array<i32>} : memref<256x128xf32, #tpu.memory_space<vmem>>, vector<1x16xf32>,
        %parallel_loop3A_355 = vector.shape_cast %parallel_loop3A_354 : vector<1x16xf32> to vector<16xf32>
        %parallel_loop3A_356 = arith.addf %parallel_loop3A_349, %parallel_loop3A_355 : vector<16xf32>
        %parallel_loop3A_357 = arith.index_cast %parallel_loop3A_297 : i32 to index
        %parallel_loop3A_358 = arith.constant 48 : index
        %parallel_loop3A_359 = tpu.vector_load %arg12[%parallel_loop3A_357, %parallel_loop3A_358] {strides = array<i32>} : memref<128x128xf32, #tpu.memory_space<vmem>>, vector<1x16xf32>,
        %parallel_loop3A_360 = vector.shape_cast %parallel_loop3A_359 : vector<1x16xf32> to vector<16xf32>
        %parallel_loop3A_361 = vector.shape_cast %parallel_loop3A_356 : vector<16xf32> to vector<1x16xf32>
        tpu.vector_store %arg12[%parallel_loop3A_357, %parallel_loop3A_358], %parallel_loop3A_361 {strides = array<i32>} : memref<128x128xf32, #tpu.memory_space<vmem>>, vector<1x16xf32>,
        %parallel_loop3A_362 = arith.index_cast %parallel_loop3A_297 : i32 to index
        %parallel_loop3A_363 = arith.constant 64 : index
        %parallel_loop3A_364 = tpu.vector_load %arg10[%parallel_loop3A_362, %parallel_loop3A_363] {strides = array<i32>} : memref<128x128xf32, #tpu.memory_space<vmem>>, vector<1x16xf32>,
        %parallel_loop3A_365 = vector.shape_cast %parallel_loop3A_364 : vector<1x16xf32> to vector<16xf32>
        %parallel_loop3A_366 = arith.constant 128 : i32
        %parallel_loop3A_367 = arith.addi %parallel_loop3A_366, %parallel_loop3A_297 : i32
        %parallel_loop3A_368 = arith.index_cast %parallel_loop3A_367 : i32 to index
        %parallel_loop3A_369 = arith.constant 64 : index
        %parallel_loop3A_370 = tpu.vector_load %arg16[%parallel_loop3A_368, %parallel_loop3A_369] {strides = array<i32>} : memref<256x128xf32, #tpu.memory_space<vmem>>, vector<1x16xf32>,
        %parallel_loop3A_371 = vector.shape_cast %parallel_loop3A_370 : vector<1x16xf32> to vector<16xf32>
        %parallel_loop3A_372 = arith.addf %parallel_loop3A_365, %parallel_loop3A_371 : vector<16xf32>
        %parallel_loop3A_373 = arith.index_cast %parallel_loop3A_297 : i32 to index
        %parallel_loop3A_374 = arith.constant 64 : index
        %parallel_loop3A_375 = tpu.vector_load %arg12[%parallel_loop3A_373, %parallel_loop3A_374] {strides = array<i32>} : memref<128x128xf32, #tpu.memory_space<vmem>>, vector<1x16xf32>,
        %parallel_loop3A_376 = vector.shape_cast %parallel_loop3A_375 : vector<1x16xf32> to vector<16xf32>
        %parallel_loop3A_377 = vector.shape_cast %parallel_loop3A_372 : vector<16xf32> to vector<1x16xf32>
        tpu.vector_store %arg12[%parallel_loop3A_373, %parallel_loop3A_374], %parallel_loop3A_377 {strides = array<i32>} : memref<128x128xf32, #tpu.memory_space<vmem>>, vector<1x16xf32>,
        %parallel_loop3A_378 = arith.index_cast %parallel_loop3A_297 : i32 to index
        %parallel_loop3A_379 = arith.constant 80 : index
        %parallel_loop3A_380 = tpu.vector_load %arg10[%parallel_loop3A_378, %parallel_loop3A_379] {strides = array<i32>} : memref<128x128xf32, #tpu.memory_space<vmem>>, vector<1x16xf32>,
        %parallel_loop3A_381 = vector.shape_cast %parallel_loop3A_380 : vector<1x16xf32> to vector<16xf32>
        %parallel_loop3A_382 = arith.constant 128 : i32
        %parallel_loop3A_383 = arith.addi %parallel_loop3A_382, %parallel_loop3A_297 : i32
        %parallel_loop3A_384 = arith.index_cast %parallel_loop3A_383 : i32 to index
        %parallel_loop3A_385 = arith.constant 80 : index
        %parallel_loop3A_386 = tpu.vector_load %arg16[%parallel_loop3A_384, %parallel_loop3A_385] {strides = array<i32>} : memref<256x128xf32, #tpu.memory_space<vmem>>, vector<1x16xf32>,
        %parallel_loop3A_387 = vector.shape_cast %parallel_loop3A_386 : vector<1x16xf32> to vector<16xf32>
        %parallel_loop3A_388 = arith.addf %parallel_loop3A_381, %parallel_loop3A_387 : vector<16xf32>
        %parallel_loop3A_389 = arith.index_cast %parallel_loop3A_297 : i32 to index
        %parallel_loop3A_390 = arith.constant 80 : index
        %parallel_loop3A_391 = tpu.vector_load %arg12[%parallel_loop3A_389, %parallel_loop3A_390] {strides = array<i32>} : memref<128x128xf32, #tpu.memory_space<vmem>>, vector<1x16xf32>,
        %parallel_loop3A_392 = vector.shape_cast %parallel_loop3A_391 : vector<1x16xf32> to vector<16xf32>
        %parallel_loop3A_393 = vector.shape_cast %parallel_loop3A_388 : vector<16xf32> to vector<1x16xf32>
        tpu.vector_store %arg12[%parallel_loop3A_389, %parallel_loop3A_390], %parallel_loop3A_393 {strides = array<i32>} : memref<128x128xf32, #tpu.memory_space<vmem>>, vector<1x16xf32>,
        %parallel_loop3A_394 = arith.index_cast %parallel_loop3A_297 : i32 to index
        %parallel_loop3A_395 = arith.constant 96 : index
        %parallel_loop3A_396 = tpu.vector_load %arg10[%parallel_loop3A_394, %parallel_loop3A_395] {strides = array<i32>} : memref<128x128xf32, #tpu.memory_space<vmem>>, vector<1x16xf32>,
        %parallel_loop3A_397 = vector.shape_cast %parallel_loop3A_396 : vector<1x16xf32> to vector<16xf32>
        %parallel_loop3A_398 = arith.constant 128 : i32
        %parallel_loop3A_399 = arith.addi %parallel_loop3A_398, %parallel_loop3A_297 : i32
        %parallel_loop3A_400 = arith.index_cast %parallel_loop3A_399 : i32 to index
        %parallel_loop3A_401 = arith.constant 96 : index
        %parallel_loop3A_402 = tpu.vector_load %arg16[%parallel_loop3A_400, %parallel_loop3A_401] {strides = array<i32>} : memref<256x128xf32, #tpu.memory_space<vmem>>, vector<1x16xf32>,
        %parallel_loop3A_403 = vector.shape_cast %parallel_loop3A_402 : vector<1x16xf32> to vector<16xf32>
        %parallel_loop3A_404 = arith.addf %parallel_loop3A_397, %parallel_loop3A_403 : vector<16xf32>
        %parallel_loop3A_405 = arith.index_cast %parallel_loop3A_297 : i32 to index
        %parallel_loop3A_406 = arith.constant 96 : index
        %parallel_loop3A_407 = tpu.vector_load %arg12[%parallel_loop3A_405, %parallel_loop3A_406] {strides = array<i32>} : memref<128x128xf32, #tpu.memory_space<vmem>>, vector<1x16xf32>,
        %parallel_loop3A_408 = vector.shape_cast %parallel_loop3A_407 : vector<1x16xf32> to vector<16xf32>
        %parallel_loop3A_409 = vector.shape_cast %parallel_loop3A_404 : vector<16xf32> to vector<1x16xf32>
        tpu.vector_store %arg12[%parallel_loop3A_405, %parallel_loop3A_406], %parallel_loop3A_409 {strides = array<i32>} : memref<128x128xf32, #tpu.memory_space<vmem>>, vector<1x16xf32>,
        %parallel_loop3A_410 = arith.index_cast %parallel_loop3A_297 : i32 to index
        %parallel_loop3A_411 = arith.constant 112 : index
        %parallel_loop3A_412 = tpu.vector_load %arg10[%parallel_loop3A_410, %parallel_loop3A_411] {strides = array<i32>} : memref<128x128xf32, #tpu.memory_space<vmem>>, vector<1x16xf32>,
        %parallel_loop3A_413 = vector.shape_cast %parallel_loop3A_412 : vector<1x16xf32> to vector<16xf32>
        %parallel_loop3A_414 = arith.constant 128 : i32
        %parallel_loop3A_415 = arith.addi %parallel_loop3A_414, %parallel_loop3A_297 : i32
        %parallel_loop3A_416 = arith.index_cast %parallel_loop3A_415 : i32 to index
        %parallel_loop3A_417 = arith.constant 112 : index
        %parallel_loop3A_418 = tpu.vector_load %arg16[%parallel_loop3A_416, %parallel_loop3A_417] {strides = array<i32>} : memref<256x128xf32, #tpu.memory_space<vmem>>, vector<1x16xf32>,
        %parallel_loop3A_419 = vector.shape_cast %parallel_loop3A_418 : vector<1x16xf32> to vector<16xf32>
        %parallel_loop3A_420 = arith.addf %parallel_loop3A_413, %parallel_loop3A_419 : vector<16xf32>
        %parallel_loop3A_421 = arith.index_cast %parallel_loop3A_297 : i32 to index
        %parallel_loop3A_422 = arith.constant 112 : index
        %parallel_loop3A_423 = tpu.vector_load %arg12[%parallel_loop3A_421, %parallel_loop3A_422] {strides = array<i32>} : memref<128x128xf32, #tpu.memory_space<vmem>>, vector<1x16xf32>,
        %parallel_loop3A_424 = vector.shape_cast %parallel_loop3A_423 : vector<1x16xf32> to vector<16xf32>
        %parallel_loop3A_425 = vector.shape_cast %parallel_loop3A_420 : vector<16xf32> to vector<1x16xf32>
        tpu.vector_store %arg12[%parallel_loop3A_421, %parallel_loop3A_422], %parallel_loop3A_425 {strides = array<i32>} : memref<128x128xf32, #tpu.memory_space<vmem>>, vector<1x16xf32>,
      } {sc.loop_unroll_factor = 4 : i64, sc.parallel_access}
      %dma_start3A_238 = arith.constant 0 : i32
      %dma_start3A_239 = tpu.memref_slice %arg6[%add3A_225, %dma_start3A_238] : memref<196608x128xf32, #tpu.memory_space<hbm>> -> memref<128x128xf32, #tpu.memory_space<hbm>>
      %dma_start3A_240 = arith.constant 0 : i32
      %dma_start3A_241 = tpu.memref_slice %arg6[%add3A_225, %dma_start3A_240] : memref<196608x128xf32, #tpu.memory_space<hbm>> -> memref<128x128xf32, #tpu.memory_space<hbm>>
      tpu.enqueue_dma source(%arg12 : memref<128x128xf32, #tpu.memory_space<vmem>>) target(%dma_start3A_241 : memref<128x128xf32, #tpu.memory_space<hbm>>) target_semaphore(%arg23 : memref<!tpu.dma_semaphore, #tpu.memory_space<semaphore_mem>>)
      %ge3A_242 = arith.constant 1 : i32
      %ge3A_243 = arith.cmpi sge, %add3A_215, %ge3A_242 : i32
      %convert_element_type3A_244 = arith.extui %ge3A_243 : i1 to i32
      %cond3A_245 = arith.constant 0 : i32
      %cond3A_246 = arith.cmpi ne, %convert_element_type3A_244, %cond3A_245 : i32
      scf.if %cond3A_246 {
        %dma_wait3A_297 = arith.constant 0 : i32
        %dma_wait3A_298 = arith.constant 0 : i32
        %dma_wait3A_299 = tpu.memref_slice %arg7[%dma_wait3A_297, %dma_wait3A_298] : memref<196608x128xf32, #tpu.memory_space<hbm>> -> memref<128x128xf32, #tpu.memory_space<hbm>>
        %dma_wait3A_300 = arith.constant 0 : i32
        %dma_wait3A_301 = arith.constant 0 : i32
        %dma_wait3A_302 = tpu.memref_slice %arg7[%dma_wait3A_300, %dma_wait3A_301] : memref<196608x128xf32, #tpu.memory_space<hbm>> -> memref<128x128xf32, #tpu.memory_space<hbm>>
        tpu.wait_dma2 semaphore(%arg20 : memref<!tpu.dma_semaphore, #tpu.memory_space<semaphore_mem>>) src(%arg9 : memref<128x128xf32, #tpu.memory_space<vmem>>) dst(%dma_wait3A_302 : memref<128x128xf32, #tpu.memory_space<hbm>>)
      } else {
      }
      %add3A_247 = arith.constant 2 : i32
      %add3A_248 = arith.addi %add3A_215, %add3A_247 : i32
      %lt3A_249 = arith.constant 48 : i32
      %lt3A_250 = arith.cmpi slt, %add3A_248, %lt3A_249 : i32
      %convert_element_type3A_251 = arith.extui %lt3A_250 : i1 to i32
      %cond3A_252 = arith.constant 0 : i32
      %cond3A_253 = arith.cmpi ne, %convert_element_type3A_251, %cond3A_252 : i32
      scf.if %cond3A_253 {
        %add3A_297 = arith.constant 2 : i32
        %add3A_298 = arith.addi %add3A_215, %add3A_297 : i32
        %dma_start3A_299 = arith.constant 0 : i32
        %dma_start3A_300 = tpu.memref_slice %arg8[%add3A_298, %dma_start3A_299] : memref<48x128xi32, #tpu.memory_space<vmem>> -> memref<1x128xi32, #tpu.memory_space<vmem>>
        %dma_start3A_301 = tpu.memref_squeeze %dma_start3A_300 : memref<1x128xi32, #tpu.memory_space<vmem>> -> memref<128xi32, #tpu.memory_space<vmem>>
        %dma_start3A_302 = arith.constant 0 : i32
        %dma_start3A_303 = arith.constant 0 : i32
        %dma_start3A_304 = tpu.memref_slice %arg3[%dma_start3A_302, %dma_start3A_303] : memref<100000x128xf32, #tpu.memory_space<hbm>> -> memref<100000x128xf32, #tpu.memory_space<hbm>>
        tpu.enqueue_indirect_dma source(%dma_start3A_304 : memref<100000x128xf32, #tpu.memory_space<hbm>>) target(%arg9 : memref<128x128xf32, #tpu.memory_space<vmem>>) offsets(%dma_start3A_301 : memref<128xi32, #tpu.memory_space<vmem>>) semaphore(%arg17 : memref<!tpu.dma_semaphore, #tpu.memory_space<semaphore_mem>>)
      } else {
      }
      %mul3A_254 = arith.constant 6 : i32
      %mul3A_255 = arith.muli %mul3A_254, %scan3A_46 : i32
      %add3A_256 = arith.constant 5 : i32
      %add3A_257 = arith.addi %mul3A_255, %add3A_256 : i32
      %dma_wait3A_258 = arith.constant 0 : i32
      %dma_wait3A_259 = arith.constant 0 : i32
      %dma_wait3A_260 = tpu.memref_slice %arg8[%dma_wait3A_258, %dma_wait3A_259] : memref<48x128xi32, #tpu.memory_space<vmem>> -> memref<1x128xi32, #tpu.memory_space<vmem>>
      %dma_wait3A_261 = tpu.memref_squeeze %dma_wait3A_260 : memref<1x128xi32, #tpu.memory_space<vmem>> -> memref<128xi32, #tpu.memory_space<vmem>>
      %dma_wait3A_262 = arith.constant 0 : i32
      %dma_wait3A_263 = arith.constant 0 : i32
      %dma_wait3A_264 = tpu.memref_slice %arg3[%dma_wait3A_262, %dma_wait3A_263] : memref<100000x128xf32, #tpu.memory_space<hbm>> -> memref<100000x128xf32, #tpu.memory_space<hbm>>
      tpu.wait_indirect_dma semaphore(%arg19 : memref<!tpu.dma_semaphore, #tpu.memory_space<semaphore_mem>>) src(%dma_wait3A_264 : memref<100000x128xf32, #tpu.memory_space<hbm>>) dst(%arg11 : memref<128x128xf32, #tpu.memory_space<vmem>>)
      %mul3A_265 = arith.constant 128 : i32
      %mul3A_266 = arith.muli %add3A_257, %mul3A_265 : i32
      %add3A_267 = arith.addi %mul3A_2, %mul3A_266 : i32
      %dma_start3A_268 = arith.constant 0 : i32
      %dma_start3A_269 = tpu.memref_slice %arg7[%add3A_267, %dma_start3A_268] : memref<196608x128xf32, #tpu.memory_space<hbm>> -> memref<128x128xf32, #tpu.memory_space<hbm>>
      %dma_start3A_270 = arith.constant 0 : i32
      %dma_start3A_271 = tpu.memref_slice %arg7[%add3A_267, %dma_start3A_270] : memref<196608x128xf32, #tpu.memory_space<hbm>> -> memref<128x128xf32, #tpu.memory_space<hbm>>
      tpu.enqueue_dma source(%arg11 : memref<128x128xf32, #tpu.memory_space<vmem>>) target(%dma_start3A_271 : memref<128x128xf32, #tpu.memory_space<hbm>>) target_semaphore(%arg22 : memref<!tpu.dma_semaphore, #tpu.memory_space<semaphore_mem>>)
      %ge3A_272 = arith.constant 2 : i32
      %ge3A_273 = arith.cmpi sge, %add3A_257, %ge3A_272 : i32
      %convert_element_type3A_274 = arith.extui %ge3A_273 : i1 to i32
      %cond3A_275 = arith.constant 0 : i32
      %cond3A_276 = arith.cmpi ne, %convert_element_type3A_274, %cond3A_275 : i32
      scf.if %cond3A_276 {
        %dma_wait3A_297 = arith.constant 0 : i32
        %dma_wait3A_298 = arith.constant 0 : i32
        %dma_wait3A_299 = tpu.memref_slice %arg6[%dma_wait3A_297, %dma_wait3A_298] : memref<196608x128xf32, #tpu.memory_space<hbm>> -> memref<128x128xf32, #tpu.memory_space<hbm>>
        %dma_wait3A_300 = arith.constant 0 : i32
        %dma_wait3A_301 = arith.constant 0 : i32
        %dma_wait3A_302 = tpu.memref_slice %arg6[%dma_wait3A_300, %dma_wait3A_301] : memref<196608x128xf32, #tpu.memory_space<hbm>> -> memref<128x128xf32, #tpu.memory_space<hbm>>
        tpu.wait_dma2 semaphore(%arg24 : memref<!tpu.dma_semaphore, #tpu.memory_space<semaphore_mem>>) src(%arg13 : memref<128x128xf32, #tpu.memory_space<vmem>>) dst(%dma_wait3A_302 : memref<128x128xf32, #tpu.memory_space<hbm>>)
      } else {
      }
      %parallel_loop3A_277 = arith.constant 0 : i32
      %parallel_loop3A_278 = arith.constant 128 : i32
      %parallel_loop3A_279 = arith.constant 1 : i32
      scf.for %parallel_loop3A_297 = %parallel_loop3A_277 to %parallel_loop3A_278 step %parallel_loop3A_279  : i32 {
        %parallel_loop3A_298 = arith.index_cast %parallel_loop3A_297 : i32 to index
        %parallel_loop3A_299 = arith.constant 0 : index
        %parallel_loop3A_300 = tpu.vector_load %arg11[%parallel_loop3A_298, %parallel_loop3A_299] {strides = array<i32>} : memref<128x128xf32, #tpu.memory_space<vmem>>, vector<1x16xf32>,
        %parallel_loop3A_301 = vector.shape_cast %parallel_loop3A_300 : vector<1x16xf32> to vector<16xf32>
        %parallel_loop3A_302 = arith.constant 64 : i32
        %parallel_loop3A_303 = arith.addi %parallel_loop3A_302, %parallel_loop3A_297 : i32
        %parallel_loop3A_304 = arith.index_cast %parallel_loop3A_303 : i32 to index
        %parallel_loop3A_305 = arith.constant 0 : index
        %parallel_loop3A_306 = tpu.vector_load %arg16[%parallel_loop3A_304, %parallel_loop3A_305] {strides = array<i32>} : memref<256x128xf32, #tpu.memory_space<vmem>>, vector<1x16xf32>,
        %parallel_loop3A_307 = vector.shape_cast %parallel_loop3A_306 : vector<1x16xf32> to vector<16xf32>
        %parallel_loop3A_308 = arith.addf %parallel_loop3A_301, %parallel_loop3A_307 : vector<16xf32>
        %parallel_loop3A_309 = arith.index_cast %parallel_loop3A_297 : i32 to index
        %parallel_loop3A_310 = arith.constant 0 : index
        %parallel_loop3A_311 = tpu.vector_load %arg13[%parallel_loop3A_309, %parallel_loop3A_310] {strides = array<i32>} : memref<128x128xf32, #tpu.memory_space<vmem>>, vector<1x16xf32>,
        %parallel_loop3A_312 = vector.shape_cast %parallel_loop3A_311 : vector<1x16xf32> to vector<16xf32>
        %parallel_loop3A_313 = vector.shape_cast %parallel_loop3A_308 : vector<16xf32> to vector<1x16xf32>
        tpu.vector_store %arg13[%parallel_loop3A_309, %parallel_loop3A_310], %parallel_loop3A_313 {strides = array<i32>} : memref<128x128xf32, #tpu.memory_space<vmem>>, vector<1x16xf32>,
        %parallel_loop3A_314 = arith.index_cast %parallel_loop3A_297 : i32 to index
        %parallel_loop3A_315 = arith.constant 16 : index
        %parallel_loop3A_316 = tpu.vector_load %arg11[%parallel_loop3A_314, %parallel_loop3A_315] {strides = array<i32>} : memref<128x128xf32, #tpu.memory_space<vmem>>, vector<1x16xf32>,
        %parallel_loop3A_317 = vector.shape_cast %parallel_loop3A_316 : vector<1x16xf32> to vector<16xf32>
        %parallel_loop3A_318 = arith.constant 64 : i32
        %parallel_loop3A_319 = arith.addi %parallel_loop3A_318, %parallel_loop3A_297 : i32
        %parallel_loop3A_320 = arith.index_cast %parallel_loop3A_319 : i32 to index
        %parallel_loop3A_321 = arith.constant 16 : index
        %parallel_loop3A_322 = tpu.vector_load %arg16[%parallel_loop3A_320, %parallel_loop3A_321] {strides = array<i32>} : memref<256x128xf32, #tpu.memory_space<vmem>>, vector<1x16xf32>,
        %parallel_loop3A_323 = vector.shape_cast %parallel_loop3A_322 : vector<1x16xf32> to vector<16xf32>
        %parallel_loop3A_324 = arith.addf %parallel_loop3A_317, %parallel_loop3A_323 : vector<16xf32>
        %parallel_loop3A_325 = arith.index_cast %parallel_loop3A_297 : i32 to index
        %parallel_loop3A_326 = arith.constant 16 : index
        %parallel_loop3A_327 = tpu.vector_load %arg13[%parallel_loop3A_325, %parallel_loop3A_326] {strides = array<i32>} : memref<128x128xf32, #tpu.memory_space<vmem>>, vector<1x16xf32>,
        %parallel_loop3A_328 = vector.shape_cast %parallel_loop3A_327 : vector<1x16xf32> to vector<16xf32>
        %parallel_loop3A_329 = vector.shape_cast %parallel_loop3A_324 : vector<16xf32> to vector<1x16xf32>
        tpu.vector_store %arg13[%parallel_loop3A_325, %parallel_loop3A_326], %parallel_loop3A_329 {strides = array<i32>} : memref<128x128xf32, #tpu.memory_space<vmem>>, vector<1x16xf32>,
        %parallel_loop3A_330 = arith.index_cast %parallel_loop3A_297 : i32 to index
        %parallel_loop3A_331 = arith.constant 32 : index
        %parallel_loop3A_332 = tpu.vector_load %arg11[%parallel_loop3A_330, %parallel_loop3A_331] {strides = array<i32>} : memref<128x128xf32, #tpu.memory_space<vmem>>, vector<1x16xf32>,
        %parallel_loop3A_333 = vector.shape_cast %parallel_loop3A_332 : vector<1x16xf32> to vector<16xf32>
        %parallel_loop3A_334 = arith.constant 64 : i32
        %parallel_loop3A_335 = arith.addi %parallel_loop3A_334, %parallel_loop3A_297 : i32
        %parallel_loop3A_336 = arith.index_cast %parallel_loop3A_335 : i32 to index
        %parallel_loop3A_337 = arith.constant 32 : index
        %parallel_loop3A_338 = tpu.vector_load %arg16[%parallel_loop3A_336, %parallel_loop3A_337] {strides = array<i32>} : memref<256x128xf32, #tpu.memory_space<vmem>>, vector<1x16xf32>,
        %parallel_loop3A_339 = vector.shape_cast %parallel_loop3A_338 : vector<1x16xf32> to vector<16xf32>
        %parallel_loop3A_340 = arith.addf %parallel_loop3A_333, %parallel_loop3A_339 : vector<16xf32>
        %parallel_loop3A_341 = arith.index_cast %parallel_loop3A_297 : i32 to index
        %parallel_loop3A_342 = arith.constant 32 : index
        %parallel_loop3A_343 = tpu.vector_load %arg13[%parallel_loop3A_341, %parallel_loop3A_342] {strides = array<i32>} : memref<128x128xf32, #tpu.memory_space<vmem>>, vector<1x16xf32>,
        %parallel_loop3A_344 = vector.shape_cast %parallel_loop3A_343 : vector<1x16xf32> to vector<16xf32>
        %parallel_loop3A_345 = vector.shape_cast %parallel_loop3A_340 : vector<16xf32> to vector<1x16xf32>
        tpu.vector_store %arg13[%parallel_loop3A_341, %parallel_loop3A_342], %parallel_loop3A_345 {strides = array<i32>} : memref<128x128xf32, #tpu.memory_space<vmem>>, vector<1x16xf32>,
        %parallel_loop3A_346 = arith.index_cast %parallel_loop3A_297 : i32 to index
        %parallel_loop3A_347 = arith.constant 48 : index
        %parallel_loop3A_348 = tpu.vector_load %arg11[%parallel_loop3A_346, %parallel_loop3A_347] {strides = array<i32>} : memref<128x128xf32, #tpu.memory_space<vmem>>, vector<1x16xf32>,
        %parallel_loop3A_349 = vector.shape_cast %parallel_loop3A_348 : vector<1x16xf32> to vector<16xf32>
        %parallel_loop3A_350 = arith.constant 64 : i32
        %parallel_loop3A_351 = arith.addi %parallel_loop3A_350, %parallel_loop3A_297 : i32
        %parallel_loop3A_352 = arith.index_cast %parallel_loop3A_351 : i32 to index
        %parallel_loop3A_353 = arith.constant 48 : index
        %parallel_loop3A_354 = tpu.vector_load %arg16[%parallel_loop3A_352, %parallel_loop3A_353] {strides = array<i32>} : memref<256x128xf32, #tpu.memory_space<vmem>>, vector<1x16xf32>,
        %parallel_loop3A_355 = vector.shape_cast %parallel_loop3A_354 : vector<1x16xf32> to vector<16xf32>
        %parallel_loop3A_356 = arith.addf %parallel_loop3A_349, %parallel_loop3A_355 : vector<16xf32>
        %parallel_loop3A_357 = arith.index_cast %parallel_loop3A_297 : i32 to index
        %parallel_loop3A_358 = arith.constant 48 : index
        %parallel_loop3A_359 = tpu.vector_load %arg13[%parallel_loop3A_357, %parallel_loop3A_358] {strides = array<i32>} : memref<128x128xf32, #tpu.memory_space<vmem>>, vector<1x16xf32>,
        %parallel_loop3A_360 = vector.shape_cast %parallel_loop3A_359 : vector<1x16xf32> to vector<16xf32>
        %parallel_loop3A_361 = vector.shape_cast %parallel_loop3A_356 : vector<16xf32> to vector<1x16xf32>
        tpu.vector_store %arg13[%parallel_loop3A_357, %parallel_loop3A_358], %parallel_loop3A_361 {strides = array<i32>} : memref<128x128xf32, #tpu.memory_space<vmem>>, vector<1x16xf32>,
        %parallel_loop3A_362 = arith.index_cast %parallel_loop3A_297 : i32 to index
        %parallel_loop3A_363 = arith.constant 64 : index
        %parallel_loop3A_364 = tpu.vector_load %arg11[%parallel_loop3A_362, %parallel_loop3A_363] {strides = array<i32>} : memref<128x128xf32, #tpu.memory_space<vmem>>, vector<1x16xf32>,
        %parallel_loop3A_365 = vector.shape_cast %parallel_loop3A_364 : vector<1x16xf32> to vector<16xf32>
        %parallel_loop3A_366 = arith.constant 64 : i32
        %parallel_loop3A_367 = arith.addi %parallel_loop3A_366, %parallel_loop3A_297 : i32
        %parallel_loop3A_368 = arith.index_cast %parallel_loop3A_367 : i32 to index
        %parallel_loop3A_369 = arith.constant 64 : index
        %parallel_loop3A_370 = tpu.vector_load %arg16[%parallel_loop3A_368, %parallel_loop3A_369] {strides = array<i32>} : memref<256x128xf32, #tpu.memory_space<vmem>>, vector<1x16xf32>,
        %parallel_loop3A_371 = vector.shape_cast %parallel_loop3A_370 : vector<1x16xf32> to vector<16xf32>
        %parallel_loop3A_372 = arith.addf %parallel_loop3A_365, %parallel_loop3A_371 : vector<16xf32>
        %parallel_loop3A_373 = arith.index_cast %parallel_loop3A_297 : i32 to index
        %parallel_loop3A_374 = arith.constant 64 : index
        %parallel_loop3A_375 = tpu.vector_load %arg13[%parallel_loop3A_373, %parallel_loop3A_374] {strides = array<i32>} : memref<128x128xf32, #tpu.memory_space<vmem>>, vector<1x16xf32>,
        %parallel_loop3A_376 = vector.shape_cast %parallel_loop3A_375 : vector<1x16xf32> to vector<16xf32>
        %parallel_loop3A_377 = vector.shape_cast %parallel_loop3A_372 : vector<16xf32> to vector<1x16xf32>
        tpu.vector_store %arg13[%parallel_loop3A_373, %parallel_loop3A_374], %parallel_loop3A_377 {strides = array<i32>} : memref<128x128xf32, #tpu.memory_space<vmem>>, vector<1x16xf32>,
        %parallel_loop3A_378 = arith.index_cast %parallel_loop3A_297 : i32 to index
        %parallel_loop3A_379 = arith.constant 80 : index
        %parallel_loop3A_380 = tpu.vector_load %arg11[%parallel_loop3A_378, %parallel_loop3A_379] {strides = array<i32>} : memref<128x128xf32, #tpu.memory_space<vmem>>, vector<1x16xf32>,
        %parallel_loop3A_381 = vector.shape_cast %parallel_loop3A_380 : vector<1x16xf32> to vector<16xf32>
        %parallel_loop3A_382 = arith.constant 64 : i32
        %parallel_loop3A_383 = arith.addi %parallel_loop3A_382, %parallel_loop3A_297 : i32
        %parallel_loop3A_384 = arith.index_cast %parallel_loop3A_383 : i32 to index
        %parallel_loop3A_385 = arith.constant 80 : index
        %parallel_loop3A_386 = tpu.vector_load %arg16[%parallel_loop3A_384, %parallel_loop3A_385] {strides = array<i32>} : memref<256x128xf32, #tpu.memory_space<vmem>>, vector<1x16xf32>,
        %parallel_loop3A_387 = vector.shape_cast %parallel_loop3A_386 : vector<1x16xf32> to vector<16xf32>
        %parallel_loop3A_388 = arith.addf %parallel_loop3A_381, %parallel_loop3A_387 : vector<16xf32>
        %parallel_loop3A_389 = arith.index_cast %parallel_loop3A_297 : i32 to index
        %parallel_loop3A_390 = arith.constant 80 : index
        %parallel_loop3A_391 = tpu.vector_load %arg13[%parallel_loop3A_389, %parallel_loop3A_390] {strides = array<i32>} : memref<128x128xf32, #tpu.memory_space<vmem>>, vector<1x16xf32>,
        %parallel_loop3A_392 = vector.shape_cast %parallel_loop3A_391 : vector<1x16xf32> to vector<16xf32>
        %parallel_loop3A_393 = vector.shape_cast %parallel_loop3A_388 : vector<16xf32> to vector<1x16xf32>
        tpu.vector_store %arg13[%parallel_loop3A_389, %parallel_loop3A_390], %parallel_loop3A_393 {strides = array<i32>} : memref<128x128xf32, #tpu.memory_space<vmem>>, vector<1x16xf32>,
        %parallel_loop3A_394 = arith.index_cast %parallel_loop3A_297 : i32 to index
        %parallel_loop3A_395 = arith.constant 96 : index
        %parallel_loop3A_396 = tpu.vector_load %arg11[%parallel_loop3A_394, %parallel_loop3A_395] {strides = array<i32>} : memref<128x128xf32, #tpu.memory_space<vmem>>, vector<1x16xf32>,
        %parallel_loop3A_397 = vector.shape_cast %parallel_loop3A_396 : vector<1x16xf32> to vector<16xf32>
        %parallel_loop3A_398 = arith.constant 64 : i32
        %parallel_loop3A_399 = arith.addi %parallel_loop3A_398, %parallel_loop3A_297 : i32
        %parallel_loop3A_400 = arith.index_cast %parallel_loop3A_399 : i32 to index
        %parallel_loop3A_401 = arith.constant 96 : index
        %parallel_loop3A_402 = tpu.vector_load %arg16[%parallel_loop3A_400, %parallel_loop3A_401] {strides = array<i32>} : memref<256x128xf32, #tpu.memory_space<vmem>>, vector<1x16xf32>,
        %parallel_loop3A_403 = vector.shape_cast %parallel_loop3A_402 : vector<1x16xf32> to vector<16xf32>
        %parallel_loop3A_404 = arith.addf %parallel_loop3A_397, %parallel_loop3A_403 : vector<16xf32>
        %parallel_loop3A_405 = arith.index_cast %parallel_loop3A_297 : i32 to index
        %parallel_loop3A_406 = arith.constant 96 : index
        %parallel_loop3A_407 = tpu.vector_load %arg13[%parallel_loop3A_405, %parallel_loop3A_406] {strides = array<i32>} : memref<128x128xf32, #tpu.memory_space<vmem>>, vector<1x16xf32>,
        %parallel_loop3A_408 = vector.shape_cast %parallel_loop3A_407 : vector<1x16xf32> to vector<16xf32>
        %parallel_loop3A_409 = vector.shape_cast %parallel_loop3A_404 : vector<16xf32> to vector<1x16xf32>
        tpu.vector_store %arg13[%parallel_loop3A_405, %parallel_loop3A_406], %parallel_loop3A_409 {strides = array<i32>} : memref<128x128xf32, #tpu.memory_space<vmem>>, vector<1x16xf32>,
        %parallel_loop3A_410 = arith.index_cast %parallel_loop3A_297 : i32 to index
        %parallel_loop3A_411 = arith.constant 112 : index
        %parallel_loop3A_412 = tpu.vector_load %arg11[%parallel_loop3A_410, %parallel_loop3A_411] {strides = array<i32>} : memref<128x128xf32, #tpu.memory_space<vmem>>, vector<1x16xf32>,
        %parallel_loop3A_413 = vector.shape_cast %parallel_loop3A_412 : vector<1x16xf32> to vector<16xf32>
        %parallel_loop3A_414 = arith.constant 64 : i32
        %parallel_loop3A_415 = arith.addi %parallel_loop3A_414, %parallel_loop3A_297 : i32
        %parallel_loop3A_416 = arith.index_cast %parallel_loop3A_415 : i32 to index
        %parallel_loop3A_417 = arith.constant 112 : index
        %parallel_loop3A_418 = tpu.vector_load %arg16[%parallel_loop3A_416, %parallel_loop3A_417] {strides = array<i32>} : memref<256x128xf32, #tpu.memory_space<vmem>>, vector<1x16xf32>,
        %parallel_loop3A_419 = vector.shape_cast %parallel_loop3A_418 : vector<1x16xf32> to vector<16xf32>
        %parallel_loop3A_420 = arith.addf %parallel_loop3A_413, %parallel_loop3A_419 : vector<16xf32>
        %parallel_loop3A_421 = arith.index_cast %parallel_loop3A_297 : i32 to index
        %parallel_loop3A_422 = arith.constant 112 : index
        %parallel_loop3A_423 = tpu.vector_load %arg13[%parallel_loop3A_421, %parallel_loop3A_422] {strides = array<i32>} : memref<128x128xf32, #tpu.memory_space<vmem>>, vector<1x16xf32>,
        %parallel_loop3A_424 = vector.shape_cast %parallel_loop3A_423 : vector<1x16xf32> to vector<16xf32>
        %parallel_loop3A_425 = vector.shape_cast %parallel_loop3A_420 : vector<16xf32> to vector<1x16xf32>
        tpu.vector_store %arg13[%parallel_loop3A_421, %parallel_loop3A_422], %parallel_loop3A_425 {strides = array<i32>} : memref<128x128xf32, #tpu.memory_space<vmem>>, vector<1x16xf32>,
      } {sc.loop_unroll_factor = 4 : i64, sc.parallel_access}
      %dma_start3A_280 = arith.constant 0 : i32
      %dma_start3A_281 = tpu.memref_slice %arg6[%add3A_267, %dma_start3A_280] : memref<196608x128xf32, #tpu.memory_space<hbm>> -> memref<128x128xf32, #tpu.memory_space<hbm>>
      %dma_start3A_282 = arith.constant 0 : i32
      %dma_start3A_283 = tpu.memref_slice %arg6[%add3A_267, %dma_start3A_282] : memref<196608x128xf32, #tpu.memory_space<hbm>> -> memref<128x128xf32, #tpu.memory_space<hbm>>
      tpu.enqueue_dma source(%arg13 : memref<128x128xf32, #tpu.memory_space<vmem>>) target(%dma_start3A_283 : memref<128x128xf32, #tpu.memory_space<hbm>>) target_semaphore(%arg24 : memref<!tpu.dma_semaphore, #tpu.memory_space<semaphore_mem>>)
      %ge3A_284 = arith.constant 1 : i32
      %ge3A_285 = arith.cmpi sge, %add3A_257, %ge3A_284 : i32
      %convert_element_type3A_286 = arith.extui %ge3A_285 : i1 to i32
      %cond3A_287 = arith.constant 0 : i32
      %cond3A_288 = arith.cmpi ne, %convert_element_type3A_286, %cond3A_287 : i32
      scf.if %cond3A_288 {
        %dma_wait3A_297 = arith.constant 0 : i32
        %dma_wait3A_298 = arith.constant 0 : i32
        %dma_wait3A_299 = tpu.memref_slice %arg7[%dma_wait3A_297, %dma_wait3A_298] : memref<196608x128xf32, #tpu.memory_space<hbm>> -> memref<128x128xf32, #tpu.memory_space<hbm>>
        %dma_wait3A_300 = arith.constant 0 : i32
        %dma_wait3A_301 = arith.constant 0 : i32
        %dma_wait3A_302 = tpu.memref_slice %arg7[%dma_wait3A_300, %dma_wait3A_301] : memref<196608x128xf32, #tpu.memory_space<hbm>> -> memref<128x128xf32, #tpu.memory_space<hbm>>
        tpu.wait_dma2 semaphore(%arg21 : memref<!tpu.dma_semaphore, #tpu.memory_space<semaphore_mem>>) src(%arg10 : memref<128x128xf32, #tpu.memory_space<vmem>>) dst(%dma_wait3A_302 : memref<128x128xf32, #tpu.memory_space<hbm>>)
      } else {
      }
      %add3A_289 = arith.constant 2 : i32
      %add3A_290 = arith.addi %add3A_257, %add3A_289 : i32
      %lt3A_291 = arith.constant 48 : i32
      %lt3A_292 = arith.cmpi slt, %add3A_290, %lt3A_291 : i32
      %convert_element_type3A_293 = arith.extui %lt3A_292 : i1 to i32
      %cond3A_294 = arith.constant 0 : i32
      %cond3A_295 = arith.cmpi ne, %convert_element_type3A_293, %cond3A_294 : i32
      scf.if %cond3A_295 {
        %add3A_297 = arith.constant 2 : i32
        %add3A_298 = arith.addi %add3A_257, %add3A_297 : i32
        %dma_start3A_299 = arith.constant 0 : i32
        %dma_start3A_300 = tpu.memref_slice %arg8[%add3A_298, %dma_start3A_299] : memref<48x128xi32, #tpu.memory_space<vmem>> -> memref<1x128xi32, #tpu.memory_space<vmem>>
        %dma_start3A_301 = tpu.memref_squeeze %dma_start3A_300 : memref<1x128xi32, #tpu.memory_space<vmem>> -> memref<128xi32, #tpu.memory_space<vmem>>
        %dma_start3A_302 = arith.constant 0 : i32
        %dma_start3A_303 = arith.constant 0 : i32
        %dma_start3A_304 = tpu.memref_slice %arg3[%dma_start3A_302, %dma_start3A_303] : memref<100000x128xf32, #tpu.memory_space<hbm>> -> memref<100000x128xf32, #tpu.memory_space<hbm>>
        tpu.enqueue_indirect_dma source(%dma_start3A_304 : memref<100000x128xf32, #tpu.memory_space<hbm>>) target(%arg10 : memref<128x128xf32, #tpu.memory_space<vmem>>) offsets(%dma_start3A_301 : memref<128xi32, #tpu.memory_space<vmem>>) semaphore(%arg18 : memref<!tpu.dma_semaphore, #tpu.memory_space<semaphore_mem>>)
      } else {
      }
      %scan3A_296 = arith.constant 0 : i32
      scf.yield %scan3A_296 : i32
    }
    %scan3A_28 = arith.constant 8 : i32
    %dma_wait3A = arith.constant 0 : i32
    %dma_wait3A_29 = arith.constant 0 : i32
    %dma_wait3A_30 = tpu.memref_slice %arg7[%dma_wait3A, %dma_wait3A_29] : memref<196608x128xf32, #tpu.memory_space<hbm>> -> memref<128x128xf32, #tpu.memory_space<hbm>>
    %dma_wait3A_31 = arith.constant 0 : i32
    %dma_wait3A_32 = arith.constant 0 : i32
    %dma_wait3A_33 = tpu.memref_slice %arg7[%dma_wait3A_31, %dma_wait3A_32] : memref<196608x128xf32, #tpu.memory_space<hbm>> -> memref<128x128xf32, #tpu.memory_space<hbm>>
    tpu.wait_dma2 semaphore(%arg22 : memref<!tpu.dma_semaphore, #tpu.memory_space<semaphore_mem>>) src(%arg11 : memref<128x128xf32, #tpu.memory_space<vmem>>) dst(%dma_wait3A_33 : memref<128x128xf32, #tpu.memory_space<hbm>>)
    %dma_wait3A_34 = arith.constant 0 : i32
    %dma_wait3A_35 = arith.constant 0 : i32
    %dma_wait3A_36 = tpu.memref_slice %arg6[%dma_wait3A_34, %dma_wait3A_35] : memref<196608x128xf32, #tpu.memory_space<hbm>> -> memref<128x128xf32, #tpu.memory_space<hbm>>
    %dma_wait3A_37 = arith.constant 0 : i32
    %dma_wait3A_38 = arith.constant 0 : i32
    %dma_wait3A_39 = tpu.memref_slice %arg6[%dma_wait3A_37, %dma_wait3A_38] : memref<196608x128xf32, #tpu.memory_space<hbm>> -> memref<128x128xf32, #tpu.memory_space<hbm>>
    tpu.wait_dma2 semaphore(%arg23 : memref<!tpu.dma_semaphore, #tpu.memory_space<semaphore_mem>>) src(%arg12 : memref<128x128xf32, #tpu.memory_space<vmem>>) dst(%dma_wait3A_39 : memref<128x128xf32, #tpu.memory_space<hbm>>)
    %dma_wait3A_40 = arith.constant 0 : i32
    %dma_wait3A_41 = arith.constant 0 : i32
    %dma_wait3A_42 = tpu.memref_slice %arg6[%dma_wait3A_40, %dma_wait3A_41] : memref<196608x128xf32, #tpu.memory_space<hbm>> -> memref<128x128xf32, #tpu.memory_space<hbm>>
    %dma_wait3A_43 = arith.constant 0 : i32
    %dma_wait3A_44 = arith.constant 0 : i32
    %dma_wait3A_45 = tpu.memref_slice %arg6[%dma_wait3A_43, %dma_wait3A_44] : memref<196608x128xf32, #tpu.memory_space<hbm>> -> memref<128x128xf32, #tpu.memory_space<hbm>>
    tpu.wait_dma2 semaphore(%arg24 : memref<!tpu.dma_semaphore, #tpu.memory_space<semaphore_mem>>) src(%arg13 : memref<128x128xf32, #tpu.memory_space<vmem>>) dst(%dma_wait3A_45 : memref<128x128xf32, #tpu.memory_space<hbm>>)
    return
  }
}

</mosaic_0001>

<sc_bundles>
// kernel: _run.3.cloned.1.call-start
scs
__scs_entry_jumppad:
0x0: {  	(pc) =	sbr.rel $0x88, $3  }
0x1: {  	(tag) =	ssettag $0x0;
	lr =	simm.s32 $0x1  }
0x2: {  	[smem:$0x3F9D] =	sst lr;
	_ =	strace $0xD0000000  }
0x3: {  	_ = 	snop  }
0x4: {  	_ = 	snop  }
0x5: {  	_ = 	snop  }
0x6: {  	_ = 	snop  }
0x7: {  	_ = 	snop  }
__scs_overlays_trampoline_lowered:
0x8: {  	[smem:$0x3FAC] =	sst s0  }
0x9: {  	[smem:$0x3FAD] =	sst s1  }
0xa: {  	[smem:$0x3FAE] =	sst s2  }
0xb: {  	[smem:$0x3FAF] =	sst s3  }
0xc: {  	[smem:$0x3FB0] =	sst s4  }
0xd: {  	[smem:$0x3FB1] =	sst s5  }
0xe: {  	[smem:$0x3FB2] =	sst s6  }
0xf: {  	[smem:$0x3FB3] =	sst s7  }
0x10: {  	[smem:$0x3FB4] =	sst s8  }
0x11: {  	[smem:$0x3FB5] =	sst s9;
	s0 =	simm.s32 @!p0 $0x0  }
0x12: {  	s1 =	sld [smem:$0x3F9B];
	s0 =	simm.s32 @p0 $0x1  }
0x13: {  	[smem:$0x3FB6] =	sst s0;
	s0 =	simm.s32 @!p1 $0x0  }
0x14: {  	s2 =	sld [smem:$0x3F9A];
	s0 =	simm.s32 @p1 $0x1  }
0x15: {  	[smem:$0x3FB7] =	sst s0;
	s0 =	simm.s32 @!p2 $0x0  }
0x16: {  	s3 =	sld [smem:$0x3FDB];
	s0 =	simm.s32 @p2 $0x1  }
0x17: {  	s4 =	simm.s32 $0x1BF5;
	[smem:$0x3FB9] =	sst s0  }
0x18: {  	s0 =	sld [smem:$0x3F9C];
	_ =	swait.ge [sflag:s4], $0x0  }
0x19: {  	s7 =	sld [smem:$0x3F9D]  }
0x1a: {  	s8 =	sadd.s32 $0xFFFFE003, lr  }
0x1b: {  	s9 =	sadd.s32 $0xFFFFFEF7, lr;
	s5 =	simm.s32 $0xFFFFFFFF;
	p2 =	slt.u32 s8, $0xFFFFF086  }
0x1c: {  	p1 =	slt.u32 s9, $0xF7A;
	s5 =	simm.s32 @!p2 $0x0  }
0x1d: {  	s5 =	simm.s32 @p1 $0x1;
	p0 =	seq.s32 s7, s2  }
0x1e: {  	s7 =	smul.u32 @!p0 $0xF7A, s2;
	p2 =	seq.s32 @!p0 s5, $0x0  }
0x1f: {  	s9 =	smul.u32 $0xF7A, s1;
	s8 =	simm.s32 @!p0 $0x1BF5;
	p2 =	por !p2, p0  }
0x20: {  	[sflag:s8] =	ssyncset.s32 @!p0 $0xFFFFF086;
	s6 =	sadd.s32 @!p0 s3, s7;
	s7 =	simm.s32 @!p0 $0x108  }
0x21: {  	s3 =	sadd.s32 s3, s9;
	s6 =	sadd.s32 @!p0 $0x88, s6;
	s7 =	simm.s32 @p2 $0x1082  }
0x22: {  	[simem:s7], [sflag:s8] =	dma.local @!p0 [hbm:s6], $0xF7A  }
0x23: {  	s9 =	sor.u32 $0xD0000000, s2;
	s6 =	simm.s32 $0x108;
	_ =	swait.ge @!p0 [sflag:s8], $0x0  }
0x24: {  	s3 =	sadd.s32 $0x88, s3;
	s6 =	simm.s32 @!p1 $0x1082;
	[sflag:s4] =	ssyncset.s32 $0xFFFFF086  }
0x25: {  	[simem:s6], [sflag:s4] =	dma.local [hbm:s3], $0xF7A  }
0x26: {  	[smem:$0x3F9D] =	sst s1;
	(tag) =	ssettag s2;
	_ =	strace s9  }
0x27: {  	s1 =	sld [smem:$0x3FAD]  }
0x28: {  	s2 =	sld [smem:$0x3FAE]  }
0x29: {  	s4 =	sld [smem:$0x3FB0]  }
0x2a: {  	p0 =	seq.s32 s5, $0x0;
	s5 =	sld [smem:$0x3FB1]  }
0x2b: {  	s6 =	sld [smem:$0x3FB2]  }
0x2c: {  	s7 =	sld [smem:$0x3FB3]  }
0x2d: {  	s3 =	simm.s32 $0x108;
	s8 =	sld [smem:$0x3FB4]  }
0x2e: {  	s3 =	simm.s32 @!p0 $0x1082;
	s9 =	sld [smem:$0x3FB5]  }
0x2f: {  	lr =	sadd.s32 s0, s3;
	s0 =	sld [smem:$0x3FAC]  }
0x30: {  	s3 =	sld [smem:$0x3FAF]  }
0x31: {  	[smem:$0x3FB8] =	sst s10  }
0x32: {  	s10 =	sld [smem:$0x3FB6];
	_ =	sdelay $0x3  }
0x33: {  	p0 =	seq.s32 s10, $0x1;
	s10 =	sld [smem:$0x3FB8];
	_ =	sdelay $0x3  }
0x34: {  	[smem:$0x3FB8] =	sst s10  }
0x35: {  	s10 =	sld [smem:$0x3FB7];
	_ =	sdelay $0x3  }
0x36: {  	p1 =	seq.s32 s10, $0x1;
	s10 =	sld [smem:$0x3FB8];
	_ =	sdelay $0x3  }
0x37: {  	[smem:$0x3FB8] =	sst s10  }
0x38: {  	s10 =	sld [smem:$0x3FB9]  }
0x39: {  	_ = 	snop;
	(pc) =	sbr.ind lr, $3  }
0x3a: {  	_ = 	snop  }
0x3b: {  	_ = 	snop  }
0x3c: {  	p2 =	seq.s32 s10, $0x1;
	s10 =	sld [smem:$0x3FB8]  }
0x3d: {  	_ =	shalt  }
0x3e: {  	_ =	shalt  }
0x3f: {  	_ =	shalt  }
0x40: {  	_ =	shalt  }
0x41: {  	_ =	shalt  }
0x42: {  	_ =	shalt  }
0x43: {  	_ =	shalt  }
0x44: {  	_ =	shalt  }
0x45: {  	_ =	shalt  }
0x46: {  	_ =	shalt  }
0x47: {  	_ =	shalt  }
0x48: {  	_ =	shalt  }
0x49: {  	_ =	shalt  }
0x4a: {  	_ =	shalt  }
0x4b: {  	_ =	shalt  }
0x4c: {  	_ =	shalt  }
0x4d: {  	_ =	shalt  }
0x4e: {  	_ =	shalt  }
0x4f: {  	_ =	shalt  }
0x50: {  	_ =	shalt  }
0x51: {  	_ =	shalt  }
0x52: {  	_ =	shalt  }
0x53: {  	_ =	shalt  }
0x54: {  	_ =	shalt  }
0x55: {  	_ =	shalt  }
0x56: {  	_ =	shalt  }
0x57: {  	_ =	shalt  }
0x58: {  	_ =	shalt  }
0x59: {  	_ =	shalt  }
0x5a: {  	_ =	shalt  }
0x5b: {  	_ =	shalt  }
0x5c: {  	_ =	shalt  }
0x5d: {  	_ =	shalt  }
0x5e: {  	_ =	shalt  }
0x5f: {  	_ =	shalt  }
0x60: {  	_ =	shalt  }
0x61: {  	_ =	shalt  }
0x62: {  	_ =	shalt  }
0x63: {  	_ =	shalt  }
0x64: {  	_ =	shalt  }
0x65: {  	_ =	shalt  }
0x66: {  	_ =	shalt  }
0x67: {  	_ =	shalt  }
0x68: {  	_ =	shalt  }
0x69: {  	_ =	shalt  }
0x6a: {  	_ =	shalt  }
0x6b: {  	_ =	shalt  }
0x6c: {  	_ =	shalt  }
0x6d: {  	_ =	shalt  }
0x6e: {  	_ =	shalt  }
0x6f: {  	_ =	shalt  }
0x70: {  	_ =	shalt  }
0x71: {  	_ =	shalt  }
0x72: {  	_ =	shalt  }
0x73: {  	_ =	shalt  }
0x74: {  	_ =	shalt  }
0x75: {  	_ =	shalt  }
0x76: {  	_ =	shalt  }
0x77: {  	_ =	shalt  }
0x78: {  	_ =	shalt  }
0x79: {  	_ =	shalt  }
0x7a: {  	_ =	shalt  }
0x7b: {  	_ =	shalt  }
0x7c: {  	_ =	shalt  }
0x7d: {  	_ =	shalt  }
0x7e: {  	_ =	shalt  }
0x7f: {  	_ =	shalt  }
0x80: {  	_ =	shalt  }
0x81: {  	_ =	shalt  }
0x82: {  	_ =	shalt  }
0x83: {  	_ =	shalt  }
0x84: {  	_ =	shalt  }
0x85: {  	_ =	shalt  }
0x86: {  	_ =	shalt  }
0x87: {  	_ =	shalt  }
.Lfunc_end0:
.L_simem_size_0:
called_computation_lowered:
.L_overlay_start_0:
0x88: {  	s2 =	sld [smem:$0x3FD9]  }
0x89: {  	s3 =	sld [smem:$0x3FFE];
	_ =	sdelay $0x1  }
0x8a: {  	s1 =	srdreg.scid  }
0x8b: {  	s0 =	sand.u32 $0x1, s1  }
0x8c: {  	s15 =	sshll.u32 s0, $0xA;
	s2 =	sadd.s32 s3, s2  }
0x8d: {  	s2 =	sadd.s32 s2, s15  }
0x8e: {  	[smem:$0x3FC4] =	sst s2  }
0x8f: {  	_ = 	snop  }
0x90: {  	s2 =	sld [smem:$0x3FC9]  }
0x91: {  	s16 =	sld [smem:$0x3FD0]  }
0x92: {  	s4 =	sld [smem:$0x3FC8]  }
0x93: {  	s5 =	sld [smem:$0x3FC7]  }
0x94: {  	s7 =	simm.s32 $0xA;
	s8 =	simm.s32 $0x10;
	s6 =	sld [smem:$0x3FC6]  }
0x95: {  	[smem:s8], [sflag:s7] =	dma.local [hbm:s16], $0x1  }
0x96: {  	_ =	swait.eq [sflag:s7], $0x1  }
0x97: {  	[sflag:s7] =	ssyncset.done $0x0  }
0x98: {  	s17 =	sld [smem:$0x10];
	[sflag:s7] =	ssyncadd.s32 $0xFFFFFFFF  }
0x99: {  	s18 =	sld [smem:$0x11];
	(tm) =	ssettm $0x1  }
0x9a: {  	s19 =	sld [smem:$0x3FFB];
	_ =	sdelay $0x3  }
0x9b: {  	_ =	strace s19  }
0x9c: {  	s8 =	sld [smem:$0x3FFC];
	_ =	sdelay $0x3  }
0x9d: {  	_ =	strace s8  }
0x9e: {  	s8 =	sld [smem:$0x3FFD];
	_ =	sdelay $0x3  }
0x9f: {  	_ =	strace s8  }
0xa0: {  	_ =	strace $0x8FFFFFFF  }
0xa1: {  	s20 =	sld [smem:$0x3FDB];
	_ =	sdelay $0x1  }
0xa2: {  	s9 =	simm.s32 $_scs_section_size  }
0xa3: {  	s10 =	simm.s32 $_size__tile_overlayer_lowered;
	s11 =	simm.s32 $_tile_overlayer_lowered  }
0xa4: {  	s23 =	simm.s32 $0x1BFF;
	s22 =	sshll.u32 s11, $0x1;
	s8 =	sadd.s32 s9, s20  }
0xa5: {  	s12 =	simm.s32 $0x0;
	s21 =	sshll.u32 s10, $0x1;
	s10 =	sadd.s32 s22, s8  }
0xa6: {  	[timem:s12], [sflag:s23] =	dma.local [hbm:s10], s21  }
0xa7: {  	_ =	swait.ge [sflag:s23], s21  }
0xa8: {  	s9 =	ssub.s32 $0x0, s21;
	[sflag:s23] =	ssyncset.done $0x0  }
0xa9: {  	[sflag:s23] =	ssyncadd.s32 s9;
	_ =	sdelay $0x1  }
0xaa: {  	s24 =	simm.s32 $0x1B8B  }
0xab: {  	_ =	swait.ge [sflag:s24], $0x1  }
0xac: {  	[sflag:s24] =	ssyncset.done $0x0  }
0xad: {  	s25 =	simm.s32 $0x1B8E;
	[sflag:s24] =	ssyncadd.s32 $0xFFFFFFFF  }
0xae: {  	s26 =	simm.s32 $execute0_lowered;
	[smem:$0x3FD2] =	sst s25  }
0xaf: {  	s9 =	sshll.u32 s26, $0x1;
	_ =	strace $0x80000046;
	[dreg:$0x1] =	wrdreg $0xFFFFFFFF  }
0xb0: {  	s28 =	simm.s32 $_size_execute0_lowered;
	s8 =	sadd.s32 s8, s9;
	[dreg:$0x0] =	wrdreg $0x0  }
0xb1: {  	s9 =	sshll.u32 s28, $0x1;
	[dreg:$0x2] =	wrdreg s8  }
0xb2: {  	[dreg:$0x3] =	wrdreg s9  }
0xb3: {  	[dreg:$0x4] =	wrdreg $0xC0  }
0xb4: {  	_ =	task [dreg:s12], $0x5FFFF  }
0xb5: {  	[dreg:$0x1] =	wrdreg $0xFFFFFFFF  }
0xb6: {  	[dreg:$0x0] =	wrdreg $0x60  }
0xb7: {  	[dreg:$0x2] =	wrdreg s2  }
0xb8: {  	[dreg:$0x3] =	wrdreg s4  }
0xb9: {  	[dreg:$0x4] =	wrdreg s5  }
0xba: {  	[dreg:$0x5] =	wrdreg s6  }
0xbb: {  	[dreg:$0x6] =	wrdreg s17  }
0xbc: {  	[dreg:$0x7] =	wrdreg s18  }
0xbd: {  	[dreg:$0x8] =	wrdreg $0x9  }
0xbe: {  	_ =	task.clear_ibuf [dreg:s12], $0x9FFFF;
	_ =	strace $0x90000046  }
0xbf: {  	s29 =	simm.s32 $0x9;
	_ =	strace $0x80000048  }
0xc0: {  	_ =	swait.ge [sflag:s29], $0x1  }
0xc1: {  	[sflag:s29] =	ssyncadd.s32 $0xFFFFFFFF  }
0xc2: {  	_ =	strace $0x90000048  }
0xc3: {  	_ =	sfence  }
0xc4: {  	s30 =	sld [smem:$0x0];
	_ =	sdelay $0x2  }
0xc5: {  	s31 =	sshll.u32 s1, $0xD;
	s1 =	sshrl.u32 s1, $0x2  }
0xc6: {  	s3 =	sand.u32 $0x4000, s31;
	s1 =	sadd.s32 s1, s30  }
0xc7: {  	s0 =	sor.u32 s3, s0;
	s1 =	sshll.u32 s1, $0x11  }
0xc8: {  	s0 =	sor.u32 s1, s0  }
0xc9: {  	s0 =	sadd.s32 $0x8F2B, s0  }
0xca: {  	[sflag:s0] =	ssyncadd.remote.s32 $0x1  }
0xcb: {  	_ =	sfence.sel $0xFFFF  }
0xcc: {  	[dreg:$0x0] =	wrdreg $0xFFFFFFFF;
	(pc) =	sbr.abs _section_cstart, $3  }
0xcd: {  	[dreg:$0x1] =	wrdreg $0xFFFFFFFF  }
0xce: {  	_ =	task.clear_ibuf [dreg:s12], $0x2FFFF;
	_ =	strace $0x9FFFFFFF  }
0xcf: {  	(tm) =	ssettm $0x7FFFFFFF  }
tec
execute0_lowered:
.L_overlay_start_1:
0x0: {  	(tag) =	ssettag $0x1  }
0x1: {  	s1 =	rddreg [dreg:$0x0]  }
0x2: {  	s0 =	rddreg [dreg:$0x1]  }
0x3: {  	s5 =	rddreg [dreg:$0x4];
	s2 =	srdreg.scid  }
0x4: {  	s3 =	stileid.u32;
	s6 =	rddreg [dreg:$0x5];
	s7 =	simm.s32 $0x0  }
0x5: {  	s14 =	simm.s32 $0x80;
	s15 =	simm.s32 $0x1800;
	s16 =	simm.s32 $0x5800  }
0x6: {  	s19 =	simm.s32 $0x1;
	s2 =	sand.u32 $0x1, s2;
	s3 =	sshll.u32 s3, $0x1  }
0x7: {  	s20 =	simm.s32 $0xD800;
	s21 =	simm.s32 $0x9800;
	s3 =	sor.u32 s2, s3  }
0x8: {  	s22 =	simm.s32 $0x2;
	s23 =	simm.s32 $0x11800;
	s4 =	smul.u32 $0x300, s3  }
0x9: {  	s24 =	simm.s32 $0x4;
	s25 =	simm.s32 $0x3;
	s8 =	smul.u32 $0xC0000, s3  }
0xa: {  	s26 =	simm.s32 $0x7;
	s28 =	simm.s32 $0x5;
	s3 =	smul.u32 $0x1800, s3  }
.Ltmp0:
0xb: {  	[smem:$0x7FF] =	sst s7;
	s2 =	ssub.s32 $0x2, s2;
	(pc) =	sbr.rel .LBB2_1-.Ltmp0, $4  }
0xc: {  	s29 =	simm.s32 $0x8;
	_ =	strace $0x80000047;
	s9 =	sshrl.u32 s2, $0x1  }
0xd: {  	s2 =	ssub.s32 s2, s9;
	[dreg:$0x7] =	wrdreg s3;
	s1 =	sadd.s32 s1, s4  }
0xe: {  	s30 =	simm.s32 $0x6;
	s31 =	smax.u32 s2, $0x1;
	[dreg:$0x8] =	wrdreg s1  }
0xf: {  	s11 =	sor.u32 $0x4000, s8;
	s2 =	simm.s32 $0x0;
	[dreg:$0x9] =	wrdreg s31  }
.LBB2_20:
0x10: {  	_ =	swait.ge [sflag:s30], $0x4000  }
0x11: {  	[sflag:s30] =	ssyncset.done $0x0  }
0x12: {  	[sflag:s30] =	ssyncadd.s32 $0xFFFFC000  }
0x13: {  	_ =	swait.ge [sflag:s26], $0x4000  }
0x14: {  	[sflag:s26] =	ssyncset.done $0x0  }
0x15: {  	[sflag:s26] =	ssyncadd.s32 $0xFFFFC000  }
0x16: {  	_ =	swait.ge [sflag:s29], $0x4000  }
0x17: {  	s2 =	rddreg [dreg:$0xa]  }
0x18: {  	s1 =	rddreg [dreg:$0x9];
	s2 =	sadd.s32 $0x1, s2  }
0x19: {  	p0 =	sne.s32 s2, s1  }
.Ltmp1:
0x1a: {  	_ = 	snop;
	(pc) =	sbr.rel @!p0 .LBB2_21-.Ltmp1, $3  }
0x1b: {  	_ =	sdelay $0x1  }
0x1c: {  	[sflag:s29] =	ssyncset.done $0x0  }
0x1d: {  	[sflag:s29] =	ssyncadd.s32 $0xFFFFC000  }
.LBB2_1:
0x1e: {  	[dreg:$0xa] =	wrdreg s2  }
0x1f: {  	s1 =	rddreg [dreg:$0x8];
	s13 =	simm.s32 $0x9  }
0x20: {  	[tilespmem:s7], [sflag:$0x9] =	stream.linear.gather [hbm4b:s1+s7], $0x1800, $0x38;
	[tilespmem:$0x1FA00] =	vst v63  }
0x21: {  	_ =	swait.ge [sflag:s13], $0x1800  }
0x22: {  	[sflag:s13] =	ssyncset.done $0x0  }
0x23: {  	[sflag:s13] =	ssyncadd.s32 $0xFFFFE800  }
0x24: {  	[tilespmem:s15], [sflag:$0x1] =	stream.indirect.gather [hbm4b:s0+s14], $0x80, s7, s14, $0xb8;
	[tilespmem:$0x1FA00] =	vst v63  }
0x25: {  	_ = 	snop  }
0x26: {  	[tilespmem:s16], [sflag:$0x2] =	stream.indirect.gather [hbm4b:s0+s14], $0x80, s14, s14, $0xb8;
	[tilespmem:$0x1FA00] =	vst v63  }
0x27: {  	s3 =	simm.s32 $0x15800;
	s17 =	rddreg [dreg:$0x2]  }
0x28: {  	[tilespmem:s3], [sflag:$0x9] =	stream.linear.gather [hbm4b:s17+s7], $0x2000, $0x38;
	[tilespmem:$0x1FA00] =	vst v63  }
0x29: {  	_ =	swait.ge [sflag:s13], $0x2000  }
0x2a: {  	[sflag:s13] =	ssyncset.done $0x0  }
0x2b: {  	[sflag:s13] =	ssyncadd.s32 $0xFFFFE000  }
0x2c: {  	s31 =	simm.s32 $0x17800;
	s18 =	rddreg [dreg:$0x3]  }
0x2d: {  	[tilespmem:s31], [sflag:$0x9] =	stream.linear.gather [hbm4b:s18+s7], $0x180, $0x38;
	[tilespmem:$0x1FA00] =	vst v63  }
0x2e: {  	_ =	swait.ge [sflag:s13], $0x180  }
0x2f: {  	[sflag:s13] =	ssyncset.done $0x0  }
0x30: {  	[sflag:s13] =	ssyncadd.s32 $0xFFFFFE80  }
0x31: {  	s10 =	simm.s32 $0x15880;
	v0 =	vld [tilespmem:$0x17800]  }
0x32: {  	v1 =	vld [tilespmem:s10+$0x0];
	_ =	sdelay $0x4  }
0x33: {  	v1 =	vadd.f32 v1, v0  }
0x34: {  	s1 =	simm.s32 $0x17B80  }
0x35: {  	[tilespmem:s1+$0x0] =	vst v1  }
0x36: {  	v1 =	vld [tilespmem:s10+$0x10]  }
0x37: {  	v2 =	vld [tilespmem:$0x17810];
	_ =	sdelay $0x2  }
0x38: {  	v3 =	vld [tilespmem:s10+$0xFFFFFF80];
	_ =	sdelay $0x1  }
0x39: {  	v1 =	vadd.f32 v2, v1;
	_ =	sdelay $0x1  }
0x3a: {  	[tilespmem:s1+$0x10] =	vst v1  }
0x3b: {  	v0 =	vadd.f32 v0, v3;
	v1 =	vld [tilespmem:s10+$0x20]  }
0x3c: {  	v2 =	vld [tilespmem:$0x17820]  }
0x3d: {  	[tilespmem:s1+$0xFFFFFE80] =	vst v0  }
0x3e: {  	v0 =	vld [tilespmem:s10+$0xFFFFFF90]  }
0x3f: {  	v3 =	vld [tilespmem:$0x17810];
	_ =	sdelay $0x1  }
0x40: {  	v1 =	vadd.f32 v2, v1;
	_ =	sdelay $0x1  }
0x41: {  	[tilespmem:s1+$0x20] =	vst v1  }
0x42: {  	v0 =	vadd.f32 v3, v0;
	v1 =	vld [tilespmem:s10+$0x30]  }
0x43: {  	v2 =	vld [tilespmem:$0x17830]  }
0x44: {  	[tilespmem:s1+$0xFFFFFE90] =	vst v0  }
0x45: {  	v0 =	vld [tilespmem:s10+$0xFFFFFFA0]  }
0x46: {  	v3 =	vld [tilespmem:$0x17820];
	_ =	sdelay $0x1  }
0x47: {  	v1 =	vadd.f32 v2, v1;
	_ =	sdelay $0x1  }
0x48: {  	[tilespmem:s1+$0x30] =	vst v1  }
0x49: {  	v0 =	vadd.f32 v3, v0;
	v1 =	vld [tilespmem:s10+$0x40]  }
0x4a: {  	v2 =	vld [tilespmem:$0x17840]  }
0x4b: {  	[tilespmem:s1+$0xFFFFFEA0] =	vst v0  }
0x4c: {  	v0 =	vld [tilespmem:s10+$0xFFFFFFB0]  }
0x4d: {  	v3 =	vld [tilespmem:$0x17830];
	_ =	sdelay $0x1  }
0x4e: {  	v1 =	vadd.f32 v2, v1;
	_ =	sdelay $0x1  }
0x4f: {  	[tilespmem:s1+$0x40] =	vst v1  }
0x50: {  	v0 =	vadd.f32 v3, v0;
	v1 =	vld [tilespmem:s10+$0x50]  }
0x51: {  	v2 =	vld [tilespmem:$0x17850]  }
0x52: {  	[tilespmem:s1+$0xFFFFFEB0] =	vst v0  }
0x53: {  	v0 =	vld [tilespmem:s10+$0xFFFFFFC0]  }
0x54: {  	v3 =	vld [tilespmem:$0x17840];
	_ =	sdelay $0x1  }
0x55: {  	v1 =	vadd.f32 v2, v1;
	_ =	sdelay $0x1  }
0x56: {  	[tilespmem:s1+$0x50] =	vst v1  }
0x57: {  	v0 =	vadd.f32 v3, v0;
	v1 =	vld [tilespmem:s10+$0x60]  }
0x58: {  	v2 =	vld [tilespmem:$0x17860]  }
0x59: {  	[tilespmem:s1+$0xFFFFFEC0] =	vst v0  }
0x5a: {  	v0 =	vld [tilespmem:s10+$0xFFFFFFD0]  }
0x5b: {  	v3 =	vld [tilespmem:$0x17850];
	_ =	sdelay $0x1  }
0x5c: {  	v1 =	vadd.f32 v2, v1;
	_ =	sdelay $0x1  }
0x5d: {  	[tilespmem:s1+$0x60] =	vst v1  }
0x5e: {  	v0 =	vadd.f32 v3, v0;
	v1 =	vld [tilespmem:s10+$0x70]  }
0x5f: {  	v2 =	vld [tilespmem:$0x17870]  }
0x60: {  	[tilespmem:s1+$0xFFFFFED0] =	vst v0  }
0x61: {  	v0 =	vld [tilespmem:s10+$0xFFFFFFE0]  }
0x62: {  	v3 =	vld [tilespmem:$0x17860];
	_ =	sdelay $0x1  }
0x63: {  	v1 =	vadd.f32 v2, v1;
	_ =	sdelay $0x1  }
0x64: {  	[tilespmem:s1+$0x70] =	vst v1  }
0x65: {  	v0 =	vadd.f32 v3, v0;
	v1 =	vld [tilespmem:s10+$0x0]  }
0x66: {  	v2 =	vld [tilespmem:$0x17880]  }
0x67: {  	[tilespmem:s1+$0xFFFFFEE0] =	vst v0  }
0x68: {  	v0 =	vld [tilespmem:s10+$0xFFFFFFF0]  }
0x69: {  	v3 =	vld [tilespmem:$0x17870];
	_ =	sdelay $0x1  }
0x6a: {  	v1 =	vadd.f32 v2, v1;
	_ =	sdelay $0x1  }
0x6b: {  	[tilespmem:s1+$0x80] =	vst v1  }
0x6c: {  	v0 =	vadd.f32 v3, v0;
	v1 =	vld [tilespmem:s10+$0x10]  }
0x6d: {  	v2 =	vld [tilespmem:$0x17890]  }
0x6e: {  	[tilespmem:s1+$0xFFFFFEF0] =	vst v0  }
0x6f: {  	v0 =	vld [tilespmem:s10+$0xFFFFFF80]  }
0x70: {  	v3 =	vld [tilespmem:$0x17880];
	_ =	sdelay $0x1  }
0x71: {  	v1 =	vadd.f32 v2, v1;
	_ =	sdelay $0x1  }
0x72: {  	[tilespmem:s1+$0x90] =	vst v1  }
0x73: {  	v0 =	vadd.f32 v3, v0;
	v1 =	vld [tilespmem:s10+$0x20]  }
0x74: {  	v2 =	vld [tilespmem:$0x178A0]  }
0x75: {  	[tilespmem:s1+$0xFFFFFF00] =	vst v0  }
0x76: {  	v0 =	vld [tilespmem:s10+$0xFFFFFF90]  }
0x77: {  	v3 =	vld [tilespmem:$0x17890]  }
0x78: {  	s2 =	simm.s32 $0x15980;
	v4 =	vld [tilespmem:$0x17800]  }
0x79: {  	v5 =	vld [tilespmem:s2+$0x0];
	v1 =	vadd.f32 v2, v1;
	_ =	sdelay $0x1  }
0x7a: {  	v2 =	vld [tilespmem:s2+$0xFFFFFF80];
	[tilespmem:s1+$0xA0] =	vst v1  }
0x7b: {  	v0 =	vadd.f32 v3, v0;
	v1 =	vld [tilespmem:s10+$0x30]  }
0x7c: {  	v3 =	vld [tilespmem:$0x178B0]  }
0x7d: {  	[tilespmem:s1+$0xFFFFFF10] =	vst v0;
	v0 =	vadd.f32 v5, v4  }
0x7e: {  	s4 =	simm.s32 $0x17E80;
	v5 =	vld [tilespmem:s10+$0xFFFFFFA0]  }
0x7f: {  	v6 =	vld [tilespmem:$0x178A0];
	[tilespmem:s4+$0x0] =	vst v0;
	v0 =	vadd.f32 v4, v2  }
0x80: {  	v2 =	vld [tilespmem:s2+$0x10]  }
0x81: {  	v4 =	vld [tilespmem:$0x17810];
	[tilespmem:s4+$0xFFFFFE80] =	vst v0;
	v0 =	vadd.f32 v3, v1  }
0x82: {  	v1 =	vld [tilespmem:s2+$0xFFFFFF90]  }
0x83: {  	v3 =	vld [tilespmem:$0x17810];
	[tilespmem:s1+$0xB0] =	vst v0  }
0x84: {  	v0 =	vadd.f32 v6, v5;
	v5 =	vld [tilespmem:s10+$0x40]  }
0x85: {  	v6 =	vld [tilespmem:$0x178C0]  }
0x86: {  	[tilespmem:s1+$0xFFFFFF20] =	vst v0;
	v0 =	vadd.f32 v4, v2  }
0x87: {  	v2 =	vld [tilespmem:s10+$0xFFFFFFB0]  }
0x88: {  	v1 =	vadd.f32 v3, v1;
	[tilespmem:s4+$0x10] =	vst v0;
	v0 =	vld [tilespmem:$0x178B0]  }
0x89: {  	v3 =	vld [tilespmem:s2+$0x20]  }
0x8a: {  	[tilespmem:s4+$0xFFFFFE90] =	vst v1;
	v1 =	vld [tilespmem:$0x17820];
	v4 =	vadd.f32 v6, v5  }
0x8b: {  	v5 =	vld [tilespmem:s2+$0xFFFFFFA0]  }
0x8c: {  	v6 =	vld [tilespmem:$0x17820];
	[tilespmem:s1+$0xC0] =	vst v4  }
0x8d: {  	v0 =	vadd.f32 v0, v2;
	v2 =	vld [tilespmem:s10+$0x50]  }
0x8e: {  	v4 =	vld [tilespmem:$0x178D0]  }
0x8f: {  	[tilespmem:s1+$0xFFFFFF30] =	vst v0;
	v0 =	vadd.f32 v1, v3  }
0x90: {  	v1 =	vld [tilespmem:s10+$0xFFFFFFC0]  }
0x91: {  	v5 =	vadd.f32 v6, v5;
	v3 =	vld [tilespmem:$0x178C0];
	[tilespmem:s4+$0x20] =	vst v0  }
0x92: {  	v0 =	vld [tilespmem:s2+$0x30]  }
0x93: {  	[tilespmem:s4+$0xFFFFFEA0] =	vst v5;
	v5 =	vld [tilespmem:$0x17830];
	v2 =	vadd.f32 v4, v2  }
0x94: {  	v4 =	vld [tilespmem:s2+$0xFFFFFFB0]  }
0x95: {  	v6 =	vld [tilespmem:$0x17830];
	[tilespmem:s1+$0xD0] =	vst v2  }
0x96: {  	v1 =	vadd.f32 v3, v1;
	v2 =	vld [tilespmem:s10+$0x60]  }
0x97: {  	v3 =	vld [tilespmem:$0x178E0]  }
0x98: {  	[tilespmem:s1+$0xFFFFFF40] =	vst v1;
	v0 =	vadd.f32 v5, v0  }
0x99: {  	v1 =	vld [tilespmem:s10+$0xFFFFFFD0]  }
0x9a: {  	v4 =	vadd.f32 v6, v4;
	v5 =	vld [tilespmem:$0x178D0];
	[tilespmem:s4+$0x30] =	vst v0  }
0x9b: {  	v0 =	vld [tilespmem:s2+$0x40]  }
0x9c: {  	[tilespmem:s4+$0xFFFFFEB0] =	vst v4;
	v4 =	vld [tilespmem:$0x17840];
	v2 =	vadd.f32 v3, v2  }
0x9d: {  	v3 =	vld [tilespmem:s2+$0xFFFFFFC0]  }
0x9e: {  	v6 =	vld [tilespmem:$0x17840];
	[tilespmem:s1+$0xE0] =	vst v2  }
0x9f: {  	v1 =	vadd.f32 v5, v1;
	v2 =	vld [tilespmem:s10+$0x70]  }
0xa0: {  	v5 =	vld [tilespmem:$0x178F0]  }
0xa1: {  	[tilespmem:s1+$0xFFFFFF50] =	vst v1;
	v0 =	vadd.f32 v4, v0  }
0xa2: {  	v1 =	vld [tilespmem:s10+$0xFFFFFFE0]  }
0xa3: {  	v3 =	vadd.f32 v6, v3;
	v4 =	vld [tilespmem:$0x178E0];
	[tilespmem:s4+$0x40] =	vst v0  }
0xa4: {  	v0 =	vld [tilespmem:s2+$0x50]  }
0xa5: {  	[tilespmem:s4+$0xFFFFFEC0] =	vst v3;
	v3 =	vld [tilespmem:$0x17850];
	v2 =	vadd.f32 v5, v2  }
0xa6: {  	v5 =	vld [tilespmem:s2+$0xFFFFFFD0]  }
0xa7: {  	v6 =	vld [tilespmem:$0x17850];
	[tilespmem:s1+$0xF0] =	vst v2  }
0xa8: {  	v1 =	vadd.f32 v4, v1;
	v2 =	vld [tilespmem:s10+$0x0]  }
0xa9: {  	v4 =	vld [tilespmem:$0x17900]  }
0xaa: {  	[tilespmem:s1+$0xFFFFFF60] =	vst v1;
	v0 =	vadd.f32 v3, v0  }
0xab: {  	v1 =	vld [tilespmem:s10+$0xFFFFFFF0]  }
0xac: {  	v5 =	vadd.f32 v6, v5;
	v3 =	vld [tilespmem:$0x178F0];
	[tilespmem:s4+$0x50] =	vst v0  }
0xad: {  	v0 =	vld [tilespmem:s2+$0x60]  }
0xae: {  	[tilespmem:s4+$0xFFFFFED0] =	vst v5;
	v5 =	vld [tilespmem:$0x17860];
	v2 =	vadd.f32 v4, v2  }
0xaf: {  	v4 =	vld [tilespmem:s2+$0xFFFFFFE0]  }
0xb0: {  	v6 =	vld [tilespmem:$0x17860];
	[tilespmem:s1+$0x100] =	vst v2  }
0xb1: {  	v1 =	vadd.f32 v3, v1;
	v2 =	vld [tilespmem:s10+$0x10]  }
0xb2: {  	v3 =	vld [tilespmem:$0x17910]  }
0xb3: {  	[tilespmem:s1+$0xFFFFFF70] =	vst v1;
	v0 =	vadd.f32 v5, v0  }
0xb4: {  	v1 =	vld [tilespmem:s10+$0xFFFFFF80]  }
0xb5: {  	v4 =	vadd.f32 v6, v4;
	v5 =	vld [tilespmem:$0x17900];
	[tilespmem:s4+$0x60] =	vst v0  }
0xb6: {  	v0 =	vld [tilespmem:s2+$0x70]  }
0xb7: {  	[tilespmem:s4+$0xFFFFFEE0] =	vst v4;
	v4 =	vld [tilespmem:$0x17870];
	v2 =	vadd.f32 v3, v2  }
0xb8: {  	v3 =	vld [tilespmem:s2+$0xFFFFFFF0]  }
0xb9: {  	v6 =	vld [tilespmem:$0x17870];
	[tilespmem:s1+$0x110] =	vst v2  }
0xba: {  	v1 =	vadd.f32 v5, v1;
	v2 =	vld [tilespmem:s10+$0x20]  }
0xbb: {  	v5 =	vld [tilespmem:$0x17920]  }
0xbc: {  	[tilespmem:s1+$0xFFFFFF80] =	vst v1;
	v0 =	vadd.f32 v4, v0  }
0xbd: {  	v1 =	vld [tilespmem:s10+$0xFFFFFF90]  }
0xbe: {  	v3 =	vadd.f32 v6, v3;
	v4 =	vld [tilespmem:$0x17910];
	[tilespmem:s4+$0x70] =	vst v0  }
0xbf: {  	v0 =	vld [tilespmem:s2+$0x0]  }
0xc0: {  	[tilespmem:s4+$0xFFFFFEF0] =	vst v3;
	v3 =	vld [tilespmem:$0x17880];
	v2 =	vadd.f32 v5, v2  }
0xc1: {  	v5 =	vld [tilespmem:s2+$0xFFFFFF80]  }
0xc2: {  	v6 =	vld [tilespmem:$0x17880];
	[tilespmem:s1+$0x120] =	vst v2  }
0xc3: {  	v1 =	vadd.f32 v4, v1;
	v2 =	vld [tilespmem:s10+$0x30]  }
0xc4: {  	v4 =	vld [tilespmem:$0x17930]  }
0xc5: {  	[tilespmem:s1+$0xFFFFFF90] =	vst v1;
	v0 =	vadd.f32 v3, v0  }
0xc6: {  	v1 =	vld [tilespmem:s10+$0xFFFFFFA0]  }
0xc7: {  	v3 =	vld [tilespmem:$0x17920];
	[tilespmem:s4+$0x80] =	vst v0  }
0xc8: {  	v0 =	vadd.f32 v6, v5;
	v5 =	vld [tilespmem:s2+$0x10]  }
0xc9: {  	v6 =	vld [tilespmem:$0x17890];
	v2 =	vadd.f32 v4, v2  }
0xca: {  	s18 =	simm.s32 $0x15A80  }
0xcb: {  	v8 =	vld [tilespmem:s18+$0x0];
	[tilespmem:s1+$0x130] =	vst v2  }
0xcc: {  	v1 =	vadd.f32 v3, v1;
	v2 =	vld [tilespmem:s10+$0x40]  }
0xcd: {  	[tilespmem:s4+$0xFFFFFF00] =	vst v0;
	v3 =	vld [tilespmem:$0x17940]  }
0xce: {  	v0 =	vld [tilespmem:s2+$0xFFFFFF90];
	[tilespmem:s1+$0xFFFFFFA0] =	vst v1;
	v1 =	vadd.f32 v6, v5  }
0xcf: {  	v4 =	vld [tilespmem:$0x17890]  }
0xd0: {  	v5 =	vld [tilespmem:s10+$0xFFFFFFB0];
	[tilespmem:s4+$0x90] =	vst v1  }
0xd1: {  	v1 =	vld [tilespmem:s2+$0x20]  }
0xd2: {  	v7 =	vld [tilespmem:$0x178A0];
	v2 =	vadd.f32 v3, v2  }
0xd3: {  	v6 =	vld [tilespmem:$0x17930]  }
0xd4: {  	v3 =	vld [tilespmem:$0x17800];
	[tilespmem:s1+$0x140] =	vst v2  }
0xd5: {  	v0 =	vadd.f32 v4, v0;
	v2 =	vld [tilespmem:s10+$0x50]  }
0xd6: {  	v4 =	vld [tilespmem:$0x17950]  }
0xd7: {  	[tilespmem:s4+$0xFFFFFF10] =	vst v0;
	v0 =	vld [tilespmem:s18+$0xFFFFFF80];
	v1 =	vadd.f32 v7, v1  }
0xd8: {  	v9 =	vld [tilespmem:$0x178A0]  }
0xd9: {  	v7 =	vld [tilespmem:s2+$0xFFFFFFA0];
	v8 =	vadd.f32 v8, v3;
	[tilespmem:s4+$0xA0] =	vst v1  }
0xda: {  	s3 =	simm.s32 $0x18180;
	v1 =	vld [tilespmem:s2+$0x30]  }
0xdb: {  	[tilespmem:s3+$0x0] =	vst v8;
	v8 =	vld [tilespmem:$0x178B0];
	v2 =	vadd.f32 v4, v2  }
0xdc: {  	v4 =	vld [tilespmem:s18+$0x10]  }
0xdd: {  	v0 =	vadd.f32 v3, v0;
	v3 =	vld [tilespmem:$0x17810];
	[tilespmem:s1+$0x150] =	vst v2  }
0xde: {  	v2 =	vld [tilespmem:s10+$0x60]  }
0xdf: {  	[tilespmem:s3+$0xFFFFFE80] =	vst v0;
	v0 =	vadd.f32 v9, v7;
	v7 =	vld [tilespmem:$0x17960]  }
0xe0: {  	v54 =	vld [tilespmem:s18+$0xFFFFFF90];
	v1 =	vadd.f32 v8, v1  }
0xe1: {  	[tilespmem:s4+$0xFFFFFF20] =	vst v0;
	v0 =	vld [tilespmem:$0x17810]  }
0xe2: {  	v8 =	vld [tilespmem:s2+$0xFFFFFFB0];
	[tilespmem:s4+$0xB0] =	vst v1  }
0xe3: {  	v1 =	vadd.f32 v3, v4;
	v3 =	vld [tilespmem:s2+$0x40]  }
0xe4: {  	v4 =	vld [tilespmem:$0x178C0];
	v2 =	vadd.f32 v7, v2  }
0xe5: {  	v7 =	vld [tilespmem:$0x178B0];
	[tilespmem:s3+$0x10] =	vst v1  }
0xe6: {  	v10 =	vld [tilespmem:s18+$0x20];
	[tilespmem:s1+$0x160] =	vst v2  }
0xe7: {  	v0 =	vadd.f32 v0, v54;
	v1 =	vld [tilespmem:s10+$0x70]  }
0xe8: {  	v2 =	vld [tilespmem:$0x17970]  }
0xe9: {  	[tilespmem:s3+$0xFFFFFE90] =	vst v0;
	v0 =	vld [tilespmem:$0x17820];
	v3 =	vadd.f32 v4, v3  }
0xea: {  	v4 =	vld [tilespmem:s18+$0xFFFFFFA0]  }
0xeb: {  	v7 =	vadd.f32 v7, v8;
	v8 =	vld [tilespmem:$0x17820];
	[tilespmem:s4+$0xC0] =	vst v3  }
0xec: {  	v3 =	vld [tilespmem:s2+$0x50]  }
0xed: {  	v5 =	vadd.f32 v6, v5;
	[tilespmem:s4+$0xFFFFFF30] =	vst v7;
	v6 =	vld [tilespmem:$0x178D0]  }
0xee: {  	v0 =	vadd.f32 v0, v10;
	v7 =	vld [tilespmem:s2+$0xFFFFFFC0]  }
0xef: {  	[tilespmem:s1+$0xFFFFFFB0] =	vst v5;
	v5 =	vld [tilespmem:$0x178C0]  }
0xf0: {  	v4 =	vadd.f32 v8, v4;
	[tilespmem:s3+$0x20] =	vst v0;
	v0 =	vld [tilespmem:s10+$0xFFFFFFC0]  }
0xf1: {  	v8 =	vld [tilespmem:s18+$0x30]  }
0xf2: {  	[tilespmem:s3+$0xFFFFFEA0] =	vst v4;
	v4 =	vld [tilespmem:$0x17830];
	v3 =	vadd.f32 v6, v3  }
0xf3: {  	v6 =	vld [tilespmem:s18+$0xFFFFFFB0]  }
0xf4: {  	v55 =	vld [tilespmem:$0x17830];
	v5 =	vadd.f32 v5, v7;
	[tilespmem:s4+$0xD0] =	vst v3  }
0xf5: {  	v3 =	vld [tilespmem:s2+$0x60]  }
0xf6: {  	[tilespmem:s4+$0xFFFFFF40] =	vst v5;
	v5 =	vld [tilespmem:$0x178E0]  }
0xf7: {  	v7 =	vld [tilespmem:s2+$0xFFFFFFD0];
	v4 =	vadd.f32 v4, v8  }
0xf8: {  	v8 =	vld [tilespmem:$0x178D0]  }
0xf9: {  	v6 =	vadd.f32 v55, v6;
	[tilespmem:s3+$0x30] =	vst v4;
	v4 =	vld [tilespmem:$0x17940]  }
0xfa: {  	v56 =	vld [tilespmem:s18+$0x40]  }
0xfb: {  	[tilespmem:s3+$0xFFFFFEB0] =	vst v6;
	v6 =	vld [tilespmem:$0x17840];
	v3 =	vadd.f32 v5, v3  }
0xfc: {  	v5 =	vld [tilespmem:s18+$0xFFFFFFC0]  }
0xfd: {  	v7 =	vadd.f32 v8, v7;
	v8 =	vld [tilespmem:$0x17840];
	[tilespmem:s4+$0xE0] =	vst v3  }
0xfe: {  	v3 =	vld [tilespmem:s2+$0x70]  }
0xff: {  	v0 =	vadd.f32 v4, v0;
	[tilespmem:s4+$0xFFFFFF50] =	vst v7;
	v4 =	vld [tilespmem:$0x178F0]  }
0x100: {  	v6 =	vadd.f32 v6, v56;
	v7 =	vld [tilespmem:s2+$0xFFFFFFE0]  }
0x101: {  	[tilespmem:s1+$0xFFFFFFC0] =	vst v0;
	v0 =	vld [tilespmem:$0x178E0]  }
0x102: {  	v5 =	vadd.f32 v8, v5;
	[tilespmem:s3+$0x40] =	vst v6;
	v6 =	vld [tilespmem:s10+$0xFFFFFFD0]  }
0x103: {  	v8 =	vld [tilespmem:s18+$0x50]  }
0x104: {  	[tilespmem:s3+$0xFFFFFEC0] =	vst v5;
	v5 =	vld [tilespmem:$0x17850];
	v3 =	vadd.f32 v4, v3  }
0x105: {  	v4 =	vld [tilespmem:s18+$0xFFFFFFD0]  }
0x106: {  	v57 =	vld [tilespmem:$0x17850];
	v0 =	vadd.f32 v0, v7;
	[tilespmem:s4+$0xF0] =	vst v3  }
0x107: {  	v3 =	vld [tilespmem:s2+$0x0]  }
0x108: {  	[tilespmem:s4+$0xFFFFFF60] =	vst v0;
	v0 =	vld [tilespmem:$0x17900]  }
0x109: {  	v5 =	vadd.f32 v5, v8;
	v7 =	vld [tilespmem:s2+$0xFFFFFFF0]  }
0x10a: {  	v8 =	vld [tilespmem:$0x178F0]  }
0x10b: {  	v4 =	vadd.f32 v57, v4;
	[tilespmem:s3+$0x50] =	vst v5;
	v5 =	vld [tilespmem:$0x17950]  }
0x10c: {  	v58 =	vld [tilespmem:s18+$0x60]  }
0x10d: {  	[tilespmem:s3+$0xFFFFFED0] =	vst v4;
	v4 =	vld [tilespmem:$0x17860];
	v0 =	vadd.f32 v0, v3  }
0x10e: {  	v3 =	vld [tilespmem:s18+$0xFFFFFFE0]  }
0x10f: {  	v7 =	vadd.f32 v8, v7;
	v8 =	vld [tilespmem:$0x17860];
	[tilespmem:s4+$0x100] =	vst v0  }
0x110: {  	v0 =	vld [tilespmem:s2+$0x10]  }
0x111: {  	v5 =	vadd.f32 v5, v6;
	[tilespmem:s4+$0xFFFFFF70] =	vst v7;
	v6 =	vld [tilespmem:$0x17910]  }
0x112: {  	v4 =	vadd.f32 v4, v58;
	v7 =	vld [tilespmem:s2+$0xFFFFFF80]  }
0x113: {  	[tilespmem:s1+$0xFFFFFFD0] =	vst v5;
	v5 =	vld [tilespmem:$0x17900]  }
0x114: {  	v3 =	vadd.f32 v8, v3;
	[tilespmem:s3+$0x60] =	vst v4;
	v4 =	vld [tilespmem:s10+$0xFFFFFFE0]  }
0x115: {  	v8 =	vld [tilespmem:s18+$0x70]  }
0x116: {  	[tilespmem:s3+$0xFFFFFEE0] =	vst v3;
	v3 =	vld [tilespmem:$0x17870];
	v0 =	vadd.f32 v6, v0  }
0x117: {  	v6 =	vld [tilespmem:s18+$0xFFFFFFF0]  }
0x118: {  	v59 =	vld [tilespmem:$0x17870];
	v5 =	vadd.f32 v5, v7;
	[tilespmem:s4+$0x110] =	vst v0  }
0x119: {  	v0 =	vld [tilespmem:s2+$0x20]  }
0x11a: {  	[tilespmem:s4+$0xFFFFFF80] =	vst v5;
	v5 =	vld [tilespmem:$0x17920]  }
0x11b: {  	v3 =	vadd.f32 v3, v8;
	v7 =	vld [tilespmem:s2+$0xFFFFFF90]  }
0x11c: {  	v8 =	vld [tilespmem:$0x17910]  }
0x11d: {  	v6 =	vadd.f32 v59, v6;
	[tilespmem:s3+$0x70] =	vst v3;
	v3 =	vld [tilespmem:$0x17960]  }
0x11e: {  	v60 =	vld [tilespmem:s18+$0x0]  }
0x11f: {  	[tilespmem:s3+$0xFFFFFEF0] =	vst v6;
	v6 =	vld [tilespmem:$0x17880];
	v0 =	vadd.f32 v5, v0  }
0x120: {  	v5 =	vld [tilespmem:s18+$0xFFFFFF80]  }
0x121: {  	v7 =	vadd.f32 v8, v7;
	v8 =	vld [tilespmem:$0x17880];
	[tilespmem:s4+$0x120] =	vst v0  }
0x122: {  	v61 =	vld [tilespmem:s2+$0x30]  }
0x123: {  	v0 =	vadd.f32 v3, v4;
	[tilespmem:s4+$0xFFFFFF90] =	vst v7;
	v3 =	vld [tilespmem:$0x17930]  }
0x124: {  	v4 =	vadd.f32 v6, v60;
	v6 =	vld [tilespmem:s2+$0xFFFFFFA0]  }
0x125: {  	v7 =	vld [tilespmem:$0x17920];
	[tilespmem:s1+$0xFFFFFFE0] =	vst v0  }
0x126: {  	v5 =	vadd.f32 v8, v5;
	[tilespmem:s3+$0x80] =	vst v4;
	v0 =	vld [tilespmem:s10+$0xFFFFFFF0]  }
0x127: {  	v4 =	vld [tilespmem:s18+$0x10]  }
0x128: {  	[tilespmem:s3+$0xFFFFFF00] =	vst v5;
	v5 =	vld [tilespmem:$0x17890];
	v3 =	vadd.f32 v3, v61  }
0x129: {  	v8 =	vld [tilespmem:s18+$0xFFFFFF90]  }
0x12a: {  	v6 =	vadd.f32 v7, v6;
	v7 =	vld [tilespmem:$0x17890];
	[tilespmem:s4+$0x130] =	vst v3  }
0x12b: {  	v62 =	vld [tilespmem:s2+$0x40]  }
0x12c: {  	[tilespmem:s4+$0xFFFFFFA0] =	vst v6;
	v63 =	vld [tilespmem:$0x17940]  }
0x12d: {  	v3 =	vld [tilespmem:s2+$0xFFFFFFB0];
	v4 =	vadd.f32 v5, v4  }
0x12e: {  	v5 =	vadd.f32 v2, v1;
	v2 =	vld [tilespmem:$0x17930]  }
0x12f: {  	v1 =	vld [tilespmem:$0x17970];
	v6 =	vadd.f32 v7, v8;
	[tilespmem:s3+$0x90] =	vst v4  }
0x130: {  	[tilespmem:s1+$0x170] =	vst v5;
	v5 =	vld [tilespmem:s18+$0x20]  }
0x131: {  	s12 =	simm.s32 $0x4;
	s17 =	simm.s32 $0x0;
	s10 =	simm.s32 $0x15A80;
	[tilespmem:s3+$0xFFFFFF10] =	vst v6;
	v6 =	vld [tilespmem:$0x178A0];
	v4 =	vadd.f32 v63, v62  }
.LBB2_2:
0x132: {  	v7 =	vld [tilespmem:$0x17800];
	s18 =	sadd.s32 $0x100, s18  }
0x133: {  	v8 =	vld [tilespmem:s18+$0x0];
	v2 =	vadd.f32 v2, v3;
	[tilespmem:s4+$0x140] =	vst v4  }
0x134: {  	v3 =	vld [tilespmem:s2+$0x50];
	v0 =	vadd.f32 v1, v0  }
0x135: {  	[tilespmem:s4+$0xFFFFFFB0] =	vst v2;
	v1 =	vld [tilespmem:$0x17950]  }
0x136: {  	v2 =	vld [tilespmem:s18+$0xFFFFFF80];
	v4 =	vadd.f32 v6, v5;
	[tilespmem:s1+$0xFFFFFFF0] =	vst v0;
	s1 =	smov.u32 s4;
	s4 =	smov.u32 s3  }
0x137: {  	v0 =	vld [tilespmem:s10+$0xFFFFFFA0]  }
0x138: {  	v5 =	vadd.f32 v8, v7;
	v6 =	vld [tilespmem:$0x178A0];
	[tilespmem:s3+$0xA0] =	vst v4  }
0x139: {  	s3 =	sadd.s32 $0x300, s3;
	v4 =	vld [tilespmem:s10+$0x30]  }
0x13a: {  	[tilespmem:s3+$0x0] =	vst v5;
	v5 =	vld [tilespmem:$0x178B0];
	v1 =	vadd.f32 v1, v3  }
0x13b: {  	v2 =	vadd.f32 v7, v2;
	v3 =	vld [tilespmem:s18+$0x10]  }
0x13c: {  	v7 =	vld [tilespmem:$0x17810];
	[tilespmem:s1+$0x150] =	vst v1  }
0x13d: {  	[tilespmem:s3+$0xFFFFFE80] =	vst v2;
	v0 =	vadd.f32 v6, v0;
	v1 =	vld [tilespmem:s2+$0x60]  }
0x13e: {  	v2 =	vld [tilespmem:$0x17960]  }
0x13f: {  	v6 =	vld [tilespmem:s18+$0xFFFFFF90];
	[tilespmem:s4+$0xFFFFFF20] =	vst v0;
	v0 =	vadd.f32 v5, v4  }
0x140: {  	v4 =	vld [tilespmem:$0x17810]  }
0x141: {  	v5 =	vld [tilespmem:s10+$0xFFFFFFB0];
	[tilespmem:s4+$0xB0] =	vst v0  }
0x142: {  	v0 =	vadd.f32 v7, v3;
	v3 =	vld [tilespmem:s10+$0x40]  }
0x143: {  	v7 =	vld [tilespmem:$0x178C0];
	v1 =	vadd.f32 v2, v1  }
0x144: {  	[tilespmem:s3+$0x10] =	vst v0;
	v0 =	vld [tilespmem:$0x178B0]  }
0x145: {  	v2 =	vadd.f32 v4, v6;
	v4 =	vld [tilespmem:s18+$0x20];
	[tilespmem:s1+$0x160] =	vst v1  }
0x146: {  	v1 =	vld [tilespmem:s2+$0x70]  }
0x147: {  	[tilespmem:s3+$0xFFFFFE90] =	vst v2;
	v2 =	vld [tilespmem:$0x17970]  }
0x148: {  	v6 =	vld [tilespmem:$0x17820];
	v3 =	vadd.f32 v7, v3  }
0x149: {  	v7 =	vld [tilespmem:s18+$0xFFFFFFA0];
	v0 =	vadd.f32 v0, v5  }
0x14a: {  	v5 =	vld [tilespmem:$0x17820];
	[tilespmem:s4+$0xC0] =	vst v3  }
0x14b: {  	[tilespmem:s4+$0xFFFFFF30] =	vst v0;
	v0 =	vld [tilespmem:s10+$0x50]  }
0x14c: {  	v3 =	vld [tilespmem:$0x178D0];
	v1 =	vadd.f32 v2, v1  }
0x14d: {  	s12 =	sadd.s32 $0x2, s12;
	v2 =	vadd.f32 v6, v4;
	v4 =	vld [tilespmem:s10+$0xFFFFFFC0]  }
0x14e: {  	p0 =	slt.u32 s12, $0x3E;
	v6 =	vld [tilespmem:$0x178C0];
	[tilespmem:s1+$0x170] =	vst v1  }
0x14f: {  	v1 =	vadd.f32 v5, v7;
	[tilespmem:s3+$0x20] =	vst v2;
	v2 =	vld [tilespmem:s2+$0xFFFFFFC0]  }
0x150: {  	v5 =	vld [tilespmem:s18+$0x30]  }
0x151: {  	[tilespmem:s3+$0xFFFFFEA0] =	vst v1;
	v1 =	vld [tilespmem:$0x17830];
	v0 =	vadd.f32 v3, v0  }
0x152: {  	v3 =	vld [tilespmem:s18+$0xFFFFFFB0]  }
0x153: {  	v7 =	vld [tilespmem:$0x17830];
	v4 =	vadd.f32 v6, v4;
	[tilespmem:s4+$0xD0] =	vst v0  }
0x154: {  	v0 =	vld [tilespmem:s10+$0x60]  }
0x155: {  	[tilespmem:s4+$0xFFFFFF40] =	vst v4;
	v4 =	vld [tilespmem:$0x178E0]  }
0x156: {  	v1 =	vadd.f32 v1, v5;
	v5 =	vld [tilespmem:s10+$0xFFFFFFD0]  }
0x157: {  	v6 =	vld [tilespmem:$0x178D0]  }
0x158: {  	v3 =	vadd.f32 v7, v3;
	[tilespmem:s3+$0x30] =	vst v1;
	v1 =	vld [tilespmem:$0x17940]  }
0x159: {  	v7 =	vld [tilespmem:s18+$0x40]  }
0x15a: {  	[tilespmem:s3+$0xFFFFFEB0] =	vst v3;
	v3 =	vld [tilespmem:$0x17840];
	v0 =	vadd.f32 v4, v0  }
0x15b: {  	v4 =	vld [tilespmem:s18+$0xFFFFFFC0]  }
0x15c: {  	v8 =	vld [tilespmem:$0x17840];
	v5 =	vadd.f32 v6, v5;
	[tilespmem:s4+$0xE0] =	vst v0  }
0x15d: {  	v0 =	vld [tilespmem:s10+$0x70];
	v1 =	vadd.f32 v1, v2  }
0x15e: {  	[tilespmem:s4+$0xFFFFFF50] =	vst v5;
	v2 =	vld [tilespmem:$0x178F0]  }
0x15f: {  	v3 =	vadd.f32 v3, v7;
	v5 =	vld [tilespmem:s10+$0xFFFFFFE0];
	[tilespmem:s1+$0xFFFFFFC0] =	vst v1  }
0x160: {  	v1 =	vld [tilespmem:$0x178E0]  }
0x161: {  	v4 =	vadd.f32 v8, v4;
	[tilespmem:s3+$0x40] =	vst v3;
	v3 =	vld [tilespmem:s2+$0xFFFFFFD0]  }
0x162: {  	v6 =	vld [tilespmem:s18+$0x50]  }
0x163: {  	[tilespmem:s3+$0xFFFFFEC0] =	vst v4;
	v4 =	vld [tilespmem:$0x17850];
	v0 =	vadd.f32 v2, v0  }
0x164: {  	v2 =	vld [tilespmem:s18+$0xFFFFFFD0]  }
0x165: {  	v7 =	vld [tilespmem:$0x17850];
	v1 =	vadd.f32 v1, v5;
	[tilespmem:s4+$0xF0] =	vst v0  }
0x166: {  	v0 =	vld [tilespmem:s10+$0x0]  }
0x167: {  	[tilespmem:s4+$0xFFFFFF60] =	vst v1;
	v1 =	vld [tilespmem:$0x17900]  }
0x168: {  	v4 =	vadd.f32 v4, v6;
	v5 =	vld [tilespmem:s10+$0xFFFFFFF0]  }
0x169: {  	v6 =	vld [tilespmem:$0x178F0]  }
0x16a: {  	v2 =	vadd.f32 v7, v2;
	[tilespmem:s3+$0x50] =	vst v4;
	v4 =	vld [tilespmem:$0x17950]  }
0x16b: {  	v7 =	vld [tilespmem:s18+$0x60]  }
0x16c: {  	[tilespmem:s3+$0xFFFFFED0] =	vst v2;
	v2 =	vld [tilespmem:$0x17860];
	v0 =	vadd.f32 v1, v0  }
0x16d: {  	v1 =	vld [tilespmem:s18+$0xFFFFFFE0]  }
0x16e: {  	v8 =	vld [tilespmem:$0x17860];
	v5 =	vadd.f32 v6, v5;
	[tilespmem:s4+$0x100] =	vst v0  }
0x16f: {  	v0 =	vld [tilespmem:s10+$0x10];
	v3 =	vadd.f32 v4, v3  }
0x170: {  	[tilespmem:s4+$0xFFFFFF70] =	vst v5;
	v4 =	vld [tilespmem:$0x17910]  }
0x171: {  	v2 =	vadd.f32 v2, v7;
	v5 =	vld [tilespmem:s10+$0xFFFFFF80];
	[tilespmem:s1+$0xFFFFFFD0] =	vst v3  }
0x172: {  	v3 =	vld [tilespmem:$0x17900]  }
0x173: {  	v1 =	vadd.f32 v8, v1;
	[tilespmem:s3+$0x60] =	vst v2;
	v2 =	vld [tilespmem:s2+$0xFFFFFFE0]  }
0x174: {  	v6 =	vld [tilespmem:s18+$0x70]  }
0x175: {  	[tilespmem:s3+$0xFFFFFEE0] =	vst v1;
	v1 =	vld [tilespmem:$0x17870];
	v0 =	vadd.f32 v4, v0  }
0x176: {  	v4 =	vld [tilespmem:s18+$0xFFFFFFF0]  }
0x177: {  	v7 =	vld [tilespmem:$0x17870];
	v3 =	vadd.f32 v3, v5;
	[tilespmem:s4+$0x110] =	vst v0  }
0x178: {  	v0 =	vld [tilespmem:s10+$0x20]  }
0x179: {  	[tilespmem:s4+$0xFFFFFF80] =	vst v3;
	v3 =	vld [tilespmem:$0x17920]  }
0x17a: {  	v1 =	vadd.f32 v1, v6;
	v5 =	vld [tilespmem:s10+$0xFFFFFF90]  }
0x17b: {  	v6 =	vld [tilespmem:$0x17910]  }
0x17c: {  	v4 =	vadd.f32 v7, v4;
	[tilespmem:s3+$0x70] =	vst v1;
	v1 =	vld [tilespmem:$0x17960]  }
0x17d: {  	v7 =	vld [tilespmem:s18+$0x0]  }
0x17e: {  	[tilespmem:s3+$0xFFFFFEF0] =	vst v4;
	v4 =	vld [tilespmem:$0x17880];
	v0 =	vadd.f32 v3, v0  }
0x17f: {  	v3 =	vld [tilespmem:s18+$0xFFFFFF80]  }
0x180: {  	v8 =	vld [tilespmem:$0x17880];
	v5 =	vadd.f32 v6, v5;
	[tilespmem:s4+$0x120] =	vst v0  }
0x181: {  	v6 =	vld [tilespmem:s10+$0x30];
	v0 =	vadd.f32 v1, v2  }
0x182: {  	[tilespmem:s4+$0xFFFFFF90] =	vst v5;
	v1 =	vld [tilespmem:$0x17930]  }
0x183: {  	v2 =	vadd.f32 v4, v7;
	v4 =	vld [tilespmem:s10+$0xFFFFFFA0];
	[tilespmem:s1+$0xFFFFFFE0] =	vst v0  }
0x184: {  	v5 =	vld [tilespmem:$0x17920]  }
0x185: {  	v3 =	vadd.f32 v8, v3;
	[tilespmem:s3+$0x80] =	vst v2;
	v0 =	vld [tilespmem:s2+$0xFFFFFFF0];
	s2 =	smov.u32 s10;
	s10 =	smov.u32 s18  }
0x186: {  	v2 =	vld [tilespmem:s18+$0x10]  }
0x187: {  	[tilespmem:s3+$0xFFFFFF00] =	vst v3;
	v3 =	vld [tilespmem:$0x17890];
	v1 =	vadd.f32 v1, v6  }
0x188: {  	v6 =	vld [tilespmem:s18+$0xFFFFFF90]  }
0x189: {  	v7 =	vld [tilespmem:$0x17890];
	v4 =	vadd.f32 v5, v4;
	[tilespmem:s4+$0x130] =	vst v1  }
0x18a: {  	v8 =	vld [tilespmem:s2+$0x40]  }
0x18b: {  	[tilespmem:s4+$0xFFFFFFA0] =	vst v4;
	v4 =	vld [tilespmem:$0x17940]  }
.Ltmp2:
0x18c: {  	v1 =	vadd.f32 v3, v2;
	v3 =	vld [tilespmem:s2+$0xFFFFFFB0];
	(pc) =	sbr.rel @p0 .LBB2_2-.Ltmp2, $4  }
0x18d: {  	v2 =	vld [tilespmem:$0x17930]  }
0x18e: {  	v6 =	vadd.f32 v7, v6;
	[tilespmem:s3+$0x90] =	vst v1;
	v1 =	vld [tilespmem:$0x17970]  }
0x18f: {  	v5 =	vld [tilespmem:s18+$0x20]  }
0x190: {  	[tilespmem:s3+$0xFFFFFF10] =	vst v6;
	v6 =	vld [tilespmem:$0x178A0];
	v4 =	vadd.f32 v4, v8  }
0x191: {  	v7 =	vld [tilespmem:s10+$0xFFFFFFA0]  }
0x192: {  	v8 =	vld [tilespmem:$0x178A0];
	_ =	sdelay $0x2  }
0x193: {  	v5 =	vadd.f32 v6, v5;
	_ =	sdelay $0x1  }
0x194: {  	[tilespmem:s3+$0xA0] =	vst v5;
	v5 =	vadd.f32 v8, v7  }
0x195: {  	v6 =	vld [tilespmem:s10+$0x30]  }
0x196: {  	v7 =	vld [tilespmem:$0x178B0];
	[tilespmem:s3+$0xFFFFFF20] =	vst v5  }
0x197: {  	v5 =	vld [tilespmem:s10+$0xFFFFFFB0]  }
0x198: {  	v49 =	vld [tilespmem:$0x178B0];
	_ =	sdelay $0x2  }
0x199: {  	v6 =	vadd.f32 v7, v6;
	_ =	sdelay $0x1  }
0x19a: {  	[tilespmem:s3+$0xB0] =	vst v6;
	v5 =	vadd.f32 v49, v5  }
0x19b: {  	v6 =	vld [tilespmem:s10+$0x40]  }
0x19c: {  	v7 =	vld [tilespmem:$0x178C0];
	[tilespmem:s3+$0xFFFFFF30] =	vst v5  }
0x19d: {  	v5 =	vld [tilespmem:s10+$0xFFFFFFC0]  }
0x19e: {  	v50 =	vld [tilespmem:$0x178C0];
	_ =	sdelay $0x2  }
0x19f: {  	v6 =	vadd.f32 v7, v6;
	_ =	sdelay $0x1  }
0x1a0: {  	[tilespmem:s3+$0xC0] =	vst v6;
	v5 =	vadd.f32 v50, v5  }
0x1a1: {  	v6 =	vld [tilespmem:s10+$0x50]  }
0x1a2: {  	v7 =	vld [tilespmem:$0x178D0];
	[tilespmem:s3+$0xFFFFFF40] =	vst v5  }
0x1a3: {  	v5 =	vld [tilespmem:s10+$0xFFFFFFD0]  }
0x1a4: {  	v51 =	vld [tilespmem:$0x178D0];
	_ =	sdelay $0x2  }
0x1a5: {  	v6 =	vadd.f32 v7, v6;
	_ =	sdelay $0x1  }
0x1a6: {  	[tilespmem:s3+$0xD0] =	vst v6;
	v5 =	vadd.f32 v51, v5  }
0x1a7: {  	v6 =	vld [tilespmem:s10+$0x60]  }
0x1a8: {  	v7 =	vld [tilespmem:$0x178E0];
	[tilespmem:s3+$0xFFFFFF50] =	vst v5  }
0x1a9: {  	v5 =	vld [tilespmem:s10+$0xFFFFFFE0]  }
0x1aa: {  	v52 =	vld [tilespmem:$0x178E0];
	_ =	sdelay $0x2  }
0x1ab: {  	v6 =	vadd.f32 v7, v6;
	_ =	sdelay $0x1  }
0x1ac: {  	[tilespmem:s3+$0xE0] =	vst v6;
	v5 =	vadd.f32 v52, v5  }
0x1ad: {  	v6 =	vld [tilespmem:s10+$0x70]  }
0x1ae: {  	v7 =	vld [tilespmem:$0x178F0];
	[tilespmem:s3+$0xFFFFFF60] =	vst v5  }
0x1af: {  	v5 =	vld [tilespmem:s10+$0xFFFFFFF0]  }
0x1b0: {  	v53 =	vld [tilespmem:$0x178F0];
	_ =	sdelay $0x2  }
0x1b1: {  	v6 =	vadd.f32 v7, v6;
	_ =	sdelay $0x1  }
0x1b2: {  	[tilespmem:s3+$0xF0] =	vst v6;
	v5 =	vadd.f32 v53, v5  }
0x1b3: {  	v6 =	vld [tilespmem:s10+$0x0]  }
0x1b4: {  	v7 =	vld [tilespmem:$0x17900];
	[tilespmem:s3+$0xFFFFFF70] =	vst v5  }
0x1b5: {  	v5 =	vld [tilespmem:s10+$0xFFFFFF80]  }
0x1b6: {  	v54 =	vld [tilespmem:$0x17900];
	_ =	sdelay $0x2  }
0x1b7: {  	v6 =	vadd.f32 v7, v6;
	_ =	sdelay $0x1  }
0x1b8: {  	[tilespmem:s3+$0x100] =	vst v6;
	v5 =	vadd.f32 v54, v5  }
0x1b9: {  	v6 =	vld [tilespmem:s10+$0x10]  }
0x1ba: {  	v7 =	vld [tilespmem:$0x17910];
	[tilespmem:s3+$0xFFFFFF80] =	vst v5  }
0x1bb: {  	v5 =	vld [tilespmem:s10+$0xFFFFFF90]  }
0x1bc: {  	v55 =	vld [tilespmem:$0x17910];
	_ =	sdelay $0x2  }
0x1bd: {  	v6 =	vadd.f32 v7, v6;
	_ =	sdelay $0x1  }
0x1be: {  	[tilespmem:s3+$0x110] =	vst v6;
	v5 =	vadd.f32 v55, v5  }
0x1bf: {  	v6 =	vld [tilespmem:s10+$0x20]  }
0x1c0: {  	v7 =	vld [tilespmem:$0x17920];
	[tilespmem:s3+$0xFFFFFF90] =	vst v5  }
0x1c1: {  	v5 =	vld [tilespmem:s10+$0xFFFFFFA0]  }
0x1c2: {  	v56 =	vld [tilespmem:$0x17920];
	_ =	sdelay $0x2  }
0x1c3: {  	v6 =	vadd.f32 v7, v6;
	_ =	sdelay $0x1  }
0x1c4: {  	[tilespmem:s3+$0x120] =	vst v6;
	v5 =	vadd.f32 v56, v5  }
0x1c5: {  	v6 =	vld [tilespmem:s10+$0x30]  }
0x1c6: {  	v7 =	vld [tilespmem:$0x17930];
	[tilespmem:s3+$0xFFFFFFA0] =	vst v5  }
0x1c7: {  	v5 =	vld [tilespmem:s10+$0xFFFFFFB0]  }
0x1c8: {  	v57 =	vld [tilespmem:$0x17930]  }
0x1c9: {  	v2 =	vadd.f32 v2, v3;
	_ =	sdelay $0x1  }
0x1ca: {  	[tilespmem:s4+$0xFFFFFFB0] =	vst v2;
	v2 =	vadd.f32 v7, v6  }
0x1cb: {  	v3 =	vld [tilespmem:s2+$0xFFFFFFC0]  }
0x1cc: {  	v6 =	vld [tilespmem:$0x17940];
	[tilespmem:s3+$0x130] =	vst v2;
	v2 =	vadd.f32 v57, v5  }
0x1cd: {  	v5 =	vld [tilespmem:s10+$0x40]  }
0x1ce: {  	v7 =	vld [tilespmem:$0x17940];
	[tilespmem:s3+$0xFFFFFFB0] =	vst v2  }
0x1cf: {  	v2 =	vld [tilespmem:s10+$0xFFFFFFC0]  }
0x1d0: {  	v58 =	vld [tilespmem:$0x17940]  }
0x1d1: {  	[tilespmem:s4+$0x140] =	vst v4;
	v3 =	vadd.f32 v6, v3  }
0x1d2: {  	v4 =	vld [tilespmem:s2+$0x50]  }
0x1d3: {  	v6 =	vld [tilespmem:$0x17950];
	[tilespmem:s4+$0xFFFFFFC0] =	vst v3;
	v3 =	vadd.f32 v7, v5  }
0x1d4: {  	v5 =	vld [tilespmem:s2+$0xFFFFFFD0]  }
0x1d5: {  	v7 =	vld [tilespmem:$0x17950];
	[tilespmem:s3+$0x140] =	vst v3;
	v2 =	vadd.f32 v58, v2  }
0x1d6: {  	v3 =	vld [tilespmem:s10+$0x50]  }
0x1d7: {  	v59 =	vld [tilespmem:$0x17950];
	[tilespmem:s3+$0xFFFFFFC0] =	vst v2  }
0x1d8: {  	v2 =	vadd.f32 v6, v4;
	v4 =	vld [tilespmem:s10+$0xFFFFFFD0]  }
0x1d9: {  	v6 =	vld [tilespmem:$0x17950]  }
0x1da: {  	[tilespmem:s4+$0x150] =	vst v2;
	v2 =	vadd.f32 v7, v5  }
0x1db: {  	v5 =	vld [tilespmem:s2+$0x60]  }
0x1dc: {  	v7 =	vld [tilespmem:$0x17960];
	[tilespmem:s4+$0xFFFFFFD0] =	vst v2;
	v2 =	vadd.f32 v59, v3  }
0x1dd: {  	v3 =	vld [tilespmem:s2+$0xFFFFFFE0]  }
0x1de: {  	v60 =	vld [tilespmem:$0x17960];
	[tilespmem:s3+$0x150] =	vst v2;
	v2 =	vadd.f32 v6, v4  }
0x1df: {  	v4 =	vld [tilespmem:s10+$0x60]  }
0x1e0: {  	v6 =	vld [tilespmem:$0x17960];
	[tilespmem:s3+$0xFFFFFFD0] =	vst v2  }
0x1e1: {  	v2 =	vadd.f32 v7, v5;
	v5 =	vld [tilespmem:s10+$0xFFFFFFE0]  }
0x1e2: {  	v7 =	vld [tilespmem:$0x17960]  }
0x1e3: {  	[tilespmem:s4+$0x160] =	vst v2;
	v2 =	vadd.f32 v60, v3  }
0x1e4: {  	v3 =	vld [tilespmem:s2+$0x70]  }
0x1e5: {  	v61 =	vld [tilespmem:$0x17970];
	[tilespmem:s4+$0xFFFFFFE0] =	vst v2;
	v2 =	vadd.f32 v6, v4  }
0x1e6: {  	v4 =	vld [tilespmem:s2+$0xFFFFFFF0]  }
0x1e7: {  	v6 =	vld [tilespmem:$0x17970];
	[tilespmem:s3+$0x160] =	vst v2;
	v2 =	vadd.f32 v7, v5  }
0x1e8: {  	v5 =	vld [tilespmem:s10+$0x70]  }
0x1e9: {  	v7 =	vld [tilespmem:$0x17970];
	[tilespmem:s3+$0xFFFFFFE0] =	vst v2  }
0x1ea: {  	v2 =	vld [tilespmem:s10+$0xFFFFFFF0]  }
0x1eb: {  	v9 =	vld [tilespmem:$0x17970]  }
0x1ec: {  	v0 =	vadd.f32 v1, v0  }
0x1ed: {  	v1 =	vadd.f32 v61, v3  }
0x1ee: {  	[tilespmem:s1+$0xFFFFFFF0] =	vst v0;
	v0 =	vadd.f32 v6, v4  }
0x1ef: {  	[tilespmem:s4+$0x170] =	vst v1;
	v1 =	vadd.f32 v7, v5  }
0x1f0: {  	[tilespmem:s4+$0xFFFFFFF0] =	vst v0;
	v0 =	vadd.f32 v9, v2  }
0x1f1: {  	[tilespmem:s3+$0x170] =	vst v1  }
0x1f2: {  	s1 =	simm.s32 $0x17A00;
	[tilespmem:s3+$0xFFFFFFF0] =	vst v0  }
0x1f3: {  	v1 =	vld [tilespmem:s1+$0x10]  }
0x1f4: {  	v2 =	vld [tilespmem:s1+$0x20]  }
0x1f5: {  	v0 =	vld [tilespmem:s1+$0xF0]  }
0x1f6: {  	v3 =	vld [tilespmem:s1+$0x30]  }
0x1f7: {  	v4 =	vld [tilespmem:s1+$0x40]  }
0x1f8: {  	v5 =	vld [tilespmem:s1+$0x50];
	[tilespmem:s1+$0x6010] =	vst v1  }
0x1f9: {  	v6 =	vld [tilespmem:s1+$0x60];
	[tilespmem:s1+$0x6020] =	vst v2  }
0x1fa: {  	v62 =	vld [tilespmem:s1+$0x90];
	[tilespmem:s1+$0x60F0] =	vst v0  }
0x1fb: {  	v2 =	vld [tilespmem:s1+$0x80];
	[tilespmem:s1+$0x6030] =	vst v3  }
0x1fc: {  	v7 =	vld [tilespmem:s1+$0x70];
	[tilespmem:s1+$0x6040] =	vst v4  }
0x1fd: {  	v63 =	vld [tilespmem:s1+$0xA0];
	[tilespmem:s1+$0x6050] =	vst v5  }
0x1fe: {  	v0 =	vld [tilespmem:s1+$0xB0];
	[tilespmem:s1+$0x6060] =	vst v6  }
0x1ff: {  	v1 =	vld [tilespmem:s1+$0xC0];
	[tilespmem:s1+$0x6090] =	vst v62  }
0x200: {  	[tilespmem:s1+$0x6080] =	vst v2;
	v2 =	vld [tilespmem:s1+$0xD0]  }
0x201: {  	[tilespmem:s1+$0x6070] =	vst v7;
	v4 =	vld [tilespmem:s1+$0xE0]  }
0x202: {  	s2 =	simm.s32 $0x17B00;
	v3 =	vld [tilespmem:s1+$0x0];
	[tilespmem:s1+$0x60A0] =	vst v63  }
.LBB2_4:
0x203: {  	v5 =	vld [tilespmem:s2+$0xF0];
	s17 =	sadd.s32 $0x2, s17;
	[tilespmem:s1+$0x60B0] =	vst v0  }
0x204: {  	v0 =	vld [tilespmem:s2+$0x10];
	p0 =	slt.u32 s17, $0x3E;
	[tilespmem:s1+$0x60C0] =	vst v1  }
0x205: {  	v1 =	vld [tilespmem:s2+$0x20];
	[tilespmem:s1+$0x60D0] =	vst v2  }
0x206: {  	v2 =	vld [tilespmem:s2+$0x30];
	[tilespmem:s1+$0x60E0] =	vst v4  }
0x207: {  	v4 =	vld [tilespmem:s2+$0x40];
	[tilespmem:s1+$0x6000] =	vst v3;
	s1 =	smov.u32 s2  }
0x208: {  	s4 =	simm.s32 $0x0;
	v3 =	vld [tilespmem:s2+$0x50];
	[tilespmem:s2+$0x60F0] =	vst v5  }
0x209: {  	[tilespmem:s2+$0x6010] =	vst v0;
	v0 =	vld [tilespmem:s2+$0x60]  }
0x20a: {  	[tilespmem:s2+$0x6020] =	vst v1;
	v1 =	vld [tilespmem:s2+$0x70]  }
0x20b: {  	[tilespmem:s2+$0x6030] =	vst v2;
	v2 =	vld [tilespmem:s2+$0x80]  }
0x20c: {  	[tilespmem:s2+$0x6040] =	vst v4;
	v4 =	vld [tilespmem:s2+$0x90]  }
0x20d: {  	[tilespmem:s2+$0x6050] =	vst v3;
	v5 =	vld [tilespmem:s2+$0xA0]  }
.Ltmp3:
0x20e: {  	[tilespmem:s2+$0x6060] =	vst v0;
	v0 =	vld [tilespmem:s2+$0xB0];
	(pc) =	sbr.rel @p0 .LBB2_4-.Ltmp3, $4  }
0x20f: {  	[tilespmem:s2+$0x6070] =	vst v1;
	v1 =	vld [tilespmem:s2+$0xC0]  }
0x210: {  	[tilespmem:s2+$0x6080] =	vst v2;
	v2 =	vld [tilespmem:s2+$0xD0]  }
0x211: {  	[tilespmem:s2+$0x6090] =	vst v4;
	v4 =	vld [tilespmem:s2+$0xE0]  }
0x212: {  	s2 =	sadd.s32 $0x100, s2;
	v3 =	vld [tilespmem:s1+$0x0];
	[tilespmem:s1+$0x60A0] =	vst v5  }
0x213: {  	[tilespmem:s1+$0x60B0] =	vst v0  }
0x214: {  	[tilespmem:s1+$0x60C0] =	vst v1  }
0x215: {  	[tilespmem:s1+$0x60D0] =	vst v2  }
0x216: {  	[tilespmem:s1+$0x60E0] =	vst v4  }
0x217: {  	[tilespmem:s1+$0x6000] =	vst v3  }
.LBB2_6:
0x218: {  	s1 =	smul.u32 $0x300, s4;
	_ =	swait.ge [sflag:s19], $0x4000  }
0x219: {  	s2 =	rddreg [dreg:$0x7]  }
0x21a: {  	s1 =	sadd.s32 s2, s1  }
0x21b: {  	[sflag:s19] =	ssyncset.done $0x0;
	s2 =	sshll.u32 s1, $0x4  }
0x21c: {  	p0 =	seq.s32 s4, $0x0;
	[sflag:s19] =	ssyncadd.s32 $0xFFFFC000;
	s1 =	sadd.s32 s6, s2  }
0x21d: {  	[hbm4b:s1+s7] =	stream.linear.scatter [tilespmem:s15], [sflag:$0x4], $0x4000, $0x38;
	[tilespmem:$0x1FA00] =	vst v63  }
0x21e: {  	s1 =	simm.s32 @!p0 $0x7  }
0x21f: {  	_ =	swait.ge @!p0 [sflag:s1], $0x4000  }
0x220: {  	[sflag:s1] =	ssyncset.done @!p0 $0x0  }
0x221: {  	s3 =	simm.s32 $0x1900;
	[sflag:s1] =	ssyncadd.s32 @!p0 $0xFFFFC000  }
0x222: {  	s10 =	simm.s32 $0x17B00;
	v0 =	vld [tilespmem:s3+$0x80]  }
0x223: {  	v1 =	vld [tilespmem:s10+$0x80];
	_ =	sdelay $0x2  }
0x224: {  	v2 =	vld [tilespmem:s3+$0xFFFFFF80]  }
0x225: {  	v3 =	vld [tilespmem:s10+$0xFFFFFF80]  }
0x226: {  	v4 =	vld [tilespmem:s10+$0xFFFFFF00];
	v0 =	vadd.f32 v1, v0  }
0x227: {  	s17 =	simm.s32 $0xD900;
	v1 =	vld [tilespmem:s3+$0xFFFFFF00]  }
0x228: {  	[tilespmem:s17+$0x80] =	vst v0  }
0x229: {  	v0 =	vld [tilespmem:s3+$0x90]  }
0x22a: {  	v2 =	vadd.f32 v3, v2;
	v3 =	vld [tilespmem:s10+$0x90]  }
0x22b: {  	v5 =	vld [tilespmem:s3+$0x0]  }
0x22c: {  	v6 =	vld [tilespmem:s10+$0x0];
	[tilespmem:s17+$0xFFFFFF80] =	vst v2;
	v1 =	vadd.f32 v4, v1  }
0x22d: {  	v2 =	vld [tilespmem:s3+$0xFFFFFF90]  }
0x22e: {  	v4 =	vld [tilespmem:s10+$0xFFFFFF90];
	[tilespmem:s17+$0xFFFFFF00] =	vst v1  }
0x22f: {  	v1 =	vld [tilespmem:s3+$0xFFFFFF10];
	v0 =	vadd.f32 v3, v0  }
0x230: {  	v3 =	vld [tilespmem:s10+$0xFFFFFF10]  }
0x231: {  	v5 =	vadd.f32 v6, v5;
	[tilespmem:s17+$0x90] =	vst v0  }
0x232: {  	v0 =	vld [tilespmem:s3+$0xA0]  }
0x233: {  	[tilespmem:s17+$0x0] =	vst v5;
	v2 =	vadd.f32 v4, v2;
	v4 =	vld [tilespmem:s10+$0xA0]  }
0x234: {  	v5 =	vld [tilespmem:s3+$0x10]  }
0x235: {  	v6 =	vld [tilespmem:s10+$0x10];
	[tilespmem:s17+$0xFFFFFF90] =	vst v2;
	v1 =	vadd.f32 v3, v1  }
0x236: {  	v2 =	vld [tilespmem:s3+$0xFFFFFFA0]  }
0x237: {  	v3 =	vld [tilespmem:s10+$0xFFFFFFA0];
	[tilespmem:s17+$0xFFFFFF10] =	vst v1  }
0x238: {  	v1 =	vld [tilespmem:s3+$0xFFFFFF20];
	v0 =	vadd.f32 v4, v0  }
0x239: {  	v4 =	vld [tilespmem:s10+$0xFFFFFF20]  }
0x23a: {  	v5 =	vadd.f32 v6, v5;
	[tilespmem:s17+$0xA0] =	vst v0  }
0x23b: {  	v0 =	vld [tilespmem:s3+$0xB0]  }
0x23c: {  	[tilespmem:s17+$0x10] =	vst v5;
	v2 =	vadd.f32 v3, v2;
	v3 =	vld [tilespmem:s10+$0xB0]  }
0x23d: {  	v5 =	vld [tilespmem:s3+$0x20]  }
0x23e: {  	[tilespmem:s17+$0xFFFFFFA0] =	vst v2;
	v2 =	vld [tilespmem:s10+$0x20];
	v1 =	vadd.f32 v4, v1  }
0x23f: {  	v4 =	vld [tilespmem:s3+$0xFFFFFFB0]  }
0x240: {  	v6 =	vld [tilespmem:s10+$0xFFFFFFB0];
	[tilespmem:s17+$0xFFFFFF20] =	vst v1  }
0x241: {  	v1 =	vld [tilespmem:s3+$0xFFFFFF30];
	v0 =	vadd.f32 v3, v0  }
0x242: {  	v3 =	vld [tilespmem:s10+$0xFFFFFF30]  }
0x243: {  	v2 =	vadd.f32 v2, v5;
	[tilespmem:s17+$0xB0] =	vst v0  }
0x244: {  	v0 =	vld [tilespmem:s3+$0xC0]  }
0x245: {  	v4 =	vadd.f32 v6, v4;
	[tilespmem:s17+$0x20] =	vst v2;
	v2 =	vld [tilespmem:s10+$0xC0]  }
0x246: {  	v5 =	vld [tilespmem:s3+$0x30]  }
0x247: {  	[tilespmem:s17+$0xFFFFFFB0] =	vst v4;
	v1 =	vadd.f32 v3, v1;
	v3 =	vld [tilespmem:s10+$0x30]  }
0x248: {  	v4 =	vld [tilespmem:s3+$0xFFFFFFC0]  }
0x249: {  	[tilespmem:s17+$0xFFFFFF30] =	vst v1;
	v1 =	vld [tilespmem:s10+$0xFFFFFFC0]  }
0x24a: {  	v6 =	vld [tilespmem:s3+$0xFFFFFF40];
	v0 =	vadd.f32 v2, v0  }
0x24b: {  	v2 =	vld [tilespmem:s10+$0xFFFFFF40]  }
0x24c: {  	v3 =	vadd.f32 v3, v5;
	[tilespmem:s17+$0xC0] =	vst v0  }
0x24d: {  	v0 =	vld [tilespmem:s3+$0xD0]  }
0x24e: {  	v1 =	vadd.f32 v1, v4;
	[tilespmem:s17+$0x30] =	vst v3;
	v3 =	vld [tilespmem:s10+$0xD0]  }
0x24f: {  	v4 =	vld [tilespmem:s3+$0x40]  }
0x250: {  	v2 =	vadd.f32 v2, v6;
	[tilespmem:s17+$0xFFFFFFC0] =	vst v1;
	v1 =	vld [tilespmem:s10+$0x40]  }
0x251: {  	v5 =	vld [tilespmem:s3+$0xFFFFFFD0]  }
0x252: {  	[tilespmem:s17+$0xFFFFFF40] =	vst v2;
	v2 =	vld [tilespmem:s10+$0xFFFFFFD0]  }
0x253: {  	v6 =	vld [tilespmem:s3+$0xFFFFFF50];
	v0 =	vadd.f32 v3, v0  }
0x254: {  	v3 =	vld [tilespmem:s10+$0xFFFFFF50]  }
0x255: {  	v1 =	vadd.f32 v1, v4;
	[tilespmem:s17+$0xD0] =	vst v0  }
0x256: {  	v7 =	vld [tilespmem:s3+$0xE0]  }
0x257: {  	v0 =	vadd.f32 v2, v5;
	v5 =	vld [tilespmem:s10+$0xE0];
	[tilespmem:s17+$0x40] =	vst v1  }
0x258: {  	v1 =	vld [tilespmem:s3+$0x50]  }
0x259: {  	v2 =	vadd.f32 v3, v6;
	[tilespmem:s17+$0xFFFFFFD0] =	vst v0;
	v4 =	vld [tilespmem:s10+$0x50]  }
0x25a: {  	v0 =	vld [tilespmem:s3+$0xFFFFFFE0]  }
0x25b: {  	v3 =	vld [tilespmem:s10+$0xFFFFFFE0];
	[tilespmem:s17+$0xFFFFFF50] =	vst v2  }
0x25c: {  	s18 =	simm.s32 $0x0;
	s13 =	simm.s32 $0x1B00;
	v2 =	vld [tilespmem:s3+$0xFFFFFF60];
	v6 =	vadd.f32 v5, v7  }
0x25d: {  	s31 =	simm.s32 $0x17B00;
	s12 =	simm.s32 $0xD900;
	s1 =	smul.u32 $0x6, s4;
	v5 =	vld [tilespmem:s10+$0xFFFFFF60]  }
.LBB2_7:
0x25e: {  	v7 =	vld [tilespmem:s13+$0x80];
	v1 =	vadd.f32 v4, v1;
	[tilespmem:s17+$0xE0] =	vst v6  }
0x25f: {  	v4 =	vld [tilespmem:s3+$0xF0]  }
0x260: {  	s31 =	sadd.s32 $0x200, s31;
	v0 =	vadd.f32 v3, v0;
	[tilespmem:s17+$0x50] =	vst v1;
	v1 =	vld [tilespmem:s10+$0xF0]  }
0x261: {  	v3 =	vld [tilespmem:s31+$0x80]  }
0x262: {  	v6 =	vld [tilespmem:s31+$0xFFFFFF00];
	v2 =	vadd.f32 v5, v2;
	[tilespmem:s17+$0xFFFFFFE0] =	vst v0  }
0x263: {  	v0 =	vld [tilespmem:s13+$0xFFFFFF80]  }
0x264: {  	v5 =	vld [tilespmem:s31+$0xFFFFFF80];
	[tilespmem:s17+$0xFFFFFF60] =	vst v2  }
0x265: {  	v2 =	vld [tilespmem:s13+$0x0];
	v1 =	vadd.f32 v1, v4  }
0x266: {  	v4 =	vld [tilespmem:s31+$0x0];
	v3 =	vadd.f32 v3, v7  }
0x267: {  	s17 =	sadd.s32 $0x200, s17;
	v7 =	vld [tilespmem:s13+$0xFFFFFF00];
	[tilespmem:s12+$0xF0] =	vst v1  }
0x268: {  	s18 =	sadd.s32 $0x4, s18;
	[tilespmem:s17+$0x80] =	vst v3;
	v1 =	vld [tilespmem:s3+$0x60]  }
0x269: {  	p1 =	slt.u32 s18, $0x7C;
	v0 =	vadd.f32 v5, v0;
	v3 =	vld [tilespmem:s13+$0x90]  }
0x26a: {  	v5 =	vld [tilespmem:s31+$0x90]  }
0x26b: {  	[tilespmem:s17+$0xFFFFFF80] =	vst v0;
	v0 =	vadd.f32 v4, v2;
	v2 =	vld [tilespmem:s10+$0x60]  }
0x26c: {  	v4 =	vadd.f32 v6, v7;
	v6 =	vld [tilespmem:s13+$0xFFFFFF90]  }
0x26d: {  	v7 =	vld [tilespmem:s31+$0xFFFFFF90];
	[tilespmem:s17+$0x0] =	vst v0  }
0x26e: {  	[tilespmem:s17+$0xFFFFFF00] =	vst v4;
	v0 =	vld [tilespmem:s13+$0x10]  }
0x26f: {  	v4 =	vld [tilespmem:s13+$0xFFFFFF10];
	v3 =	vadd.f32 v5, v3  }
0x270: {  	v5 =	vld [tilespmem:s31+$0xFFFFFF10];
	v1 =	vadd.f32 v2, v1  }
0x271: {  	v2 =	vld [tilespmem:s31+$0x10];
	[tilespmem:s17+$0x90] =	vst v3  }
0x272: {  	v3 =	vadd.f32 v7, v6;
	v6 =	vld [tilespmem:s13+$0xA0];
	[tilespmem:s12+$0x60] =	vst v1  }
0x273: {  	v1 =	vld [tilespmem:s31+$0xA0]  }
0x274: {  	[tilespmem:s17+$0xFFFFFF90] =	vst v3;
	v3 =	vld [tilespmem:s3+$0xFFFFFF70]  }
0x275: {  	v4 =	vadd.f32 v5, v4;
	v5 =	vld [tilespmem:s13+$0xFFFFFFA0]  }
0x276: {  	v7 =	vld [tilespmem:s31+$0xFFFFFFA0];
	v0 =	vadd.f32 v2, v0  }
0x277: {  	[tilespmem:s17+$0xFFFFFF10] =	vst v4;
	v2 =	vld [tilespmem:s10+$0xFFFFFF70]  }
0x278: {  	v4 =	vld [tilespmem:s13+$0xFFFFFF20];
	[tilespmem:s17+$0x10] =	vst v0;
	v0 =	vadd.f32 v1, v6  }
0x279: {  	v1 =	vld [tilespmem:s31+$0xFFFFFF20]  }
0x27a: {  	v6 =	vld [tilespmem:s13+$0x20];
	[tilespmem:s17+$0xA0] =	vst v0  }
0x27b: {  	v0 =	vadd.f32 v7, v5;
	v5 =	vld [tilespmem:s13+$0xB0]  }
0x27c: {  	v7 =	vld [tilespmem:s31+$0xB0];
	v2 =	vadd.f32 v2, v3  }
0x27d: {  	[tilespmem:s17+$0xFFFFFFA0] =	vst v0;
	v0 =	vld [tilespmem:s31+$0x20]  }
0x27e: {  	v1 =	vadd.f32 v1, v4;
	v3 =	vld [tilespmem:s13+$0xFFFFFFB0];
	[tilespmem:s12+$0xFFFFFF70] =	vst v2  }
0x27f: {  	v2 =	vld [tilespmem:s31+$0xFFFFFFB0]  }
0x280: {  	[tilespmem:s17+$0xFFFFFF20] =	vst v1;
	v1 =	vld [tilespmem:s3+$0xFFFFFFF0]  }
0x281: {  	v4 =	vld [tilespmem:s13+$0xFFFFFF30];
	v5 =	vadd.f32 v7, v5  }
0x282: {  	v7 =	vld [tilespmem:s31+$0xFFFFFF30];
	v0 =	vadd.f32 v0, v6  }
0x283: {  	[tilespmem:s17+$0xB0] =	vst v5;
	v5 =	vld [tilespmem:s10+$0xFFFFFFF0]  }
0x284: {  	v2 =	vadd.f32 v2, v3;
	[tilespmem:s17+$0x20] =	vst v0;
	v0 =	vld [tilespmem:s13+$0xC0]  }
0x285: {  	v3 =	vld [tilespmem:s31+$0xC0]  }
0x286: {  	[tilespmem:s17+$0xFFFFFFB0] =	vst v2;
	v2 =	vld [tilespmem:s13+$0x30]  }
0x287: {  	v4 =	vadd.f32 v7, v4;
	v6 =	vld [tilespmem:s31+$0x30]  }
0x288: {  	v7 =	vld [tilespmem:s13+$0xFFFFFFC0];
	v1 =	vadd.f32 v5, v1  }
0x289: {  	[tilespmem:s17+$0xFFFFFF30] =	vst v4;
	v4 =	vld [tilespmem:s31+$0xFFFFFFC0]  }
0x28a: {  	v5 =	vld [tilespmem:s13+$0xFFFFFF40];
	v0 =	vadd.f32 v3, v0;
	[tilespmem:s12+$0xFFFFFFF0] =	vst v1  }
0x28b: {  	v1 =	vld [tilespmem:s31+$0xFFFFFF40]  }
0x28c: {  	v2 =	vadd.f32 v6, v2;
	[tilespmem:s17+$0xC0] =	vst v0;
	v3 =	vld [tilespmem:s3+$0x70];
	s3 =	smov.u32 s13  }
0x28d: {  	v0 =	vld [tilespmem:s13+$0xD0]  }
0x28e: {  	v4 =	vadd.f32 v4, v7;
	[tilespmem:s17+$0x30] =	vst v2;
	v2 =	vld [tilespmem:s31+$0xD0]  }
0x28f: {  	v6 =	vld [tilespmem:s13+$0x40]  }
0x290: {  	v1 =	vadd.f32 v1, v5;
	[tilespmem:s17+$0xFFFFFFC0] =	vst v4;
	v4 =	vld [tilespmem:s31+$0x40]  }
0x291: {  	v5 =	vld [tilespmem:s13+$0xFFFFFFD0]  }
0x292: {  	[tilespmem:s17+$0xFFFFFF40] =	vst v1;
	v1 =	vld [tilespmem:s31+$0xFFFFFFD0]  }
0x293: {  	v7 =	vld [tilespmem:s13+$0xFFFFFF50];
	v0 =	vadd.f32 v2, v0  }
0x294: {  	v2 =	vld [tilespmem:s31+$0xFFFFFF50]  }
0x295: {  	v4 =	vadd.f32 v4, v6;
	[tilespmem:s17+$0xD0] =	vst v0;
	v6 =	vld [tilespmem:s10+$0x70];
	s10 =	smov.u32 s31  }
0x296: {  	v8 =	vld [tilespmem:s13+$0xE0]  }
0x297: {  	v0 =	vadd.f32 v1, v5;
	[tilespmem:s17+$0x40] =	vst v4;
	v5 =	vld [tilespmem:s31+$0xE0]  }
0x298: {  	v1 =	vld [tilespmem:s13+$0x50]  }
.Ltmp4:
0x299: {  	v2 =	vadd.f32 v2, v7;
	[tilespmem:s17+$0xFFFFFFD0] =	vst v0;
	v4 =	vld [tilespmem:s31+$0x50];
	(pc) =	sbr.rel @p1 .LBB2_7-.Ltmp4, $4  }
0x29a: {  	v0 =	vld [tilespmem:s13+$0xFFFFFFE0];
	v7 =	vadd.f32 v6, v3  }
0x29b: {  	[tilespmem:s17+$0xFFFFFF50] =	vst v2;
	v3 =	vld [tilespmem:s31+$0xFFFFFFE0]  }
0x29c: {  	v2 =	vld [tilespmem:s13+$0xFFFFFF60];
	v6 =	vadd.f32 v5, v8;
	[tilespmem:s12+$0x70] =	vst v7;
	s12 =	smov.u32 s17  }
0x29d: {  	s13 =	sadd.s32 $0x200, s13;
	v5 =	vld [tilespmem:s31+$0xFFFFFF60]  }
0x29e: {  	v1 =	vadd.f32 v4, v1;
	_ =	sdelay $0x1  }
0x29f: {  	[tilespmem:s17+$0x50] =	vst v1  }
0x2a0: {  	v1 =	vld [tilespmem:s3+$0x60]  }
0x2a1: {  	v4 =	vld [tilespmem:s10+$0x60]  }
0x2a2: {  	[tilespmem:s17+$0xE0] =	vst v6;
	v2 =	vadd.f32 v5, v2  }
0x2a3: {  	v0 =	vadd.f32 v3, v0;
	v3 =	vld [tilespmem:s10+$0xF0]  }
0x2a4: {  	v5 =	vld [tilespmem:s3+$0xF0];
	[tilespmem:s17+$0xFFFFFF60] =	vst v2  }
0x2a5: {  	v2 =	vld [tilespmem:s3+$0xFFFFFF70]  }
0x2a6: {  	[tilespmem:s17+$0xFFFFFFE0] =	vst v0;
	v0 =	vadd.f32 v4, v1;
	v1 =	vld [tilespmem:s10+$0xFFFFFF70]  }
0x2a7: {  	v4 =	vld [tilespmem:s3+$0xFFFFFFF0]  }
0x2a8: {  	[tilespmem:s12+$0x60] =	vst v0;
	v0 =	vld [tilespmem:s10+$0xFFFFFFF0]  }
0x2a9: {  	v6 =	vld [tilespmem:s3+$0x70]  }
0x2aa: {  	v7 =	vld [tilespmem:s10+$0x70];
	_ =	sdelay $0x1  }
0x2ab: {  	v3 =	vadd.f32 v3, v5  }
0x2ac: {  	v1 =	vadd.f32 v1, v2  }
0x2ad: {  	[tilespmem:s12+$0xF0] =	vst v3;
	v0 =	vadd.f32 v0, v4  }
0x2ae: {  	[tilespmem:s12+$0xFFFFFF70] =	vst v1;
	v1 =	vadd.f32 v7, v6  }
0x2af: {  	[tilespmem:s12+$0xFFFFFFF0] =	vst v0  }
0x2b0: {  	s2 =	sadd.s32 s5, s2;
	s3 =	simm.s32 @!p0 $0x6;
	[tilespmem:s12+$0x70] =	vst v1  }
0x2b1: {  	[hbm4b:s2+s7] =	stream.linear.scatter [tilespmem:s20], [sflag:$0x7], $0x4000, $0x38;
	[tilespmem:$0x1FA00] =	vst v63  }
0x2b2: {  	s2 =	sadd.s32 $0x2, s1;
	_ =	swait.ge @!p0 [sflag:s3], $0x4000  }
0x2b3: {  	s9 =	sshll.u32 s2, $0x7;
	[sflag:s3] =	ssyncset.done @!p0 $0x0  }
0x2b4: {  	s17 =	smul.u32 $0x18000, s4;
	s13 =	sand.u32 $0x3FFFFF80, s9;
	[sflag:s3] =	ssyncadd.s32 @!p0 $0xFFFFC000  }
0x2b5: {  	[tilespmem:s21], [sflag:$0x3] =	stream.indirect.gather [hbm4b:s0+s14], $0x80, s13, s14, $0xb8;
	[tilespmem:$0x1FA00] =	vst v63  }
0x2b6: {  	s18 =	sadd.s32 s17, s11;
	_ =	swait.ge [sflag:s22], $0x4000  }
0x2b7: {  	s3 =	sshrl.u32 s18, $0x3;
	[sflag:s22] =	ssyncset.done $0x0  }
0x2b8: {  	s9 =	simm.s32 @!p0 $0x8;
	s31 =	sadd.s32 s6, s3;
	[sflag:s22] =	ssyncadd.s32 $0xFFFFC000  }
0x2b9: {  	[hbm4b:s31+s7] =	stream.linear.scatter [tilespmem:s16], [sflag:$0x5], $0x4000, $0x38;
	[tilespmem:$0x1FA00] =	vst v63  }
0x2ba: {  	_ =	swait.ge @!p0 [sflag:s9], $0x4000  }
0x2bb: {  	[sflag:s9] =	ssyncset.done @!p0 $0x0  }
0x2bc: {  	s10 =	simm.s32 $0x0;
	[sflag:s9] =	ssyncadd.s32 @!p0 $0xFFFFC000  }
0x2bd: {  	v0 =	vld [tilespmem:s10+$0x5800]  }
0x2be: {  	v1 =	vld [tilespmem:s10+$0x1BA00]  }
0x2bf: {  	v2 =	vld [tilespmem:s10+$0x5810]  }
0x2c0: {  	v3 =	vld [tilespmem:s10+$0x1BA10]  }
0x2c1: {  	v4 =	vld [tilespmem:s10+$0x5820]  }
0x2c2: {  	v5 =	vld [tilespmem:s10+$0x1BA20]  }
0x2c3: {  	v6 =	vld [tilespmem:s10+$0x1BA30]  }
0x2c4: {  	v7 =	vld [tilespmem:s10+$0x59F0]  }
0x2c5: {  	v8 =	vld [tilespmem:s10+$0x1BBF0]  }
0x2c6: {  	v9 =	vld [tilespmem:s10+$0x1BA60]  }
0x2c7: {  	v10 =	vld [tilespmem:s10+$0x5880]  }
0x2c8: {  	v11 =	vld [tilespmem:s10+$0x1BA80]  }
0x2c9: {  	v12 =	vld [tilespmem:s10+$0x5890]  }
0x2ca: {  	v13 =	vld [tilespmem:s10+$0x1BA90]  }
0x2cb: {  	v14 =	vld [tilespmem:s10+$0x58A0]  }
0x2cc: {  	v45 =	vld [tilespmem:s10+$0x58B0]  }
0x2cd: {  	v15 =	vld [tilespmem:s10+$0x5870]  }
0x2ce: {  	v47 =	vld [tilespmem:s10+$0x58C0]  }
0x2cf: {  	v48 =	vld [tilespmem:s10+$0x1BAC0]  }
0x2d0: {  	v16 =	vld [tilespmem:s10+$0x1BA70]  }
0x2d1: {  	v49 =	vld [tilespmem:s10+$0x58D0]  }
0x2d2: {  	v17 =	vld [tilespmem:s10+$0x1BAD0]  }
0x2d3: {  	v18 =	vld [tilespmem:s10+$0x5900]  }
0x2d4: {  	v19 =	vld [tilespmem:s10+$0x1BB00]  }
0x2d5: {  	v20 =	vld [tilespmem:s10+$0x5910]  }
0x2d6: {  	v21 =	vld [tilespmem:s10+$0x1BB10]  }
0x2d7: {  	v22 =	vld [tilespmem:s10+$0x5920]  }
0x2d8: {  	v50 =	vld [tilespmem:s10+$0x1BB20]  }
0x2d9: {  	v51 =	vld [tilespmem:s10+$0x5930]  }
0x2da: {  	v23 =	vld [tilespmem:s10+$0x58E0]  }
0x2db: {  	v53 =	vld [tilespmem:s10+$0x5940]  }
0x2dc: {  	v0 =	vadd.f32 v1, v0;
	v1 =	vld [tilespmem:s10+$0x5830]  }
0x2dd: {  	v54 =	vld [tilespmem:s10+$0x1BB40]  }
0x2de: {  	v55 =	vld [tilespmem:s10+$0x1BAE0]  }
0x2df: {  	v56 =	vld [tilespmem:s10+$0x5950];
	v10 =	vadd.f32 v11, v10  }
0x2e0: {  	v46 =	vadd.f32 v13, v12;
	[tilespmem:s10+$0x11800] =	vst v0;
	v0 =	vadd.f32 v3, v2;
	v2 =	vld [tilespmem:s10+$0x5840]  }
0x2e1: {  	[tilespmem:s10+$0x11880] =	vst v10;
	v1 =	vadd.f32 v6, v1;
	v6 =	vld [tilespmem:s10+$0x1BAA0]  }
0x2e2: {  	v18 =	vadd.f32 v19, v18;
	v3 =	vld [tilespmem:s10+$0x1BA40];
	[tilespmem:s10+$0x11890] =	vst v46  }
0x2e3: {  	v52 =	vadd.f32 v21, v20;
	[tilespmem:s10+$0x11810] =	vst v0;
	v0 =	vadd.f32 v5, v4;
	v4 =	vld [tilespmem:s10+$0x5850]  }
0x2e4: {  	[tilespmem:s10+$0x11900] =	vst v18;
	v5 =	vld [tilespmem:s10+$0x1BA50]  }
0x2e5: {  	v57 =	vld [tilespmem:s10+$0x58F0];
	v7 =	vadd.f32 v8, v7;
	[tilespmem:s10+$0x11910] =	vst v52  }
0x2e6: {  	[tilespmem:s10+$0x11820] =	vst v0;
	v0 =	vld [tilespmem:s10+$0x5860];
	v6 =	vadd.f32 v6, v14  }
0x2e7: {  	v58 =	vld [tilespmem:s10+$0x5960];
	[tilespmem:s10+$0x119F0] =	vst v7  }
0x2e8: {  	v2 =	vadd.f32 v3, v2;
	[tilespmem:s10+$0x118A0] =	vst v6;
	v6 =	vld [tilespmem:s10+$0x1BB30]  }
0x2e9: {  	[tilespmem:s10+$0x11830] =	vst v1;
	v1 =	vld [tilespmem:s10+$0x1BAB0];
	v4 =	vadd.f32 v5, v4  }
0x2ea: {  	v59 =	vld [tilespmem:s10+$0x1BB60];
	[tilespmem:s10+$0x11840] =	vst v2;
	v14 =	vadd.f32 v50, v22  }
0x2eb: {  	v5 =	vld [tilespmem:s10+$0x5980];
	v0 =	vadd.f32 v9, v0;
	[tilespmem:s10+$0x11850] =	vst v4  }
0x2ec: {  	v2 =	vld [tilespmem:s10+$0x1BB80];
	v4 =	vadd.f32 v16, v15;
	[tilespmem:s10+$0x11920] =	vst v14  }
0x2ed: {  	v60 =	vld [tilespmem:s10+$0x1BB90];
	[tilespmem:s10+$0x11860] =	vst v0;
	v6 =	vadd.f32 v6, v51  }
0x2ee: {  	v7 =	vld [tilespmem:s10+$0x5990];
	v1 =	vadd.f32 v1, v45;
	[tilespmem:s10+$0x11870] =	vst v4  }
0x2ef: {  	v0 =	vadd.f32 v48, v47;
	[tilespmem:s10+$0x11930] =	vst v6;
	v6 =	vld [tilespmem:s10+$0x1BAF0]  }
0x2f0: {  	v61 =	vld [tilespmem:s10+$0x59A0];
	v4 =	vadd.f32 v17, v49;
	[tilespmem:s10+$0x118B0] =	vst v1  }
0x2f1: {  	v63 =	vld [tilespmem:s10+$0x1BB70];
	v2 =	vadd.f32 v2, v5;
	[tilespmem:s10+$0x118C0] =	vst v0  }
0x2f2: {  	v1 =	vld [tilespmem:s10+$0x1BB50];
	v0 =	vadd.f32 v55, v23;
	[tilespmem:s10+$0x118D0] =	vst v4  }
0x2f3: {  	v3 =	vld [tilespmem:s10+$0x5970];
	[tilespmem:s10+$0x11980] =	vst v2;
	v2 =	vadd.f32 v60, v7  }
0x2f4: {  	v62 =	vld [tilespmem:s10+$0x1BBA0];
	[tilespmem:s10+$0x118E0] =	vst v0;
	v0 =	vadd.f32 v6, v57  }
0x2f5: {  	v5 =	vld [tilespmem:s10+$0x1BBB0];
	[tilespmem:s10+$0x11990] =	vst v2;
	v6 =	vadd.f32 v54, v53  }
0x2f6: {  	v4 =	vld [tilespmem:s10+$0x59B0];
	v7 =	vadd.f32 v59, v58;
	[tilespmem:s10+$0x118F0] =	vst v0  }
0x2f7: {  	v0 =	vld [tilespmem:s10+$0x59C0];
	[tilespmem:s10+$0x11940] =	vst v6;
	v6 =	vadd.f32 v1, v56  }
0x2f8: {  	[tilespmem:s10+$0x11960] =	vst v7;
	v7 =	vadd.f32 v63, v3;
	v1 =	vld [tilespmem:s10+$0x1BBC0]  }
0x2f9: {  	v2 =	vld [tilespmem:s10+$0x59D0];
	[tilespmem:s10+$0x11950] =	vst v6;
	v6 =	vadd.f32 v62, v61  }
0x2fa: {  	v3 =	vld [tilespmem:s10+$0x1BBD0];
	[tilespmem:s10+$0x11970] =	vst v7  }
0x2fb: {  	s12 =	simm.s32 $0x0;
	s9 =	simm.s32 $0x800;
	v5 =	vadd.f32 v5, v4;
	v4 =	vld [tilespmem:s10+$0x59E0];
	[tilespmem:s10+$0x119A0] =	vst v6  }
.LBB2_9:
0x2fc: {  	s13 =	sshra.s32 s9, $0x2;
	v6 =	vld [tilespmem:s10+$0x1BBE0]  }
0x2fd: {  	s12 =	sadd.s32 $0x4, s12;
	v7 =	vld [tilespmem:s13+$0x59F0];
	[tilespmem:s10+$0x119B0] =	vst v5;
	v0 =	vadd.f32 v1, v0  }
0x2fe: {  	p0 =	slt.u32 s12, $0x7C;
	v1 =	vld [tilespmem:s13+$0x1BBF0]  }
0x2ff: {  	v5 =	vld [tilespmem:s13+$0x5800];
	[tilespmem:s10+$0x119C0] =	vst v0;
	v0 =	vadd.f32 v3, v2  }
0x300: {  	v2 =	vld [tilespmem:s13+$0x1BA00]  }
0x301: {  	v3 =	vld [tilespmem:s13+$0x5810];
	[tilespmem:s10+$0x119D0] =	vst v0;
	v0 =	vadd.f32 v6, v4  }
0x302: {  	v4 =	vld [tilespmem:s13+$0x1BA10]  }
0x303: {  	v6 =	vld [tilespmem:s13+$0x5820];
	v1 =	vadd.f32 v1, v7;
	[tilespmem:s10+$0x119E0] =	vst v0;
	s10 =	smov.u32 s13  }
0x304: {  	v0 =	vld [tilespmem:s10+$0x1BA20]  }
0x305: {  	v2 =	vadd.f32 v2, v5;
	v5 =	vld [tilespmem:s10+$0x5830];
	[tilespmem:s10+$0x119F0] =	vst v1  }
0x306: {  	v1 =	vld [tilespmem:s10+$0x1BA30]  }
0x307: {  	[tilespmem:s10+$0x11800] =	vst v2;
	v2 =	vadd.f32 v4, v3;
	v3 =	vld [tilespmem:s10+$0x5840]  }
0x308: {  	v4 =	vld [tilespmem:s10+$0x1BA40]  }
0x309: {  	[tilespmem:s10+$0x11810] =	vst v2;
	v0 =	vadd.f32 v0, v6;
	v2 =	vld [tilespmem:s10+$0x5850]  }
0x30a: {  	v6 =	vld [tilespmem:s10+$0x1BA50]  }
0x30b: {  	[tilespmem:s10+$0x11820] =	vst v0;
	v0 =	vadd.f32 v1, v5;
	v1 =	vld [tilespmem:s10+$0x5860]  }
0x30c: {  	v5 =	vld [tilespmem:s10+$0x1BA60]  }
0x30d: {  	[tilespmem:s10+$0x11830] =	vst v0;
	v0 =	vadd.f32 v4, v3;
	v3 =	vld [tilespmem:s10+$0x5870]  }
0x30e: {  	v4 =	vld [tilespmem:s10+$0x1BA70]  }
0x30f: {  	[tilespmem:s10+$0x11840] =	vst v0;
	v0 =	vadd.f32 v6, v2;
	v2 =	vld [tilespmem:s10+$0x5880]  }
0x310: {  	v6 =	vld [tilespmem:s10+$0x1BA80]  }
0x311: {  	[tilespmem:s10+$0x11850] =	vst v0;
	v0 =	vadd.f32 v5, v1;
	v1 =	vld [tilespmem:s10+$0x5890]  }
0x312: {  	v5 =	vld [tilespmem:s10+$0x1BA90]  }
0x313: {  	[tilespmem:s10+$0x11860] =	vst v0;
	v0 =	vadd.f32 v4, v3;
	v3 =	vld [tilespmem:s10+$0x58A0]  }
0x314: {  	v4 =	vld [tilespmem:s10+$0x1BAA0]  }
0x315: {  	[tilespmem:s10+$0x11870] =	vst v0;
	v0 =	vadd.f32 v6, v2;
	v2 =	vld [tilespmem:s10+$0x58B0]  }
0x316: {  	v6 =	vld [tilespmem:s10+$0x1BAB0]  }
0x317: {  	[tilespmem:s10+$0x11880] =	vst v0;
	v0 =	vadd.f32 v5, v1;
	v1 =	vld [tilespmem:s10+$0x58C0]  }
0x318: {  	v5 =	vld [tilespmem:s10+$0x1BAC0]  }
0x319: {  	[tilespmem:s10+$0x11890] =	vst v0;
	v0 =	vadd.f32 v4, v3;
	v3 =	vld [tilespmem:s10+$0x58D0]  }
0x31a: {  	v4 =	vld [tilespmem:s10+$0x1BAD0]  }
0x31b: {  	[tilespmem:s10+$0x118A0] =	vst v0;
	v0 =	vadd.f32 v6, v2;
	v2 =	vld [tilespmem:s10+$0x58E0]  }
0x31c: {  	v6 =	vld [tilespmem:s10+$0x1BAE0]  }
0x31d: {  	[tilespmem:s10+$0x118B0] =	vst v0;
	v0 =	vadd.f32 v5, v1;
	v1 =	vld [tilespmem:s10+$0x58F0]  }
0x31e: {  	v5 =	vld [tilespmem:s10+$0x1BAF0]  }
0x31f: {  	[tilespmem:s10+$0x118C0] =	vst v0;
	v0 =	vadd.f32 v4, v3;
	v3 =	vld [tilespmem:s10+$0x5900]  }
0x320: {  	v4 =	vld [tilespmem:s10+$0x1BB00]  }
0x321: {  	[tilespmem:s10+$0x118D0] =	vst v0;
	v0 =	vadd.f32 v6, v2;
	v2 =	vld [tilespmem:s10+$0x5910]  }
0x322: {  	v6 =	vld [tilespmem:s10+$0x1BB10]  }
0x323: {  	[tilespmem:s10+$0x118E0] =	vst v0;
	v0 =	vadd.f32 v5, v1;
	v1 =	vld [tilespmem:s10+$0x5920]  }
0x324: {  	v5 =	vld [tilespmem:s10+$0x1BB20]  }
0x325: {  	[tilespmem:s10+$0x118F0] =	vst v0;
	v0 =	vadd.f32 v4, v3;
	v3 =	vld [tilespmem:s10+$0x5930]  }
0x326: {  	v4 =	vld [tilespmem:s10+$0x1BB30]  }
0x327: {  	[tilespmem:s10+$0x11900] =	vst v0;
	v0 =	vadd.f32 v6, v2;
	v2 =	vld [tilespmem:s10+$0x5940]  }
0x328: {  	v6 =	vld [tilespmem:s10+$0x1BB40]  }
0x329: {  	[tilespmem:s10+$0x11910] =	vst v0;
	v0 =	vadd.f32 v5, v1;
	v1 =	vld [tilespmem:s10+$0x5950]  }
0x32a: {  	v5 =	vld [tilespmem:s10+$0x1BB50]  }
0x32b: {  	[tilespmem:s10+$0x11920] =	vst v0;
	v0 =	vadd.f32 v4, v3;
	v3 =	vld [tilespmem:s10+$0x5960]  }
0x32c: {  	v4 =	vld [tilespmem:s10+$0x1BB60]  }
0x32d: {  	[tilespmem:s10+$0x11930] =	vst v0;
	v0 =	vadd.f32 v6, v2;
	v2 =	vld [tilespmem:s10+$0x5970]  }
0x32e: {  	v6 =	vld [tilespmem:s10+$0x1BB70]  }
0x32f: {  	[tilespmem:s10+$0x11940] =	vst v0;
	v0 =	vadd.f32 v5, v1;
	v1 =	vld [tilespmem:s10+$0x5980]  }
0x330: {  	v5 =	vld [tilespmem:s10+$0x1BB80]  }
0x331: {  	[tilespmem:s10+$0x11950] =	vst v0;
	v0 =	vadd.f32 v4, v3;
	v3 =	vld [tilespmem:s10+$0x5990]  }
0x332: {  	v4 =	vld [tilespmem:s10+$0x1BB90]  }
0x333: {  	[tilespmem:s10+$0x11960] =	vst v0;
	v0 =	vadd.f32 v6, v2;
	v2 =	vld [tilespmem:s10+$0x59A0]  }
0x334: {  	v6 =	vld [tilespmem:s10+$0x1BBA0]  }
0x335: {  	[tilespmem:s10+$0x11970] =	vst v0;
	v0 =	vadd.f32 v5, v1;
	v5 =	vld [tilespmem:s10+$0x59B0]  }
0x336: {  	v7 =	vld [tilespmem:s10+$0x1BBB0]  }
.Ltmp5:
0x337: {  	[tilespmem:s10+$0x11980] =	vst v0;
	v3 =	vadd.f32 v4, v3;
	v0 =	vld [tilespmem:s10+$0x59C0];
	(pc) =	sbr.rel @p0 .LBB2_9-.Ltmp5, $4  }
0x338: {  	v1 =	vld [tilespmem:s10+$0x1BBC0]  }
0x339: {  	[tilespmem:s10+$0x11990] =	vst v3;
	v4 =	vadd.f32 v6, v2;
	v2 =	vld [tilespmem:s10+$0x59D0]  }
0x33a: {  	v3 =	vld [tilespmem:s10+$0x1BBD0]  }
0x33b: {  	s9 =	sadd.s32 $0x800, s9;
	[tilespmem:s10+$0x119A0] =	vst v4;
	v5 =	vadd.f32 v7, v5;
	v4 =	vld [tilespmem:s10+$0x59E0]  }
0x33c: {  	v6 =	vld [tilespmem:s10+$0x1BBE0];
	_ =	sdelay $0x2  }
0x33d: {  	v0 =	vadd.f32 v1, v0  }
0x33e: {  	[tilespmem:s10+$0x119B0] =	vst v5;
	v1 =	vadd.f32 v3, v2  }
0x33f: {  	[tilespmem:s10+$0x119C0] =	vst v0;
	v0 =	vadd.f32 v6, v4  }
0x340: {  	[tilespmem:s10+$0x119D0] =	vst v1  }
0x341: {  	s3 =	sadd.s32 s5, s3;
	[tilespmem:s10+$0x119E0] =	vst v0  }
0x342: {  	[hbm4b:s3+s7] =	stream.linear.scatter [tilespmem:s23], [sflag:$0x8], $0x4000, $0x38;
	[tilespmem:$0x1FA00] =	vst v63  }
0x343: {  	s3 =	sadd.s32 $0x3, s1;
	_ =	swait.ge [sflag:s24], $0x4000  }
0x344: {  	s9 =	sshll.u32 s3, $0x7;
	[sflag:s24] =	ssyncset.done $0x0  }
0x345: {  	s2 =	sshll.u32 s2, $0xE;
	s9 =	sand.u32 $0x3FFFFF80, s9;
	[sflag:s24] =	ssyncadd.s32 $0xFFFFC000  }
0x346: {  	[tilespmem:s15], [sflag:$0x1] =	stream.indirect.gather [hbm4b:s0+s14], $0x80, s9, s14, $0xb8;
	[tilespmem:$0x1FA00] =	vst v63  }
0x347: {  	s2 =	sadd.s32 s8, s2;
	_ =	swait.ge [sflag:s25], $0x4000  }
0x348: {  	s2 =	sshrl.u32 s2, $0x3;
	[sflag:s25] =	ssyncset.done $0x0  }
0x349: {  	s18 =	sadd.s32 s6, s2;
	[sflag:s25] =	ssyncadd.s32 $0xFFFFC000  }
0x34a: {  	[hbm4b:s18+s7] =	stream.linear.scatter [tilespmem:s21], [sflag:$0x6], $0x4000, $0x38;
	[tilespmem:$0x1FA00] =	vst v63  }
0x34b: {  	_ =	swait.ge [sflag:s26], $0x4000  }
0x34c: {  	[sflag:s26] =	ssyncset.done $0x0  }
0x34d: {  	s10 =	simm.s32 $0x9900;
	[sflag:s26] =	ssyncadd.s32 $0xFFFFC000  }
0x34e: {  	s17 =	simm.s32 $0x19BF0;
	v0 =	vld [tilespmem:s10+$0x80]  }
0x34f: {  	v1 =	vld [tilespmem:s17+$0xFFFFFF90];
	_ =	sdelay $0x2  }
0x350: {  	v2 =	vld [tilespmem:s10+$0xFFFFFF80]  }
0x351: {  	v3 =	vld [tilespmem:s17+$0xFFFFFE90]  }
0x352: {  	v4 =	vld [tilespmem:s17+$0xFFFFFE10];
	v0 =	vadd.f32 v1, v0  }
0x353: {  	s18 =	simm.s32 $0xD900;
	v1 =	vld [tilespmem:s10+$0xFFFFFF00]  }
0x354: {  	[tilespmem:s18+$0x80] =	vst v0  }
0x355: {  	v0 =	vld [tilespmem:s10+$0x90]  }
0x356: {  	v2 =	vadd.f32 v3, v2;
	v3 =	vld [tilespmem:s17+$0xFFFFFFA0]  }
0x357: {  	v5 =	vld [tilespmem:s10+$0x0]  }
0x358: {  	v6 =	vld [tilespmem:s17+$0xFFFFFF10];
	[tilespmem:s18+$0xFFFFFF80] =	vst v2;
	v1 =	vadd.f32 v4, v1  }
0x359: {  	v2 =	vld [tilespmem:s10+$0xFFFFFF90]  }
0x35a: {  	v4 =	vld [tilespmem:s17+$0xFFFFFEA0];
	[tilespmem:s18+$0xFFFFFF00] =	vst v1  }
0x35b: {  	v1 =	vld [tilespmem:s10+$0xFFFFFF10];
	v0 =	vadd.f32 v3, v0  }
0x35c: {  	v3 =	vld [tilespmem:s17+$0xFFFFFE20]  }
0x35d: {  	v5 =	vadd.f32 v6, v5;
	[tilespmem:s18+$0x90] =	vst v0  }
0x35e: {  	v0 =	vld [tilespmem:s10+$0xA0]  }
0x35f: {  	[tilespmem:s18+$0x0] =	vst v5;
	v2 =	vadd.f32 v4, v2;
	v4 =	vld [tilespmem:s17+$0xFFFFFFB0]  }
0x360: {  	v5 =	vld [tilespmem:s10+$0x10]  }
0x361: {  	v6 =	vld [tilespmem:s17+$0xFFFFFF20];
	[tilespmem:s18+$0xFFFFFF90] =	vst v2;
	v1 =	vadd.f32 v3, v1  }
0x362: {  	v2 =	vld [tilespmem:s10+$0xFFFFFFA0]  }
0x363: {  	v3 =	vld [tilespmem:s17+$0xFFFFFEB0];
	[tilespmem:s18+$0xFFFFFF10] =	vst v1  }
0x364: {  	v1 =	vld [tilespmem:s10+$0xFFFFFF20];
	v0 =	vadd.f32 v4, v0  }
0x365: {  	v4 =	vld [tilespmem:s17+$0xFFFFFE30]  }
0x366: {  	v5 =	vadd.f32 v6, v5;
	[tilespmem:s18+$0xA0] =	vst v0  }
0x367: {  	v0 =	vld [tilespmem:s10+$0xB0]  }
0x368: {  	[tilespmem:s18+$0x10] =	vst v5;
	v2 =	vadd.f32 v3, v2;
	v3 =	vld [tilespmem:s17+$0xFFFFFFC0]  }
0x369: {  	v5 =	vld [tilespmem:s10+$0x20]  }
0x36a: {  	[tilespmem:s18+$0xFFFFFFA0] =	vst v2;
	v2 =	vld [tilespmem:s17+$0xFFFFFF30];
	v1 =	vadd.f32 v4, v1  }
0x36b: {  	v4 =	vld [tilespmem:s10+$0xFFFFFFB0]  }
0x36c: {  	v6 =	vld [tilespmem:s17+$0xFFFFFEC0];
	[tilespmem:s18+$0xFFFFFF20] =	vst v1  }
0x36d: {  	v1 =	vld [tilespmem:s10+$0xFFFFFF30];
	v0 =	vadd.f32 v3, v0  }
0x36e: {  	v3 =	vld [tilespmem:s17+$0xFFFFFE40]  }
0x36f: {  	v2 =	vadd.f32 v2, v5;
	[tilespmem:s18+$0xB0] =	vst v0  }
0x370: {  	v0 =	vld [tilespmem:s10+$0xC0]  }
0x371: {  	v4 =	vadd.f32 v6, v4;
	[tilespmem:s18+$0x20] =	vst v2;
	v2 =	vld [tilespmem:s17+$0xFFFFFFD0]  }
0x372: {  	v5 =	vld [tilespmem:s10+$0x30]  }
0x373: {  	[tilespmem:s18+$0xFFFFFFB0] =	vst v4;
	v1 =	vadd.f32 v3, v1;
	v3 =	vld [tilespmem:s17+$0xFFFFFF40]  }
0x374: {  	v4 =	vld [tilespmem:s10+$0xFFFFFFC0]  }
0x375: {  	[tilespmem:s18+$0xFFFFFF30] =	vst v1;
	v1 =	vld [tilespmem:s17+$0xFFFFFED0]  }
0x376: {  	v6 =	vld [tilespmem:s10+$0xFFFFFF40];
	v0 =	vadd.f32 v2, v0  }
0x377: {  	v2 =	vld [tilespmem:s17+$0xFFFFFE50]  }
0x378: {  	v3 =	vadd.f32 v3, v5;
	[tilespmem:s18+$0xC0] =	vst v0  }
0x379: {  	v0 =	vld [tilespmem:s10+$0xD0]  }
0x37a: {  	v1 =	vadd.f32 v1, v4;
	[tilespmem:s18+$0x30] =	vst v3;
	v3 =	vld [tilespmem:s17+$0xFFFFFFE0]  }
0x37b: {  	v4 =	vld [tilespmem:s10+$0x40]  }
0x37c: {  	v2 =	vadd.f32 v2, v6;
	[tilespmem:s18+$0xFFFFFFC0] =	vst v1;
	v1 =	vld [tilespmem:s17+$0xFFFFFF50]  }
0x37d: {  	v5 =	vld [tilespmem:s10+$0xFFFFFFD0]  }
0x37e: {  	[tilespmem:s18+$0xFFFFFF40] =	vst v2;
	v2 =	vld [tilespmem:s17+$0xFFFFFEE0]  }
0x37f: {  	v6 =	vld [tilespmem:s10+$0xFFFFFF50];
	v0 =	vadd.f32 v3, v0  }
0x380: {  	v3 =	vld [tilespmem:s17+$0xFFFFFE60]  }
0x381: {  	v1 =	vadd.f32 v1, v4;
	[tilespmem:s18+$0xD0] =	vst v0  }
0x382: {  	v7 =	vld [tilespmem:s10+$0xE0]  }
0x383: {  	v0 =	vadd.f32 v2, v5;
	v5 =	vld [tilespmem:s17+$0xFFFFFFF0];
	[tilespmem:s18+$0x40] =	vst v1  }
0x384: {  	v1 =	vld [tilespmem:s10+$0x50]  }
0x385: {  	v2 =	vadd.f32 v3, v6;
	[tilespmem:s18+$0xFFFFFFD0] =	vst v0;
	v4 =	vld [tilespmem:s17+$0xFFFFFF60]  }
0x386: {  	v0 =	vld [tilespmem:s10+$0xFFFFFFE0]  }
0x387: {  	v3 =	vld [tilespmem:s17+$0xFFFFFEF0];
	[tilespmem:s18+$0xFFFFFF50] =	vst v2  }
0x388: {  	s13 =	simm.s32 $0x0;
	v2 =	vld [tilespmem:s10+$0xFFFFFF60];
	v6 =	vadd.f32 v5, v7  }
0x389: {  	s31 =	simm.s32 $0x9B00;
	s12 =	simm.s32 $0xD900;
	s9 =	simm.s32 $0x19BF0;
	v5 =	vld [tilespmem:s17+$0xFFFFFE70]  }
.LBB2_11:
0x38a: {  	v7 =	vld [tilespmem:s31+$0x80];
	v1 =	vadd.f32 v4, v1;
	[tilespmem:s18+$0xE0] =	vst v6  }
0x38b: {  	v4 =	vld [tilespmem:s10+$0xF0]  }
0x38c: {  	s9 =	sadd.s32 $0x200, s9;
	v0 =	vadd.f32 v3, v0;
	[tilespmem:s18+$0x50] =	vst v1;
	v1 =	vld [tilespmem:s17+$0x0]  }
0x38d: {  	v3 =	vld [tilespmem:s9+$0xFFFFFF90]  }
0x38e: {  	v6 =	vld [tilespmem:s9+$0xFFFFFE10];
	v2 =	vadd.f32 v5, v2;
	[tilespmem:s18+$0xFFFFFFE0] =	vst v0  }
0x38f: {  	v0 =	vld [tilespmem:s31+$0xFFFFFF80]  }
0x390: {  	v5 =	vld [tilespmem:s9+$0xFFFFFE90];
	[tilespmem:s18+$0xFFFFFF60] =	vst v2  }
0x391: {  	v2 =	vld [tilespmem:s31+$0x0];
	v1 =	vadd.f32 v1, v4  }
0x392: {  	v4 =	vld [tilespmem:s9+$0xFFFFFF10];
	v3 =	vadd.f32 v3, v7  }
0x393: {  	s18 =	sadd.s32 $0x200, s18;
	v7 =	vld [tilespmem:s31+$0xFFFFFF00];
	[tilespmem:s12+$0xF0] =	vst v1  }
0x394: {  	s13 =	sadd.s32 $0x4, s13;
	[tilespmem:s18+$0x80] =	vst v3;
	v1 =	vld [tilespmem:s10+$0x60]  }
0x395: {  	p0 =	slt.u32 s13, $0x7C;
	v0 =	vadd.f32 v5, v0;
	v3 =	vld [tilespmem:s31+$0x90]  }
0x396: {  	v5 =	vld [tilespmem:s9+$0xFFFFFFA0]  }
0x397: {  	[tilespmem:s18+$0xFFFFFF80] =	vst v0;
	v0 =	vadd.f32 v4, v2;
	v2 =	vld [tilespmem:s17+$0xFFFFFF70]  }
0x398: {  	v4 =	vadd.f32 v6, v7;
	v6 =	vld [tilespmem:s31+$0xFFFFFF90]  }
0x399: {  	v7 =	vld [tilespmem:s9+$0xFFFFFEA0];
	[tilespmem:s18+$0x0] =	vst v0  }
0x39a: {  	[tilespmem:s18+$0xFFFFFF00] =	vst v4;
	v0 =	vld [tilespmem:s31+$0x10]  }
0x39b: {  	v4 =	vld [tilespmem:s31+$0xFFFFFF10];
	v3 =	vadd.f32 v5, v3  }
0x39c: {  	v5 =	vld [tilespmem:s9+$0xFFFFFE20];
	v1 =	vadd.f32 v2, v1  }
0x39d: {  	v2 =	vld [tilespmem:s9+$0xFFFFFF20];
	[tilespmem:s18+$0x90] =	vst v3  }
0x39e: {  	v3 =	vadd.f32 v7, v6;
	v6 =	vld [tilespmem:s31+$0xA0];
	[tilespmem:s12+$0x60] =	vst v1  }
0x39f: {  	v1 =	vld [tilespmem:s9+$0xFFFFFFB0]  }
0x3a0: {  	[tilespmem:s18+$0xFFFFFF90] =	vst v3;
	v3 =	vld [tilespmem:s10+$0xFFFFFF70]  }
0x3a1: {  	v4 =	vadd.f32 v5, v4;
	v5 =	vld [tilespmem:s31+$0xFFFFFFA0]  }
0x3a2: {  	v7 =	vld [tilespmem:s9+$0xFFFFFEB0];
	v0 =	vadd.f32 v2, v0  }
0x3a3: {  	[tilespmem:s18+$0xFFFFFF10] =	vst v4;
	v2 =	vld [tilespmem:s17+$0xFFFFFE80]  }
0x3a4: {  	v4 =	vld [tilespmem:s31+$0xFFFFFF20];
	[tilespmem:s18+$0x10] =	vst v0;
	v0 =	vadd.f32 v1, v6  }
0x3a5: {  	v1 =	vld [tilespmem:s9+$0xFFFFFE30]  }
0x3a6: {  	v6 =	vld [tilespmem:s31+$0x20];
	[tilespmem:s18+$0xA0] =	vst v0  }
0x3a7: {  	v0 =	vadd.f32 v7, v5;
	v5 =	vld [tilespmem:s31+$0xB0]  }
0x3a8: {  	v7 =	vld [tilespmem:s9+$0xFFFFFFC0];
	v2 =	vadd.f32 v2, v3  }
0x3a9: {  	[tilespmem:s18+$0xFFFFFFA0] =	vst v0;
	v0 =	vld [tilespmem:s9+$0xFFFFFF30]  }
0x3aa: {  	v1 =	vadd.f32 v1, v4;
	v3 =	vld [tilespmem:s31+$0xFFFFFFB0];
	[tilespmem:s12+$0xFFFFFF70] =	vst v2  }
0x3ab: {  	v2 =	vld [tilespmem:s9+$0xFFFFFEC0]  }
0x3ac: {  	[tilespmem:s18+$0xFFFFFF20] =	vst v1;
	v1 =	vld [tilespmem:s10+$0xFFFFFFF0]  }
0x3ad: {  	v4 =	vld [tilespmem:s31+$0xFFFFFF30];
	v5 =	vadd.f32 v7, v5  }
0x3ae: {  	v7 =	vld [tilespmem:s9+$0xFFFFFE40];
	v0 =	vadd.f32 v0, v6  }
0x3af: {  	[tilespmem:s18+$0xB0] =	vst v5;
	v5 =	vld [tilespmem:s17+$0xFFFFFF00]  }
0x3b0: {  	v2 =	vadd.f32 v2, v3;
	[tilespmem:s18+$0x20] =	vst v0;
	v0 =	vld [tilespmem:s31+$0xC0]  }
0x3b1: {  	v3 =	vld [tilespmem:s9+$0xFFFFFFD0]  }
0x3b2: {  	[tilespmem:s18+$0xFFFFFFB0] =	vst v2;
	v2 =	vld [tilespmem:s31+$0x30]  }
0x3b3: {  	v4 =	vadd.f32 v7, v4;
	v6 =	vld [tilespmem:s9+$0xFFFFFF40]  }
0x3b4: {  	v7 =	vld [tilespmem:s31+$0xFFFFFFC0];
	v1 =	vadd.f32 v5, v1  }
0x3b5: {  	[tilespmem:s18+$0xFFFFFF30] =	vst v4;
	v4 =	vld [tilespmem:s9+$0xFFFFFED0]  }
0x3b6: {  	v5 =	vld [tilespmem:s31+$0xFFFFFF40];
	v0 =	vadd.f32 v3, v0;
	[tilespmem:s12+$0xFFFFFFF0] =	vst v1  }
0x3b7: {  	v1 =	vld [tilespmem:s9+$0xFFFFFE50]  }
0x3b8: {  	v2 =	vadd.f32 v6, v2;
	[tilespmem:s18+$0xC0] =	vst v0;
	v3 =	vld [tilespmem:s10+$0x70];
	s10 =	smov.u32 s31  }
0x3b9: {  	v0 =	vld [tilespmem:s31+$0xD0]  }
0x3ba: {  	v4 =	vadd.f32 v4, v7;
	[tilespmem:s18+$0x30] =	vst v2;
	v2 =	vld [tilespmem:s9+$0xFFFFFFE0]  }
0x3bb: {  	v6 =	vld [tilespmem:s31+$0x40]  }
0x3bc: {  	v1 =	vadd.f32 v1, v5;
	[tilespmem:s18+$0xFFFFFFC0] =	vst v4;
	v4 =	vld [tilespmem:s9+$0xFFFFFF50]  }
0x3bd: {  	v5 =	vld [tilespmem:s31+$0xFFFFFFD0]  }
0x3be: {  	[tilespmem:s18+$0xFFFFFF40] =	vst v1;
	v1 =	vld [tilespmem:s9+$0xFFFFFEE0]  }
0x3bf: {  	v7 =	vld [tilespmem:s31+$0xFFFFFF50];
	v0 =	vadd.f32 v2, v0  }
0x3c0: {  	v2 =	vld [tilespmem:s9+$0xFFFFFE60]  }
0x3c1: {  	v4 =	vadd.f32 v4, v6;
	[tilespmem:s18+$0xD0] =	vst v0;
	v6 =	vld [tilespmem:s17+$0xFFFFFF80];
	s17 =	smov.u32 s9  }
0x3c2: {  	v8 =	vld [tilespmem:s31+$0xE0]  }
0x3c3: {  	v0 =	vadd.f32 v1, v5;
	[tilespmem:s18+$0x40] =	vst v4;
	v5 =	vld [tilespmem:s9+$0xFFFFFFF0]  }
0x3c4: {  	v1 =	vld [tilespmem:s31+$0x50]  }
.Ltmp6:
0x3c5: {  	v2 =	vadd.f32 v2, v7;
	[tilespmem:s18+$0xFFFFFFD0] =	vst v0;
	v4 =	vld [tilespmem:s9+$0xFFFFFF60];
	(pc) =	sbr.rel @p0 .LBB2_11-.Ltmp6, $4  }
0x3c6: {  	v0 =	vld [tilespmem:s31+$0xFFFFFFE0];
	v7 =	vadd.f32 v6, v3  }
0x3c7: {  	[tilespmem:s18+$0xFFFFFF50] =	vst v2;
	v3 =	vld [tilespmem:s9+$0xFFFFFEF0]  }
0x3c8: {  	v2 =	vld [tilespmem:s31+$0xFFFFFF60];
	v6 =	vadd.f32 v5, v8;
	[tilespmem:s12+$0x70] =	vst v7;
	s12 =	smov.u32 s18  }
0x3c9: {  	s31 =	sadd.s32 $0x200, s31;
	v5 =	vld [tilespmem:s9+$0xFFFFFE70]  }
0x3ca: {  	v1 =	vadd.f32 v4, v1;
	_ =	sdelay $0x1  }
0x3cb: {  	[tilespmem:s18+$0x50] =	vst v1  }
0x3cc: {  	v1 =	vld [tilespmem:s10+$0x60]  }
0x3cd: {  	v4 =	vld [tilespmem:s17+$0xFFFFFF70]  }
0x3ce: {  	[tilespmem:s18+$0xE0] =	vst v6;
	v2 =	vadd.f32 v5, v2  }
0x3cf: {  	v0 =	vadd.f32 v3, v0;
	v3 =	vld [tilespmem:s17+$0x0]  }
0x3d0: {  	v5 =	vld [tilespmem:s10+$0xF0];
	[tilespmem:s18+$0xFFFFFF60] =	vst v2  }
0x3d1: {  	v2 =	vld [tilespmem:s10+$0xFFFFFF70]  }
0x3d2: {  	[tilespmem:s18+$0xFFFFFFE0] =	vst v0;
	v0 =	vadd.f32 v4, v1;
	v1 =	vld [tilespmem:s17+$0xFFFFFE80]  }
0x3d3: {  	v4 =	vld [tilespmem:s10+$0xFFFFFFF0]  }
0x3d4: {  	[tilespmem:s12+$0x60] =	vst v0;
	v0 =	vld [tilespmem:s17+$0xFFFFFF00]  }
0x3d5: {  	v6 =	vld [tilespmem:s10+$0x70]  }
0x3d6: {  	v7 =	vld [tilespmem:s17+$0xFFFFFF80];
	_ =	sdelay $0x1  }
0x3d7: {  	v3 =	vadd.f32 v3, v5  }
0x3d8: {  	v1 =	vadd.f32 v1, v2  }
0x3d9: {  	[tilespmem:s12+$0xF0] =	vst v3;
	v0 =	vadd.f32 v0, v4  }
0x3da: {  	[tilespmem:s12+$0xFFFFFF70] =	vst v1;
	v1 =	vadd.f32 v7, v6  }
0x3db: {  	[tilespmem:s12+$0xFFFFFFF0] =	vst v0  }
0x3dc: {  	s2 =	sadd.s32 s5, s2;
	[tilespmem:s12+$0x70] =	vst v1  }
0x3dd: {  	[hbm4b:s2+s7] =	stream.linear.scatter [tilespmem:s20], [sflag:$0x7], $0x4000, $0x38;
	[tilespmem:$0x1FA00] =	vst v63  }
0x3de: {  	s2 =	sadd.s32 $0x4, s1;
	_ =	swait.ge [sflag:s28], $0x4000  }
0x3df: {  	s9 =	sshll.u32 s2, $0x7;
	[sflag:s28] =	ssyncset.done $0x0  }
0x3e0: {  	s3 =	sshll.u32 s3, $0xE;
	s9 =	sand.u32 $0x3FFFFF80, s9;
	[sflag:s28] =	ssyncadd.s32 $0xFFFFC000  }
0x3e1: {  	[tilespmem:s16], [sflag:$0x2] =	stream.indirect.gather [hbm4b:s0+s14], $0x80, s9, s14, $0xb8;
	[tilespmem:$0x1FA00] =	vst v63  }
0x3e2: {  	s3 =	sadd.s32 s8, s3;
	_ =	swait.ge [sflag:s19], $0x4000  }
0x3e3: {  	s3 =	sshrl.u32 s3, $0x3;
	[sflag:s19] =	ssyncset.done $0x0  }
0x3e4: {  	s18 =	sadd.s32 s6, s3;
	[sflag:s19] =	ssyncadd.s32 $0xFFFFC000  }
0x3e5: {  	[hbm4b:s18+s7] =	stream.linear.scatter [tilespmem:s15], [sflag:$0x4], $0x4000, $0x38;
	[tilespmem:$0x1FA00] =	vst v63  }
0x3e6: {  	_ =	swait.ge [sflag:s29], $0x4000  }
0x3e7: {  	[sflag:s29] =	ssyncset.done $0x0  }
0x3e8: {  	s10 =	simm.s32 $0x1900;
	[sflag:s29] =	ssyncadd.s32 $0xFFFFC000  }
0x3e9: {  	s17 =	simm.s32 $0x17B00;
	v0 =	vld [tilespmem:s10+$0x80]  }
0x3ea: {  	v1 =	vld [tilespmem:s17+$0x80];
	_ =	sdelay $0x2  }
0x3eb: {  	v2 =	vld [tilespmem:s10+$0xFFFFFF80]  }
0x3ec: {  	v3 =	vld [tilespmem:s17+$0xFFFFFF80]  }
0x3ed: {  	v4 =	vld [tilespmem:s17+$0xFFFFFF00];
	v0 =	vadd.f32 v1, v0  }
0x3ee: {  	s18 =	simm.s32 $0x11900;
	v1 =	vld [tilespmem:s10+$0xFFFFFF00]  }
0x3ef: {  	[tilespmem:s18+$0x80] =	vst v0  }
0x3f0: {  	v0 =	vld [tilespmem:s10+$0x90]  }
0x3f1: {  	v2 =	vadd.f32 v3, v2;
	v3 =	vld [tilespmem:s17+$0x90]  }
0x3f2: {  	v5 =	vld [tilespmem:s10+$0x0]  }
0x3f3: {  	v6 =	vld [tilespmem:s17+$0x0];
	[tilespmem:s18+$0xFFFFFF80] =	vst v2;
	v1 =	vadd.f32 v4, v1  }
0x3f4: {  	v2 =	vld [tilespmem:s10+$0xFFFFFF90]  }
0x3f5: {  	v4 =	vld [tilespmem:s17+$0xFFFFFF90];
	[tilespmem:s18+$0xFFFFFF00] =	vst v1  }
0x3f6: {  	v1 =	vld [tilespmem:s10+$0xFFFFFF10];
	v0 =	vadd.f32 v3, v0  }
0x3f7: {  	v3 =	vld [tilespmem:s17+$0xFFFFFF10]  }
0x3f8: {  	v5 =	vadd.f32 v6, v5;
	[tilespmem:s18+$0x90] =	vst v0  }
0x3f9: {  	v0 =	vld [tilespmem:s10+$0xA0]  }
0x3fa: {  	[tilespmem:s18+$0x0] =	vst v5;
	v2 =	vadd.f32 v4, v2;
	v4 =	vld [tilespmem:s17+$0xA0]  }
0x3fb: {  	v5 =	vld [tilespmem:s10+$0x10]  }
0x3fc: {  	v6 =	vld [tilespmem:s17+$0x10];
	[tilespmem:s18+$0xFFFFFF90] =	vst v2;
	v1 =	vadd.f32 v3, v1  }
0x3fd: {  	v2 =	vld [tilespmem:s10+$0xFFFFFFA0]  }
0x3fe: {  	v3 =	vld [tilespmem:s17+$0xFFFFFFA0];
	[tilespmem:s18+$0xFFFFFF10] =	vst v1  }
0x3ff: {  	v1 =	vld [tilespmem:s10+$0xFFFFFF20];
	v0 =	vadd.f32 v4, v0  }
0x400: {  	v4 =	vld [tilespmem:s17+$0xFFFFFF20]  }
0x401: {  	v5 =	vadd.f32 v6, v5;
	[tilespmem:s18+$0xA0] =	vst v0  }
0x402: {  	v0 =	vld [tilespmem:s10+$0xB0]  }
0x403: {  	[tilespmem:s18+$0x10] =	vst v5;
	v2 =	vadd.f32 v3, v2;
	v3 =	vld [tilespmem:s17+$0xB0]  }
0x404: {  	v5 =	vld [tilespmem:s10+$0x20]  }
0x405: {  	[tilespmem:s18+$0xFFFFFFA0] =	vst v2;
	v2 =	vld [tilespmem:s17+$0x20];
	v1 =	vadd.f32 v4, v1  }
0x406: {  	v4 =	vld [tilespmem:s10+$0xFFFFFFB0]  }
0x407: {  	v6 =	vld [tilespmem:s17+$0xFFFFFFB0];
	[tilespmem:s18+$0xFFFFFF20] =	vst v1  }
0x408: {  	v1 =	vld [tilespmem:s10+$0xFFFFFF30];
	v0 =	vadd.f32 v3, v0  }
0x409: {  	v3 =	vld [tilespmem:s17+$0xFFFFFF30]  }
0x40a: {  	v2 =	vadd.f32 v2, v5;
	[tilespmem:s18+$0xB0] =	vst v0  }
0x40b: {  	v0 =	vld [tilespmem:s10+$0xC0]  }
0x40c: {  	v4 =	vadd.f32 v6, v4;
	[tilespmem:s18+$0x20] =	vst v2;
	v2 =	vld [tilespmem:s17+$0xC0]  }
0x40d: {  	v5 =	vld [tilespmem:s10+$0x30]  }
0x40e: {  	[tilespmem:s18+$0xFFFFFFB0] =	vst v4;
	v1 =	vadd.f32 v3, v1;
	v3 =	vld [tilespmem:s17+$0x30]  }
0x40f: {  	v4 =	vld [tilespmem:s10+$0xFFFFFFC0]  }
0x410: {  	[tilespmem:s18+$0xFFFFFF30] =	vst v1;
	v1 =	vld [tilespmem:s17+$0xFFFFFFC0]  }
0x411: {  	v6 =	vld [tilespmem:s10+$0xFFFFFF40];
	v0 =	vadd.f32 v2, v0  }
0x412: {  	v2 =	vld [tilespmem:s17+$0xFFFFFF40]  }
0x413: {  	v3 =	vadd.f32 v3, v5;
	[tilespmem:s18+$0xC0] =	vst v0  }
0x414: {  	v0 =	vld [tilespmem:s10+$0xD0]  }
0x415: {  	v1 =	vadd.f32 v1, v4;
	[tilespmem:s18+$0x30] =	vst v3;
	v3 =	vld [tilespmem:s17+$0xD0]  }
0x416: {  	v4 =	vld [tilespmem:s10+$0x40]  }
0x417: {  	v2 =	vadd.f32 v2, v6;
	[tilespmem:s18+$0xFFFFFFC0] =	vst v1;
	v1 =	vld [tilespmem:s17+$0x40]  }
0x418: {  	v5 =	vld [tilespmem:s10+$0xFFFFFFD0]  }
0x419: {  	[tilespmem:s18+$0xFFFFFF40] =	vst v2;
	v2 =	vld [tilespmem:s17+$0xFFFFFFD0]  }
0x41a: {  	v6 =	vld [tilespmem:s10+$0xFFFFFF50];
	v0 =	vadd.f32 v3, v0  }
0x41b: {  	v3 =	vld [tilespmem:s17+$0xFFFFFF50]  }
0x41c: {  	v1 =	vadd.f32 v1, v4;
	[tilespmem:s18+$0xD0] =	vst v0  }
0x41d: {  	v7 =	vld [tilespmem:s10+$0xE0]  }
0x41e: {  	v0 =	vadd.f32 v2, v5;
	v5 =	vld [tilespmem:s17+$0xE0];
	[tilespmem:s18+$0x40] =	vst v1  }
0x41f: {  	v1 =	vld [tilespmem:s10+$0x50]  }
0x420: {  	v2 =	vadd.f32 v3, v6;
	[tilespmem:s18+$0xFFFFFFD0] =	vst v0;
	v4 =	vld [tilespmem:s17+$0x50]  }
0x421: {  	v0 =	vld [tilespmem:s10+$0xFFFFFFE0]  }
0x422: {  	v3 =	vld [tilespmem:s17+$0xFFFFFFE0];
	[tilespmem:s18+$0xFFFFFF50] =	vst v2  }
0x423: {  	s13 =	simm.s32 $0x0;
	v2 =	vld [tilespmem:s10+$0xFFFFFF60];
	v6 =	vadd.f32 v5, v7  }
0x424: {  	s31 =	simm.s32 $0x1B00;
	s12 =	simm.s32 $0x11900;
	s9 =	simm.s32 $0x17B00;
	v5 =	vld [tilespmem:s17+$0xFFFFFF60]  }
.LBB2_13:
0x425: {  	v7 =	vld [tilespmem:s31+$0x80];
	v1 =	vadd.f32 v4, v1;
	[tilespmem:s18+$0xE0] =	vst v6  }
0x426: {  	v4 =	vld [tilespmem:s10+$0xF0]  }
0x427: {  	s9 =	sadd.s32 $0x200, s9;
	v0 =	vadd.f32 v3, v0;
	[tilespmem:s18+$0x50] =	vst v1;
	v1 =	vld [tilespmem:s17+$0xF0]  }
0x428: {  	v3 =	vld [tilespmem:s9+$0x80]  }
0x429: {  	v6 =	vld [tilespmem:s9+$0xFFFFFF00];
	v2 =	vadd.f32 v5, v2;
	[tilespmem:s18+$0xFFFFFFE0] =	vst v0  }
0x42a: {  	v0 =	vld [tilespmem:s31+$0xFFFFFF80]  }
0x42b: {  	v5 =	vld [tilespmem:s9+$0xFFFFFF80];
	[tilespmem:s18+$0xFFFFFF60] =	vst v2  }
0x42c: {  	v2 =	vld [tilespmem:s31+$0x0];
	v1 =	vadd.f32 v1, v4  }
0x42d: {  	v4 =	vld [tilespmem:s9+$0x0];
	v3 =	vadd.f32 v3, v7  }
0x42e: {  	s18 =	sadd.s32 $0x200, s18;
	v7 =	vld [tilespmem:s31+$0xFFFFFF00];
	[tilespmem:s12+$0xF0] =	vst v1  }
0x42f: {  	s13 =	sadd.s32 $0x4, s13;
	[tilespmem:s18+$0x80] =	vst v3;
	v1 =	vld [tilespmem:s10+$0x60]  }
0x430: {  	p0 =	slt.u32 s13, $0x7C;
	v0 =	vadd.f32 v5, v0;
	v3 =	vld [tilespmem:s31+$0x90]  }
0x431: {  	v5 =	vld [tilespmem:s9+$0x90]  }
0x432: {  	[tilespmem:s18+$0xFFFFFF80] =	vst v0;
	v0 =	vadd.f32 v4, v2;
	v2 =	vld [tilespmem:s17+$0x60]  }
0x433: {  	v4 =	vadd.f32 v6, v7;
	v6 =	vld [tilespmem:s31+$0xFFFFFF90]  }
0x434: {  	v7 =	vld [tilespmem:s9+$0xFFFFFF90];
	[tilespmem:s18+$0x0] =	vst v0  }
0x435: {  	[tilespmem:s18+$0xFFFFFF00] =	vst v4;
	v0 =	vld [tilespmem:s31+$0x10]  }
0x436: {  	v4 =	vld [tilespmem:s31+$0xFFFFFF10];
	v3 =	vadd.f32 v5, v3  }
0x437: {  	v5 =	vld [tilespmem:s9+$0xFFFFFF10];
	v1 =	vadd.f32 v2, v1  }
0x438: {  	v2 =	vld [tilespmem:s9+$0x10];
	[tilespmem:s18+$0x90] =	vst v3  }
0x439: {  	v3 =	vadd.f32 v7, v6;
	v6 =	vld [tilespmem:s31+$0xA0];
	[tilespmem:s12+$0x60] =	vst v1  }
0x43a: {  	v1 =	vld [tilespmem:s9+$0xA0]  }
0x43b: {  	[tilespmem:s18+$0xFFFFFF90] =	vst v3;
	v3 =	vld [tilespmem:s10+$0xFFFFFF70]  }
0x43c: {  	v4 =	vadd.f32 v5, v4;
	v5 =	vld [tilespmem:s31+$0xFFFFFFA0]  }
0x43d: {  	v7 =	vld [tilespmem:s9+$0xFFFFFFA0];
	v0 =	vadd.f32 v2, v0  }
0x43e: {  	[tilespmem:s18+$0xFFFFFF10] =	vst v4;
	v2 =	vld [tilespmem:s17+$0xFFFFFF70]  }
0x43f: {  	v4 =	vld [tilespmem:s31+$0xFFFFFF20];
	[tilespmem:s18+$0x10] =	vst v0;
	v0 =	vadd.f32 v1, v6  }
0x440: {  	v1 =	vld [tilespmem:s9+$0xFFFFFF20]  }
0x441: {  	v6 =	vld [tilespmem:s31+$0x20];
	[tilespmem:s18+$0xA0] =	vst v0  }
0x442: {  	v0 =	vadd.f32 v7, v5;
	v5 =	vld [tilespmem:s31+$0xB0]  }
0x443: {  	v7 =	vld [tilespmem:s9+$0xB0];
	v2 =	vadd.f32 v2, v3  }
0x444: {  	[tilespmem:s18+$0xFFFFFFA0] =	vst v0;
	v0 =	vld [tilespmem:s9+$0x20]  }
0x445: {  	v1 =	vadd.f32 v1, v4;
	v3 =	vld [tilespmem:s31+$0xFFFFFFB0];
	[tilespmem:s12+$0xFFFFFF70] =	vst v2  }
0x446: {  	v2 =	vld [tilespmem:s9+$0xFFFFFFB0]  }
0x447: {  	[tilespmem:s18+$0xFFFFFF20] =	vst v1;
	v1 =	vld [tilespmem:s10+$0xFFFFFFF0]  }
0x448: {  	v4 =	vld [tilespmem:s31+$0xFFFFFF30];
	v5 =	vadd.f32 v7, v5  }
0x449: {  	v7 =	vld [tilespmem:s9+$0xFFFFFF30];
	v0 =	vadd.f32 v0, v6  }
0x44a: {  	[tilespmem:s18+$0xB0] =	vst v5;
	v5 =	vld [tilespmem:s17+$0xFFFFFFF0]  }
0x44b: {  	v2 =	vadd.f32 v2, v3;
	[tilespmem:s18+$0x20] =	vst v0;
	v0 =	vld [tilespmem:s31+$0xC0]  }
0x44c: {  	v3 =	vld [tilespmem:s9+$0xC0]  }
0x44d: {  	[tilespmem:s18+$0xFFFFFFB0] =	vst v2;
	v2 =	vld [tilespmem:s31+$0x30]  }
0x44e: {  	v4 =	vadd.f32 v7, v4;
	v6 =	vld [tilespmem:s9+$0x30]  }
0x44f: {  	v7 =	vld [tilespmem:s31+$0xFFFFFFC0];
	v1 =	vadd.f32 v5, v1  }
0x450: {  	[tilespmem:s18+$0xFFFFFF30] =	vst v4;
	v4 =	vld [tilespmem:s9+$0xFFFFFFC0]  }
0x451: {  	v5 =	vld [tilespmem:s31+$0xFFFFFF40];
	v0 =	vadd.f32 v3, v0;
	[tilespmem:s12+$0xFFFFFFF0] =	vst v1  }
0x452: {  	v1 =	vld [tilespmem:s9+$0xFFFFFF40]  }
0x453: {  	v2 =	vadd.f32 v6, v2;
	[tilespmem:s18+$0xC0] =	vst v0;
	v3 =	vld [tilespmem:s10+$0x70];
	s10 =	smov.u32 s31  }
0x454: {  	v0 =	vld [tilespmem:s31+$0xD0]  }
0x455: {  	v4 =	vadd.f32 v4, v7;
	[tilespmem:s18+$0x30] =	vst v2;
	v2 =	vld [tilespmem:s9+$0xD0]  }
0x456: {  	v6 =	vld [tilespmem:s31+$0x40]  }
0x457: {  	v1 =	vadd.f32 v1, v5;
	[tilespmem:s18+$0xFFFFFFC0] =	vst v4;
	v4 =	vld [tilespmem:s9+$0x40]  }
0x458: {  	v5 =	vld [tilespmem:s31+$0xFFFFFFD0]  }
0x459: {  	[tilespmem:s18+$0xFFFFFF40] =	vst v1;
	v1 =	vld [tilespmem:s9+$0xFFFFFFD0]  }
0x45a: {  	v7 =	vld [tilespmem:s31+$0xFFFFFF50];
	v0 =	vadd.f32 v2, v0  }
0x45b: {  	v2 =	vld [tilespmem:s9+$0xFFFFFF50]  }
0x45c: {  	v4 =	vadd.f32 v4, v6;
	[tilespmem:s18+$0xD0] =	vst v0;
	v6 =	vld [tilespmem:s17+$0x70];
	s17 =	smov.u32 s9  }
0x45d: {  	v8 =	vld [tilespmem:s31+$0xE0]  }
0x45e: {  	v0 =	vadd.f32 v1, v5;
	[tilespmem:s18+$0x40] =	vst v4;
	v5 =	vld [tilespmem:s9+$0xE0]  }
0x45f: {  	v1 =	vld [tilespmem:s31+$0x50]  }
.Ltmp7:
0x460: {  	v2 =	vadd.f32 v2, v7;
	[tilespmem:s18+$0xFFFFFFD0] =	vst v0;
	v4 =	vld [tilespmem:s9+$0x50];
	(pc) =	sbr.rel @p0 .LBB2_13-.Ltmp7, $4  }
0x461: {  	v0 =	vld [tilespmem:s31+$0xFFFFFFE0];
	v7 =	vadd.f32 v6, v3  }
0x462: {  	[tilespmem:s18+$0xFFFFFF50] =	vst v2;
	v3 =	vld [tilespmem:s9+$0xFFFFFFE0]  }
0x463: {  	v2 =	vld [tilespmem:s31+$0xFFFFFF60];
	v6 =	vadd.f32 v5, v8;
	[tilespmem:s12+$0x70] =	vst v7;
	s12 =	smov.u32 s18  }
0x464: {  	s31 =	sadd.s32 $0x200, s31;
	v5 =	vld [tilespmem:s9+$0xFFFFFF60]  }
0x465: {  	v1 =	vadd.f32 v4, v1;
	_ =	sdelay $0x1  }
0x466: {  	[tilespmem:s18+$0x50] =	vst v1  }
0x467: {  	v1 =	vld [tilespmem:s10+$0x60]  }
0x468: {  	v4 =	vld [tilespmem:s17+$0x60]  }
0x469: {  	[tilespmem:s18+$0xE0] =	vst v6;
	v2 =	vadd.f32 v5, v2  }
0x46a: {  	v0 =	vadd.f32 v3, v0;
	v3 =	vld [tilespmem:s17+$0xF0]  }
0x46b: {  	v5 =	vld [tilespmem:s10+$0xF0];
	[tilespmem:s18+$0xFFFFFF60] =	vst v2  }
0x46c: {  	v2 =	vld [tilespmem:s10+$0xFFFFFF70]  }
0x46d: {  	[tilespmem:s18+$0xFFFFFFE0] =	vst v0;
	v0 =	vadd.f32 v4, v1;
	v1 =	vld [tilespmem:s17+$0xFFFFFF70]  }
0x46e: {  	v4 =	vld [tilespmem:s10+$0xFFFFFFF0]  }
0x46f: {  	[tilespmem:s12+$0x60] =	vst v0;
	v0 =	vld [tilespmem:s17+$0xFFFFFFF0]  }
0x470: {  	v6 =	vld [tilespmem:s10+$0x70]  }
0x471: {  	v7 =	vld [tilespmem:s17+$0x70];
	_ =	sdelay $0x1  }
0x472: {  	v3 =	vadd.f32 v3, v5  }
0x473: {  	v1 =	vadd.f32 v1, v2  }
0x474: {  	[tilespmem:s12+$0xF0] =	vst v3;
	v0 =	vadd.f32 v0, v4  }
0x475: {  	[tilespmem:s12+$0xFFFFFF70] =	vst v1;
	v1 =	vadd.f32 v7, v6  }
0x476: {  	[tilespmem:s12+$0xFFFFFFF0] =	vst v0  }
0x477: {  	s3 =	sadd.s32 s5, s3;
	s9 =	simm.s32 $0x0;
	[tilespmem:s12+$0x70] =	vst v1  }
0x478: {  	[hbm4b:s3+s9] =	stream.linear.scatter [tilespmem:s23], [sflag:$0x8], $0x4000, $0x38;
	[tilespmem:$0x1FA00] =	vst v63  }
0x479: {  	s1 =	sadd.s32 $0x5, s1;
	_ =	swait.ge [sflag:s30], $0x4000  }
0x47a: {  	s18 =	sshll.u32 s1, $0x7;
	[sflag:s30] =	ssyncset.done $0x0  }
0x47b: {  	s2 =	sshll.u32 s2, $0xE;
	s3 =	sand.u32 $0x3FFFFF80, s18;
	[sflag:s30] =	ssyncadd.s32 $0xFFFFC000  }
0x47c: {  	[tilespmem:s21], [sflag:$0x3] =	stream.indirect.gather [hbm4b:s0+s14], $0x80, s3, s14, $0xb8;
	[tilespmem:$0x1FA00] =	vst v63  }
0x47d: {  	s2 =	sadd.s32 s8, s2;
	_ =	swait.ge [sflag:s22], $0x4000  }
0x47e: {  	s2 =	sshrl.u32 s2, $0x3;
	[sflag:s22] =	ssyncset.done $0x0  }
0x47f: {  	s31 =	sadd.s32 s6, s2;
	[sflag:s22] =	ssyncadd.s32 $0xFFFFC000  }
0x480: {  	[hbm4b:s31+s9] =	stream.linear.scatter [tilespmem:s16], [sflag:$0x5], $0x4000, $0x38;
	[tilespmem:$0x1FA00] =	vst v63  }
0x481: {  	_ =	swait.ge [sflag:s26], $0x4000  }
0x482: {  	[sflag:s26] =	ssyncset.done $0x0  }
0x483: {  	s3 =	simm.s32 $0x0;
	[sflag:s26] =	ssyncadd.s32 $0xFFFFC000  }
0x484: {  	v0 =	vld [tilespmem:s3+$0x5800]  }
0x485: {  	v1 =	vld [tilespmem:s3+$0x1BA00]  }
0x486: {  	v2 =	vld [tilespmem:s3+$0x5810]  }
0x487: {  	v3 =	vld [tilespmem:s3+$0x1BA10]  }
0x488: {  	v4 =	vld [tilespmem:s3+$0x5820]  }
0x489: {  	v5 =	vld [tilespmem:s3+$0x1BA20]  }
0x48a: {  	v6 =	vld [tilespmem:s3+$0x1BA30]  }
0x48b: {  	v7 =	vld [tilespmem:s3+$0x59F0]  }
0x48c: {  	v8 =	vld [tilespmem:s3+$0x1BBF0]  }
0x48d: {  	v9 =	vld [tilespmem:s3+$0x1BA60]  }
0x48e: {  	v10 =	vld [tilespmem:s3+$0x5880]  }
0x48f: {  	v11 =	vld [tilespmem:s3+$0x1BA80]  }
0x490: {  	v12 =	vld [tilespmem:s3+$0x5890]  }
0x491: {  	v13 =	vld [tilespmem:s3+$0x1BA90]  }
0x492: {  	v14 =	vld [tilespmem:s3+$0x58A0]  }
0x493: {  	v45 =	vld [tilespmem:s3+$0x58B0]  }
0x494: {  	v15 =	vld [tilespmem:s3+$0x5870]  }
0x495: {  	v47 =	vld [tilespmem:s3+$0x58C0]  }
0x496: {  	v48 =	vld [tilespmem:s3+$0x1BAC0]  }
0x497: {  	v16 =	vld [tilespmem:s3+$0x1BA70]  }
0x498: {  	v49 =	vld [tilespmem:s3+$0x58D0]  }
0x499: {  	v17 =	vld [tilespmem:s3+$0x1BAD0]  }
0x49a: {  	v18 =	vld [tilespmem:s3+$0x5900]  }
0x49b: {  	v19 =	vld [tilespmem:s3+$0x1BB00]  }
0x49c: {  	v20 =	vld [tilespmem:s3+$0x5910]  }
0x49d: {  	v21 =	vld [tilespmem:s3+$0x1BB10]  }
0x49e: {  	v22 =	vld [tilespmem:s3+$0x5920]  }
0x49f: {  	v50 =	vld [tilespmem:s3+$0x1BB20]  }
0x4a0: {  	v51 =	vld [tilespmem:s3+$0x5930]  }
0x4a1: {  	v23 =	vld [tilespmem:s3+$0x58E0]  }
0x4a2: {  	v53 =	vld [tilespmem:s3+$0x5940]  }
0x4a3: {  	v0 =	vadd.f32 v1, v0;
	v1 =	vld [tilespmem:s3+$0x5830]  }
0x4a4: {  	v54 =	vld [tilespmem:s3+$0x1BB40]  }
0x4a5: {  	v55 =	vld [tilespmem:s3+$0x1BAE0]  }
0x4a6: {  	v56 =	vld [tilespmem:s3+$0x5950];
	v10 =	vadd.f32 v11, v10  }
0x4a7: {  	v46 =	vadd.f32 v13, v12;
	[tilespmem:s3+$0xD800] =	vst v0;
	v0 =	vadd.f32 v3, v2;
	v2 =	vld [tilespmem:s3+$0x5840]  }
0x4a8: {  	[tilespmem:s3+$0xD880] =	vst v10;
	v1 =	vadd.f32 v6, v1;
	v6 =	vld [tilespmem:s3+$0x1BAA0]  }
0x4a9: {  	v18 =	vadd.f32 v19, v18;
	v3 =	vld [tilespmem:s3+$0x1BA40];
	[tilespmem:s3+$0xD890] =	vst v46  }
0x4aa: {  	v52 =	vadd.f32 v21, v20;
	[tilespmem:s3+$0xD810] =	vst v0;
	v0 =	vadd.f32 v5, v4;
	v4 =	vld [tilespmem:s3+$0x5850]  }
0x4ab: {  	[tilespmem:s3+$0xD900] =	vst v18;
	v5 =	vld [tilespmem:s3+$0x1BA50]  }
0x4ac: {  	v57 =	vld [tilespmem:s3+$0x58F0];
	v7 =	vadd.f32 v8, v7;
	[tilespmem:s3+$0xD910] =	vst v52  }
0x4ad: {  	[tilespmem:s3+$0xD820] =	vst v0;
	v0 =	vld [tilespmem:s3+$0x5860];
	v6 =	vadd.f32 v6, v14  }
0x4ae: {  	v58 =	vld [tilespmem:s3+$0x5960];
	[tilespmem:s3+$0xD9F0] =	vst v7  }
0x4af: {  	v2 =	vadd.f32 v3, v2;
	[tilespmem:s3+$0xD8A0] =	vst v6;
	v6 =	vld [tilespmem:s3+$0x1BB30]  }
0x4b0: {  	[tilespmem:s3+$0xD830] =	vst v1;
	v1 =	vld [tilespmem:s3+$0x1BAB0];
	v4 =	vadd.f32 v5, v4  }
0x4b1: {  	v59 =	vld [tilespmem:s3+$0x1BB60];
	[tilespmem:s3+$0xD840] =	vst v2;
	v14 =	vadd.f32 v50, v22  }
0x4b2: {  	v5 =	vld [tilespmem:s3+$0x5980];
	v0 =	vadd.f32 v9, v0;
	[tilespmem:s3+$0xD850] =	vst v4  }
0x4b3: {  	v2 =	vld [tilespmem:s3+$0x1BB80];
	v4 =	vadd.f32 v16, v15;
	[tilespmem:s3+$0xD920] =	vst v14  }
0x4b4: {  	v60 =	vld [tilespmem:s3+$0x1BB90];
	[tilespmem:s3+$0xD860] =	vst v0;
	v6 =	vadd.f32 v6, v51  }
0x4b5: {  	v7 =	vld [tilespmem:s3+$0x5990];
	v1 =	vadd.f32 v1, v45;
	[tilespmem:s3+$0xD870] =	vst v4  }
0x4b6: {  	v0 =	vadd.f32 v48, v47;
	[tilespmem:s3+$0xD930] =	vst v6;
	v6 =	vld [tilespmem:s3+$0x1BAF0]  }
0x4b7: {  	v61 =	vld [tilespmem:s3+$0x59A0];
	v4 =	vadd.f32 v17, v49;
	[tilespmem:s3+$0xD8B0] =	vst v1  }
0x4b8: {  	v63 =	vld [tilespmem:s3+$0x1BB70];
	v2 =	vadd.f32 v2, v5;
	[tilespmem:s3+$0xD8C0] =	vst v0  }
0x4b9: {  	v1 =	vld [tilespmem:s3+$0x1BB50];
	v0 =	vadd.f32 v55, v23;
	[tilespmem:s3+$0xD8D0] =	vst v4  }
0x4ba: {  	v3 =	vld [tilespmem:s3+$0x5970];
	[tilespmem:s3+$0xD980] =	vst v2;
	v2 =	vadd.f32 v60, v7  }
0x4bb: {  	v62 =	vld [tilespmem:s3+$0x1BBA0];
	[tilespmem:s3+$0xD8E0] =	vst v0;
	v0 =	vadd.f32 v6, v57  }
0x4bc: {  	v5 =	vld [tilespmem:s3+$0x1BBB0];
	[tilespmem:s3+$0xD990] =	vst v2;
	v6 =	vadd.f32 v54, v53  }
0x4bd: {  	v4 =	vld [tilespmem:s3+$0x59B0];
	v7 =	vadd.f32 v59, v58;
	[tilespmem:s3+$0xD8F0] =	vst v0  }
0x4be: {  	v0 =	vld [tilespmem:s3+$0x59C0];
	[tilespmem:s3+$0xD940] =	vst v6;
	v6 =	vadd.f32 v1, v56  }
0x4bf: {  	[tilespmem:s3+$0xD960] =	vst v7;
	v7 =	vadd.f32 v63, v3;
	v1 =	vld [tilespmem:s3+$0x1BBC0]  }
0x4c0: {  	v2 =	vld [tilespmem:s3+$0x59D0];
	[tilespmem:s3+$0xD950] =	vst v6;
	v6 =	vadd.f32 v62, v61  }
0x4c1: {  	v3 =	vld [tilespmem:s3+$0x1BBD0];
	[tilespmem:s3+$0xD970] =	vst v7  }
0x4c2: {  	s10 =	simm.s32 $0x800;
	s9 =	simm.s32 $0x0;
	v5 =	vadd.f32 v5, v4;
	v4 =	vld [tilespmem:s3+$0x59E0];
	[tilespmem:s3+$0xD9A0] =	vst v6  }
.LBB2_15:
0x4c3: {  	s12 =	sshra.s32 s10, $0x2;
	v6 =	vld [tilespmem:s3+$0x1BBE0]  }
0x4c4: {  	s9 =	sadd.s32 $0x4, s9;
	v7 =	vld [tilespmem:s12+$0x59F0];
	[tilespmem:s3+$0xD9B0] =	vst v5;
	v0 =	vadd.f32 v1, v0  }
0x4c5: {  	p0 =	slt.u32 s9, $0x7C;
	v1 =	vld [tilespmem:s12+$0x1BBF0]  }
0x4c6: {  	v5 =	vld [tilespmem:s12+$0x5800];
	[tilespmem:s3+$0xD9C0] =	vst v0;
	v0 =	vadd.f32 v3, v2  }
0x4c7: {  	v2 =	vld [tilespmem:s12+$0x1BA00]  }
0x4c8: {  	v3 =	vld [tilespmem:s12+$0x5810];
	[tilespmem:s3+$0xD9D0] =	vst v0;
	v0 =	vadd.f32 v6, v4  }
0x4c9: {  	v4 =	vld [tilespmem:s12+$0x1BA10]  }
0x4ca: {  	v6 =	vld [tilespmem:s12+$0x5820];
	v1 =	vadd.f32 v1, v7;
	[tilespmem:s3+$0xD9E0] =	vst v0;
	s3 =	smov.u32 s12  }
0x4cb: {  	v0 =	vld [tilespmem:s3+$0x1BA20]  }
0x4cc: {  	v2 =	vadd.f32 v2, v5;
	v5 =	vld [tilespmem:s3+$0x5830];
	[tilespmem:s3+$0xD9F0] =	vst v1  }
0x4cd: {  	v1 =	vld [tilespmem:s3+$0x1BA30]  }
0x4ce: {  	[tilespmem:s3+$0xD800] =	vst v2;
	v2 =	vadd.f32 v4, v3;
	v3 =	vld [tilespmem:s3+$0x5840]  }
0x4cf: {  	v4 =	vld [tilespmem:s3+$0x1BA40]  }
0x4d0: {  	[tilespmem:s3+$0xD810] =	vst v2;
	v0 =	vadd.f32 v0, v6;
	v2 =	vld [tilespmem:s3+$0x5850]  }
0x4d1: {  	v6 =	vld [tilespmem:s3+$0x1BA50]  }
0x4d2: {  	[tilespmem:s3+$0xD820] =	vst v0;
	v0 =	vadd.f32 v1, v5;
	v1 =	vld [tilespmem:s3+$0x5860]  }
0x4d3: {  	v5 =	vld [tilespmem:s3+$0x1BA60]  }
0x4d4: {  	[tilespmem:s3+$0xD830] =	vst v0;
	v0 =	vadd.f32 v4, v3;
	v3 =	vld [tilespmem:s3+$0x5870]  }
0x4d5: {  	v4 =	vld [tilespmem:s3+$0x1BA70]  }
0x4d6: {  	[tilespmem:s3+$0xD840] =	vst v0;
	v0 =	vadd.f32 v6, v2;
	v2 =	vld [tilespmem:s3+$0x5880]  }
0x4d7: {  	v6 =	vld [tilespmem:s3+$0x1BA80]  }
0x4d8: {  	[tilespmem:s3+$0xD850] =	vst v0;
	v0 =	vadd.f32 v5, v1;
	v1 =	vld [tilespmem:s3+$0x5890]  }
0x4d9: {  	v5 =	vld [tilespmem:s3+$0x1BA90]  }
0x4da: {  	[tilespmem:s3+$0xD860] =	vst v0;
	v0 =	vadd.f32 v4, v3;
	v3 =	vld [tilespmem:s3+$0x58A0]  }
0x4db: {  	v4 =	vld [tilespmem:s3+$0x1BAA0]  }
0x4dc: {  	[tilespmem:s3+$0xD870] =	vst v0;
	v0 =	vadd.f32 v6, v2;
	v2 =	vld [tilespmem:s3+$0x58B0]  }
0x4dd: {  	v6 =	vld [tilespmem:s3+$0x1BAB0]  }
0x4de: {  	[tilespmem:s3+$0xD880] =	vst v0;
	v0 =	vadd.f32 v5, v1;
	v1 =	vld [tilespmem:s3+$0x58C0]  }
0x4df: {  	v5 =	vld [tilespmem:s3+$0x1BAC0]  }
0x4e0: {  	[tilespmem:s3+$0xD890] =	vst v0;
	v0 =	vadd.f32 v4, v3;
	v3 =	vld [tilespmem:s3+$0x58D0]  }
0x4e1: {  	v4 =	vld [tilespmem:s3+$0x1BAD0]  }
0x4e2: {  	[tilespmem:s3+$0xD8A0] =	vst v0;
	v0 =	vadd.f32 v6, v2;
	v2 =	vld [tilespmem:s3+$0x58E0]  }
0x4e3: {  	v6 =	vld [tilespmem:s3+$0x1BAE0]  }
0x4e4: {  	[tilespmem:s3+$0xD8B0] =	vst v0;
	v0 =	vadd.f32 v5, v1;
	v1 =	vld [tilespmem:s3+$0x58F0]  }
0x4e5: {  	v5 =	vld [tilespmem:s3+$0x1BAF0]  }
0x4e6: {  	[tilespmem:s3+$0xD8C0] =	vst v0;
	v0 =	vadd.f32 v4, v3;
	v3 =	vld [tilespmem:s3+$0x5900]  }
0x4e7: {  	v4 =	vld [tilespmem:s3+$0x1BB00]  }
0x4e8: {  	[tilespmem:s3+$0xD8D0] =	vst v0;
	v0 =	vadd.f32 v6, v2;
	v2 =	vld [tilespmem:s3+$0x5910]  }
0x4e9: {  	v6 =	vld [tilespmem:s3+$0x1BB10]  }
0x4ea: {  	[tilespmem:s3+$0xD8E0] =	vst v0;
	v0 =	vadd.f32 v5, v1;
	v1 =	vld [tilespmem:s3+$0x5920]  }
0x4eb: {  	v5 =	vld [tilespmem:s3+$0x1BB20]  }
0x4ec: {  	[tilespmem:s3+$0xD8F0] =	vst v0;
	v0 =	vadd.f32 v4, v3;
	v3 =	vld [tilespmem:s3+$0x5930]  }
0x4ed: {  	v4 =	vld [tilespmem:s3+$0x1BB30]  }
0x4ee: {  	[tilespmem:s3+$0xD900] =	vst v0;
	v0 =	vadd.f32 v6, v2;
	v2 =	vld [tilespmem:s3+$0x5940]  }
0x4ef: {  	v6 =	vld [tilespmem:s3+$0x1BB40]  }
0x4f0: {  	[tilespmem:s3+$0xD910] =	vst v0;
	v0 =	vadd.f32 v5, v1;
	v1 =	vld [tilespmem:s3+$0x5950]  }
0x4f1: {  	v5 =	vld [tilespmem:s3+$0x1BB50]  }
0x4f2: {  	[tilespmem:s3+$0xD920] =	vst v0;
	v0 =	vadd.f32 v4, v3;
	v3 =	vld [tilespmem:s3+$0x5960]  }
0x4f3: {  	v4 =	vld [tilespmem:s3+$0x1BB60]  }
0x4f4: {  	[tilespmem:s3+$0xD930] =	vst v0;
	v0 =	vadd.f32 v6, v2;
	v2 =	vld [tilespmem:s3+$0x5970]  }
0x4f5: {  	v6 =	vld [tilespmem:s3+$0x1BB70]  }
0x4f6: {  	[tilespmem:s3+$0xD940] =	vst v0;
	v0 =	vadd.f32 v5, v1;
	v1 =	vld [tilespmem:s3+$0x5980]  }
0x4f7: {  	v5 =	vld [tilespmem:s3+$0x1BB80]  }
0x4f8: {  	[tilespmem:s3+$0xD950] =	vst v0;
	v0 =	vadd.f32 v4, v3;
	v3 =	vld [tilespmem:s3+$0x5990]  }
0x4f9: {  	v4 =	vld [tilespmem:s3+$0x1BB90]  }
0x4fa: {  	[tilespmem:s3+$0xD960] =	vst v0;
	v0 =	vadd.f32 v6, v2;
	v2 =	vld [tilespmem:s3+$0x59A0]  }
0x4fb: {  	v6 =	vld [tilespmem:s3+$0x1BBA0]  }
0x4fc: {  	[tilespmem:s3+$0xD970] =	vst v0;
	v0 =	vadd.f32 v5, v1;
	v5 =	vld [tilespmem:s3+$0x59B0]  }
0x4fd: {  	v7 =	vld [tilespmem:s3+$0x1BBB0]  }
.Ltmp8:
0x4fe: {  	[tilespmem:s3+$0xD980] =	vst v0;
	v3 =	vadd.f32 v4, v3;
	v0 =	vld [tilespmem:s3+$0x59C0];
	(pc) =	sbr.rel @p0 .LBB2_15-.Ltmp8, $4  }
0x4ff: {  	v1 =	vld [tilespmem:s3+$0x1BBC0]  }
0x500: {  	[tilespmem:s3+$0xD990] =	vst v3;
	v4 =	vadd.f32 v6, v2;
	v2 =	vld [tilespmem:s3+$0x59D0]  }
0x501: {  	v3 =	vld [tilespmem:s3+$0x1BBD0]  }
0x502: {  	s10 =	sadd.s32 $0x800, s10;
	[tilespmem:s3+$0xD9A0] =	vst v4;
	v5 =	vadd.f32 v7, v5;
	v4 =	vld [tilespmem:s3+$0x59E0]  }
0x503: {  	v6 =	vld [tilespmem:s3+$0x1BBE0];
	_ =	sdelay $0x2  }
0x504: {  	v0 =	vadd.f32 v1, v0  }
0x505: {  	[tilespmem:s3+$0xD9B0] =	vst v5;
	v1 =	vadd.f32 v3, v2  }
0x506: {  	[tilespmem:s3+$0xD9C0] =	vst v0;
	v0 =	vadd.f32 v6, v4  }
0x507: {  	[tilespmem:s3+$0xD9D0] =	vst v1  }
0x508: {  	s2 =	sadd.s32 s5, s2;
	p0 =	seq.s32 s4, $0x7;
	[tilespmem:s3+$0xD9E0] =	vst v0  }
0x509: {  	[hbm4b:s2+s7] =	stream.linear.scatter [tilespmem:s20], [sflag:$0x7], $0x4000, $0x38;
	[tilespmem:$0x1FA00] =	vst v63  }
0x50a: {  	s2 =	smul.u32 @!p0 $0xC00, s4  }
0x50b: {  	s1 =	sshll.u32 s1, $0xE;
	_ =	swait.ge [sflag:s24], $0x4000  }
0x50c: {  	s9 =	simm.s32 @!p0 $0x1800;
	[sflag:s24] =	ssyncset.done $0x0;
	s2 =	sshra.s32 @!p0 s2, $0x2  }
0x50d: {  	s3 =	simm.s32 @!p0 $0x80;
	[sflag:s24] =	ssyncadd.s32 $0xFFFFC000;
	s2 =	sadd.s32 @!p0 $0x300, s2  }
0x50e: {  	[tilespmem:s9], [sflag:$0x1] =	stream.indirect.gather @!p0 [hbm4b:s0+s3], $0x80, s2, s3, $0xb8;
	[tilespmem:$0x1FA00] =	vst v63  }
0x50f: {  	s1 =	sadd.s32 s8, s1;
	_ =	swait.ge [sflag:s25], $0x4000  }
0x510: {  	s1 =	sshrl.u32 s1, $0x3;
	[sflag:s25] =	ssyncset.done $0x0  }
0x511: {  	s31 =	sadd.s32 s6, s1;
	[sflag:s25] =	ssyncadd.s32 $0xFFFFC000  }
0x512: {  	[hbm4b:s31+s7] =	stream.linear.scatter [tilespmem:s21], [sflag:$0x6], $0x4000, $0x38;
	[tilespmem:$0x1FA00] =	vst v63  }
0x513: {  	_ =	swait.ge [sflag:s29], $0x4000  }
0x514: {  	[sflag:s29] =	ssyncset.done $0x0  }
0x515: {  	s2 =	simm.s32 $0x9900;
	[sflag:s29] =	ssyncadd.s32 $0xFFFFC000  }
0x516: {  	s3 =	simm.s32 $0x19BF0;
	v0 =	vld [tilespmem:s2+$0x80]  }
0x517: {  	v1 =	vld [tilespmem:s3+$0xFFFFFF90];
	_ =	sdelay $0x2  }
0x518: {  	v2 =	vld [tilespmem:s2+$0xFFFFFF80]  }
0x519: {  	v3 =	vld [tilespmem:s3+$0xFFFFFE90]  }
0x51a: {  	v4 =	vld [tilespmem:s3+$0xFFFFFE10];
	v0 =	vadd.f32 v1, v0  }
0x51b: {  	s10 =	simm.s32 $0x11900;
	v1 =	vld [tilespmem:s2+$0xFFFFFF00]  }
0x51c: {  	[tilespmem:s10+$0x80] =	vst v0  }
0x51d: {  	v0 =	vld [tilespmem:s2+$0x90]  }
0x51e: {  	v2 =	vadd.f32 v3, v2;
	v3 =	vld [tilespmem:s3+$0xFFFFFFA0]  }
0x51f: {  	v5 =	vld [tilespmem:s2+$0x0]  }
0x520: {  	v6 =	vld [tilespmem:s3+$0xFFFFFF10];
	[tilespmem:s10+$0xFFFFFF80] =	vst v2;
	v1 =	vadd.f32 v4, v1  }
0x521: {  	v2 =	vld [tilespmem:s2+$0xFFFFFF90]  }
0x522: {  	v4 =	vld [tilespmem:s3+$0xFFFFFEA0];
	[tilespmem:s10+$0xFFFFFF00] =	vst v1  }
0x523: {  	v1 =	vld [tilespmem:s2+$0xFFFFFF10];
	v0 =	vadd.f32 v3, v0  }
0x524: {  	v3 =	vld [tilespmem:s3+$0xFFFFFE20]  }
0x525: {  	v5 =	vadd.f32 v6, v5;
	[tilespmem:s10+$0x90] =	vst v0  }
0x526: {  	v0 =	vld [tilespmem:s2+$0xA0]  }
0x527: {  	[tilespmem:s10+$0x0] =	vst v5;
	v2 =	vadd.f32 v4, v2;
	v4 =	vld [tilespmem:s3+$0xFFFFFFB0]  }
0x528: {  	v5 =	vld [tilespmem:s2+$0x10]  }
0x529: {  	v6 =	vld [tilespmem:s3+$0xFFFFFF20];
	[tilespmem:s10+$0xFFFFFF90] =	vst v2;
	v1 =	vadd.f32 v3, v1  }
0x52a: {  	v2 =	vld [tilespmem:s2+$0xFFFFFFA0]  }
0x52b: {  	v3 =	vld [tilespmem:s3+$0xFFFFFEB0];
	[tilespmem:s10+$0xFFFFFF10] =	vst v1  }
0x52c: {  	v1 =	vld [tilespmem:s2+$0xFFFFFF20];
	v0 =	vadd.f32 v4, v0  }
0x52d: {  	v4 =	vld [tilespmem:s3+$0xFFFFFE30]  }
0x52e: {  	v5 =	vadd.f32 v6, v5;
	[tilespmem:s10+$0xA0] =	vst v0  }
0x52f: {  	v0 =	vld [tilespmem:s2+$0xB0]  }
0x530: {  	[tilespmem:s10+$0x10] =	vst v5;
	v2 =	vadd.f32 v3, v2;
	v3 =	vld [tilespmem:s3+$0xFFFFFFC0]  }
0x531: {  	v5 =	vld [tilespmem:s2+$0x20]  }
0x532: {  	[tilespmem:s10+$0xFFFFFFA0] =	vst v2;
	v2 =	vld [tilespmem:s3+$0xFFFFFF30];
	v1 =	vadd.f32 v4, v1  }
0x533: {  	v4 =	vld [tilespmem:s2+$0xFFFFFFB0]  }
0x534: {  	v6 =	vld [tilespmem:s3+$0xFFFFFEC0];
	[tilespmem:s10+$0xFFFFFF20] =	vst v1  }
0x535: {  	v1 =	vld [tilespmem:s2+$0xFFFFFF30];
	v0 =	vadd.f32 v3, v0  }
0x536: {  	v3 =	vld [tilespmem:s3+$0xFFFFFE40]  }
0x537: {  	v2 =	vadd.f32 v2, v5;
	[tilespmem:s10+$0xB0] =	vst v0  }
0x538: {  	v0 =	vld [tilespmem:s2+$0xC0]  }
0x539: {  	v4 =	vadd.f32 v6, v4;
	[tilespmem:s10+$0x20] =	vst v2;
	v2 =	vld [tilespmem:s3+$0xFFFFFFD0]  }
0x53a: {  	v5 =	vld [tilespmem:s2+$0x30]  }
0x53b: {  	[tilespmem:s10+$0xFFFFFFB0] =	vst v4;
	v1 =	vadd.f32 v3, v1;
	v3 =	vld [tilespmem:s3+$0xFFFFFF40]  }
0x53c: {  	v4 =	vld [tilespmem:s2+$0xFFFFFFC0]  }
0x53d: {  	[tilespmem:s10+$0xFFFFFF30] =	vst v1;
	v1 =	vld [tilespmem:s3+$0xFFFFFED0]  }
0x53e: {  	v6 =	vld [tilespmem:s2+$0xFFFFFF40];
	v0 =	vadd.f32 v2, v0  }
0x53f: {  	v2 =	vld [tilespmem:s3+$0xFFFFFE50]  }
0x540: {  	v3 =	vadd.f32 v3, v5;
	[tilespmem:s10+$0xC0] =	vst v0  }
0x541: {  	v0 =	vld [tilespmem:s2+$0xD0]  }
0x542: {  	v1 =	vadd.f32 v1, v4;
	[tilespmem:s10+$0x30] =	vst v3;
	v3 =	vld [tilespmem:s3+$0xFFFFFFE0]  }
0x543: {  	v4 =	vld [tilespmem:s2+$0x40]  }
0x544: {  	v2 =	vadd.f32 v2, v6;
	[tilespmem:s10+$0xFFFFFFC0] =	vst v1;
	v1 =	vld [tilespmem:s3+$0xFFFFFF50]  }
0x545: {  	v5 =	vld [tilespmem:s2+$0xFFFFFFD0]  }
0x546: {  	[tilespmem:s10+$0xFFFFFF40] =	vst v2;
	v2 =	vld [tilespmem:s3+$0xFFFFFEE0]  }
0x547: {  	v6 =	vld [tilespmem:s2+$0xFFFFFF50];
	v0 =	vadd.f32 v3, v0  }
0x548: {  	v3 =	vld [tilespmem:s3+$0xFFFFFE60]  }
0x549: {  	v1 =	vadd.f32 v1, v4;
	[tilespmem:s10+$0xD0] =	vst v0  }
0x54a: {  	v7 =	vld [tilespmem:s2+$0xE0]  }
0x54b: {  	v0 =	vadd.f32 v2, v5;
	v5 =	vld [tilespmem:s3+$0xFFFFFFF0];
	[tilespmem:s10+$0x40] =	vst v1  }
0x54c: {  	v1 =	vld [tilespmem:s2+$0x50]  }
0x54d: {  	v2 =	vadd.f32 v3, v6;
	[tilespmem:s10+$0xFFFFFFD0] =	vst v0;
	v4 =	vld [tilespmem:s3+$0xFFFFFF60]  }
0x54e: {  	v0 =	vld [tilespmem:s2+$0xFFFFFFE0]  }
0x54f: {  	v3 =	vld [tilespmem:s3+$0xFFFFFEF0];
	[tilespmem:s10+$0xFFFFFF50] =	vst v2  }
0x550: {  	s13 =	simm.s32 $0x0;
	v2 =	vld [tilespmem:s2+$0xFFFFFF60];
	v6 =	vadd.f32 v5, v7  }
0x551: {  	s17 =	simm.s32 $0x9B00;
	s12 =	simm.s32 $0x11900;
	s9 =	simm.s32 $0x19BF0;
	v5 =	vld [tilespmem:s3+$0xFFFFFE70]  }
.LBB2_17:
0x552: {  	v7 =	vld [tilespmem:s17+$0x80];
	v1 =	vadd.f32 v4, v1;
	[tilespmem:s10+$0xE0] =	vst v6  }
0x553: {  	v4 =	vld [tilespmem:s2+$0xF0]  }
0x554: {  	s9 =	sadd.s32 $0x200, s9;
	v0 =	vadd.f32 v3, v0;
	[tilespmem:s10+$0x50] =	vst v1;
	v1 =	vld [tilespmem:s3+$0x0]  }
0x555: {  	v3 =	vld [tilespmem:s9+$0xFFFFFF90]  }
0x556: {  	v6 =	vld [tilespmem:s9+$0xFFFFFE10];
	v2 =	vadd.f32 v5, v2;
	[tilespmem:s10+$0xFFFFFFE0] =	vst v0  }
0x557: {  	v0 =	vld [tilespmem:s17+$0xFFFFFF80]  }
0x558: {  	v5 =	vld [tilespmem:s9+$0xFFFFFE90];
	[tilespmem:s10+$0xFFFFFF60] =	vst v2  }
0x559: {  	v2 =	vld [tilespmem:s17+$0x0];
	v1 =	vadd.f32 v1, v4  }
0x55a: {  	v4 =	vld [tilespmem:s9+$0xFFFFFF10];
	v3 =	vadd.f32 v3, v7  }
0x55b: {  	s10 =	sadd.s32 $0x200, s10;
	v7 =	vld [tilespmem:s17+$0xFFFFFF00];
	[tilespmem:s12+$0xF0] =	vst v1  }
0x55c: {  	s13 =	sadd.s32 $0x4, s13;
	[tilespmem:s10+$0x80] =	vst v3;
	v1 =	vld [tilespmem:s2+$0x60]  }
0x55d: {  	p1 =	slt.u32 s13, $0x7C;
	v0 =	vadd.f32 v5, v0;
	v3 =	vld [tilespmem:s17+$0x90]  }
0x55e: {  	v5 =	vld [tilespmem:s9+$0xFFFFFFA0]  }
0x55f: {  	[tilespmem:s10+$0xFFFFFF80] =	vst v0;
	v0 =	vadd.f32 v4, v2;
	v2 =	vld [tilespmem:s3+$0xFFFFFF70]  }
0x560: {  	v4 =	vadd.f32 v6, v7;
	v6 =	vld [tilespmem:s17+$0xFFFFFF90]  }
0x561: {  	v7 =	vld [tilespmem:s9+$0xFFFFFEA0];
	[tilespmem:s10+$0x0] =	vst v0  }
0x562: {  	[tilespmem:s10+$0xFFFFFF00] =	vst v4;
	v0 =	vld [tilespmem:s17+$0x10]  }
0x563: {  	v4 =	vld [tilespmem:s17+$0xFFFFFF10];
	v3 =	vadd.f32 v5, v3  }
0x564: {  	v5 =	vld [tilespmem:s9+$0xFFFFFE20];
	v1 =	vadd.f32 v2, v1  }
0x565: {  	v2 =	vld [tilespmem:s9+$0xFFFFFF20];
	[tilespmem:s10+$0x90] =	vst v3  }
0x566: {  	v3 =	vadd.f32 v7, v6;
	v6 =	vld [tilespmem:s17+$0xA0];
	[tilespmem:s12+$0x60] =	vst v1  }
0x567: {  	v1 =	vld [tilespmem:s9+$0xFFFFFFB0]  }
0x568: {  	[tilespmem:s10+$0xFFFFFF90] =	vst v3;
	v3 =	vld [tilespmem:s2+$0xFFFFFF70]  }
0x569: {  	v4 =	vadd.f32 v5, v4;
	v5 =	vld [tilespmem:s17+$0xFFFFFFA0]  }
0x56a: {  	v7 =	vld [tilespmem:s9+$0xFFFFFEB0];
	v0 =	vadd.f32 v2, v0  }
0x56b: {  	[tilespmem:s10+$0xFFFFFF10] =	vst v4;
	v2 =	vld [tilespmem:s3+$0xFFFFFE80]  }
0x56c: {  	v4 =	vld [tilespmem:s17+$0xFFFFFF20];
	[tilespmem:s10+$0x10] =	vst v0;
	v0 =	vadd.f32 v1, v6  }
0x56d: {  	v1 =	vld [tilespmem:s9+$0xFFFFFE30]  }
0x56e: {  	v6 =	vld [tilespmem:s17+$0x20];
	[tilespmem:s10+$0xA0] =	vst v0  }
0x56f: {  	v0 =	vadd.f32 v7, v5;
	v5 =	vld [tilespmem:s17+$0xB0]  }
0x570: {  	v7 =	vld [tilespmem:s9+$0xFFFFFFC0];
	v2 =	vadd.f32 v2, v3  }
0x571: {  	[tilespmem:s10+$0xFFFFFFA0] =	vst v0;
	v0 =	vld [tilespmem:s9+$0xFFFFFF30]  }
0x572: {  	v1 =	vadd.f32 v1, v4;
	v3 =	vld [tilespmem:s17+$0xFFFFFFB0];
	[tilespmem:s12+$0xFFFFFF70] =	vst v2  }
0x573: {  	v2 =	vld [tilespmem:s9+$0xFFFFFEC0]  }
0x574: {  	[tilespmem:s10+$0xFFFFFF20] =	vst v1;
	v1 =	vld [tilespmem:s2+$0xFFFFFFF0]  }
0x575: {  	v4 =	vld [tilespmem:s17+$0xFFFFFF30];
	v5 =	vadd.f32 v7, v5  }
0x576: {  	v7 =	vld [tilespmem:s9+$0xFFFFFE40];
	v0 =	vadd.f32 v0, v6  }
0x577: {  	[tilespmem:s10+$0xB0] =	vst v5;
	v5 =	vld [tilespmem:s3+$0xFFFFFF00]  }
0x578: {  	v2 =	vadd.f32 v2, v3;
	[tilespmem:s10+$0x20] =	vst v0;
	v0 =	vld [tilespmem:s17+$0xC0]  }
0x579: {  	v3 =	vld [tilespmem:s9+$0xFFFFFFD0]  }
0x57a: {  	[tilespmem:s10+$0xFFFFFFB0] =	vst v2;
	v2 =	vld [tilespmem:s17+$0x30]  }
0x57b: {  	v4 =	vadd.f32 v7, v4;
	v6 =	vld [tilespmem:s9+$0xFFFFFF40]  }
0x57c: {  	v7 =	vld [tilespmem:s17+$0xFFFFFFC0];
	v1 =	vadd.f32 v5, v1  }
0x57d: {  	[tilespmem:s10+$0xFFFFFF30] =	vst v4;
	v4 =	vld [tilespmem:s9+$0xFFFFFED0]  }
0x57e: {  	v5 =	vld [tilespmem:s17+$0xFFFFFF40];
	v0 =	vadd.f32 v3, v0;
	[tilespmem:s12+$0xFFFFFFF0] =	vst v1  }
0x57f: {  	v1 =	vld [tilespmem:s9+$0xFFFFFE50]  }
0x580: {  	v2 =	vadd.f32 v6, v2;
	[tilespmem:s10+$0xC0] =	vst v0;
	v3 =	vld [tilespmem:s2+$0x70];
	s2 =	smov.u32 s17  }
0x581: {  	v0 =	vld [tilespmem:s17+$0xD0]  }
0x582: {  	v4 =	vadd.f32 v4, v7;
	[tilespmem:s10+$0x30] =	vst v2;
	v2 =	vld [tilespmem:s9+$0xFFFFFFE0]  }
0x583: {  	v6 =	vld [tilespmem:s17+$0x40]  }
0x584: {  	v1 =	vadd.f32 v1, v5;
	[tilespmem:s10+$0xFFFFFFC0] =	vst v4;
	v4 =	vld [tilespmem:s9+$0xFFFFFF50]  }
0x585: {  	v5 =	vld [tilespmem:s17+$0xFFFFFFD0]  }
0x586: {  	[tilespmem:s10+$0xFFFFFF40] =	vst v1;
	v1 =	vld [tilespmem:s9+$0xFFFFFEE0]  }
0x587: {  	v7 =	vld [tilespmem:s17+$0xFFFFFF50];
	v0 =	vadd.f32 v2, v0  }
0x588: {  	v2 =	vld [tilespmem:s9+$0xFFFFFE60]  }
0x589: {  	v4 =	vadd.f32 v4, v6;
	[tilespmem:s10+$0xD0] =	vst v0;
	v6 =	vld [tilespmem:s3+$0xFFFFFF80];
	s3 =	smov.u32 s9  }
0x58a: {  	v8 =	vld [tilespmem:s17+$0xE0]  }
0x58b: {  	v0 =	vadd.f32 v1, v5;
	[tilespmem:s10+$0x40] =	vst v4;
	v5 =	vld [tilespmem:s9+$0xFFFFFFF0]  }
0x58c: {  	v1 =	vld [tilespmem:s17+$0x50]  }
.Ltmp9:
0x58d: {  	v2 =	vadd.f32 v2, v7;
	[tilespmem:s10+$0xFFFFFFD0] =	vst v0;
	v4 =	vld [tilespmem:s9+$0xFFFFFF60];
	(pc) =	sbr.rel @p1 .LBB2_17-.Ltmp9, $4  }
0x58e: {  	v0 =	vld [tilespmem:s17+$0xFFFFFFE0];
	v7 =	vadd.f32 v6, v3  }
0x58f: {  	[tilespmem:s10+$0xFFFFFF50] =	vst v2;
	v3 =	vld [tilespmem:s9+$0xFFFFFEF0]  }
0x590: {  	v2 =	vld [tilespmem:s17+$0xFFFFFF60];
	v6 =	vadd.f32 v5, v8;
	[tilespmem:s12+$0x70] =	vst v7;
	s12 =	smov.u32 s10  }
0x591: {  	s17 =	sadd.s32 $0x200, s17;
	v5 =	vld [tilespmem:s9+$0xFFFFFE70]  }
0x592: {  	v1 =	vadd.f32 v4, v1;
	_ =	sdelay $0x1  }
0x593: {  	[tilespmem:s10+$0x50] =	vst v1  }
0x594: {  	v1 =	vld [tilespmem:s2+$0x60]  }
0x595: {  	v55 =	vld [tilespmem:s3+$0xFFFFFF70]  }
0x596: {  	[tilespmem:s10+$0xE0] =	vst v6;
	v0 =	vadd.f32 v3, v0  }
0x597: {  	v56 =	vld [tilespmem:s2+$0xF0]  }
0x598: {  	v57 =	vld [tilespmem:s3+$0x0];
	v2 =	vadd.f32 v5, v2;
	[tilespmem:s10+$0xFFFFFFE0] =	vst v0  }
0x599: {  	v60 =	vld [tilespmem:s2+$0xFFFFFFF0]  }
0x59a: {  	v61 =	vld [tilespmem:s3+$0xFFFFFF00];
	[tilespmem:s10+$0xFFFFFF60] =	vst v2;
	v58 =	vadd.f32 v55, v1  }
0x59b: {  	v2 =	vld [tilespmem:s2+$0xFFFFFF70]  }
0x59c: {  	v59 =	vld [tilespmem:s3+$0xFFFFFE80];
	[tilespmem:s12+$0x60] =	vst v58  }
0x59d: {  	v62 =	vld [tilespmem:s2+$0x70]  }
0x59e: {  	v7 =	vld [tilespmem:s3+$0xFFFFFF80];
	_ =	sdelay $0x1  }
0x59f: {  	v3 =	vadd.f32 v57, v56  }
0x5a0: {  	v0 =	vadd.f32 v61, v60  }
0x5a1: {  	[tilespmem:s12+$0xF0] =	vst v3;
	v1 =	vadd.f32 v59, v2  }
0x5a2: {  	[tilespmem:s12+$0xFFFFFFF0] =	vst v0;
	v63 =	vadd.f32 v7, v62  }
0x5a3: {  	[tilespmem:s12+$0xFFFFFF70] =	vst v1  }
.Ltmp10:
0x5a4: {  	s1 =	sadd.s32 s5, s1;
	[tilespmem:s12+$0x70] =	vst v63;
	(pc) =	sbr.rel @p0 .LBB2_20-.Ltmp10, $4  }
0x5a5: {  	[hbm4b:s1+s7] =	stream.linear.scatter [tilespmem:s23], [sflag:$0x8], $0x4000, $0x38;
	[tilespmem:$0x1FA00] =	vst v63  }
0x5a6: {  	_ =	swait.ge [sflag:s28], $0x4000  }
0x5a7: {  	[sflag:s28] =	ssyncset.done $0x0  }
0x5a8: {  	[sflag:s28] =	ssyncadd.s32 $0xFFFFC000  }
0x5a9: {  	s1 =	smul.u32 $0xC00, s4  }
.Ltmp11:
0x5aa: {  	_ = 	snop;
	(pc) =	sbr.rel .LBB2_6-.Ltmp11, $4  }
0x5ab: {  	_ = 	snop  }
0x5ac: {  	s1 =	sshra.s32 s1, $0x2  }
0x5ad: {  	s4 =	sadd.s32 $0x1, s4;
	s1 =	sadd.s32 $0x380, s1  }
0x5ae: {  	[tilespmem:s16], [sflag:$0x2] =	stream.indirect.gather [hbm4b:s0+s14], $0x80, s1, s14, $0xb8;
	[tilespmem:$0x1FA00] =	vst v63  }
.LBB2_21:
0x5af: {  	_ =	sfence.sel $0x180000  }
0x5b0: {  	[bflag:$0x0] =	sbarrier.arrive $0xFFFF  }
0x5b1: {  	_ =	strace $0x90000047  }
0x5b2: {  	s0 =	stileid.u32;
	[bflag:$0x2] =	sbarrier.arrive $0xFFFF  }
0x5b3: {  	p0 =	sne.s32 s0, $0x0;
	s0 =	rddreg [dreg:$0x6]  }
0x5b4: {  	s0 =	sadd.s32 @!p0 $0x100000, s0  }
0x5b5: {  	[sflag:s0] =	ssyncadd.tile.s32 @!p0 $0x1;
	_ =	shalt  }
.Lfunc_end2:
_tile_overlayer_lowered:
.L_overlay_start_2:
0x5b6: {  	(tag) =	ssettag $0x2  }
0x5b7: {  	s0 =	rddreg [dreg:$0x0];
	s2 =	stileid.u32  }
0x5b8: {  	s1 =	rddreg [dreg:$0x1];
	p0 =	sne.s32 s2, $0x0  }
0x5b9: {  	s3 =	rddreg [dreg:$0x2];
	[bflag:$0x3] =	sbarrier.arrive $0xFFFF;
	s2 =	simm.s32 @!p0 $0x1C09  }
0x5ba: {  	[timem:s3], [sflag:s2] =	dma.local @!p0 [hbm:s0], s1  }
0x5bb: {  	s0 =	simm.s32 @!p0 $0x9  }
0x5bc: {  	_ =	swait.ge @!p0 [sflag:s0], s1  }
0x5bd: {  	s1 =	ssub.s32 @!p0 $0x0, s1;
	[sflag:s0] =	ssyncset.done @!p0 $0x0  }
0x5be: {  	[sflag:s0] =	ssyncadd.s32 @!p0 s1  }
0x5bf: {  	[bflag:$0x3] =	sbarrier.arrive $0xFFFF  }
0x5c0: {  	_ =	shalt  }

</sc_bundles>
